<compile_context>
chip_gen: v7x
topology: tpu7x:2x2x1
jax: 0.10.2.dev20260603
libtpu: 0.0.44.dev20260713+nightly
codegen_flags: <defaults>
</compile_context>

<pallas_src>
import functools

import jax
import jax.numpy as jnp
from jax import lax
from jax.experimental import pallas as pl
from jax.experimental.pallas import tpu as pltpu
from jax.experimental.pallas import tpu_sc as plsc

N = 10000
E = 320000
F = 128
G = 256

NC, NS, L = 2, 16, 16
NW = NC * NS
N_P = 10240
DUMMY = N_P - 8
C = 128
CHUNKS = -(-E // (NW * C))
EW = CHUNKS * C
E_P = NW * EW
RB = 1024
GRID = N_P // RB
RS = N_P // NS

_MESH = dict(core_axis_name="c", subcore_axis_name="s", num_cores=NC,
             num_subcores=NS)
_PREC = None



DW = F


def _degree_body(dst_hbm, msk_hbm, dpart_hbm, acc, vals, stage, dbuf, mbuf,
                 ibuf):
    cid = lax.axis_index("c")
    sid = lax.axis_index("s")
    wid = cid * NS + sid
    z16 = jnp.zeros((L,), jnp.float32)
    one16 = jnp.ones((L,), jnp.float32)

    def zero_vals(i, carry):
        for g in range(DW // L):
            vals[i, pl.ds(g * L, L)] = z16
        return carry

    lax.fori_loop(0, C, zero_vals, 0)
    for k in range(RS // C):
        pltpu.sync_copy(vals, acc.at[pl.ds(sid * RS + k * C, C)])
    plsc.subcore_barrier()

    base = wid * EW
    dmy16 = jnp.full((L,), DUMMY, jnp.int32)

    for p in range(3):
        def set_vals(i, carry, p=p):
            for g in range(DW // L):
                vals[i, pl.ds(g * L, L)] = one16 if g == p else z16
            return carry

        lax.fori_loop(0, C, set_vals, 0)

        def chunk_body(k, carry, p=p):
            off = base + k * C
            pltpu.sync_copy(dst_hbm.at[pl.ds(off, C)], dbuf)
            pltpu.sync_copy(msk_hbm.at[pl.ds(off, C)], mbuf)
            for j in range(C // L):
                d = dbuf[pl.ds(j * L, L)]
                m = mbuf[pl.ds(j * L, L)]
                keep = (m < 3) if p == 0 else (m == p)
                ibuf[pl.ds(j * L, L)] = jnp.where(keep, d, dmy16)
            pltpu.sync_copy(vals, acc.at[ibuf], add=True)
            return carry

        lax.fori_loop(0, CHUNKS, chunk_body, 0)

    plsc.subcore_barrier()
    for k in range(RS // C):
        pltpu.sync_copy(acc.at[pl.ds(sid * RS + k * C, C)], stage)
        pltpu.sync_copy(
            stage, dpart_hbm.at[pl.ds(cid * N_P + sid * RS + k * C, C)])


def _make_degree_kernel():
    return pl.kernel(
        _degree_body,
        out_type=jax.ShapeDtypeStruct((NC * N_P, DW), jnp.float32),
        mesh=plsc.VectorSubcoreMesh(**_MESH),
        scratch_types=[
            pltpu.VMEM_SHARED((N_P, DW), jnp.float32),
            pltpu.VMEM((C, DW), jnp.float32),
            pltpu.VMEM((C, DW), jnp.float32),
            pltpu.VMEM((C,), jnp.int32),
            pltpu.VMEM((C,), jnp.int32),
            pltpu.VMEM((C,), jnp.int32),
        ],
    )


def _spmm_body(sel, hs_hbm, src_hbm, dst_hbm, msk_hbm, tpart_hbm,
               acc, rows, stage, sbuf, dbuf, mbuf, sem):
    cid = lax.axis_index("c")
    sid = lax.axis_index("s")
    wid = cid * NS + sid
    z16 = jnp.zeros((L,), jnp.float32)

    def zero_rows(i, carry):
        for j in range(F // L):
            rows[i, pl.ds(j * L, L)] = z16
        return carry

    lax.fori_loop(0, C, zero_rows, 0)
    for k in range(RS // C):
        pltpu.sync_copy(rows, acc.at[pl.ds(sid * RS + k * C, C)])
    plsc.subcore_barrier()

    base = wid * EW
    dmy16 = jnp.full((L,), DUMMY, jnp.int32)

    def chunk_body(k, carry):
        off = base + k * C
        pltpu.sync_copy(src_hbm.at[pl.ds(off, C)], sbuf)
        pltpu.sync_copy(dst_hbm.at[pl.ds(off, C)], dbuf)
        pltpu.sync_copy(msk_hbm.at[pl.ds(off, C)], mbuf)
        pltpu.async_copy(hs_hbm.at[sbuf], rows, sem).wait()
        for j in range(C // L):
            d = dbuf[pl.ds(j * L, L)]
            m = mbuf[pl.ds(j * L, L)]
            keep = (m < 3) if sel < 0 else (m == sel)
            dbuf[pl.ds(j * L, L)] = jnp.where(keep, d, dmy16)
        pltpu.sync_copy(rows, acc.at[dbuf], add=True)
        return carry

    lax.fori_loop(0, CHUNKS, chunk_body, 0)
    plsc.subcore_barrier()
    for k in range(RS // C):
        pltpu.sync_copy(acc.at[pl.ds(sid * RS + k * C, C)], stage)
        pltpu.sync_copy(
            stage, tpart_hbm.at[pl.ds(cid * N_P + sid * RS + k * C, C)])


def _make_spmm_kernel(sel):
    return pl.kernel(
        functools.partial(_spmm_body, sel),
        out_type=jax.ShapeDtypeStruct((NC * N_P, F), jnp.float32),
        mesh=plsc.VectorSubcoreMesh(**_MESH),
        scratch_types=[
            pltpu.VMEM_SHARED((N_P, F), jnp.float32),
            pltpu.VMEM((C, F), jnp.float32),
            pltpu.VMEM((C, F), jnp.float32),
            pltpu.VMEM((C,), jnp.int32),
            pltpu.VMEM((C,), jnp.int32),
            pltpu.VMEM((C,), jnp.int32),
            pltpu.SemaphoreType.DMA,
        ],
    )



def _dinv(dp_ref, li):
    deg = dp_ref[0][:, li * L:li * L + 1] + dp_ref[1][:, li * L:li * L + 1]
    d = deg + 1.0
    y = lax.rsqrt(d)
    return y * (1.5 - 0.5 * d * y * y)


def _prep_body(x_ref, w1_ref, dp_ref, hs_ref):
    h = jnp.dot(x_ref[...], w1_ref[...], preferred_element_type=jnp.float32,
                precision=_PREC)
    hs_ref[...] = h * _dinv(dp_ref, 0)


def _prep_call(x_p, W1, dpart):
    return pl.pallas_call(
        _prep_body,
        grid=(GRID,),
        in_specs=[
            pl.BlockSpec((RB, F), lambda i: (i, 0)),
            pl.BlockSpec((F, F), lambda i: (0, 0)),
            pl.BlockSpec((NC, RB, DW), lambda i: (0, i, 0)),
        ],
        out_specs=pl.BlockSpec((RB, F), lambda i: (i, 0)),
        out_shape=jax.ShapeDtypeStruct((N_P, F), jnp.float32),
    )(x_p, W1, dpart)


def _fuse_body(li, tp_ref, hs_ref, dp_ref, b_ref, w_ref, out_ref):
    t = tp_ref[0] + tp_ref[1] + hs_ref[...]
    agg = t * _dinv(dp_ref, li) + b_ref[...]
    h = jnp.maximum(agg, 0.0)
    hn = jnp.dot(h, w_ref[...], preferred_element_type=jnp.float32,
                 precision=_PREC)
    out_ref[...] = hn * _dinv(dp_ref, li + 1)


def _fuse_call(li, tpart, hs, dpart, b_row, W_next):
    return pl.pallas_call(
        functools.partial(_fuse_body, li),
        grid=(GRID,),
        in_specs=[
            pl.BlockSpec((NC, RB, F), lambda i: (0, i, 0)),
            pl.BlockSpec((RB, F), lambda i: (i, 0)),
            pl.BlockSpec((NC, RB, DW), lambda i: (0, i, 0)),
            pl.BlockSpec((1, F), lambda i: (0, 0)),
            pl.BlockSpec((F, F), lambda i: (0, 0)),
        ],
        out_specs=pl.BlockSpec((RB, F), lambda i: (i, 0)),
        out_shape=jax.ShapeDtypeStruct((N_P, F), jnp.float32),
    )(tpart, hs, dpart, b_row, W_next)


def _final_body(tp_ref, hs_ref, dp_ref, b_ref, batch_ref, wl_ref, bl_ref,
                out_ref, sums, cnts):
    i = pl.program_id(0)

    @pl.when(i == 0)
    def _init():
        sums[...] = jnp.zeros_like(sums)
        cnts[...] = jnp.zeros_like(cnts)

    t = tp_ref[0] + tp_ref[1] + hs_ref[...]
    agg = t * _dinv(dp_ref, 2) + b_ref[...]
    b = batch_ref[...].reshape(RB)
    onehot = (lax.broadcasted_iota(jnp.int32, (G, RB), 0)
              == b[None, :]).astype(jnp.float32)
    sums[...] += jnp.dot(onehot, agg, preferred_element_type=jnp.float32,
                         precision=_PREC)
    cnt = jnp.sum(onehot, axis=1)
    cnts[...] += jnp.broadcast_to(cnt[:, None], (G, F))

    @pl.when(i == GRID - 1)
    def _head():
        pooled = sums[...] / jnp.maximum(cnts[...], 1.0)
        out_ref[...] = jnp.dot(pooled, wl_ref[...],
                               preferred_element_type=jnp.float32,
                               precision=_PREC) + bl_ref[...]


def _final_call(tpart, hs, dpart, b_row, batch3, wl_pad, bl_row):
    return pl.pallas_call(
        _final_body,
        grid=(GRID,),
        in_specs=[
            pl.BlockSpec((NC, RB, F), lambda i: (0, i, 0)),
            pl.BlockSpec((RB, F), lambda i: (i, 0)),
            pl.BlockSpec((NC, RB, DW), lambda i: (0, i, 0)),
            pl.BlockSpec((1, F), lambda i: (0, 0)),
            pl.BlockSpec((1, 1, RB), lambda i: (i, 0, 0)),
            pl.BlockSpec((F, F), lambda i: (0, 0)),
            pl.BlockSpec((1, F), lambda i: (0, 0)),
        ],
        out_specs=pl.BlockSpec((G, F), lambda i: (0, 0)),
        out_shape=jax.ShapeDtypeStruct((G, F), jnp.float32),
        scratch_shapes=[
            pltpu.VMEM((G, F), jnp.float32),
            pltpu.VMEM((G, F), jnp.float32),
        ],
    )(tpart, hs, dpart, b_row, batch3, wl_pad, bl_row)



def kernel(x, edge_index, edge_mask, batch, W1, b1, W2, b2, W3, b3, Wl, bl):
    i32, f32 = jnp.int32, jnp.float32
    src = edge_index[0]
    dst = edge_index[1]
    pe = E_P - E
    src_p = jnp.concatenate([src, jnp.zeros((pe,), i32)])
    dst_p = jnp.concatenate([dst, jnp.zeros((pe,), i32)])
    msk_p = jnp.concatenate([edge_mask, jnp.full((pe,), 3, i32)])
    x_p = jnp.concatenate([x, jnp.zeros((N_P - N, F), f32)], axis=0)
    batch3 = jnp.concatenate([batch, jnp.full((N_P - N,), G, i32)]
                             ).reshape(GRID, 1, RB)
    wl_pad = jnp.pad(Wl, ((0, 0), (0, F - 1)))
    bl_row = jnp.broadcast_to(bl, (1, F))
    b1r = b1.reshape(1, F)
    b2r = b2.reshape(1, F)
    b3r = b3.reshape(1, F)

    dpart = _make_degree_kernel()(dst_p, msk_p).reshape(NC, N_P, DW)
    hs1 = _prep_call(x_p, W1, dpart)
    t1 = _make_spmm_kernel(-1)(hs1, src_p, dst_p, msk_p).reshape(NC, N_P, F)
    hs2 = _fuse_call(0, t1, hs1, dpart, b1r, W2)
    t2 = _make_spmm_kernel(1)(hs2, src_p, dst_p, msk_p).reshape(NC, N_P, F)
    hs3 = _fuse_call(1, t2, hs2, dpart, b2r, W3)
    t3 = _make_spmm_kernel(2)(hs3, src_p, dst_p, msk_p).reshape(NC, N_P, F)
    out = _final_call(t3, hs3, dpart, b3r, batch3, wl_pad, bl_row)
    return out[:, :1]

# --- scband reference (transcript-rebuilt; emitter-appended) ---
"""Pipeline reference for scband-tm-hgnn-12214886989913 (READ-ONLY COPY).

The authoritative reference and input builder live on the scoring server;
editing this copy changes nothing except your own understanding.
"""

import jax, jax.numpy as jnp
import numpy as np

N = 10000
E = 320000
F_IN = 128
H = 128
G = 256


def setup_inputs(seed: int = 0) -> dict:
    key = jax.random.key(seed)
    ks = jax.random.split(key, 12)
    x = jax.random.normal(ks[0], (N, F_IN), dtype=jnp.float32)
    edge_index = jax.random.randint(ks[1], (2, E), 0, N, dtype=jnp.int32)
    edge_mask = jax.random.randint(ks[2], (E,), 0, 3, dtype=jnp.int32)
    batch = jnp.sort(jax.random.randint(ks[3], (N,), 0, G, dtype=jnp.int32))
    def glorot(k, fan_in, fan_out):
        lim = float(np.sqrt(6.0 / (fan_in + fan_out)))
        return jax.random.uniform(k, (fan_in, fan_out), jnp.float32, -lim, lim)
    W1 = glorot(ks[4], F_IN, H)
    b1 = jnp.zeros((H,), jnp.float32)
    W2 = glorot(ks[5], H, H)
    b2 = jnp.zeros((H,), jnp.float32)
    W3 = glorot(ks[6], H, H)
    b3 = jnp.zeros((H,), jnp.float32)
    Wl = glorot(ks[7], H, 1)
    bl = jnp.zeros((1,), jnp.float32)
    return {"x": x, "edge_index": edge_index, "edge_mask": edge_mask, "batch": batch,
            "W1": W1, "b1": b1, "W2": W2, "b2": b2, "W3": W3, "b3": b3, "Wl": Wl, "bl": bl}


def _gcn_conv(x, src, dst, w_e, W, b):
    # PyG GCNConv with self-loops; edge selection via {0,1} edge weights is
    # mathematically identical to running on the edge subset.
    h = x @ W
    deg = jax.ops.segment_sum(w_e, dst, num_segments=N) + 1.0  # +1 for self-loop
    dinv = jnp.where(deg > 0, 1.0 / jnp.sqrt(deg), 0.0)
    norm = dinv[src] * w_e * dinv[dst]
    agg = jax.ops.segment_sum(h[src] * norm[:, None], dst, num_segments=N)
    agg = agg + h * (dinv * dinv)[:, None]  # self-loop contribution
    return agg + b


def reference(x, edge_index, edge_mask, batch, W1, b1, W2, b2, W3, b3, Wl, bl):
    src = edge_index[0]
    dst = edge_index[1]
    w_all = jnp.ones((E,), jnp.float32)
    h = jax.nn.relu(_gcn_conv(x, src, dst, w_all, W1, b1))
    w_m1 = (edge_mask == 1).astype(jnp.float32)
    h = jax.nn.relu(_gcn_conv(h, src, dst, w_m1, W2, b2))
    w_m2 = (edge_mask == 2).astype(jnp.float32)
    h = _gcn_conv(h, src, dst, w_m2, W3, b3)
    # global_mean_pool over batch segment ids
    sums = jax.ops.segment_sum(h, batch, num_segments=G)
    counts = jax.ops.segment_sum(jnp.ones((N,), jnp.float32), batch, num_segments=G)
    pooled = sums / jnp.maximum(counts, 1.0)[:, None]
    # dropout is identity in eval mode
    out = pooled @ Wl + bl
    return out

if __name__ == "__main__":
    import jax
    _d = setup_inputs()
    print(jax.jit(kernel)(*tuple(_d.values())))

</pallas_src>

<mosaic_0001>
#map = affine_map<(d0, d1) -> (0)>
#map1 = affine_map<(d0, d1) -> (0, 0)>
module attributes {stable_mosaic.version = 14 : i64} {
  func.func @_degree_body(%arg0: i32, %arg1: i32, %arg2: memref<323584xi32, #tpu.memory_space<hbm>>, %arg3: memref<323584xi32, #tpu.memory_space<hbm>>, %arg4: memref<20480x128xf32, #tpu.memory_space<hbm>>, %arg5: memref<10240x128xf32, #tpu.memory_space<vmem_shared>>, %arg6: memref<128x128xf32, #tpu.memory_space<vmem>>, %arg7: memref<128x128xf32, #tpu.memory_space<vmem>>, %arg8: memref<128xi32, #tpu.memory_space<vmem>>, %arg9: memref<128xi32, #tpu.memory_space<vmem>>, %arg10: memref<128xi32, #tpu.memory_space<vmem>>) attributes {dimension_semantics = [#tpu.dimension_semantics<core_parallel>, #tpu.dimension_semantics<subcore_parallel>], iteration_bounds = array<i64: 2, 16>, scalar_prefetch = 0 : i64, scratch_operands = 6 : i64, tpu.core_type = #tpu.core_type<sc_vector_subcore>, window_params = [{transform_indices = #map}, {transform_indices = #map}, {transform_indices = #map1}]} {
    %mul3A = arith.constant 16 : i32
    %mul3A_0 = arith.muli %arg0, %mul3A : i32
    %add3A = arith.addi %mul3A_0, %arg1 : i32
    %broadcast_in_dim3A = arith.constant 0.000000e+00 : f32
    %broadcast_in_dim3A_1 = vector.broadcast %broadcast_in_dim3A : f32 to vector<16xf32>
    %broadcast_in_dim3A_2 = arith.constant 1.000000e+00 : f32
    %broadcast_in_dim3A_3 = vector.broadcast %broadcast_in_dim3A_2 : f32 to vector<16xf32>
    %scan3A = arith.constant 0 : i32
    %scan3A_4 = arith.constant 0 : i32
    %scan3A_5 = arith.constant 128 : i32
    %scan3A_6 = arith.addi %scan3A_4, %scan3A_5 : i32
    %scan3A_7 = arith.constant 1 : i32
    scf.for %scan3A_125 = %scan3A_4 to %scan3A_6 step %scan3A_7  : i32 {
      %swap3A = arith.index_cast %scan3A_125 : i32 to index
      %swap3A_126 = arith.constant 0 : index
      %swap3A_127 = tpu.vector_load %arg6[%swap3A, %swap3A_126] {strides = array<i32>} : memref<128x128xf32, #tpu.memory_space<vmem>>, vector<1x16xf32>,
      %swap3A_128 = vector.shape_cast %swap3A_127 : vector<1x16xf32> to vector<16xf32>
      %swap3A_129 = vector.shape_cast %broadcast_in_dim3A_1 : vector<16xf32> to vector<1x16xf32>
      tpu.vector_store %arg6[%swap3A, %swap3A_126], %swap3A_129 {strides = array<i32>} : memref<128x128xf32, #tpu.memory_space<vmem>>, vector<1x16xf32>,
      %swap3A_130 = arith.index_cast %scan3A_125 : i32 to index
      %swap3A_131 = arith.constant 16 : index
      %swap3A_132 = tpu.vector_load %arg6[%swap3A_130, %swap3A_131] {strides = array<i32>} : memref<128x128xf32, #tpu.memory_space<vmem>>, vector<1x16xf32>,
      %swap3A_133 = vector.shape_cast %swap3A_132 : vector<1x16xf32> to vector<16xf32>
      %swap3A_134 = vector.shape_cast %broadcast_in_dim3A_1 : vector<16xf32> to vector<1x16xf32>
      tpu.vector_store %arg6[%swap3A_130, %swap3A_131], %swap3A_134 {strides = array<i32>} : memref<128x128xf32, #tpu.memory_space<vmem>>, vector<1x16xf32>,
      %swap3A_135 = arith.index_cast %scan3A_125 : i32 to index
      %swap3A_136 = arith.constant 32 : index
      %swap3A_137 = tpu.vector_load %arg6[%swap3A_135, %swap3A_136] {strides = array<i32>} : memref<128x128xf32, #tpu.memory_space<vmem>>, vector<1x16xf32>,
      %swap3A_138 = vector.shape_cast %swap3A_137 : vector<1x16xf32> to vector<16xf32>
      %swap3A_139 = vector.shape_cast %broadcast_in_dim3A_1 : vector<16xf32> to vector<1x16xf32>
      tpu.vector_store %arg6[%swap3A_135, %swap3A_136], %swap3A_139 {strides = array<i32>} : memref<128x128xf32, #tpu.memory_space<vmem>>, vector<1x16xf32>,
      %swap3A_140 = arith.index_cast %scan3A_125 : i32 to index
      %swap3A_141 = arith.constant 48 : index
      %swap3A_142 = tpu.vector_load %arg6[%swap3A_140, %swap3A_141] {strides = array<i32>} : memref<128x128xf32, #tpu.memory_space<vmem>>, vector<1x16xf32>,
      %swap3A_143 = vector.shape_cast %swap3A_142 : vector<1x16xf32> to vector<16xf32>
      %swap3A_144 = vector.shape_cast %broadcast_in_dim3A_1 : vector<16xf32> to vector<1x16xf32>
      tpu.vector_store %arg6[%swap3A_140, %swap3A_141], %swap3A_144 {strides = array<i32>} : memref<128x128xf32, #tpu.memory_space<vmem>>, vector<1x16xf32>,
      %swap3A_145 = arith.index_cast %scan3A_125 : i32 to index
      %swap3A_146 = arith.constant 64 : index
      %swap3A_147 = tpu.vector_load %arg6[%swap3A_145, %swap3A_146] {strides = array<i32>} : memref<128x128xf32, #tpu.memory_space<vmem>>, vector<1x16xf32>,
      %swap3A_148 = vector.shape_cast %swap3A_147 : vector<1x16xf32> to vector<16xf32>
      %swap3A_149 = vector.shape_cast %broadcast_in_dim3A_1 : vector<16xf32> to vector<1x16xf32>
      tpu.vector_store %arg6[%swap3A_145, %swap3A_146], %swap3A_149 {strides = array<i32>} : memref<128x128xf32, #tpu.memory_space<vmem>>, vector<1x16xf32>,
      %swap3A_150 = arith.index_cast %scan3A_125 : i32 to index
      %swap3A_151 = arith.constant 80 : index
      %swap3A_152 = tpu.vector_load %arg6[%swap3A_150, %swap3A_151] {strides = array<i32>} : memref<128x128xf32, #tpu.memory_space<vmem>>, vector<1x16xf32>,
      %swap3A_153 = vector.shape_cast %swap3A_152 : vector<1x16xf32> to vector<16xf32>
      %swap3A_154 = vector.shape_cast %broadcast_in_dim3A_1 : vector<16xf32> to vector<1x16xf32>
      tpu.vector_store %arg6[%swap3A_150, %swap3A_151], %swap3A_154 {strides = array<i32>} : memref<128x128xf32, #tpu.memory_space<vmem>>, vector<1x16xf32>,
      %swap3A_155 = arith.index_cast %scan3A_125 : i32 to index
      %swap3A_156 = arith.constant 96 : index
      %swap3A_157 = tpu.vector_load %arg6[%swap3A_155, %swap3A_156] {strides = array<i32>} : memref<128x128xf32, #tpu.memory_space<vmem>>, vector<1x16xf32>,
      %swap3A_158 = vector.shape_cast %swap3A_157 : vector<1x16xf32> to vector<16xf32>
      %swap3A_159 = vector.shape_cast %broadcast_in_dim3A_1 : vector<16xf32> to vector<1x16xf32>
      tpu.vector_store %arg6[%swap3A_155, %swap3A_156], %swap3A_159 {strides = array<i32>} : memref<128x128xf32, #tpu.memory_space<vmem>>, vector<1x16xf32>,
      %swap3A_160 = arith.index_cast %scan3A_125 : i32 to index
      %swap3A_161 = arith.constant 112 : index
      %swap3A_162 = tpu.vector_load %arg6[%swap3A_160, %swap3A_161] {strides = array<i32>} : memref<128x128xf32, #tpu.memory_space<vmem>>, vector<1x16xf32>,
      %swap3A_163 = vector.shape_cast %swap3A_162 : vector<1x16xf32> to vector<16xf32>
      %swap3A_164 = vector.shape_cast %broadcast_in_dim3A_1 : vector<16xf32> to vector<1x16xf32>
      tpu.vector_store %arg6[%swap3A_160, %swap3A_161], %swap3A_164 {strides = array<i32>} : memref<128x128xf32, #tpu.memory_space<vmem>>, vector<1x16xf32>,
    }
    %scan3A_8 = arith.constant 128 : i32
    %mul3A_9 = arith.constant 640 : i32
    %mul3A_10 = arith.muli %arg1, %mul3A_9 : i32
    %add3A_11 = arith.constant 0 : i32
    %add3A_12 = arith.addi %mul3A_10, %add3A_11 : i32
    "tpu.region"() ({
      %run_scoped3A = tpu.sem_alloc : memref<!tpu.dma_semaphore, #tpu.memory_space<semaphore_mem>>
      %dma_start3A = arith.constant 0 : i32
      %dma_start3A_125 = tpu.memref_slice %arg5[%add3A_12, %dma_start3A] : memref<10240x128xf32, #tpu.memory_space<vmem_shared>> -> memref<128x128xf32, #tpu.memory_space<vmem_shared>>
      %dma_start3A_126 = arith.constant 0 : i32
      %dma_start3A_127 = tpu.memref_slice %arg5[%add3A_12, %dma_start3A_126] : memref<10240x128xf32, #tpu.memory_space<vmem_shared>> -> memref<128x128xf32, #tpu.memory_space<vmem_shared>>
      tpu.enqueue_dma source(%arg6 : memref<128x128xf32, #tpu.memory_space<vmem>>) target(%dma_start3A_127 : memref<128x128xf32, #tpu.memory_space<vmem_shared>>) target_semaphore(%run_scoped3A : memref<!tpu.dma_semaphore, #tpu.memory_space<semaphore_mem>>)
      %dma_wait3A = arith.constant 0 : i32
      %dma_wait3A_128 = tpu.memref_slice %arg5[%add3A_12, %dma_wait3A] : memref<10240x128xf32, #tpu.memory_space<vmem_shared>> -> memref<128x128xf32, #tpu.memory_space<vmem_shared>>
      %dma_wait3A_129 = arith.constant 0 : i32
      %dma_wait3A_130 = tpu.memref_slice %arg5[%add3A_12, %dma_wait3A_129] : memref<10240x128xf32, #tpu.memory_space<vmem_shared>> -> memref<128x128xf32, #tpu.memory_space<vmem_shared>>
      tpu.wait_dma2 semaphore(%run_scoped3A : memref<!tpu.dma_semaphore, #tpu.memory_space<semaphore_mem>>) src(%arg6 : memref<128x128xf32, #tpu.memory_space<vmem>>) dst(%dma_wait3A_130 : memref<128x128xf32, #tpu.memory_space<vmem_shared>>)
      tpu.yield
    }) : () -> ()
    %mul3A_13 = arith.constant 640 : i32
    %mul3A_14 = arith.muli %arg1, %mul3A_13 : i32
    %add3A_15 = arith.constant 128 : i32
    %add3A_16 = arith.addi %mul3A_14, %add3A_15 : i32
    "tpu.region"() ({
      %run_scoped3A = tpu.sem_alloc : memref<!tpu.dma_semaphore, #tpu.memory_space<semaphore_mem>>
      %dma_start3A = arith.constant 0 : i32
      %dma_start3A_125 = tpu.memref_slice %arg5[%add3A_16, %dma_start3A] : memref<10240x128xf32, #tpu.memory_space<vmem_shared>> -> memref<128x128xf32, #tpu.memory_space<vmem_shared>>
      %dma_start3A_126 = arith.constant 0 : i32
      %dma_start3A_127 = tpu.memref_slice %arg5[%add3A_16, %dma_start3A_126] : memref<10240x128xf32, #tpu.memory_space<vmem_shared>> -> memref<128x128xf32, #tpu.memory_space<vmem_shared>>
      tpu.enqueue_dma source(%arg6 : memref<128x128xf32, #tpu.memory_space<vmem>>) target(%dma_start3A_127 : memref<128x128xf32, #tpu.memory_space<vmem_shared>>) target_semaphore(%run_scoped3A : memref<!tpu.dma_semaphore, #tpu.memory_space<semaphore_mem>>)
      %dma_wait3A = arith.constant 0 : i32
      %dma_wait3A_128 = tpu.memref_slice %arg5[%add3A_16, %dma_wait3A] : memref<10240x128xf32, #tpu.memory_space<vmem_shared>> -> memref<128x128xf32, #tpu.memory_space<vmem_shared>>
      %dma_wait3A_129 = arith.constant 0 : i32
      %dma_wait3A_130 = tpu.memref_slice %arg5[%add3A_16, %dma_wait3A_129] : memref<10240x128xf32, #tpu.memory_space<vmem_shared>> -> memref<128x128xf32, #tpu.memory_space<vmem_shared>>
      tpu.wait_dma2 semaphore(%run_scoped3A : memref<!tpu.dma_semaphore, #tpu.memory_space<semaphore_mem>>) src(%arg6 : memref<128x128xf32, #tpu.memory_space<vmem>>) dst(%dma_wait3A_130 : memref<128x128xf32, #tpu.memory_space<vmem_shared>>)
      tpu.yield
    }) : () -> ()
    %mul3A_17 = arith.constant 640 : i32
    %mul3A_18 = arith.muli %arg1, %mul3A_17 : i32
    %add3A_19 = arith.constant 256 : i32
    %add3A_20 = arith.addi %mul3A_18, %add3A_19 : i32
    "tpu.region"() ({
      %run_scoped3A = tpu.sem_alloc : memref<!tpu.dma_semaphore, #tpu.memory_space<semaphore_mem>>
      %dma_start3A = arith.constant 0 : i32
      %dma_start3A_125 = tpu.memref_slice %arg5[%add3A_20, %dma_start3A] : memref<10240x128xf32, #tpu.memory_space<vmem_shared>> -> memref<128x128xf32, #tpu.memory_space<vmem_shared>>
      %dma_start3A_126 = arith.constant 0 : i32
      %dma_start3A_127 = tpu.memref_slice %arg5[%add3A_20, %dma_start3A_126] : memref<10240x128xf32, #tpu.memory_space<vmem_shared>> -> memref<128x128xf32, #tpu.memory_space<vmem_shared>>
      tpu.enqueue_dma source(%arg6 : memref<128x128xf32, #tpu.memory_space<vmem>>) target(%dma_start3A_127 : memref<128x128xf32, #tpu.memory_space<vmem_shared>>) target_semaphore(%run_scoped3A : memref<!tpu.dma_semaphore, #tpu.memory_space<semaphore_mem>>)
      %dma_wait3A = arith.constant 0 : i32
      %dma_wait3A_128 = tpu.memref_slice %arg5[%add3A_20, %dma_wait3A] : memref<10240x128xf32, #tpu.memory_space<vmem_shared>> -> memref<128x128xf32, #tpu.memory_space<vmem_shared>>
      %dma_wait3A_129 = arith.constant 0 : i32
      %dma_wait3A_130 = tpu.memref_slice %arg5[%add3A_20, %dma_wait3A_129] : memref<10240x128xf32, #tpu.memory_space<vmem_shared>> -> memref<128x128xf32, #tpu.memory_space<vmem_shared>>
      tpu.wait_dma2 semaphore(%run_scoped3A : memref<!tpu.dma_semaphore, #tpu.memory_space<semaphore_mem>>) src(%arg6 : memref<128x128xf32, #tpu.memory_space<vmem>>) dst(%dma_wait3A_130 : memref<128x128xf32, #tpu.memory_space<vmem_shared>>)
      tpu.yield
    }) : () -> ()
    %mul3A_21 = arith.constant 640 : i32
    %mul3A_22 = arith.muli %arg1, %mul3A_21 : i32
    %add3A_23 = arith.constant 384 : i32
    %add3A_24 = arith.addi %mul3A_22, %add3A_23 : i32
    "tpu.region"() ({
      %run_scoped3A = tpu.sem_alloc : memref<!tpu.dma_semaphore, #tpu.memory_space<semaphore_mem>>
      %dma_start3A = arith.constant 0 : i32
      %dma_start3A_125 = tpu.memref_slice %arg5[%add3A_24, %dma_start3A] : memref<10240x128xf32, #tpu.memory_space<vmem_shared>> -> memref<128x128xf32, #tpu.memory_space<vmem_shared>>
      %dma_start3A_126 = arith.constant 0 : i32
      %dma_start3A_127 = tpu.memref_slice %arg5[%add3A_24, %dma_start3A_126] : memref<10240x128xf32, #tpu.memory_space<vmem_shared>> -> memref<128x128xf32, #tpu.memory_space<vmem_shared>>
      tpu.enqueue_dma source(%arg6 : memref<128x128xf32, #tpu.memory_space<vmem>>) target(%dma_start3A_127 : memref<128x128xf32, #tpu.memory_space<vmem_shared>>) target_semaphore(%run_scoped3A : memref<!tpu.dma_semaphore, #tpu.memory_space<semaphore_mem>>)
      %dma_wait3A = arith.constant 0 : i32
      %dma_wait3A_128 = tpu.memref_slice %arg5[%add3A_24, %dma_wait3A] : memref<10240x128xf32, #tpu.memory_space<vmem_shared>> -> memref<128x128xf32, #tpu.memory_space<vmem_shared>>
      %dma_wait3A_129 = arith.constant 0 : i32
      %dma_wait3A_130 = tpu.memref_slice %arg5[%add3A_24, %dma_wait3A_129] : memref<10240x128xf32, #tpu.memory_space<vmem_shared>> -> memref<128x128xf32, #tpu.memory_space<vmem_shared>>
      tpu.wait_dma2 semaphore(%run_scoped3A : memref<!tpu.dma_semaphore, #tpu.memory_space<semaphore_mem>>) src(%arg6 : memref<128x128xf32, #tpu.memory_space<vmem>>) dst(%dma_wait3A_130 : memref<128x128xf32, #tpu.memory_space<vmem_shared>>)
      tpu.yield
    }) : () -> ()
    %mul3A_25 = arith.constant 640 : i32
    %mul3A_26 = arith.muli %arg1, %mul3A_25 : i32
    %add3A_27 = arith.constant 512 : i32
    %add3A_28 = arith.addi %mul3A_26, %add3A_27 : i32
    "tpu.region"() ({
      %run_scoped3A = tpu.sem_alloc : memref<!tpu.dma_semaphore, #tpu.memory_space<semaphore_mem>>
      %dma_start3A = arith.constant 0 : i32
      %dma_start3A_125 = tpu.memref_slice %arg5[%add3A_28, %dma_start3A] : memref<10240x128xf32, #tpu.memory_space<vmem_shared>> -> memref<128x128xf32, #tpu.memory_space<vmem_shared>>
      %dma_start3A_126 = arith.constant 0 : i32
      %dma_start3A_127 = tpu.memref_slice %arg5[%add3A_28, %dma_start3A_126] : memref<10240x128xf32, #tpu.memory_space<vmem_shared>> -> memref<128x128xf32, #tpu.memory_space<vmem_shared>>
      tpu.enqueue_dma source(%arg6 : memref<128x128xf32, #tpu.memory_space<vmem>>) target(%dma_start3A_127 : memref<128x128xf32, #tpu.memory_space<vmem_shared>>) target_semaphore(%run_scoped3A : memref<!tpu.dma_semaphore, #tpu.memory_space<semaphore_mem>>)
      %dma_wait3A = arith.constant 0 : i32
      %dma_wait3A_128 = tpu.memref_slice %arg5[%add3A_28, %dma_wait3A] : memref<10240x128xf32, #tpu.memory_space<vmem_shared>> -> memref<128x128xf32, #tpu.memory_space<vmem_shared>>
      %dma_wait3A_129 = arith.constant 0 : i32
      %dma_wait3A_130 = tpu.memref_slice %arg5[%add3A_28, %dma_wait3A_129] : memref<10240x128xf32, #tpu.memory_space<vmem_shared>> -> memref<128x128xf32, #tpu.memory_space<vmem_shared>>
      tpu.wait_dma2 semaphore(%run_scoped3A : memref<!tpu.dma_semaphore, #tpu.memory_space<semaphore_mem>>) src(%arg6 : memref<128x128xf32, #tpu.memory_space<vmem>>) dst(%dma_wait3A_130 : memref<128x128xf32, #tpu.memory_space<vmem_shared>>)
      tpu.yield
    }) : () -> ()
    %barrier3A = arith.constant 0 : index
    tpu.barrier barrier_id(%barrier3A)
    %mul3A_29 = arith.constant 10112 : i32
    %mul3A_30 = arith.muli %add3A, %mul3A_29 : i32
    %broadcast_in_dim3A_31 = arith.constant 10232 : i32
    %broadcast_in_dim3A_32 = vector.broadcast %broadcast_in_dim3A_31 : i32 to vector<16xi32>
    %scan3A_33 = arith.constant 0 : i32
    %scan3A_34 = arith.constant 0 : i32
    %scan3A_35 = arith.constant 128 : i32
    %scan3A_36 = arith.addi %scan3A_34, %scan3A_35 : i32
    %scan3A_37 = arith.constant 1 : i32
    scf.for %scan3A_125 = %scan3A_34 to %scan3A_36 step %scan3A_37  : i32 {
      %swap3A = arith.index_cast %scan3A_125 : i32 to index
      %swap3A_126 = arith.constant 0 : index
      %swap3A_127 = tpu.vector_load %arg6[%swap3A, %swap3A_126] {strides = array<i32>} : memref<128x128xf32, #tpu.memory_space<vmem>>, vector<1x16xf32>,
      %swap3A_128 = vector.shape_cast %swap3A_127 : vector<1x16xf32> to vector<16xf32>
      %swap3A_129 = vector.shape_cast %broadcast_in_dim3A_3 : vector<16xf32> to vector<1x16xf32>
      tpu.vector_store %arg6[%swap3A, %swap3A_126], %swap3A_129 {strides = array<i32>} : memref<128x128xf32, #tpu.memory_space<vmem>>, vector<1x16xf32>,
      %swap3A_130 = arith.index_cast %scan3A_125 : i32 to index
      %swap3A_131 = arith.constant 16 : index
      %swap3A_132 = tpu.vector_load %arg6[%swap3A_130, %swap3A_131] {strides = array<i32>} : memref<128x128xf32, #tpu.memory_space<vmem>>, vector<1x16xf32>,
      %swap3A_133 = vector.shape_cast %swap3A_132 : vector<1x16xf32> to vector<16xf32>
      %swap3A_134 = vector.shape_cast %broadcast_in_dim3A_1 : vector<16xf32> to vector<1x16xf32>
      tpu.vector_store %arg6[%swap3A_130, %swap3A_131], %swap3A_134 {strides = array<i32>} : memref<128x128xf32, #tpu.memory_space<vmem>>, vector<1x16xf32>,
      %swap3A_135 = arith.index_cast %scan3A_125 : i32 to index
      %swap3A_136 = arith.constant 32 : index
      %swap3A_137 = tpu.vector_load %arg6[%swap3A_135, %swap3A_136] {strides = array<i32>} : memref<128x128xf32, #tpu.memory_space<vmem>>, vector<1x16xf32>,
      %swap3A_138 = vector.shape_cast %swap3A_137 : vector<1x16xf32> to vector<16xf32>
      %swap3A_139 = vector.shape_cast %broadcast_in_dim3A_1 : vector<16xf32> to vector<1x16xf32>
      tpu.vector_store %arg6[%swap3A_135, %swap3A_136], %swap3A_139 {strides = array<i32>} : memref<128x128xf32, #tpu.memory_space<vmem>>, vector<1x16xf32>,
      %swap3A_140 = arith.index_cast %scan3A_125 : i32 to index
      %swap3A_141 = arith.constant 48 : index
      %swap3A_142 = tpu.vector_load %arg6[%swap3A_140, %swap3A_141] {strides = array<i32>} : memref<128x128xf32, #tpu.memory_space<vmem>>, vector<1x16xf32>,
      %swap3A_143 = vector.shape_cast %swap3A_142 : vector<1x16xf32> to vector<16xf32>
      %swap3A_144 = vector.shape_cast %broadcast_in_dim3A_1 : vector<16xf32> to vector<1x16xf32>
      tpu.vector_store %arg6[%swap3A_140, %swap3A_141], %swap3A_144 {strides = array<i32>} : memref<128x128xf32, #tpu.memory_space<vmem>>, vector<1x16xf32>,
      %swap3A_145 = arith.index_cast %scan3A_125 : i32 to index
      %swap3A_146 = arith.constant 64 : index
      %swap3A_147 = tpu.vector_load %arg6[%swap3A_145, %swap3A_146] {strides = array<i32>} : memref<128x128xf32, #tpu.memory_space<vmem>>, vector<1x16xf32>,
      %swap3A_148 = vector.shape_cast %swap3A_147 : vector<1x16xf32> to vector<16xf32>
      %swap3A_149 = vector.shape_cast %broadcast_in_dim3A_1 : vector<16xf32> to vector<1x16xf32>
      tpu.vector_store %arg6[%swap3A_145, %swap3A_146], %swap3A_149 {strides = array<i32>} : memref<128x128xf32, #tpu.memory_space<vmem>>, vector<1x16xf32>,
      %swap3A_150 = arith.index_cast %scan3A_125 : i32 to index
      %swap3A_151 = arith.constant 80 : index
      %swap3A_152 = tpu.vector_load %arg6[%swap3A_150, %swap3A_151] {strides = array<i32>} : memref<128x128xf32, #tpu.memory_space<vmem>>, vector<1x16xf32>,
      %swap3A_153 = vector.shape_cast %swap3A_152 : vector<1x16xf32> to vector<16xf32>
      %swap3A_154 = vector.shape_cast %broadcast_in_dim3A_1 : vector<16xf32> to vector<1x16xf32>
      tpu.vector_store %arg6[%swap3A_150, %swap3A_151], %swap3A_154 {strides = array<i32>} : memref<128x128xf32, #tpu.memory_space<vmem>>, vector<1x16xf32>,
      %swap3A_155 = arith.index_cast %scan3A_125 : i32 to index
      %swap3A_156 = arith.constant 96 : index
      %swap3A_157 = tpu.vector_load %arg6[%swap3A_155, %swap3A_156] {strides = array<i32>} : memref<128x128xf32, #tpu.memory_space<vmem>>, vector<1x16xf32>,
      %swap3A_158 = vector.shape_cast %swap3A_157 : vector<1x16xf32> to vector<16xf32>
      %swap3A_159 = vector.shape_cast %broadcast_in_dim3A_1 : vector<16xf32> to vector<1x16xf32>
      tpu.vector_store %arg6[%swap3A_155, %swap3A_156], %swap3A_159 {strides = array<i32>} : memref<128x128xf32, #tpu.memory_space<vmem>>, vector<1x16xf32>,
      %swap3A_160 = arith.index_cast %scan3A_125 : i32 to index
      %swap3A_161 = arith.constant 112 : index
      %swap3A_162 = tpu.vector_load %arg6[%swap3A_160, %swap3A_161] {strides = array<i32>} : memref<128x128xf32, #tpu.memory_space<vmem>>, vector<1x16xf32>,
      %swap3A_163 = vector.shape_cast %swap3A_162 : vector<1x16xf32> to vector<16xf32>
      %swap3A_164 = vector.shape_cast %broadcast_in_dim3A_1 : vector<16xf32> to vector<1x16xf32>
      tpu.vector_store %arg6[%swap3A_160, %swap3A_161], %swap3A_164 {strides = array<i32>} : memref<128x128xf32, #tpu.memory_space<vmem>>, vector<1x16xf32>,
    }
    %scan3A_38 = arith.constant 128 : i32
    %scan3A_39 = arith.constant 0 : i32
    %scan3A_40 = arith.constant 0 : i32
    %scan3A_41 = arith.constant 79 : i32
    %scan3A_42 = arith.addi %scan3A_40, %scan3A_41 : i32
    %scan3A_43 = arith.constant 1 : i32
    scf.for %scan3A_125 = %scan3A_40 to %scan3A_42 step %scan3A_43  : i32 {
      %mul3A_126 = arith.constant 128 : i32
      %mul3A_127 = arith.muli %scan3A_125, %mul3A_126 : i32
      %add3A_128 = arith.addi %mul3A_30, %mul3A_127 : i32
      "tpu.region"() ({
        %run_scoped3A = tpu.sem_alloc : memref<!tpu.dma_semaphore, #tpu.memory_space<semaphore_mem>>
        %dma_start3A = tpu.memref_slice %arg2[%add3A_128] : memref<323584xi32, #tpu.memory_space<hbm>> -> memref<128xi32, #tpu.memory_space<hbm>>
        %dma_start3A_237 = tpu.memref_slice %arg2[%add3A_128] : memref<323584xi32, #tpu.memory_space<hbm>> -> memref<128xi32, #tpu.memory_space<hbm>>
        tpu.enqueue_dma source(%dma_start3A_237 : memref<128xi32, #tpu.memory_space<hbm>>) target(%arg8 : memref<128xi32, #tpu.memory_space<vmem>>) target_semaphore(%run_scoped3A : memref<!tpu.dma_semaphore, #tpu.memory_space<semaphore_mem>>)
        %dma_wait3A = tpu.memref_slice %arg2[%add3A_128] : memref<323584xi32, #tpu.memory_space<hbm>> -> memref<128xi32, #tpu.memory_space<hbm>>
        %dma_wait3A_238 = tpu.memref_slice %arg2[%add3A_128] : memref<323584xi32, #tpu.memory_space<hbm>> -> memref<128xi32, #tpu.memory_space<hbm>>
        tpu.wait_dma2 semaphore(%run_scoped3A : memref<!tpu.dma_semaphore, #tpu.memory_space<semaphore_mem>>) src(%dma_wait3A_238 : memref<128xi32, #tpu.memory_space<hbm>>) dst(%arg8 : memref<128xi32, #tpu.memory_space<vmem>>)
        tpu.yield
      }) : () -> ()
      "tpu.region"() ({
        %run_scoped3A = tpu.sem_alloc : memref<!tpu.dma_semaphore, #tpu.memory_space<semaphore_mem>>
        %dma_start3A = tpu.memref_slice %arg3[%add3A_128] : memref<323584xi32, #tpu.memory_space<hbm>> -> memref<128xi32, #tpu.memory_space<hbm>>
        %dma_start3A_237 = tpu.memref_slice %arg3[%add3A_128] : memref<323584xi32, #tpu.memory_space<hbm>> -> memref<128xi32, #tpu.memory_space<hbm>>
        tpu.enqueue_dma source(%dma_start3A_237 : memref<128xi32, #tpu.memory_space<hbm>>) target(%arg9 : memref<128xi32, #tpu.memory_space<vmem>>) target_semaphore(%run_scoped3A : memref<!tpu.dma_semaphore, #tpu.memory_space<semaphore_mem>>)
        %dma_wait3A = tpu.memref_slice %arg3[%add3A_128] : memref<323584xi32, #tpu.memory_space<hbm>> -> memref<128xi32, #tpu.memory_space<hbm>>
        %dma_wait3A_238 = tpu.memref_slice %arg3[%add3A_128] : memref<323584xi32, #tpu.memory_space<hbm>> -> memref<128xi32, #tpu.memory_space<hbm>>
        tpu.wait_dma2 semaphore(%run_scoped3A : memref<!tpu.dma_semaphore, #tpu.memory_space<semaphore_mem>>) src(%dma_wait3A_238 : memref<128xi32, #tpu.memory_space<hbm>>) dst(%arg9 : memref<128xi32, #tpu.memory_space<vmem>>)
        tpu.yield
      }) : () -> ()
      %get3A = arith.constant 0 : index
      %get3A_129 = tpu.vector_load %arg8[%get3A] {strides = array<i32>} : memref<128xi32, #tpu.memory_space<vmem>>, vector<16xi32>,
      %get3A_130 = vector.shape_cast %get3A_129 : vector<16xi32> to vector<16xi32>
      %get3A_131 = arith.constant 0 : index
      %get3A_132 = tpu.vector_load %arg9[%get3A_131] {strides = array<i32>} : memref<128xi32, #tpu.memory_space<vmem>>, vector<16xi32>,
      %get3A_133 = vector.shape_cast %get3A_132 : vector<16xi32> to vector<16xi32>
      %lt3A = arith.constant 3 : i32
      %lt3A_134 = vector.broadcast %lt3A : i32 to vector<16xi32>
      %lt3A_135 = arith.cmpi slt, %get3A_133, %lt3A_134 : vector<16xi32>
      %select_n3A = arith.select %lt3A_135, %get3A_130, %broadcast_in_dim3A_32 : vector<16xi1>, vector<16xi32>
      %swap3A = arith.constant 0 : index
      %swap3A_136 = tpu.vector_load %arg10[%swap3A] {strides = array<i32>} : memref<128xi32, #tpu.memory_space<vmem>>, vector<16xi32>,
      %swap3A_137 = vector.shape_cast %swap3A_136 : vector<16xi32> to vector<16xi32>
      %swap3A_138 = vector.shape_cast %select_n3A : vector<16xi32> to vector<16xi32>
      tpu.vector_store %arg10[%swap3A], %swap3A_138 {strides = array<i32>} : memref<128xi32, #tpu.memory_space<vmem>>, vector<16xi32>,
      %get3A_139 = arith.constant 16 : index
      %get3A_140 = tpu.vector_load %arg8[%get3A_139] {strides = array<i32>} : memref<128xi32, #tpu.memory_space<vmem>>, vector<16xi32>,
      %get3A_141 = vector.shape_cast %get3A_140 : vector<16xi32> to vector<16xi32>
      %get3A_142 = arith.constant 16 : index
      %get3A_143 = tpu.vector_load %arg9[%get3A_142] {strides = array<i32>} : memref<128xi32, #tpu.memory_space<vmem>>, vector<16xi32>,
      %get3A_144 = vector.shape_cast %get3A_143 : vector<16xi32> to vector<16xi32>
      %lt3A_145 = arith.constant 3 : i32
      %lt3A_146 = vector.broadcast %lt3A_145 : i32 to vector<16xi32>
      %lt3A_147 = arith.cmpi slt, %get3A_144, %lt3A_146 : vector<16xi32>
      %select_n3A_148 = arith.select %lt3A_147, %get3A_141, %broadcast_in_dim3A_32 : vector<16xi1>, vector<16xi32>
      %swap3A_149 = arith.constant 16 : index
      %swap3A_150 = tpu.vector_load %arg10[%swap3A_149] {strides = array<i32>} : memref<128xi32, #tpu.memory_space<vmem>>, vector<16xi32>,
      %swap3A_151 = vector.shape_cast %swap3A_150 : vector<16xi32> to vector<16xi32>
      %swap3A_152 = vector.shape_cast %select_n3A_148 : vector<16xi32> to vector<16xi32>
      tpu.vector_store %arg10[%swap3A_149], %swap3A_152 {strides = array<i32>} : memref<128xi32, #tpu.memory_space<vmem>>, vector<16xi32>,
      %get3A_153 = arith.constant 32 : index
      %get3A_154 = tpu.vector_load %arg8[%get3A_153] {strides = array<i32>} : memref<128xi32, #tpu.memory_space<vmem>>, vector<16xi32>,
      %get3A_155 = vector.shape_cast %get3A_154 : vector<16xi32> to vector<16xi32>
      %get3A_156 = arith.constant 32 : index
      %get3A_157 = tpu.vector_load %arg9[%get3A_156] {strides = array<i32>} : memref<128xi32, #tpu.memory_space<vmem>>, vector<16xi32>,
      %get3A_158 = vector.shape_cast %get3A_157 : vector<16xi32> to vector<16xi32>
      %lt3A_159 = arith.constant 3 : i32
      %lt3A_160 = vector.broadcast %lt3A_159 : i32 to vector<16xi32>
      %lt3A_161 = arith.cmpi slt, %get3A_158, %lt3A_160 : vector<16xi32>
      %select_n3A_162 = arith.select %lt3A_161, %get3A_155, %broadcast_in_dim3A_32 : vector<16xi1>, vector<16xi32>
      %swap3A_163 = arith.constant 32 : index
      %swap3A_164 = tpu.vector_load %arg10[%swap3A_163] {strides = array<i32>} : memref<128xi32, #tpu.memory_space<vmem>>, vector<16xi32>,
      %swap3A_165 = vector.shape_cast %swap3A_164 : vector<16xi32> to vector<16xi32>
      %swap3A_166 = vector.shape_cast %select_n3A_162 : vector<16xi32> to vector<16xi32>
      tpu.vector_store %arg10[%swap3A_163], %swap3A_166 {strides = array<i32>} : memref<128xi32, #tpu.memory_space<vmem>>, vector<16xi32>,
      %get3A_167 = arith.constant 48 : index
      %get3A_168 = tpu.vector_load %arg8[%get3A_167] {strides = array<i32>} : memref<128xi32, #tpu.memory_space<vmem>>, vector<16xi32>,
      %get3A_169 = vector.shape_cast %get3A_168 : vector<16xi32> to vector<16xi32>
      %get3A_170 = arith.constant 48 : index
      %get3A_171 = tpu.vector_load %arg9[%get3A_170] {strides = array<i32>} : memref<128xi32, #tpu.memory_space<vmem>>, vector<16xi32>,
      %get3A_172 = vector.shape_cast %get3A_171 : vector<16xi32> to vector<16xi32>
      %lt3A_173 = arith.constant 3 : i32
      %lt3A_174 = vector.broadcast %lt3A_173 : i32 to vector<16xi32>
      %lt3A_175 = arith.cmpi slt, %get3A_172, %lt3A_174 : vector<16xi32>
      %select_n3A_176 = arith.select %lt3A_175, %get3A_169, %broadcast_in_dim3A_32 : vector<16xi1>, vector<16xi32>
      %swap3A_177 = arith.constant 48 : index
      %swap3A_178 = tpu.vector_load %arg10[%swap3A_177] {strides = array<i32>} : memref<128xi32, #tpu.memory_space<vmem>>, vector<16xi32>,
      %swap3A_179 = vector.shape_cast %swap3A_178 : vector<16xi32> to vector<16xi32>
      %swap3A_180 = vector.shape_cast %select_n3A_176 : vector<16xi32> to vector<16xi32>
      tpu.vector_store %arg10[%swap3A_177], %swap3A_180 {strides = array<i32>} : memref<128xi32, #tpu.memory_space<vmem>>, vector<16xi32>,
      %get3A_181 = arith.constant 64 : index
      %get3A_182 = tpu.vector_load %arg8[%get3A_181] {strides = array<i32>} : memref<128xi32, #tpu.memory_space<vmem>>, vector<16xi32>,
      %get3A_183 = vector.shape_cast %get3A_182 : vector<16xi32> to vector<16xi32>
      %get3A_184 = arith.constant 64 : index
      %get3A_185 = tpu.vector_load %arg9[%get3A_184] {strides = array<i32>} : memref<128xi32, #tpu.memory_space<vmem>>, vector<16xi32>,
      %get3A_186 = vector.shape_cast %get3A_185 : vector<16xi32> to vector<16xi32>
      %lt3A_187 = arith.constant 3 : i32
      %lt3A_188 = vector.broadcast %lt3A_187 : i32 to vector<16xi32>
      %lt3A_189 = arith.cmpi slt, %get3A_186, %lt3A_188 : vector<16xi32>
      %select_n3A_190 = arith.select %lt3A_189, %get3A_183, %broadcast_in_dim3A_32 : vector<16xi1>, vector<16xi32>
      %swap3A_191 = arith.constant 64 : index
      %swap3A_192 = tpu.vector_load %arg10[%swap3A_191] {strides = array<i32>} : memref<128xi32, #tpu.memory_space<vmem>>, vector<16xi32>,
      %swap3A_193 = vector.shape_cast %swap3A_192 : vector<16xi32> to vector<16xi32>
      %swap3A_194 = vector.shape_cast %select_n3A_190 : vector<16xi32> to vector<16xi32>
      tpu.vector_store %arg10[%swap3A_191], %swap3A_194 {strides = array<i32>} : memref<128xi32, #tpu.memory_space<vmem>>, vector<16xi32>,
      %get3A_195 = arith.constant 80 : index
      %get3A_196 = tpu.vector_load %arg8[%get3A_195] {strides = array<i32>} : memref<128xi32, #tpu.memory_space<vmem>>, vector<16xi32>,
      %get3A_197 = vector.shape_cast %get3A_196 : vector<16xi32> to vector<16xi32>
      %get3A_198 = arith.constant 80 : index
      %get3A_199 = tpu.vector_load %arg9[%get3A_198] {strides = array<i32>} : memref<128xi32, #tpu.memory_space<vmem>>, vector<16xi32>,
      %get3A_200 = vector.shape_cast %get3A_199 : vector<16xi32> to vector<16xi32>
      %lt3A_201 = arith.constant 3 : i32
      %lt3A_202 = vector.broadcast %lt3A_201 : i32 to vector<16xi32>
      %lt3A_203 = arith.cmpi slt, %get3A_200, %lt3A_202 : vector<16xi32>
      %select_n3A_204 = arith.select %lt3A_203, %get3A_197, %broadcast_in_dim3A_32 : vector<16xi1>, vector<16xi32>
      %swap3A_205 = arith.constant 80 : index
      %swap3A_206 = tpu.vector_load %arg10[%swap3A_205] {strides = array<i32>} : memref<128xi32, #tpu.memory_space<vmem>>, vector<16xi32>,
      %swap3A_207 = vector.shape_cast %swap3A_206 : vector<16xi32> to vector<16xi32>
      %swap3A_208 = vector.shape_cast %select_n3A_204 : vector<16xi32> to vector<16xi32>
      tpu.vector_store %arg10[%swap3A_205], %swap3A_208 {strides = array<i32>} : memref<128xi32, #tpu.memory_space<vmem>>, vector<16xi32>,
      %get3A_209 = arith.constant 96 : index
      %get3A_210 = tpu.vector_load %arg8[%get3A_209] {strides = array<i32>} : memref<128xi32, #tpu.memory_space<vmem>>, vector<16xi32>,
      %get3A_211 = vector.shape_cast %get3A_210 : vector<16xi32> to vector<16xi32>
      %get3A_212 = arith.constant 96 : index
      %get3A_213 = tpu.vector_load %arg9[%get3A_212] {strides = array<i32>} : memref<128xi32, #tpu.memory_space<vmem>>, vector<16xi32>,
      %get3A_214 = vector.shape_cast %get3A_213 : vector<16xi32> to vector<16xi32>
      %lt3A_215 = arith.constant 3 : i32
      %lt3A_216 = vector.broadcast %lt3A_215 : i32 to vector<16xi32>
      %lt3A_217 = arith.cmpi slt, %get3A_214, %lt3A_216 : vector<16xi32>
      %select_n3A_218 = arith.select %lt3A_217, %get3A_211, %broadcast_in_dim3A_32 : vector<16xi1>, vector<16xi32>
      %swap3A_219 = arith.constant 96 : index
      %swap3A_220 = tpu.vector_load %arg10[%swap3A_219] {strides = array<i32>} : memref<128xi32, #tpu.memory_space<vmem>>, vector<16xi32>,
      %swap3A_221 = vector.shape_cast %swap3A_220 : vector<16xi32> to vector<16xi32>
      %swap3A_222 = vector.shape_cast %select_n3A_218 : vector<16xi32> to vector<16xi32>
      tpu.vector_store %arg10[%swap3A_219], %swap3A_222 {strides = array<i32>} : memref<128xi32, #tpu.memory_space<vmem>>, vector<16xi32>,
      %get3A_223 = arith.constant 112 : index
      %get3A_224 = tpu.vector_load %arg8[%get3A_223] {strides = array<i32>} : memref<128xi32, #tpu.memory_space<vmem>>, vector<16xi32>,
      %get3A_225 = vector.shape_cast %get3A_224 : vector<16xi32> to vector<16xi32>
      %get3A_226 = arith.constant 112 : index
      %get3A_227 = tpu.vector_load %arg9[%get3A_226] {strides = array<i32>} : memref<128xi32, #tpu.memory_space<vmem>>, vector<16xi32>,
      %get3A_228 = vector.shape_cast %get3A_227 : vector<16xi32> to vector<16xi32>
      %lt3A_229 = arith.constant 3 : i32
      %lt3A_230 = vector.broadcast %lt3A_229 : i32 to vector<16xi32>
      %lt3A_231 = arith.cmpi slt, %get3A_228, %lt3A_230 : vector<16xi32>
      %select_n3A_232 = arith.select %lt3A_231, %get3A_225, %broadcast_in_dim3A_32 : vector<16xi1>, vector<16xi32>
      %swap3A_233 = arith.constant 112 : index
      %swap3A_234 = tpu.vector_load %arg10[%swap3A_233] {strides = array<i32>} : memref<128xi32, #tpu.memory_space<vmem>>, vector<16xi32>,
      %swap3A_235 = vector.shape_cast %swap3A_234 : vector<16xi32> to vector<16xi32>
      %swap3A_236 = vector.shape_cast %select_n3A_232 : vector<16xi32> to vector<16xi32>
      tpu.vector_store %arg10[%swap3A_233], %swap3A_236 {strides = array<i32>} : memref<128xi32, #tpu.memory_space<vmem>>, vector<16xi32>,
      "tpu.region"() ({
        %run_scoped3A = tpu.sem_alloc : memref<!tpu.dma_semaphore, #tpu.memory_space<semaphore_mem>>
        %dma_start3A = arith.constant 0 : i32
        %dma_start3A_237 = arith.constant 0 : i32
        %dma_start3A_238 = tpu.memref_slice %arg5[%dma_start3A, %dma_start3A_237] : memref<10240x128xf32, #tpu.memory_space<vmem_shared>> -> memref<10240x128xf32, #tpu.memory_space<vmem_shared>>
        tpu.enqueue_indirect_dma source(%arg6 : memref<128x128xf32, #tpu.memory_space<vmem>>) target(%dma_start3A_238 : memref<10240x128xf32, #tpu.memory_space<vmem_shared>>) offsets(%arg10 : memref<128xi32, #tpu.memory_space<vmem>>) semaphore(%run_scoped3A : memref<!tpu.dma_semaphore, #tpu.memory_space<semaphore_mem>>) {add = true}
        %dma_wait3A = arith.constant 0 : i32
        %dma_wait3A_239 = arith.constant 0 : i32
        %dma_wait3A_240 = tpu.memref_slice %arg5[%dma_wait3A, %dma_wait3A_239] : memref<10240x128xf32, #tpu.memory_space<vmem_shared>> -> memref<10240x128xf32, #tpu.memory_space<vmem_shared>>
        tpu.wait_indirect_dma semaphore(%run_scoped3A : memref<!tpu.dma_semaphore, #tpu.memory_space<semaphore_mem>>) src(%arg6 : memref<128x128xf32, #tpu.memory_space<vmem>>) dst(%dma_wait3A_240 : memref<10240x128xf32, #tpu.memory_space<vmem_shared>>)
        tpu.yield
      }) : () -> ()
    }
    %scan3A_44 = arith.constant 79 : i32
    %scan3A_45 = arith.constant 0 : i32
    %scan3A_46 = arith.constant 0 : i32
    %scan3A_47 = arith.constant 128 : i32
    %scan3A_48 = arith.addi %scan3A_46, %scan3A_47 : i32
    %scan3A_49 = arith.constant 1 : i32
    scf.for %scan3A_125 = %scan3A_46 to %scan3A_48 step %scan3A_49  : i32 {
      %swap3A = arith.index_cast %scan3A_125 : i32 to index
      %swap3A_126 = arith.constant 0 : index
      %swap3A_127 = tpu.vector_load %arg6[%swap3A, %swap3A_126] {strides = array<i32>} : memref<128x128xf32, #tpu.memory_space<vmem>>, vector<1x16xf32>,
      %swap3A_128 = vector.shape_cast %swap3A_127 : vector<1x16xf32> to vector<16xf32>
      %swap3A_129 = vector.shape_cast %broadcast_in_dim3A_1 : vector<16xf32> to vector<1x16xf32>
      tpu.vector_store %arg6[%swap3A, %swap3A_126], %swap3A_129 {strides = array<i32>} : memref<128x128xf32, #tpu.memory_space<vmem>>, vector<1x16xf32>,
      %swap3A_130 = arith.index_cast %scan3A_125 : i32 to index
      %swap3A_131 = arith.constant 16 : index
      %swap3A_132 = tpu.vector_load %arg6[%swap3A_130, %swap3A_131] {strides = array<i32>} : memref<128x128xf32, #tpu.memory_space<vmem>>, vector<1x16xf32>,
      %swap3A_133 = vector.shape_cast %swap3A_132 : vector<1x16xf32> to vector<16xf32>
      %swap3A_134 = vector.shape_cast %broadcast_in_dim3A_3 : vector<16xf32> to vector<1x16xf32>
      tpu.vector_store %arg6[%swap3A_130, %swap3A_131], %swap3A_134 {strides = array<i32>} : memref<128x128xf32, #tpu.memory_space<vmem>>, vector<1x16xf32>,
      %swap3A_135 = arith.index_cast %scan3A_125 : i32 to index
      %swap3A_136 = arith.constant 32 : index
      %swap3A_137 = tpu.vector_load %arg6[%swap3A_135, %swap3A_136] {strides = array<i32>} : memref<128x128xf32, #tpu.memory_space<vmem>>, vector<1x16xf32>,
      %swap3A_138 = vector.shape_cast %swap3A_137 : vector<1x16xf32> to vector<16xf32>
      %swap3A_139 = vector.shape_cast %broadcast_in_dim3A_1 : vector<16xf32> to vector<1x16xf32>
      tpu.vector_store %arg6[%swap3A_135, %swap3A_136], %swap3A_139 {strides = array<i32>} : memref<128x128xf32, #tpu.memory_space<vmem>>, vector<1x16xf32>,
      %swap3A_140 = arith.index_cast %scan3A_125 : i32 to index
      %swap3A_141 = arith.constant 48 : index
      %swap3A_142 = tpu.vector_load %arg6[%swap3A_140, %swap3A_141] {strides = array<i32>} : memref<128x128xf32, #tpu.memory_space<vmem>>, vector<1x16xf32>,
      %swap3A_143 = vector.shape_cast %swap3A_142 : vector<1x16xf32> to vector<16xf32>
      %swap3A_144 = vector.shape_cast %broadcast_in_dim3A_1 : vector<16xf32> to vector<1x16xf32>
      tpu.vector_store %arg6[%swap3A_140, %swap3A_141], %swap3A_144 {strides = array<i32>} : memref<128x128xf32, #tpu.memory_space<vmem>>, vector<1x16xf32>,
      %swap3A_145 = arith.index_cast %scan3A_125 : i32 to index
      %swap3A_146 = arith.constant 64 : index
      %swap3A_147 = tpu.vector_load %arg6[%swap3A_145, %swap3A_146] {strides = array<i32>} : memref<128x128xf32, #tpu.memory_space<vmem>>, vector<1x16xf32>,
      %swap3A_148 = vector.shape_cast %swap3A_147 : vector<1x16xf32> to vector<16xf32>
      %swap3A_149 = vector.shape_cast %broadcast_in_dim3A_1 : vector<16xf32> to vector<1x16xf32>
      tpu.vector_store %arg6[%swap3A_145, %swap3A_146], %swap3A_149 {strides = array<i32>} : memref<128x128xf32, #tpu.memory_space<vmem>>, vector<1x16xf32>,
      %swap3A_150 = arith.index_cast %scan3A_125 : i32 to index
      %swap3A_151 = arith.constant 80 : index
      %swap3A_152 = tpu.vector_load %arg6[%swap3A_150, %swap3A_151] {strides = array<i32>} : memref<128x128xf32, #tpu.memory_space<vmem>>, vector<1x16xf32>,
      %swap3A_153 = vector.shape_cast %swap3A_152 : vector<1x16xf32> to vector<16xf32>
      %swap3A_154 = vector.shape_cast %broadcast_in_dim3A_1 : vector<16xf32> to vector<1x16xf32>
      tpu.vector_store %arg6[%swap3A_150, %swap3A_151], %swap3A_154 {strides = array<i32>} : memref<128x128xf32, #tpu.memory_space<vmem>>, vector<1x16xf32>,
      %swap3A_155 = arith.index_cast %scan3A_125 : i32 to index
      %swap3A_156 = arith.constant 96 : index
      %swap3A_157 = tpu.vector_load %arg6[%swap3A_155, %swap3A_156] {strides = array<i32>} : memref<128x128xf32, #tpu.memory_space<vmem>>, vector<1x16xf32>,
      %swap3A_158 = vector.shape_cast %swap3A_157 : vector<1x16xf32> to vector<16xf32>
      %swap3A_159 = vector.shape_cast %broadcast_in_dim3A_1 : vector<16xf32> to vector<1x16xf32>
      tpu.vector_store %arg6[%swap3A_155, %swap3A_156], %swap3A_159 {strides = array<i32>} : memref<128x128xf32, #tpu.memory_space<vmem>>, vector<1x16xf32>,
      %swap3A_160 = arith.index_cast %scan3A_125 : i32 to index
      %swap3A_161 = arith.constant 112 : index
      %swap3A_162 = tpu.vector_load %arg6[%swap3A_160, %swap3A_161] {strides = array<i32>} : memref<128x128xf32, #tpu.memory_space<vmem>>, vector<1x16xf32>,
      %swap3A_163 = vector.shape_cast %swap3A_162 : vector<1x16xf32> to vector<16xf32>
      %swap3A_164 = vector.shape_cast %broadcast_in_dim3A_1 : vector<16xf32> to vector<1x16xf32>
      tpu.vector_store %arg6[%swap3A_160, %swap3A_161], %swap3A_164 {strides = array<i32>} : memref<128x128xf32, #tpu.memory_space<vmem>>, vector<1x16xf32>,
    }
    %scan3A_50 = arith.constant 128 : i32
    %scan3A_51 = arith.constant 0 : i32
    %scan3A_52 = arith.constant 0 : i32
    %scan3A_53 = arith.constant 79 : i32
    %scan3A_54 = arith.addi %scan3A_52, %scan3A_53 : i32
    %scan3A_55 = arith.constant 1 : i32
    scf.for %scan3A_125 = %scan3A_52 to %scan3A_54 step %scan3A_55  : i32 {
      %mul3A_126 = arith.constant 128 : i32
      %mul3A_127 = arith.muli %scan3A_125, %mul3A_126 : i32
      %add3A_128 = arith.addi %mul3A_30, %mul3A_127 : i32
      "tpu.region"() ({
        %run_scoped3A = tpu.sem_alloc : memref<!tpu.dma_semaphore, #tpu.memory_space<semaphore_mem>>
        %dma_start3A = tpu.memref_slice %arg2[%add3A_128] : memref<323584xi32, #tpu.memory_space<hbm>> -> memref<128xi32, #tpu.memory_space<hbm>>
        %dma_start3A_237 = tpu.memref_slice %arg2[%add3A_128] : memref<323584xi32, #tpu.memory_space<hbm>> -> memref<128xi32, #tpu.memory_space<hbm>>
        tpu.enqueue_dma source(%dma_start3A_237 : memref<128xi32, #tpu.memory_space<hbm>>) target(%arg8 : memref<128xi32, #tpu.memory_space<vmem>>) target_semaphore(%run_scoped3A : memref<!tpu.dma_semaphore, #tpu.memory_space<semaphore_mem>>)
        %dma_wait3A = tpu.memref_slice %arg2[%add3A_128] : memref<323584xi32, #tpu.memory_space<hbm>> -> memref<128xi32, #tpu.memory_space<hbm>>
        %dma_wait3A_238 = tpu.memref_slice %arg2[%add3A_128] : memref<323584xi32, #tpu.memory_space<hbm>> -> memref<128xi32, #tpu.memory_space<hbm>>
        tpu.wait_dma2 semaphore(%run_scoped3A : memref<!tpu.dma_semaphore, #tpu.memory_space<semaphore_mem>>) src(%dma_wait3A_238 : memref<128xi32, #tpu.memory_space<hbm>>) dst(%arg8 : memref<128xi32, #tpu.memory_space<vmem>>)
        tpu.yield
      }) : () -> ()
      "tpu.region"() ({
        %run_scoped3A = tpu.sem_alloc : memref<!tpu.dma_semaphore, #tpu.memory_space<semaphore_mem>>
        %dma_start3A = tpu.memref_slice %arg3[%add3A_128] : memref<323584xi32, #tpu.memory_space<hbm>> -> memref<128xi32, #tpu.memory_space<hbm>>
        %dma_start3A_237 = tpu.memref_slice %arg3[%add3A_128] : memref<323584xi32, #tpu.memory_space<hbm>> -> memref<128xi32, #tpu.memory_space<hbm>>
        tpu.enqueue_dma source(%dma_start3A_237 : memref<128xi32, #tpu.memory_space<hbm>>) target(%arg9 : memref<128xi32, #tpu.memory_space<vmem>>) target_semaphore(%run_scoped3A : memref<!tpu.dma_semaphore, #tpu.memory_space<semaphore_mem>>)
        %dma_wait3A = tpu.memref_slice %arg3[%add3A_128] : memref<323584xi32, #tpu.memory_space<hbm>> -> memref<128xi32, #tpu.memory_space<hbm>>
        %dma_wait3A_238 = tpu.memref_slice %arg3[%add3A_128] : memref<323584xi32, #tpu.memory_space<hbm>> -> memref<128xi32, #tpu.memory_space<hbm>>
        tpu.wait_dma2 semaphore(%run_scoped3A : memref<!tpu.dma_semaphore, #tpu.memory_space<semaphore_mem>>) src(%dma_wait3A_238 : memref<128xi32, #tpu.memory_space<hbm>>) dst(%arg9 : memref<128xi32, #tpu.memory_space<vmem>>)
        tpu.yield
      }) : () -> ()
      %get3A = arith.constant 0 : index
      %get3A_129 = tpu.vector_load %arg8[%get3A] {strides = array<i32>} : memref<128xi32, #tpu.memory_space<vmem>>, vector<16xi32>,
      %get3A_130 = vector.shape_cast %get3A_129 : vector<16xi32> to vector<16xi32>
      %get3A_131 = arith.constant 0 : index
      %get3A_132 = tpu.vector_load %arg9[%get3A_131] {strides = array<i32>} : memref<128xi32, #tpu.memory_space<vmem>>, vector<16xi32>,
      %get3A_133 = vector.shape_cast %get3A_132 : vector<16xi32> to vector<16xi32>
      %eq3A = arith.constant 1 : i32
      %eq3A_134 = vector.broadcast %eq3A : i32 to vector<16xi32>
      %eq3A_135 = arith.cmpi eq, %get3A_133, %eq3A_134 : vector<16xi32>
      %select_n3A = arith.select %eq3A_135, %get3A_130, %broadcast_in_dim3A_32 : vector<16xi1>, vector<16xi32>
      %swap3A = arith.constant 0 : index
      %swap3A_136 = tpu.vector_load %arg10[%swap3A] {strides = array<i32>} : memref<128xi32, #tpu.memory_space<vmem>>, vector<16xi32>,
      %swap3A_137 = vector.shape_cast %swap3A_136 : vector<16xi32> to vector<16xi32>
      %swap3A_138 = vector.shape_cast %select_n3A : vector<16xi32> to vector<16xi32>
      tpu.vector_store %arg10[%swap3A], %swap3A_138 {strides = array<i32>} : memref<128xi32, #tpu.memory_space<vmem>>, vector<16xi32>,
      %get3A_139 = arith.constant 16 : index
      %get3A_140 = tpu.vector_load %arg8[%get3A_139] {strides = array<i32>} : memref<128xi32, #tpu.memory_space<vmem>>, vector<16xi32>,
      %get3A_141 = vector.shape_cast %get3A_140 : vector<16xi32> to vector<16xi32>
      %get3A_142 = arith.constant 16 : index
      %get3A_143 = tpu.vector_load %arg9[%get3A_142] {strides = array<i32>} : memref<128xi32, #tpu.memory_space<vmem>>, vector<16xi32>,
      %get3A_144 = vector.shape_cast %get3A_143 : vector<16xi32> to vector<16xi32>
      %eq3A_145 = arith.constant 1 : i32
      %eq3A_146 = vector.broadcast %eq3A_145 : i32 to vector<16xi32>
      %eq3A_147 = arith.cmpi eq, %get3A_144, %eq3A_146 : vector<16xi32>
      %select_n3A_148 = arith.select %eq3A_147, %get3A_141, %broadcast_in_dim3A_32 : vector<16xi1>, vector<16xi32>
      %swap3A_149 = arith.constant 16 : index
      %swap3A_150 = tpu.vector_load %arg10[%swap3A_149] {strides = array<i32>} : memref<128xi32, #tpu.memory_space<vmem>>, vector<16xi32>,
      %swap3A_151 = vector.shape_cast %swap3A_150 : vector<16xi32> to vector<16xi32>
      %swap3A_152 = vector.shape_cast %select_n3A_148 : vector<16xi32> to vector<16xi32>
      tpu.vector_store %arg10[%swap3A_149], %swap3A_152 {strides = array<i32>} : memref<128xi32, #tpu.memory_space<vmem>>, vector<16xi32>,
      %get3A_153 = arith.constant 32 : index
      %get3A_154 = tpu.vector_load %arg8[%get3A_153] {strides = array<i32>} : memref<128xi32, #tpu.memory_space<vmem>>, vector<16xi32>,
      %get3A_155 = vector.shape_cast %get3A_154 : vector<16xi32> to vector<16xi32>
      %get3A_156 = arith.constant 32 : index
      %get3A_157 = tpu.vector_load %arg9[%get3A_156] {strides = array<i32>} : memref<128xi32, #tpu.memory_space<vmem>>, vector<16xi32>,
      %get3A_158 = vector.shape_cast %get3A_157 : vector<16xi32> to vector<16xi32>
      %eq3A_159 = arith.constant 1 : i32
      %eq3A_160 = vector.broadcast %eq3A_159 : i32 to vector<16xi32>
      %eq3A_161 = arith.cmpi eq, %get3A_158, %eq3A_160 : vector<16xi32>
      %select_n3A_162 = arith.select %eq3A_161, %get3A_155, %broadcast_in_dim3A_32 : vector<16xi1>, vector<16xi32>
      %swap3A_163 = arith.constant 32 : index
      %swap3A_164 = tpu.vector_load %arg10[%swap3A_163] {strides = array<i32>} : memref<128xi32, #tpu.memory_space<vmem>>, vector<16xi32>,
      %swap3A_165 = vector.shape_cast %swap3A_164 : vector<16xi32> to vector<16xi32>
      %swap3A_166 = vector.shape_cast %select_n3A_162 : vector<16xi32> to vector<16xi32>
      tpu.vector_store %arg10[%swap3A_163], %swap3A_166 {strides = array<i32>} : memref<128xi32, #tpu.memory_space<vmem>>, vector<16xi32>,
      %get3A_167 = arith.constant 48 : index
      %get3A_168 = tpu.vector_load %arg8[%get3A_167] {strides = array<i32>} : memref<128xi32, #tpu.memory_space<vmem>>, vector<16xi32>,
      %get3A_169 = vector.shape_cast %get3A_168 : vector<16xi32> to vector<16xi32>
      %get3A_170 = arith.constant 48 : index
      %get3A_171 = tpu.vector_load %arg9[%get3A_170] {strides = array<i32>} : memref<128xi32, #tpu.memory_space<vmem>>, vector<16xi32>,
      %get3A_172 = vector.shape_cast %get3A_171 : vector<16xi32> to vector<16xi32>
      %eq3A_173 = arith.constant 1 : i32
      %eq3A_174 = vector.broadcast %eq3A_173 : i32 to vector<16xi32>
      %eq3A_175 = arith.cmpi eq, %get3A_172, %eq3A_174 : vector<16xi32>
      %select_n3A_176 = arith.select %eq3A_175, %get3A_169, %broadcast_in_dim3A_32 : vector<16xi1>, vector<16xi32>
      %swap3A_177 = arith.constant 48 : index
      %swap3A_178 = tpu.vector_load %arg10[%swap3A_177] {strides = array<i32>} : memref<128xi32, #tpu.memory_space<vmem>>, vector<16xi32>,
      %swap3A_179 = vector.shape_cast %swap3A_178 : vector<16xi32> to vector<16xi32>
      %swap3A_180 = vector.shape_cast %select_n3A_176 : vector<16xi32> to vector<16xi32>
      tpu.vector_store %arg10[%swap3A_177], %swap3A_180 {strides = array<i32>} : memref<128xi32, #tpu.memory_space<vmem>>, vector<16xi32>,
      %get3A_181 = arith.constant 64 : index
      %get3A_182 = tpu.vector_load %arg8[%get3A_181] {strides = array<i32>} : memref<128xi32, #tpu.memory_space<vmem>>, vector<16xi32>,
      %get3A_183 = vector.shape_cast %get3A_182 : vector<16xi32> to vector<16xi32>
      %get3A_184 = arith.constant 64 : index
      %get3A_185 = tpu.vector_load %arg9[%get3A_184] {strides = array<i32>} : memref<128xi32, #tpu.memory_space<vmem>>, vector<16xi32>,
      %get3A_186 = vector.shape_cast %get3A_185 : vector<16xi32> to vector<16xi32>
      %eq3A_187 = arith.constant 1 : i32
      %eq3A_188 = vector.broadcast %eq3A_187 : i32 to vector<16xi32>
      %eq3A_189 = arith.cmpi eq, %get3A_186, %eq3A_188 : vector<16xi32>
      %select_n3A_190 = arith.select %eq3A_189, %get3A_183, %broadcast_in_dim3A_32 : vector<16xi1>, vector<16xi32>
      %swap3A_191 = arith.constant 64 : index
      %swap3A_192 = tpu.vector_load %arg10[%swap3A_191] {strides = array<i32>} : memref<128xi32, #tpu.memory_space<vmem>>, vector<16xi32>,
      %swap3A_193 = vector.shape_cast %swap3A_192 : vector<16xi32> to vector<16xi32>
      %swap3A_194 = vector.shape_cast %select_n3A_190 : vector<16xi32> to vector<16xi32>
      tpu.vector_store %arg10[%swap3A_191], %swap3A_194 {strides = array<i32>} : memref<128xi32, #tpu.memory_space<vmem>>, vector<16xi32>,
      %get3A_195 = arith.constant 80 : index
      %get3A_196 = tpu.vector_load %arg8[%get3A_195] {strides = array<i32>} : memref<128xi32, #tpu.memory_space<vmem>>, vector<16xi32>,
      %get3A_197 = vector.shape_cast %get3A_196 : vector<16xi32> to vector<16xi32>
      %get3A_198 = arith.constant 80 : index
      %get3A_199 = tpu.vector_load %arg9[%get3A_198] {strides = array<i32>} : memref<128xi32, #tpu.memory_space<vmem>>, vector<16xi32>,
      %get3A_200 = vector.shape_cast %get3A_199 : vector<16xi32> to vector<16xi32>
      %eq3A_201 = arith.constant 1 : i32
      %eq3A_202 = vector.broadcast %eq3A_201 : i32 to vector<16xi32>
      %eq3A_203 = arith.cmpi eq, %get3A_200, %eq3A_202 : vector<16xi32>
      %select_n3A_204 = arith.select %eq3A_203, %get3A_197, %broadcast_in_dim3A_32 : vector<16xi1>, vector<16xi32>
      %swap3A_205 = arith.constant 80 : index
      %swap3A_206 = tpu.vector_load %arg10[%swap3A_205] {strides = array<i32>} : memref<128xi32, #tpu.memory_space<vmem>>, vector<16xi32>,
      %swap3A_207 = vector.shape_cast %swap3A_206 : vector<16xi32> to vector<16xi32>
      %swap3A_208 = vector.shape_cast %select_n3A_204 : vector<16xi32> to vector<16xi32>
      tpu.vector_store %arg10[%swap3A_205], %swap3A_208 {strides = array<i32>} : memref<128xi32, #tpu.memory_space<vmem>>, vector<16xi32>,
      %get3A_209 = arith.constant 96 : index
      %get3A_210 = tpu.vector_load %arg8[%get3A_209] {strides = array<i32>} : memref<128xi32, #tpu.memory_space<vmem>>, vector<16xi32>,
      %get3A_211 = vector.shape_cast %get3A_210 : vector<16xi32> to vector<16xi32>
      %get3A_212 = arith.constant 96 : index
      %get3A_213 = tpu.vector_load %arg9[%get3A_212] {strides = array<i32>} : memref<128xi32, #tpu.memory_space<vmem>>, vector<16xi32>,
      %get3A_214 = vector.shape_cast %get3A_213 : vector<16xi32> to vector<16xi32>
      %eq3A_215 = arith.constant 1 : i32
      %eq3A_216 = vector.broadcast %eq3A_215 : i32 to vector<16xi32>
      %eq3A_217 = arith.cmpi eq, %get3A_214, %eq3A_216 : vector<16xi32>
      %select_n3A_218 = arith.select %eq3A_217, %get3A_211, %broadcast_in_dim3A_32 : vector<16xi1>, vector<16xi32>
      %swap3A_219 = arith.constant 96 : index
      %swap3A_220 = tpu.vector_load %arg10[%swap3A_219] {strides = array<i32>} : memref<128xi32, #tpu.memory_space<vmem>>, vector<16xi32>,
      %swap3A_221 = vector.shape_cast %swap3A_220 : vector<16xi32> to vector<16xi32>
      %swap3A_222 = vector.shape_cast %select_n3A_218 : vector<16xi32> to vector<16xi32>
      tpu.vector_store %arg10[%swap3A_219], %swap3A_222 {strides = array<i32>} : memref<128xi32, #tpu.memory_space<vmem>>, vector<16xi32>,
      %get3A_223 = arith.constant 112 : index
      %get3A_224 = tpu.vector_load %arg8[%get3A_223] {strides = array<i32>} : memref<128xi32, #tpu.memory_space<vmem>>, vector<16xi32>,
      %get3A_225 = vector.shape_cast %get3A_224 : vector<16xi32> to vector<16xi32>
      %get3A_226 = arith.constant 112 : index
      %get3A_227 = tpu.vector_load %arg9[%get3A_226] {strides = array<i32>} : memref<128xi32, #tpu.memory_space<vmem>>, vector<16xi32>,
      %get3A_228 = vector.shape_cast %get3A_227 : vector<16xi32> to vector<16xi32>
      %eq3A_229 = arith.constant 1 : i32
      %eq3A_230 = vector.broadcast %eq3A_229 : i32 to vector<16xi32>
      %eq3A_231 = arith.cmpi eq, %get3A_228, %eq3A_230 : vector<16xi32>
      %select_n3A_232 = arith.select %eq3A_231, %get3A_225, %broadcast_in_dim3A_32 : vector<16xi1>, vector<16xi32>
      %swap3A_233 = arith.constant 112 : index
      %swap3A_234 = tpu.vector_load %arg10[%swap3A_233] {strides = array<i32>} : memref<128xi32, #tpu.memory_space<vmem>>, vector<16xi32>,
      %swap3A_235 = vector.shape_cast %swap3A_234 : vector<16xi32> to vector<16xi32>
      %swap3A_236 = vector.shape_cast %select_n3A_232 : vector<16xi32> to vector<16xi32>
      tpu.vector_store %arg10[%swap3A_233], %swap3A_236 {strides = array<i32>} : memref<128xi32, #tpu.memory_space<vmem>>, vector<16xi32>,
      "tpu.region"() ({
        %run_scoped3A = tpu.sem_alloc : memref<!tpu.dma_semaphore, #tpu.memory_space<semaphore_mem>>
        %dma_start3A = arith.constant 0 : i32
        %dma_start3A_237 = arith.constant 0 : i32
        %dma_start3A_238 = tpu.memref_slice %arg5[%dma_start3A, %dma_start3A_237] : memref<10240x128xf32, #tpu.memory_space<vmem_shared>> -> memref<10240x128xf32, #tpu.memory_space<vmem_shared>>
        tpu.enqueue_indirect_dma source(%arg6 : memref<128x128xf32, #tpu.memory_space<vmem>>) target(%dma_start3A_238 : memref<10240x128xf32, #tpu.memory_space<vmem_shared>>) offsets(%arg10 : memref<128xi32, #tpu.memory_space<vmem>>) semaphore(%run_scoped3A : memref<!tpu.dma_semaphore, #tpu.memory_space<semaphore_mem>>) {add = true}
        %dma_wait3A = arith.constant 0 : i32
        %dma_wait3A_239 = arith.constant 0 : i32
        %dma_wait3A_240 = tpu.memref_slice %arg5[%dma_wait3A, %dma_wait3A_239] : memref<10240x128xf32, #tpu.memory_space<vmem_shared>> -> memref<10240x128xf32, #tpu.memory_space<vmem_shared>>
        tpu.wait_indirect_dma semaphore(%run_scoped3A : memref<!tpu.dma_semaphore, #tpu.memory_space<semaphore_mem>>) src(%arg6 : memref<128x128xf32, #tpu.memory_space<vmem>>) dst(%dma_wait3A_240 : memref<10240x128xf32, #tpu.memory_space<vmem_shared>>)
        tpu.yield
      }) : () -> ()
    }
    %scan3A_56 = arith.constant 79 : i32
    %scan3A_57 = arith.constant 0 : i32
    %scan3A_58 = arith.constant 0 : i32
    %scan3A_59 = arith.constant 128 : i32
    %scan3A_60 = arith.addi %scan3A_58, %scan3A_59 : i32
    %scan3A_61 = arith.constant 1 : i32
    scf.for %scan3A_125 = %scan3A_58 to %scan3A_60 step %scan3A_61  : i32 {
      %swap3A = arith.index_cast %scan3A_125 : i32 to index
      %swap3A_126 = arith.constant 0 : index
      %swap3A_127 = tpu.vector_load %arg6[%swap3A, %swap3A_126] {strides = array<i32>} : memref<128x128xf32, #tpu.memory_space<vmem>>, vector<1x16xf32>,
      %swap3A_128 = vector.shape_cast %swap3A_127 : vector<1x16xf32> to vector<16xf32>
      %swap3A_129 = vector.shape_cast %broadcast_in_dim3A_1 : vector<16xf32> to vector<1x16xf32>
      tpu.vector_store %arg6[%swap3A, %swap3A_126], %swap3A_129 {strides = array<i32>} : memref<128x128xf32, #tpu.memory_space<vmem>>, vector<1x16xf32>,
      %swap3A_130 = arith.index_cast %scan3A_125 : i32 to index
      %swap3A_131 = arith.constant 16 : index
      %swap3A_132 = tpu.vector_load %arg6[%swap3A_130, %swap3A_131] {strides = array<i32>} : memref<128x128xf32, #tpu.memory_space<vmem>>, vector<1x16xf32>,
      %swap3A_133 = vector.shape_cast %swap3A_132 : vector<1x16xf32> to vector<16xf32>
      %swap3A_134 = vector.shape_cast %broadcast_in_dim3A_1 : vector<16xf32> to vector<1x16xf32>
      tpu.vector_store %arg6[%swap3A_130, %swap3A_131], %swap3A_134 {strides = array<i32>} : memref<128x128xf32, #tpu.memory_space<vmem>>, vector<1x16xf32>,
      %swap3A_135 = arith.index_cast %scan3A_125 : i32 to index
      %swap3A_136 = arith.constant 32 : index
      %swap3A_137 = tpu.vector_load %arg6[%swap3A_135, %swap3A_136] {strides = array<i32>} : memref<128x128xf32, #tpu.memory_space<vmem>>, vector<1x16xf32>,
      %swap3A_138 = vector.shape_cast %swap3A_137 : vector<1x16xf32> to vector<16xf32>
      %swap3A_139 = vector.shape_cast %broadcast_in_dim3A_3 : vector<16xf32> to vector<1x16xf32>
      tpu.vector_store %arg6[%swap3A_135, %swap3A_136], %swap3A_139 {strides = array<i32>} : memref<128x128xf32, #tpu.memory_space<vmem>>, vector<1x16xf32>,
      %swap3A_140 = arith.index_cast %scan3A_125 : i32 to index
      %swap3A_141 = arith.constant 48 : index
      %swap3A_142 = tpu.vector_load %arg6[%swap3A_140, %swap3A_141] {strides = array<i32>} : memref<128x128xf32, #tpu.memory_space<vmem>>, vector<1x16xf32>,
      %swap3A_143 = vector.shape_cast %swap3A_142 : vector<1x16xf32> to vector<16xf32>
      %swap3A_144 = vector.shape_cast %broadcast_in_dim3A_1 : vector<16xf32> to vector<1x16xf32>
      tpu.vector_store %arg6[%swap3A_140, %swap3A_141], %swap3A_144 {strides = array<i32>} : memref<128x128xf32, #tpu.memory_space<vmem>>, vector<1x16xf32>,
      %swap3A_145 = arith.index_cast %scan3A_125 : i32 to index
      %swap3A_146 = arith.constant 64 : index
      %swap3A_147 = tpu.vector_load %arg6[%swap3A_145, %swap3A_146] {strides = array<i32>} : memref<128x128xf32, #tpu.memory_space<vmem>>, vector<1x16xf32>,
      %swap3A_148 = vector.shape_cast %swap3A_147 : vector<1x16xf32> to vector<16xf32>
      %swap3A_149 = vector.shape_cast %broadcast_in_dim3A_1 : vector<16xf32> to vector<1x16xf32>
      tpu.vector_store %arg6[%swap3A_145, %swap3A_146], %swap3A_149 {strides = array<i32>} : memref<128x128xf32, #tpu.memory_space<vmem>>, vector<1x16xf32>,
      %swap3A_150 = arith.index_cast %scan3A_125 : i32 to index
      %swap3A_151 = arith.constant 80 : index
      %swap3A_152 = tpu.vector_load %arg6[%swap3A_150, %swap3A_151] {strides = array<i32>} : memref<128x128xf32, #tpu.memory_space<vmem>>, vector<1x16xf32>,
      %swap3A_153 = vector.shape_cast %swap3A_152 : vector<1x16xf32> to vector<16xf32>
      %swap3A_154 = vector.shape_cast %broadcast_in_dim3A_1 : vector<16xf32> to vector<1x16xf32>
      tpu.vector_store %arg6[%swap3A_150, %swap3A_151], %swap3A_154 {strides = array<i32>} : memref<128x128xf32, #tpu.memory_space<vmem>>, vector<1x16xf32>,
      %swap3A_155 = arith.index_cast %scan3A_125 : i32 to index
      %swap3A_156 = arith.constant 96 : index
      %swap3A_157 = tpu.vector_load %arg6[%swap3A_155, %swap3A_156] {strides = array<i32>} : memref<128x128xf32, #tpu.memory_space<vmem>>, vector<1x16xf32>,
      %swap3A_158 = vector.shape_cast %swap3A_157 : vector<1x16xf32> to vector<16xf32>
      %swap3A_159 = vector.shape_cast %broadcast_in_dim3A_1 : vector<16xf32> to vector<1x16xf32>
      tpu.vector_store %arg6[%swap3A_155, %swap3A_156], %swap3A_159 {strides = array<i32>} : memref<128x128xf32, #tpu.memory_space<vmem>>, vector<1x16xf32>,
      %swap3A_160 = arith.index_cast %scan3A_125 : i32 to index
      %swap3A_161 = arith.constant 112 : index
      %swap3A_162 = tpu.vector_load %arg6[%swap3A_160, %swap3A_161] {strides = array<i32>} : memref<128x128xf32, #tpu.memory_space<vmem>>, vector<1x16xf32>,
      %swap3A_163 = vector.shape_cast %swap3A_162 : vector<1x16xf32> to vector<16xf32>
      %swap3A_164 = vector.shape_cast %broadcast_in_dim3A_1 : vector<16xf32> to vector<1x16xf32>
      tpu.vector_store %arg6[%swap3A_160, %swap3A_161], %swap3A_164 {strides = array<i32>} : memref<128x128xf32, #tpu.memory_space<vmem>>, vector<1x16xf32>,
    }
    %scan3A_62 = arith.constant 128 : i32
    %scan3A_63 = arith.constant 0 : i32
    %scan3A_64 = arith.constant 0 : i32
    %scan3A_65 = arith.constant 79 : i32
    %scan3A_66 = arith.addi %scan3A_64, %scan3A_65 : i32
    %scan3A_67 = arith.constant 1 : i32
    scf.for %scan3A_125 = %scan3A_64 to %scan3A_66 step %scan3A_67  : i32 {
      %mul3A_126 = arith.constant 128 : i32
      %mul3A_127 = arith.muli %scan3A_125, %mul3A_126 : i32
      %add3A_128 = arith.addi %mul3A_30, %mul3A_127 : i32
      "tpu.region"() ({
        %run_scoped3A = tpu.sem_alloc : memref<!tpu.dma_semaphore, #tpu.memory_space<semaphore_mem>>
        %dma_start3A = tpu.memref_slice %arg2[%add3A_128] : memref<323584xi32, #tpu.memory_space<hbm>> -> memref<128xi32, #tpu.memory_space<hbm>>
        %dma_start3A_237 = tpu.memref_slice %arg2[%add3A_128] : memref<323584xi32, #tpu.memory_space<hbm>> -> memref<128xi32, #tpu.memory_space<hbm>>
        tpu.enqueue_dma source(%dma_start3A_237 : memref<128xi32, #tpu.memory_space<hbm>>) target(%arg8 : memref<128xi32, #tpu.memory_space<vmem>>) target_semaphore(%run_scoped3A : memref<!tpu.dma_semaphore, #tpu.memory_space<semaphore_mem>>)
        %dma_wait3A = tpu.memref_slice %arg2[%add3A_128] : memref<323584xi32, #tpu.memory_space<hbm>> -> memref<128xi32, #tpu.memory_space<hbm>>
        %dma_wait3A_238 = tpu.memref_slice %arg2[%add3A_128] : memref<323584xi32, #tpu.memory_space<hbm>> -> memref<128xi32, #tpu.memory_space<hbm>>
        tpu.wait_dma2 semaphore(%run_scoped3A : memref<!tpu.dma_semaphore, #tpu.memory_space<semaphore_mem>>) src(%dma_wait3A_238 : memref<128xi32, #tpu.memory_space<hbm>>) dst(%arg8 : memref<128xi32, #tpu.memory_space<vmem>>)
        tpu.yield
      }) : () -> ()
      "tpu.region"() ({
        %run_scoped3A = tpu.sem_alloc : memref<!tpu.dma_semaphore, #tpu.memory_space<semaphore_mem>>
        %dma_start3A = tpu.memref_slice %arg3[%add3A_128] : memref<323584xi32, #tpu.memory_space<hbm>> -> memref<128xi32, #tpu.memory_space<hbm>>
        %dma_start3A_237 = tpu.memref_slice %arg3[%add3A_128] : memref<323584xi32, #tpu.memory_space<hbm>> -> memref<128xi32, #tpu.memory_space<hbm>>
        tpu.enqueue_dma source(%dma_start3A_237 : memref<128xi32, #tpu.memory_space<hbm>>) target(%arg9 : memref<128xi32, #tpu.memory_space<vmem>>) target_semaphore(%run_scoped3A : memref<!tpu.dma_semaphore, #tpu.memory_space<semaphore_mem>>)
        %dma_wait3A = tpu.memref_slice %arg3[%add3A_128] : memref<323584xi32, #tpu.memory_space<hbm>> -> memref<128xi32, #tpu.memory_space<hbm>>
        %dma_wait3A_238 = tpu.memref_slice %arg3[%add3A_128] : memref<323584xi32, #tpu.memory_space<hbm>> -> memref<128xi32, #tpu.memory_space<hbm>>
        tpu.wait_dma2 semaphore(%run_scoped3A : memref<!tpu.dma_semaphore, #tpu.memory_space<semaphore_mem>>) src(%dma_wait3A_238 : memref<128xi32, #tpu.memory_space<hbm>>) dst(%arg9 : memref<128xi32, #tpu.memory_space<vmem>>)
        tpu.yield
      }) : () -> ()
      %get3A = arith.constant 0 : index
      %get3A_129 = tpu.vector_load %arg8[%get3A] {strides = array<i32>} : memref<128xi32, #tpu.memory_space<vmem>>, vector<16xi32>,
      %get3A_130 = vector.shape_cast %get3A_129 : vector<16xi32> to vector<16xi32>
      %get3A_131 = arith.constant 0 : index
      %get3A_132 = tpu.vector_load %arg9[%get3A_131] {strides = array<i32>} : memref<128xi32, #tpu.memory_space<vmem>>, vector<16xi32>,
      %get3A_133 = vector.shape_cast %get3A_132 : vector<16xi32> to vector<16xi32>
      %eq3A = arith.constant 2 : i32
      %eq3A_134 = vector.broadcast %eq3A : i32 to vector<16xi32>
      %eq3A_135 = arith.cmpi eq, %get3A_133, %eq3A_134 : vector<16xi32>
      %select_n3A = arith.select %eq3A_135, %get3A_130, %broadcast_in_dim3A_32 : vector<16xi1>, vector<16xi32>
      %swap3A = arith.constant 0 : index
      %swap3A_136 = tpu.vector_load %arg10[%swap3A] {strides = array<i32>} : memref<128xi32, #tpu.memory_space<vmem>>, vector<16xi32>,
      %swap3A_137 = vector.shape_cast %swap3A_136 : vector<16xi32> to vector<16xi32>
      %swap3A_138 = vector.shape_cast %select_n3A : vector<16xi32> to vector<16xi32>
      tpu.vector_store %arg10[%swap3A], %swap3A_138 {strides = array<i32>} : memref<128xi32, #tpu.memory_space<vmem>>, vector<16xi32>,
      %get3A_139 = arith.constant 16 : index
      %get3A_140 = tpu.vector_load %arg8[%get3A_139] {strides = array<i32>} : memref<128xi32, #tpu.memory_space<vmem>>, vector<16xi32>,
      %get3A_141 = vector.shape_cast %get3A_140 : vector<16xi32> to vector<16xi32>
      %get3A_142 = arith.constant 16 : index
      %get3A_143 = tpu.vector_load %arg9[%get3A_142] {strides = array<i32>} : memref<128xi32, #tpu.memory_space<vmem>>, vector<16xi32>,
      %get3A_144 = vector.shape_cast %get3A_143 : vector<16xi32> to vector<16xi32>
      %eq3A_145 = arith.constant 2 : i32
      %eq3A_146 = vector.broadcast %eq3A_145 : i32 to vector<16xi32>
      %eq3A_147 = arith.cmpi eq, %get3A_144, %eq3A_146 : vector<16xi32>
      %select_n3A_148 = arith.select %eq3A_147, %get3A_141, %broadcast_in_dim3A_32 : vector<16xi1>, vector<16xi32>
      %swap3A_149 = arith.constant 16 : index
      %swap3A_150 = tpu.vector_load %arg10[%swap3A_149] {strides = array<i32>} : memref<128xi32, #tpu.memory_space<vmem>>, vector<16xi32>,
      %swap3A_151 = vector.shape_cast %swap3A_150 : vector<16xi32> to vector<16xi32>
      %swap3A_152 = vector.shape_cast %select_n3A_148 : vector<16xi32> to vector<16xi32>
      tpu.vector_store %arg10[%swap3A_149], %swap3A_152 {strides = array<i32>} : memref<128xi32, #tpu.memory_space<vmem>>, vector<16xi32>,
      %get3A_153 = arith.constant 32 : index
      %get3A_154 = tpu.vector_load %arg8[%get3A_153] {strides = array<i32>} : memref<128xi32, #tpu.memory_space<vmem>>, vector<16xi32>,
      %get3A_155 = vector.shape_cast %get3A_154 : vector<16xi32> to vector<16xi32>
      %get3A_156 = arith.constant 32 : index
      %get3A_157 = tpu.vector_load %arg9[%get3A_156] {strides = array<i32>} : memref<128xi32, #tpu.memory_space<vmem>>, vector<16xi32>,
      %get3A_158 = vector.shape_cast %get3A_157 : vector<16xi32> to vector<16xi32>
      %eq3A_159 = arith.constant 2 : i32
      %eq3A_160 = vector.broadcast %eq3A_159 : i32 to vector<16xi32>
      %eq3A_161 = arith.cmpi eq, %get3A_158, %eq3A_160 : vector<16xi32>
      %select_n3A_162 = arith.select %eq3A_161, %get3A_155, %broadcast_in_dim3A_32 : vector<16xi1>, vector<16xi32>
      %swap3A_163 = arith.constant 32 : index
      %swap3A_164 = tpu.vector_load %arg10[%swap3A_163] {strides = array<i32>} : memref<128xi32, #tpu.memory_space<vmem>>, vector<16xi32>,
      %swap3A_165 = vector.shape_cast %swap3A_164 : vector<16xi32> to vector<16xi32>
      %swap3A_166 = vector.shape_cast %select_n3A_162 : vector<16xi32> to vector<16xi32>
      tpu.vector_store %arg10[%swap3A_163], %swap3A_166 {strides = array<i32>} : memref<128xi32, #tpu.memory_space<vmem>>, vector<16xi32>,
      %get3A_167 = arith.constant 48 : index
      %get3A_168 = tpu.vector_load %arg8[%get3A_167] {strides = array<i32>} : memref<128xi32, #tpu.memory_space<vmem>>, vector<16xi32>,
      %get3A_169 = vector.shape_cast %get3A_168 : vector<16xi32> to vector<16xi32>
      %get3A_170 = arith.constant 48 : index
      %get3A_171 = tpu.vector_load %arg9[%get3A_170] {strides = array<i32>} : memref<128xi32, #tpu.memory_space<vmem>>, vector<16xi32>,
      %get3A_172 = vector.shape_cast %get3A_171 : vector<16xi32> to vector<16xi32>
      %eq3A_173 = arith.constant 2 : i32
      %eq3A_174 = vector.broadcast %eq3A_173 : i32 to vector<16xi32>
      %eq3A_175 = arith.cmpi eq, %get3A_172, %eq3A_174 : vector<16xi32>
      %select_n3A_176 = arith.select %eq3A_175, %get3A_169, %broadcast_in_dim3A_32 : vector<16xi1>, vector<16xi32>
      %swap3A_177 = arith.constant 48 : index
      %swap3A_178 = tpu.vector_load %arg10[%swap3A_177] {strides = array<i32>} : memref<128xi32, #tpu.memory_space<vmem>>, vector<16xi32>,
      %swap3A_179 = vector.shape_cast %swap3A_178 : vector<16xi32> to vector<16xi32>
      %swap3A_180 = vector.shape_cast %select_n3A_176 : vector<16xi32> to vector<16xi32>
      tpu.vector_store %arg10[%swap3A_177], %swap3A_180 {strides = array<i32>} : memref<128xi32, #tpu.memory_space<vmem>>, vector<16xi32>,
      %get3A_181 = arith.constant 64 : index
      %get3A_182 = tpu.vector_load %arg8[%get3A_181] {strides = array<i32>} : memref<128xi32, #tpu.memory_space<vmem>>, vector<16xi32>,
      %get3A_183 = vector.shape_cast %get3A_182 : vector<16xi32> to vector<16xi32>
      %get3A_184 = arith.constant 64 : index
      %get3A_185 = tpu.vector_load %arg9[%get3A_184] {strides = array<i32>} : memref<128xi32, #tpu.memory_space<vmem>>, vector<16xi32>,
      %get3A_186 = vector.shape_cast %get3A_185 : vector<16xi32> to vector<16xi32>
      %eq3A_187 = arith.constant 2 : i32
      %eq3A_188 = vector.broadcast %eq3A_187 : i32 to vector<16xi32>
      %eq3A_189 = arith.cmpi eq, %get3A_186, %eq3A_188 : vector<16xi32>
      %select_n3A_190 = arith.select %eq3A_189, %get3A_183, %broadcast_in_dim3A_32 : vector<16xi1>, vector<16xi32>
      %swap3A_191 = arith.constant 64 : index
      %swap3A_192 = tpu.vector_load %arg10[%swap3A_191] {strides = array<i32>} : memref<128xi32, #tpu.memory_space<vmem>>, vector<16xi32>,
      %swap3A_193 = vector.shape_cast %swap3A_192 : vector<16xi32> to vector<16xi32>
      %swap3A_194 = vector.shape_cast %select_n3A_190 : vector<16xi32> to vector<16xi32>
      tpu.vector_store %arg10[%swap3A_191], %swap3A_194 {strides = array<i32>} : memref<128xi32, #tpu.memory_space<vmem>>, vector<16xi32>,
      %get3A_195 = arith.constant 80 : index
      %get3A_196 = tpu.vector_load %arg8[%get3A_195] {strides = array<i32>} : memref<128xi32, #tpu.memory_space<vmem>>, vector<16xi32>,
      %get3A_197 = vector.shape_cast %get3A_196 : vector<16xi32> to vector<16xi32>
      %get3A_198 = arith.constant 80 : index
      %get3A_199 = tpu.vector_load %arg9[%get3A_198] {strides = array<i32>} : memref<128xi32, #tpu.memory_space<vmem>>, vector<16xi32>,
      %get3A_200 = vector.shape_cast %get3A_199 : vector<16xi32> to vector<16xi32>
      %eq3A_201 = arith.constant 2 : i32
      %eq3A_202 = vector.broadcast %eq3A_201 : i32 to vector<16xi32>
      %eq3A_203 = arith.cmpi eq, %get3A_200, %eq3A_202 : vector<16xi32>
      %select_n3A_204 = arith.select %eq3A_203, %get3A_197, %broadcast_in_dim3A_32 : vector<16xi1>, vector<16xi32>
      %swap3A_205 = arith.constant 80 : index
      %swap3A_206 = tpu.vector_load %arg10[%swap3A_205] {strides = array<i32>} : memref<128xi32, #tpu.memory_space<vmem>>, vector<16xi32>,
      %swap3A_207 = vector.shape_cast %swap3A_206 : vector<16xi32> to vector<16xi32>
      %swap3A_208 = vector.shape_cast %select_n3A_204 : vector<16xi32> to vector<16xi32>
      tpu.vector_store %arg10[%swap3A_205], %swap3A_208 {strides = array<i32>} : memref<128xi32, #tpu.memory_space<vmem>>, vector<16xi32>,
      %get3A_209 = arith.constant 96 : index
      %get3A_210 = tpu.vector_load %arg8[%get3A_209] {strides = array<i32>} : memref<128xi32, #tpu.memory_space<vmem>>, vector<16xi32>,
      %get3A_211 = vector.shape_cast %get3A_210 : vector<16xi32> to vector<16xi32>
      %get3A_212 = arith.constant 96 : index
      %get3A_213 = tpu.vector_load %arg9[%get3A_212] {strides = array<i32>} : memref<128xi32, #tpu.memory_space<vmem>>, vector<16xi32>,
      %get3A_214 = vector.shape_cast %get3A_213 : vector<16xi32> to vector<16xi32>
      %eq3A_215 = arith.constant 2 : i32
      %eq3A_216 = vector.broadcast %eq3A_215 : i32 to vector<16xi32>
      %eq3A_217 = arith.cmpi eq, %get3A_214, %eq3A_216 : vector<16xi32>
      %select_n3A_218 = arith.select %eq3A_217, %get3A_211, %broadcast_in_dim3A_32 : vector<16xi1>, vector<16xi32>
      %swap3A_219 = arith.constant 96 : index
      %swap3A_220 = tpu.vector_load %arg10[%swap3A_219] {strides = array<i32>} : memref<128xi32, #tpu.memory_space<vmem>>, vector<16xi32>,
      %swap3A_221 = vector.shape_cast %swap3A_220 : vector<16xi32> to vector<16xi32>
      %swap3A_222 = vector.shape_cast %select_n3A_218 : vector<16xi32> to vector<16xi32>
      tpu.vector_store %arg10[%swap3A_219], %swap3A_222 {strides = array<i32>} : memref<128xi32, #tpu.memory_space<vmem>>, vector<16xi32>,
      %get3A_223 = arith.constant 112 : index
      %get3A_224 = tpu.vector_load %arg8[%get3A_223] {strides = array<i32>} : memref<128xi32, #tpu.memory_space<vmem>>, vector<16xi32>,
      %get3A_225 = vector.shape_cast %get3A_224 : vector<16xi32> to vector<16xi32>
      %get3A_226 = arith.constant 112 : index
      %get3A_227 = tpu.vector_load %arg9[%get3A_226] {strides = array<i32>} : memref<128xi32, #tpu.memory_space<vmem>>, vector<16xi32>,
      %get3A_228 = vector.shape_cast %get3A_227 : vector<16xi32> to vector<16xi32>
      %eq3A_229 = arith.constant 2 : i32
      %eq3A_230 = vector.broadcast %eq3A_229 : i32 to vector<16xi32>
      %eq3A_231 = arith.cmpi eq, %get3A_228, %eq3A_230 : vector<16xi32>
      %select_n3A_232 = arith.select %eq3A_231, %get3A_225, %broadcast_in_dim3A_32 : vector<16xi1>, vector<16xi32>
      %swap3A_233 = arith.constant 112 : index
      %swap3A_234 = tpu.vector_load %arg10[%swap3A_233] {strides = array<i32>} : memref<128xi32, #tpu.memory_space<vmem>>, vector<16xi32>,
      %swap3A_235 = vector.shape_cast %swap3A_234 : vector<16xi32> to vector<16xi32>
      %swap3A_236 = vector.shape_cast %select_n3A_232 : vector<16xi32> to vector<16xi32>
      tpu.vector_store %arg10[%swap3A_233], %swap3A_236 {strides = array<i32>} : memref<128xi32, #tpu.memory_space<vmem>>, vector<16xi32>,
      "tpu.region"() ({
        %run_scoped3A = tpu.sem_alloc : memref<!tpu.dma_semaphore, #tpu.memory_space<semaphore_mem>>
        %dma_start3A = arith.constant 0 : i32
        %dma_start3A_237 = arith.constant 0 : i32
        %dma_start3A_238 = tpu.memref_slice %arg5[%dma_start3A, %dma_start3A_237] : memref<10240x128xf32, #tpu.memory_space<vmem_shared>> -> memref<10240x128xf32, #tpu.memory_space<vmem_shared>>
        tpu.enqueue_indirect_dma source(%arg6 : memref<128x128xf32, #tpu.memory_space<vmem>>) target(%dma_start3A_238 : memref<10240x128xf32, #tpu.memory_space<vmem_shared>>) offsets(%arg10 : memref<128xi32, #tpu.memory_space<vmem>>) semaphore(%run_scoped3A : memref<!tpu.dma_semaphore, #tpu.memory_space<semaphore_mem>>) {add = true}
        %dma_wait3A = arith.constant 0 : i32
        %dma_wait3A_239 = arith.constant 0 : i32
        %dma_wait3A_240 = tpu.memref_slice %arg5[%dma_wait3A, %dma_wait3A_239] : memref<10240x128xf32, #tpu.memory_space<vmem_shared>> -> memref<10240x128xf32, #tpu.memory_space<vmem_shared>>
        tpu.wait_indirect_dma semaphore(%run_scoped3A : memref<!tpu.dma_semaphore, #tpu.memory_space<semaphore_mem>>) src(%arg6 : memref<128x128xf32, #tpu.memory_space<vmem>>) dst(%dma_wait3A_240 : memref<10240x128xf32, #tpu.memory_space<vmem_shared>>)
        tpu.yield
      }) : () -> ()
    }
    %scan3A_68 = arith.constant 79 : i32
    %barrier3A_69 = arith.constant 0 : index
    tpu.barrier barrier_id(%barrier3A_69)
    %mul3A_70 = arith.constant 640 : i32
    %mul3A_71 = arith.muli %arg1, %mul3A_70 : i32
    %add3A_72 = arith.constant 0 : i32
    %add3A_73 = arith.addi %mul3A_71, %add3A_72 : i32
    "tpu.region"() ({
      %run_scoped3A = tpu.sem_alloc : memref<!tpu.dma_semaphore, #tpu.memory_space<semaphore_mem>>
      %dma_start3A = arith.constant 0 : i32
      %dma_start3A_125 = tpu.memref_slice %arg5[%add3A_73, %dma_start3A] : memref<10240x128xf32, #tpu.memory_space<vmem_shared>> -> memref<128x128xf32, #tpu.memory_space<vmem_shared>>
      %dma_start3A_126 = arith.constant 0 : i32
      %dma_start3A_127 = tpu.memref_slice %arg5[%add3A_73, %dma_start3A_126] : memref<10240x128xf32, #tpu.memory_space<vmem_shared>> -> memref<128x128xf32, #tpu.memory_space<vmem_shared>>
      tpu.enqueue_dma source(%dma_start3A_127 : memref<128x128xf32, #tpu.memory_space<vmem_shared>>) target(%arg7 : memref<128x128xf32, #tpu.memory_space<vmem>>) target_semaphore(%run_scoped3A : memref<!tpu.dma_semaphore, #tpu.memory_space<semaphore_mem>>)
      %dma_wait3A = arith.constant 0 : i32
      %dma_wait3A_128 = tpu.memref_slice %arg5[%add3A_73, %dma_wait3A] : memref<10240x128xf32, #tpu.memory_space<vmem_shared>> -> memref<128x128xf32, #tpu.memory_space<vmem_shared>>
      %dma_wait3A_129 = arith.constant 0 : i32
      %dma_wait3A_130 = tpu.memref_slice %arg5[%add3A_73, %dma_wait3A_129] : memref<10240x128xf32, #tpu.memory_space<vmem_shared>> -> memref<128x128xf32, #tpu.memory_space<vmem_shared>>
      tpu.wait_dma2 semaphore(%run_scoped3A : memref<!tpu.dma_semaphore, #tpu.memory_space<semaphore_mem>>) src(%dma_wait3A_130 : memref<128x128xf32, #tpu.memory_space<vmem_shared>>) dst(%arg7 : memref<128x128xf32, #tpu.memory_space<vmem>>)
      tpu.yield
    }) : () -> ()
    %mul3A_74 = arith.constant 10240 : i32
    %mul3A_75 = arith.muli %arg0, %mul3A_74 : i32
    %mul3A_76 = arith.constant 640 : i32
    %mul3A_77 = arith.muli %arg1, %mul3A_76 : i32
    %add3A_78 = arith.addi %mul3A_75, %mul3A_77 : i32
    %add3A_79 = arith.constant 0 : i32
    %add3A_80 = arith.addi %add3A_78, %add3A_79 : i32
    "tpu.region"() ({
      %run_scoped3A = tpu.sem_alloc : memref<!tpu.dma_semaphore, #tpu.memory_space<semaphore_mem>>
      %dma_start3A = arith.constant 0 : i32
      %dma_start3A_125 = tpu.memref_slice %arg4[%add3A_80, %dma_start3A] : memref<20480x128xf32, #tpu.memory_space<hbm>> -> memref<128x128xf32, #tpu.memory_space<hbm>>
      %dma_start3A_126 = arith.constant 0 : i32
      %dma_start3A_127 = tpu.memref_slice %arg4[%add3A_80, %dma_start3A_126] : memref<20480x128xf32, #tpu.memory_space<hbm>> -> memref<128x128xf32, #tpu.memory_space<hbm>>
      tpu.enqueue_dma source(%arg7 : memref<128x128xf32, #tpu.memory_space<vmem>>) target(%dma_start3A_127 : memref<128x128xf32, #tpu.memory_space<hbm>>) target_semaphore(%run_scoped3A : memref<!tpu.dma_semaphore, #tpu.memory_space<semaphore_mem>>)
      %dma_wait3A = arith.constant 0 : i32
      %dma_wait3A_128 = tpu.memref_slice %arg4[%add3A_80, %dma_wait3A] : memref<20480x128xf32, #tpu.memory_space<hbm>> -> memref<128x128xf32, #tpu.memory_space<hbm>>
      %dma_wait3A_129 = arith.constant 0 : i32
      %dma_wait3A_130 = tpu.memref_slice %arg4[%add3A_80, %dma_wait3A_129] : memref<20480x128xf32, #tpu.memory_space<hbm>> -> memref<128x128xf32, #tpu.memory_space<hbm>>
      tpu.wait_dma2 semaphore(%run_scoped3A : memref<!tpu.dma_semaphore, #tpu.memory_space<semaphore_mem>>) src(%arg7 : memref<128x128xf32, #tpu.memory_space<vmem>>) dst(%dma_wait3A_130 : memref<128x128xf32, #tpu.memory_space<hbm>>)
      tpu.yield
    }) : () -> ()
    %mul3A_81 = arith.constant 640 : i32
    %mul3A_82 = arith.muli %arg1, %mul3A_81 : i32
    %add3A_83 = arith.constant 128 : i32
    %add3A_84 = arith.addi %mul3A_82, %add3A_83 : i32
    "tpu.region"() ({
      %run_scoped3A = tpu.sem_alloc : memref<!tpu.dma_semaphore, #tpu.memory_space<semaphore_mem>>
      %dma_start3A = arith.constant 0 : i32
      %dma_start3A_125 = tpu.memref_slice %arg5[%add3A_84, %dma_start3A] : memref<10240x128xf32, #tpu.memory_space<vmem_shared>> -> memref<128x128xf32, #tpu.memory_space<vmem_shared>>
      %dma_start3A_126 = arith.constant 0 : i32
      %dma_start3A_127 = tpu.memref_slice %arg5[%add3A_84, %dma_start3A_126] : memref<10240x128xf32, #tpu.memory_space<vmem_shared>> -> memref<128x128xf32, #tpu.memory_space<vmem_shared>>
      tpu.enqueue_dma source(%dma_start3A_127 : memref<128x128xf32, #tpu.memory_space<vmem_shared>>) target(%arg7 : memref<128x128xf32, #tpu.memory_space<vmem>>) target_semaphore(%run_scoped3A : memref<!tpu.dma_semaphore, #tpu.memory_space<semaphore_mem>>)
      %dma_wait3A = arith.constant 0 : i32
      %dma_wait3A_128 = tpu.memref_slice %arg5[%add3A_84, %dma_wait3A] : memref<10240x128xf32, #tpu.memory_space<vmem_shared>> -> memref<128x128xf32, #tpu.memory_space<vmem_shared>>
      %dma_wait3A_129 = arith.constant 0 : i32
      %dma_wait3A_130 = tpu.memref_slice %arg5[%add3A_84, %dma_wait3A_129] : memref<10240x128xf32, #tpu.memory_space<vmem_shared>> -> memref<128x128xf32, #tpu.memory_space<vmem_shared>>
      tpu.wait_dma2 semaphore(%run_scoped3A : memref<!tpu.dma_semaphore, #tpu.memory_space<semaphore_mem>>) src(%dma_wait3A_130 : memref<128x128xf32, #tpu.memory_space<vmem_shared>>) dst(%arg7 : memref<128x128xf32, #tpu.memory_space<vmem>>)
      tpu.yield
    }) : () -> ()
    %mul3A_85 = arith.constant 10240 : i32
    %mul3A_86 = arith.muli %arg0, %mul3A_85 : i32
    %mul3A_87 = arith.constant 640 : i32
    %mul3A_88 = arith.muli %arg1, %mul3A_87 : i32
    %add3A_89 = arith.addi %mul3A_86, %mul3A_88 : i32
    %add3A_90 = arith.constant 128 : i32
    %add3A_91 = arith.addi %add3A_89, %add3A_90 : i32
    "tpu.region"() ({
      %run_scoped3A = tpu.sem_alloc : memref<!tpu.dma_semaphore, #tpu.memory_space<semaphore_mem>>
      %dma_start3A = arith.constant 0 : i32
      %dma_start3A_125 = tpu.memref_slice %arg4[%add3A_91, %dma_start3A] : memref<20480x128xf32, #tpu.memory_space<hbm>> -> memref<128x128xf32, #tpu.memory_space<hbm>>
      %dma_start3A_126 = arith.constant 0 : i32
      %dma_start3A_127 = tpu.memref_slice %arg4[%add3A_91, %dma_start3A_126] : memref<20480x128xf32, #tpu.memory_space<hbm>> -> memref<128x128xf32, #tpu.memory_space<hbm>>
      tpu.enqueue_dma source(%arg7 : memref<128x128xf32, #tpu.memory_space<vmem>>) target(%dma_start3A_127 : memref<128x128xf32, #tpu.memory_space<hbm>>) target_semaphore(%run_scoped3A : memref<!tpu.dma_semaphore, #tpu.memory_space<semaphore_mem>>)
      %dma_wait3A = arith.constant 0 : i32
      %dma_wait3A_128 = tpu.memref_slice %arg4[%add3A_91, %dma_wait3A] : memref<20480x128xf32, #tpu.memory_space<hbm>> -> memref<128x128xf32, #tpu.memory_space<hbm>>
      %dma_wait3A_129 = arith.constant 0 : i32
      %dma_wait3A_130 = tpu.memref_slice %arg4[%add3A_91, %dma_wait3A_129] : memref<20480x128xf32, #tpu.memory_space<hbm>> -> memref<128x128xf32, #tpu.memory_space<hbm>>
      tpu.wait_dma2 semaphore(%run_scoped3A : memref<!tpu.dma_semaphore, #tpu.memory_space<semaphore_mem>>) src(%arg7 : memref<128x128xf32, #tpu.memory_space<vmem>>) dst(%dma_wait3A_130 : memref<128x128xf32, #tpu.memory_space<hbm>>)
      tpu.yield
    }) : () -> ()
    %mul3A_92 = arith.constant 640 : i32
    %mul3A_93 = arith.muli %arg1, %mul3A_92 : i32
    %add3A_94 = arith.constant 256 : i32
    %add3A_95 = arith.addi %mul3A_93, %add3A_94 : i32
    "tpu.region"() ({
      %run_scoped3A = tpu.sem_alloc : memref<!tpu.dma_semaphore, #tpu.memory_space<semaphore_mem>>
      %dma_start3A = arith.constant 0 : i32
      %dma_start3A_125 = tpu.memref_slice %arg5[%add3A_95, %dma_start3A] : memref<10240x128xf32, #tpu.memory_space<vmem_shared>> -> memref<128x128xf32, #tpu.memory_space<vmem_shared>>
      %dma_start3A_126 = arith.constant 0 : i32
      %dma_start3A_127 = tpu.memref_slice %arg5[%add3A_95, %dma_start3A_126] : memref<10240x128xf32, #tpu.memory_space<vmem_shared>> -> memref<128x128xf32, #tpu.memory_space<vmem_shared>>
      tpu.enqueue_dma source(%dma_start3A_127 : memref<128x128xf32, #tpu.memory_space<vmem_shared>>) target(%arg7 : memref<128x128xf32, #tpu.memory_space<vmem>>) target_semaphore(%run_scoped3A : memref<!tpu.dma_semaphore, #tpu.memory_space<semaphore_mem>>)
      %dma_wait3A = arith.constant 0 : i32
      %dma_wait3A_128 = tpu.memref_slice %arg5[%add3A_95, %dma_wait3A] : memref<10240x128xf32, #tpu.memory_space<vmem_shared>> -> memref<128x128xf32, #tpu.memory_space<vmem_shared>>
      %dma_wait3A_129 = arith.constant 0 : i32
      %dma_wait3A_130 = tpu.memref_slice %arg5[%add3A_95, %dma_wait3A_129] : memref<10240x128xf32, #tpu.memory_space<vmem_shared>> -> memref<128x128xf32, #tpu.memory_space<vmem_shared>>
      tpu.wait_dma2 semaphore(%run_scoped3A : memref<!tpu.dma_semaphore, #tpu.memory_space<semaphore_mem>>) src(%dma_wait3A_130 : memref<128x128xf32, #tpu.memory_space<vmem_shared>>) dst(%arg7 : memref<128x128xf32, #tpu.memory_space<vmem>>)
      tpu.yield
    }) : () -> ()
    %mul3A_96 = arith.constant 10240 : i32
    %mul3A_97 = arith.muli %arg0, %mul3A_96 : i32
    %mul3A_98 = arith.constant 640 : i32
    %mul3A_99 = arith.muli %arg1, %mul3A_98 : i32
    %add3A_100 = arith.addi %mul3A_97, %mul3A_99 : i32
    %add3A_101 = arith.constant 256 : i32
    %add3A_102 = arith.addi %add3A_100, %add3A_101 : i32
    "tpu.region"() ({
      %run_scoped3A = tpu.sem_alloc : memref<!tpu.dma_semaphore, #tpu.memory_space<semaphore_mem>>
      %dma_start3A = arith.constant 0 : i32
      %dma_start3A_125 = tpu.memref_slice %arg4[%add3A_102, %dma_start3A] : memref<20480x128xf32, #tpu.memory_space<hbm>> -> memref<128x128xf32, #tpu.memory_space<hbm>>
      %dma_start3A_126 = arith.constant 0 : i32
      %dma_start3A_127 = tpu.memref_slice %arg4[%add3A_102, %dma_start3A_126] : memref<20480x128xf32, #tpu.memory_space<hbm>> -> memref<128x128xf32, #tpu.memory_space<hbm>>
      tpu.enqueue_dma source(%arg7 : memref<128x128xf32, #tpu.memory_space<vmem>>) target(%dma_start3A_127 : memref<128x128xf32, #tpu.memory_space<hbm>>) target_semaphore(%run_scoped3A : memref<!tpu.dma_semaphore, #tpu.memory_space<semaphore_mem>>)
      %dma_wait3A = arith.constant 0 : i32
      %dma_wait3A_128 = tpu.memref_slice %arg4[%add3A_102, %dma_wait3A] : memref<20480x128xf32, #tpu.memory_space<hbm>> -> memref<128x128xf32, #tpu.memory_space<hbm>>
      %dma_wait3A_129 = arith.constant 0 : i32
      %dma_wait3A_130 = tpu.memref_slice %arg4[%add3A_102, %dma_wait3A_129] : memref<20480x128xf32, #tpu.memory_space<hbm>> -> memref<128x128xf32, #tpu.memory_space<hbm>>
      tpu.wait_dma2 semaphore(%run_scoped3A : memref<!tpu.dma_semaphore, #tpu.memory_space<semaphore_mem>>) src(%arg7 : memref<128x128xf32, #tpu.memory_space<vmem>>) dst(%dma_wait3A_130 : memref<128x128xf32, #tpu.memory_space<hbm>>)
      tpu.yield
    }) : () -> ()
    %mul3A_103 = arith.constant 640 : i32
    %mul3A_104 = arith.muli %arg1, %mul3A_103 : i32
    %add3A_105 = arith.constant 384 : i32
    %add3A_106 = arith.addi %mul3A_104, %add3A_105 : i32
    "tpu.region"() ({
      %run_scoped3A = tpu.sem_alloc : memref<!tpu.dma_semaphore, #tpu.memory_space<semaphore_mem>>
      %dma_start3A = arith.constant 0 : i32
      %dma_start3A_125 = tpu.memref_slice %arg5[%add3A_106, %dma_start3A] : memref<10240x128xf32, #tpu.memory_space<vmem_shared>> -> memref<128x128xf32, #tpu.memory_space<vmem_shared>>
      %dma_start3A_126 = arith.constant 0 : i32
      %dma_start3A_127 = tpu.memref_slice %arg5[%add3A_106, %dma_start3A_126] : memref<10240x128xf32, #tpu.memory_space<vmem_shared>> -> memref<128x128xf32, #tpu.memory_space<vmem_shared>>
      tpu.enqueue_dma source(%dma_start3A_127 : memref<128x128xf32, #tpu.memory_space<vmem_shared>>) target(%arg7 : memref<128x128xf32, #tpu.memory_space<vmem>>) target_semaphore(%run_scoped3A : memref<!tpu.dma_semaphore, #tpu.memory_space<semaphore_mem>>)
      %dma_wait3A = arith.constant 0 : i32
      %dma_wait3A_128 = tpu.memref_slice %arg5[%add3A_106, %dma_wait3A] : memref<10240x128xf32, #tpu.memory_space<vmem_shared>> -> memref<128x128xf32, #tpu.memory_space<vmem_shared>>
      %dma_wait3A_129 = arith.constant 0 : i32
      %dma_wait3A_130 = tpu.memref_slice %arg5[%add3A_106, %dma_wait3A_129] : memref<10240x128xf32, #tpu.memory_space<vmem_shared>> -> memref<128x128xf32, #tpu.memory_space<vmem_shared>>
      tpu.wait_dma2 semaphore(%run_scoped3A : memref<!tpu.dma_semaphore, #tpu.memory_space<semaphore_mem>>) src(%dma_wait3A_130 : memref<128x128xf32, #tpu.memory_space<vmem_shared>>) dst(%arg7 : memref<128x128xf32, #tpu.memory_space<vmem>>)
      tpu.yield
    }) : () -> ()
    %mul3A_107 = arith.constant 10240 : i32
    %mul3A_108 = arith.muli %arg0, %mul3A_107 : i32
    %mul3A_109 = arith.constant 640 : i32
    %mul3A_110 = arith.muli %arg1, %mul3A_109 : i32
    %add3A_111 = arith.addi %mul3A_108, %mul3A_110 : i32
    %add3A_112 = arith.constant 384 : i32
    %add3A_113 = arith.addi %add3A_111, %add3A_112 : i32
    "tpu.region"() ({
      %run_scoped3A = tpu.sem_alloc : memref<!tpu.dma_semaphore, #tpu.memory_space<semaphore_mem>>
      %dma_start3A = arith.constant 0 : i32
      %dma_start3A_125 = tpu.memref_slice %arg4[%add3A_113, %dma_start3A] : memref<20480x128xf32, #tpu.memory_space<hbm>> -> memref<128x128xf32, #tpu.memory_space<hbm>>
      %dma_start3A_126 = arith.constant 0 : i32
      %dma_start3A_127 = tpu.memref_slice %arg4[%add3A_113, %dma_start3A_126] : memref<20480x128xf32, #tpu.memory_space<hbm>> -> memref<128x128xf32, #tpu.memory_space<hbm>>
      tpu.enqueue_dma source(%arg7 : memref<128x128xf32, #tpu.memory_space<vmem>>) target(%dma_start3A_127 : memref<128x128xf32, #tpu.memory_space<hbm>>) target_semaphore(%run_scoped3A : memref<!tpu.dma_semaphore, #tpu.memory_space<semaphore_mem>>)
      %dma_wait3A = arith.constant 0 : i32
      %dma_wait3A_128 = tpu.memref_slice %arg4[%add3A_113, %dma_wait3A] : memref<20480x128xf32, #tpu.memory_space<hbm>> -> memref<128x128xf32, #tpu.memory_space<hbm>>
      %dma_wait3A_129 = arith.constant 0 : i32
      %dma_wait3A_130 = tpu.memref_slice %arg4[%add3A_113, %dma_wait3A_129] : memref<20480x128xf32, #tpu.memory_space<hbm>> -> memref<128x128xf32, #tpu.memory_space<hbm>>
      tpu.wait_dma2 semaphore(%run_scoped3A : memref<!tpu.dma_semaphore, #tpu.memory_space<semaphore_mem>>) src(%arg7 : memref<128x128xf32, #tpu.memory_space<vmem>>) dst(%dma_wait3A_130 : memref<128x128xf32, #tpu.memory_space<hbm>>)
      tpu.yield
    }) : () -> ()
    %mul3A_114 = arith.constant 640 : i32
    %mul3A_115 = arith.muli %arg1, %mul3A_114 : i32
    %add3A_116 = arith.constant 512 : i32
    %add3A_117 = arith.addi %mul3A_115, %add3A_116 : i32
    "tpu.region"() ({
      %run_scoped3A = tpu.sem_alloc : memref<!tpu.dma_semaphore, #tpu.memory_space<semaphore_mem>>
      %dma_start3A = arith.constant 0 : i32
      %dma_start3A_125 = tpu.memref_slice %arg5[%add3A_117, %dma_start3A] : memref<10240x128xf32, #tpu.memory_space<vmem_shared>> -> memref<128x128xf32, #tpu.memory_space<vmem_shared>>
      %dma_start3A_126 = arith.constant 0 : i32
      %dma_start3A_127 = tpu.memref_slice %arg5[%add3A_117, %dma_start3A_126] : memref<10240x128xf32, #tpu.memory_space<vmem_shared>> -> memref<128x128xf32, #tpu.memory_space<vmem_shared>>
      tpu.enqueue_dma source(%dma_start3A_127 : memref<128x128xf32, #tpu.memory_space<vmem_shared>>) target(%arg7 : memref<128x128xf32, #tpu.memory_space<vmem>>) target_semaphore(%run_scoped3A : memref<!tpu.dma_semaphore, #tpu.memory_space<semaphore_mem>>)
      %dma_wait3A = arith.constant 0 : i32
      %dma_wait3A_128 = tpu.memref_slice %arg5[%add3A_117, %dma_wait3A] : memref<10240x128xf32, #tpu.memory_space<vmem_shared>> -> memref<128x128xf32, #tpu.memory_space<vmem_shared>>
      %dma_wait3A_129 = arith.constant 0 : i32
      %dma_wait3A_130 = tpu.memref_slice %arg5[%add3A_117, %dma_wait3A_129] : memref<10240x128xf32, #tpu.memory_space<vmem_shared>> -> memref<128x128xf32, #tpu.memory_space<vmem_shared>>
      tpu.wait_dma2 semaphore(%run_scoped3A : memref<!tpu.dma_semaphore, #tpu.memory_space<semaphore_mem>>) src(%dma_wait3A_130 : memref<128x128xf32, #tpu.memory_space<vmem_shared>>) dst(%arg7 : memref<128x128xf32, #tpu.memory_space<vmem>>)
      tpu.yield
    }) : () -> ()
    %mul3A_118 = arith.constant 10240 : i32
    %mul3A_119 = arith.muli %arg0, %mul3A_118 : i32
    %mul3A_120 = arith.constant 640 : i32
    %mul3A_121 = arith.muli %arg1, %mul3A_120 : i32
    %add3A_122 = arith.addi %mul3A_119, %mul3A_121 : i32
    %add3A_123 = arith.constant 512 : i32
    %add3A_124 = arith.addi %add3A_122, %add3A_123 : i32
    "tpu.region"() ({
      %run_scoped3A = tpu.sem_alloc : memref<!tpu.dma_semaphore, #tpu.memory_space<semaphore_mem>>
      %dma_start3A = arith.constant 0 : i32
      %dma_start3A_125 = tpu.memref_slice %arg4[%add3A_124, %dma_start3A] : memref<20480x128xf32, #tpu.memory_space<hbm>> -> memref<128x128xf32, #tpu.memory_space<hbm>>
      %dma_start3A_126 = arith.constant 0 : i32
      %dma_start3A_127 = tpu.memref_slice %arg4[%add3A_124, %dma_start3A_126] : memref<20480x128xf32, #tpu.memory_space<hbm>> -> memref<128x128xf32, #tpu.memory_space<hbm>>
      tpu.enqueue_dma source(%arg7 : memref<128x128xf32, #tpu.memory_space<vmem>>) target(%dma_start3A_127 : memref<128x128xf32, #tpu.memory_space<hbm>>) target_semaphore(%run_scoped3A : memref<!tpu.dma_semaphore, #tpu.memory_space<semaphore_mem>>)
      %dma_wait3A = arith.constant 0 : i32
      %dma_wait3A_128 = tpu.memref_slice %arg4[%add3A_124, %dma_wait3A] : memref<20480x128xf32, #tpu.memory_space<hbm>> -> memref<128x128xf32, #tpu.memory_space<hbm>>
      %dma_wait3A_129 = arith.constant 0 : i32
      %dma_wait3A_130 = tpu.memref_slice %arg4[%add3A_124, %dma_wait3A_129] : memref<20480x128xf32, #tpu.memory_space<hbm>> -> memref<128x128xf32, #tpu.memory_space<hbm>>
      tpu.wait_dma2 semaphore(%run_scoped3A : memref<!tpu.dma_semaphore, #tpu.memory_space<semaphore_mem>>) src(%arg7 : memref<128x128xf32, #tpu.memory_space<vmem>>) dst(%dma_wait3A_130 : memref<128x128xf32, #tpu.memory_space<hbm>>)
      tpu.yield
    }) : () -> ()
    return
  }
}

#map = affine_map<(d0, d1) -> (0, 0)>
#map1 = affine_map<(d0, d1) -> (0)>
module attributes {stable_mosaic.version = 14 : i64} {
  func.func @_spmm_body(%arg0: i32, %arg1: i32, %arg2: memref<10240x128xf32, #tpu.memory_space<hbm>>, %arg3: memref<323584xi32, #tpu.memory_space<hbm>>, %arg4: memref<323584xi32, #tpu.memory_space<hbm>>, %arg5: memref<323584xi32, #tpu.memory_space<hbm>>, %arg6: memref<20480x128xf32, #tpu.memory_space<hbm>>, %arg7: memref<10240x128xf32, #tpu.memory_space<vmem_shared>>, %arg8: memref<128x128xf32, #tpu.memory_space<vmem>>, %arg9: memref<128x128xf32, #tpu.memory_space<vmem>>, %arg10: memref<128xi32, #tpu.memory_space<vmem>>, %arg11: memref<128xi32, #tpu.memory_space<vmem>>, %arg12: memref<128xi32, #tpu.memory_space<vmem>>, %arg13: memref<!tpu.dma_semaphore, #tpu.memory_space<semaphore_mem>>) attributes {dimension_semantics = [#tpu.dimension_semantics<core_parallel>, #tpu.dimension_semantics<subcore_parallel>], iteration_bounds = array<i64: 2, 16>, scalar_prefetch = 0 : i64, scratch_operands = 7 : i64, tpu.core_type = #tpu.core_type<sc_vector_subcore>, window_params = [{transform_indices = #map}, {transform_indices = #map1}, {transform_indices = #map1}, {transform_indices = #map1}, {transform_indices = #map}]} {
    %mul3A = arith.constant 16 : i32
    %mul3A_0 = arith.muli %arg0, %mul3A : i32
    %add3A = arith.addi %mul3A_0, %arg1 : i32
    %broadcast_in_dim3A = arith.constant 0.000000e+00 : f32
    %broadcast_in_dim3A_1 = vector.broadcast %broadcast_in_dim3A : f32 to vector<16xf32>
    %scan3A = arith.constant 0 : i32
    %scan3A_2 = arith.constant 0 : i32
    %scan3A_3 = arith.constant 128 : i32
    %scan3A_4 = arith.addi %scan3A_2, %scan3A_3 : i32
    %scan3A_5 = arith.constant 1 : i32
    scf.for %scan3A_93 = %scan3A_2 to %scan3A_4 step %scan3A_5  : i32 {
      %swap3A = arith.index_cast %scan3A_93 : i32 to index
      %swap3A_94 = arith.constant 0 : index
      %swap3A_95 = tpu.vector_load %arg8[%swap3A, %swap3A_94] {strides = array<i32>} : memref<128x128xf32, #tpu.memory_space<vmem>>, vector<1x16xf32>,
      %swap3A_96 = vector.shape_cast %swap3A_95 : vector<1x16xf32> to vector<16xf32>
      %swap3A_97 = vector.shape_cast %broadcast_in_dim3A_1 : vector<16xf32> to vector<1x16xf32>
      tpu.vector_store %arg8[%swap3A, %swap3A_94], %swap3A_97 {strides = array<i32>} : memref<128x128xf32, #tpu.memory_space<vmem>>, vector<1x16xf32>,
      %swap3A_98 = arith.index_cast %scan3A_93 : i32 to index
      %swap3A_99 = arith.constant 16 : index
      %swap3A_100 = tpu.vector_load %arg8[%swap3A_98, %swap3A_99] {strides = array<i32>} : memref<128x128xf32, #tpu.memory_space<vmem>>, vector<1x16xf32>,
      %swap3A_101 = vector.shape_cast %swap3A_100 : vector<1x16xf32> to vector<16xf32>
      %swap3A_102 = vector.shape_cast %broadcast_in_dim3A_1 : vector<16xf32> to vector<1x16xf32>
      tpu.vector_store %arg8[%swap3A_98, %swap3A_99], %swap3A_102 {strides = array<i32>} : memref<128x128xf32, #tpu.memory_space<vmem>>, vector<1x16xf32>,
      %swap3A_103 = arith.index_cast %scan3A_93 : i32 to index
      %swap3A_104 = arith.constant 32 : index
      %swap3A_105 = tpu.vector_load %arg8[%swap3A_103, %swap3A_104] {strides = array<i32>} : memref<128x128xf32, #tpu.memory_space<vmem>>, vector<1x16xf32>,
      %swap3A_106 = vector.shape_cast %swap3A_105 : vector<1x16xf32> to vector<16xf32>
      %swap3A_107 = vector.shape_cast %broadcast_in_dim3A_1 : vector<16xf32> to vector<1x16xf32>
      tpu.vector_store %arg8[%swap3A_103, %swap3A_104], %swap3A_107 {strides = array<i32>} : memref<128x128xf32, #tpu.memory_space<vmem>>, vector<1x16xf32>,
      %swap3A_108 = arith.index_cast %scan3A_93 : i32 to index
      %swap3A_109 = arith.constant 48 : index
      %swap3A_110 = tpu.vector_load %arg8[%swap3A_108, %swap3A_109] {strides = array<i32>} : memref<128x128xf32, #tpu.memory_space<vmem>>, vector<1x16xf32>,
      %swap3A_111 = vector.shape_cast %swap3A_110 : vector<1x16xf32> to vector<16xf32>
      %swap3A_112 = vector.shape_cast %broadcast_in_dim3A_1 : vector<16xf32> to vector<1x16xf32>
      tpu.vector_store %arg8[%swap3A_108, %swap3A_109], %swap3A_112 {strides = array<i32>} : memref<128x128xf32, #tpu.memory_space<vmem>>, vector<1x16xf32>,
      %swap3A_113 = arith.index_cast %scan3A_93 : i32 to index
      %swap3A_114 = arith.constant 64 : index
      %swap3A_115 = tpu.vector_load %arg8[%swap3A_113, %swap3A_114] {strides = array<i32>} : memref<128x128xf32, #tpu.memory_space<vmem>>, vector<1x16xf32>,
      %swap3A_116 = vector.shape_cast %swap3A_115 : vector<1x16xf32> to vector<16xf32>
      %swap3A_117 = vector.shape_cast %broadcast_in_dim3A_1 : vector<16xf32> to vector<1x16xf32>
      tpu.vector_store %arg8[%swap3A_113, %swap3A_114], %swap3A_117 {strides = array<i32>} : memref<128x128xf32, #tpu.memory_space<vmem>>, vector<1x16xf32>,
      %swap3A_118 = arith.index_cast %scan3A_93 : i32 to index
      %swap3A_119 = arith.constant 80 : index
      %swap3A_120 = tpu.vector_load %arg8[%swap3A_118, %swap3A_119] {strides = array<i32>} : memref<128x128xf32, #tpu.memory_space<vmem>>, vector<1x16xf32>,
      %swap3A_121 = vector.shape_cast %swap3A_120 : vector<1x16xf32> to vector<16xf32>
      %swap3A_122 = vector.shape_cast %broadcast_in_dim3A_1 : vector<16xf32> to vector<1x16xf32>
      tpu.vector_store %arg8[%swap3A_118, %swap3A_119], %swap3A_122 {strides = array<i32>} : memref<128x128xf32, #tpu.memory_space<vmem>>, vector<1x16xf32>,
      %swap3A_123 = arith.index_cast %scan3A_93 : i32 to index
      %swap3A_124 = arith.constant 96 : index
      %swap3A_125 = tpu.vector_load %arg8[%swap3A_123, %swap3A_124] {strides = array<i32>} : memref<128x128xf32, #tpu.memory_space<vmem>>, vector<1x16xf32>,
      %swap3A_126 = vector.shape_cast %swap3A_125 : vector<1x16xf32> to vector<16xf32>
      %swap3A_127 = vector.shape_cast %broadcast_in_dim3A_1 : vector<16xf32> to vector<1x16xf32>
      tpu.vector_store %arg8[%swap3A_123, %swap3A_124], %swap3A_127 {strides = array<i32>} : memref<128x128xf32, #tpu.memory_space<vmem>>, vector<1x16xf32>,
      %swap3A_128 = arith.index_cast %scan3A_93 : i32 to index
      %swap3A_129 = arith.constant 112 : index
      %swap3A_130 = tpu.vector_load %arg8[%swap3A_128, %swap3A_129] {strides = array<i32>} : memref<128x128xf32, #tpu.memory_space<vmem>>, vector<1x16xf32>,
      %swap3A_131 = vector.shape_cast %swap3A_130 : vector<1x16xf32> to vector<16xf32>
      %swap3A_132 = vector.shape_cast %broadcast_in_dim3A_1 : vector<16xf32> to vector<1x16xf32>
      tpu.vector_store %arg8[%swap3A_128, %swap3A_129], %swap3A_132 {strides = array<i32>} : memref<128x128xf32, #tpu.memory_space<vmem>>, vector<1x16xf32>,
    }
    %scan3A_6 = arith.constant 128 : i32
    %mul3A_7 = arith.constant 640 : i32
    %mul3A_8 = arith.muli %arg1, %mul3A_7 : i32
    %add3A_9 = arith.constant 0 : i32
    %add3A_10 = arith.addi %mul3A_8, %add3A_9 : i32
    "tpu.region"() ({
      %run_scoped3A = tpu.sem_alloc : memref<!tpu.dma_semaphore, #tpu.memory_space<semaphore_mem>>
      %dma_start3A = arith.constant 0 : i32
      %dma_start3A_93 = tpu.memref_slice %arg7[%add3A_10, %dma_start3A] : memref<10240x128xf32, #tpu.memory_space<vmem_shared>> -> memref<128x128xf32, #tpu.memory_space<vmem_shared>>
      %dma_start3A_94 = arith.constant 0 : i32
      %dma_start3A_95 = tpu.memref_slice %arg7[%add3A_10, %dma_start3A_94] : memref<10240x128xf32, #tpu.memory_space<vmem_shared>> -> memref<128x128xf32, #tpu.memory_space<vmem_shared>>
      tpu.enqueue_dma source(%arg8 : memref<128x128xf32, #tpu.memory_space<vmem>>) target(%dma_start3A_95 : memref<128x128xf32, #tpu.memory_space<vmem_shared>>) target_semaphore(%run_scoped3A : memref<!tpu.dma_semaphore, #tpu.memory_space<semaphore_mem>>)
      %dma_wait3A = arith.constant 0 : i32
      %dma_wait3A_96 = tpu.memref_slice %arg7[%add3A_10, %dma_wait3A] : memref<10240x128xf32, #tpu.memory_space<vmem_shared>> -> memref<128x128xf32, #tpu.memory_space<vmem_shared>>
      %dma_wait3A_97 = arith.constant 0 : i32
      %dma_wait3A_98 = tpu.memref_slice %arg7[%add3A_10, %dma_wait3A_97] : memref<10240x128xf32, #tpu.memory_space<vmem_shared>> -> memref<128x128xf32, #tpu.memory_space<vmem_shared>>
      tpu.wait_dma2 semaphore(%run_scoped3A : memref<!tpu.dma_semaphore, #tpu.memory_space<semaphore_mem>>) src(%arg8 : memref<128x128xf32, #tpu.memory_space<vmem>>) dst(%dma_wait3A_98 : memref<128x128xf32, #tpu.memory_space<vmem_shared>>)
      tpu.yield
    }) : () -> ()
    %mul3A_11 = arith.constant 640 : i32
    %mul3A_12 = arith.muli %arg1, %mul3A_11 : i32
    %add3A_13 = arith.constant 128 : i32
    %add3A_14 = arith.addi %mul3A_12, %add3A_13 : i32
    "tpu.region"() ({
      %run_scoped3A = tpu.sem_alloc : memref<!tpu.dma_semaphore, #tpu.memory_space<semaphore_mem>>
      %dma_start3A = arith.constant 0 : i32
      %dma_start3A_93 = tpu.memref_slice %arg7[%add3A_14, %dma_start3A] : memref<10240x128xf32, #tpu.memory_space<vmem_shared>> -> memref<128x128xf32, #tpu.memory_space<vmem_shared>>
      %dma_start3A_94 = arith.constant 0 : i32
      %dma_start3A_95 = tpu.memref_slice %arg7[%add3A_14, %dma_start3A_94] : memref<10240x128xf32, #tpu.memory_space<vmem_shared>> -> memref<128x128xf32, #tpu.memory_space<vmem_shared>>
      tpu.enqueue_dma source(%arg8 : memref<128x128xf32, #tpu.memory_space<vmem>>) target(%dma_start3A_95 : memref<128x128xf32, #tpu.memory_space<vmem_shared>>) target_semaphore(%run_scoped3A : memref<!tpu.dma_semaphore, #tpu.memory_space<semaphore_mem>>)
      %dma_wait3A = arith.constant 0 : i32
      %dma_wait3A_96 = tpu.memref_slice %arg7[%add3A_14, %dma_wait3A] : memref<10240x128xf32, #tpu.memory_space<vmem_shared>> -> memref<128x128xf32, #tpu.memory_space<vmem_shared>>
      %dma_wait3A_97 = arith.constant 0 : i32
      %dma_wait3A_98 = tpu.memref_slice %arg7[%add3A_14, %dma_wait3A_97] : memref<10240x128xf32, #tpu.memory_space<vmem_shared>> -> memref<128x128xf32, #tpu.memory_space<vmem_shared>>
      tpu.wait_dma2 semaphore(%run_scoped3A : memref<!tpu.dma_semaphore, #tpu.memory_space<semaphore_mem>>) src(%arg8 : memref<128x128xf32, #tpu.memory_space<vmem>>) dst(%dma_wait3A_98 : memref<128x128xf32, #tpu.memory_space<vmem_shared>>)
      tpu.yield
    }) : () -> ()
    %mul3A_15 = arith.constant 640 : i32
    %mul3A_16 = arith.muli %arg1, %mul3A_15 : i32
    %add3A_17 = arith.constant 256 : i32
    %add3A_18 = arith.addi %mul3A_16, %add3A_17 : i32
    "tpu.region"() ({
      %run_scoped3A = tpu.sem_alloc : memref<!tpu.dma_semaphore, #tpu.memory_space<semaphore_mem>>
      %dma_start3A = arith.constant 0 : i32
      %dma_start3A_93 = tpu.memref_slice %arg7[%add3A_18, %dma_start3A] : memref<10240x128xf32, #tpu.memory_space<vmem_shared>> -> memref<128x128xf32, #tpu.memory_space<vmem_shared>>
      %dma_start3A_94 = arith.constant 0 : i32
      %dma_start3A_95 = tpu.memref_slice %arg7[%add3A_18, %dma_start3A_94] : memref<10240x128xf32, #tpu.memory_space<vmem_shared>> -> memref<128x128xf32, #tpu.memory_space<vmem_shared>>
      tpu.enqueue_dma source(%arg8 : memref<128x128xf32, #tpu.memory_space<vmem>>) target(%dma_start3A_95 : memref<128x128xf32, #tpu.memory_space<vmem_shared>>) target_semaphore(%run_scoped3A : memref<!tpu.dma_semaphore, #tpu.memory_space<semaphore_mem>>)
      %dma_wait3A = arith.constant 0 : i32
      %dma_wait3A_96 = tpu.memref_slice %arg7[%add3A_18, %dma_wait3A] : memref<10240x128xf32, #tpu.memory_space<vmem_shared>> -> memref<128x128xf32, #tpu.memory_space<vmem_shared>>
      %dma_wait3A_97 = arith.constant 0 : i32
      %dma_wait3A_98 = tpu.memref_slice %arg7[%add3A_18, %dma_wait3A_97] : memref<10240x128xf32, #tpu.memory_space<vmem_shared>> -> memref<128x128xf32, #tpu.memory_space<vmem_shared>>
      tpu.wait_dma2 semaphore(%run_scoped3A : memref<!tpu.dma_semaphore, #tpu.memory_space<semaphore_mem>>) src(%arg8 : memref<128x128xf32, #tpu.memory_space<vmem>>) dst(%dma_wait3A_98 : memref<128x128xf32, #tpu.memory_space<vmem_shared>>)
      tpu.yield
    }) : () -> ()
    %mul3A_19 = arith.constant 640 : i32
    %mul3A_20 = arith.muli %arg1, %mul3A_19 : i32
    %add3A_21 = arith.constant 384 : i32
    %add3A_22 = arith.addi %mul3A_20, %add3A_21 : i32
    "tpu.region"() ({
      %run_scoped3A = tpu.sem_alloc : memref<!tpu.dma_semaphore, #tpu.memory_space<semaphore_mem>>
      %dma_start3A = arith.constant 0 : i32
      %dma_start3A_93 = tpu.memref_slice %arg7[%add3A_22, %dma_start3A] : memref<10240x128xf32, #tpu.memory_space<vmem_shared>> -> memref<128x128xf32, #tpu.memory_space<vmem_shared>>
      %dma_start3A_94 = arith.constant 0 : i32
      %dma_start3A_95 = tpu.memref_slice %arg7[%add3A_22, %dma_start3A_94] : memref<10240x128xf32, #tpu.memory_space<vmem_shared>> -> memref<128x128xf32, #tpu.memory_space<vmem_shared>>
      tpu.enqueue_dma source(%arg8 : memref<128x128xf32, #tpu.memory_space<vmem>>) target(%dma_start3A_95 : memref<128x128xf32, #tpu.memory_space<vmem_shared>>) target_semaphore(%run_scoped3A : memref<!tpu.dma_semaphore, #tpu.memory_space<semaphore_mem>>)
      %dma_wait3A = arith.constant 0 : i32
      %dma_wait3A_96 = tpu.memref_slice %arg7[%add3A_22, %dma_wait3A] : memref<10240x128xf32, #tpu.memory_space<vmem_shared>> -> memref<128x128xf32, #tpu.memory_space<vmem_shared>>
      %dma_wait3A_97 = arith.constant 0 : i32
      %dma_wait3A_98 = tpu.memref_slice %arg7[%add3A_22, %dma_wait3A_97] : memref<10240x128xf32, #tpu.memory_space<vmem_shared>> -> memref<128x128xf32, #tpu.memory_space<vmem_shared>>
      tpu.wait_dma2 semaphore(%run_scoped3A : memref<!tpu.dma_semaphore, #tpu.memory_space<semaphore_mem>>) src(%arg8 : memref<128x128xf32, #tpu.memory_space<vmem>>) dst(%dma_wait3A_98 : memref<128x128xf32, #tpu.memory_space<vmem_shared>>)
      tpu.yield
    }) : () -> ()
    %mul3A_23 = arith.constant 640 : i32
    %mul3A_24 = arith.muli %arg1, %mul3A_23 : i32
    %add3A_25 = arith.constant 512 : i32
    %add3A_26 = arith.addi %mul3A_24, %add3A_25 : i32
    "tpu.region"() ({
      %run_scoped3A = tpu.sem_alloc : memref<!tpu.dma_semaphore, #tpu.memory_space<semaphore_mem>>
      %dma_start3A = arith.constant 0 : i32
      %dma_start3A_93 = tpu.memref_slice %arg7[%add3A_26, %dma_start3A] : memref<10240x128xf32, #tpu.memory_space<vmem_shared>> -> memref<128x128xf32, #tpu.memory_space<vmem_shared>>
      %dma_start3A_94 = arith.constant 0 : i32
      %dma_start3A_95 = tpu.memref_slice %arg7[%add3A_26, %dma_start3A_94] : memref<10240x128xf32, #tpu.memory_space<vmem_shared>> -> memref<128x128xf32, #tpu.memory_space<vmem_shared>>
      tpu.enqueue_dma source(%arg8 : memref<128x128xf32, #tpu.memory_space<vmem>>) target(%dma_start3A_95 : memref<128x128xf32, #tpu.memory_space<vmem_shared>>) target_semaphore(%run_scoped3A : memref<!tpu.dma_semaphore, #tpu.memory_space<semaphore_mem>>)
      %dma_wait3A = arith.constant 0 : i32
      %dma_wait3A_96 = tpu.memref_slice %arg7[%add3A_26, %dma_wait3A] : memref<10240x128xf32, #tpu.memory_space<vmem_shared>> -> memref<128x128xf32, #tpu.memory_space<vmem_shared>>
      %dma_wait3A_97 = arith.constant 0 : i32
      %dma_wait3A_98 = tpu.memref_slice %arg7[%add3A_26, %dma_wait3A_97] : memref<10240x128xf32, #tpu.memory_space<vmem_shared>> -> memref<128x128xf32, #tpu.memory_space<vmem_shared>>
      tpu.wait_dma2 semaphore(%run_scoped3A : memref<!tpu.dma_semaphore, #tpu.memory_space<semaphore_mem>>) src(%arg8 : memref<128x128xf32, #tpu.memory_space<vmem>>) dst(%dma_wait3A_98 : memref<128x128xf32, #tpu.memory_space<vmem_shared>>)
      tpu.yield
    }) : () -> ()
    %barrier3A = arith.constant 0 : index
    tpu.barrier barrier_id(%barrier3A)
    %mul3A_27 = arith.constant 10112 : i32
    %mul3A_28 = arith.muli %add3A, %mul3A_27 : i32
    %broadcast_in_dim3A_29 = arith.constant 10232 : i32
    %broadcast_in_dim3A_30 = vector.broadcast %broadcast_in_dim3A_29 : i32 to vector<16xi32>
    %scan3A_31 = arith.constant 0 : i32
    %scan3A_32 = arith.constant 0 : i32
    %scan3A_33 = arith.constant 79 : i32
    %scan3A_34 = arith.addi %scan3A_32, %scan3A_33 : i32
    %scan3A_35 = arith.constant 1 : i32
    scf.for %scan3A_93 = %scan3A_32 to %scan3A_34 step %scan3A_35  : i32 {
      %mul3A_94 = arith.constant 128 : i32
      %mul3A_95 = arith.muli %scan3A_93, %mul3A_94 : i32
      %add3A_96 = arith.addi %mul3A_28, %mul3A_95 : i32
      "tpu.region"() ({
        %run_scoped3A = tpu.sem_alloc : memref<!tpu.dma_semaphore, #tpu.memory_space<semaphore_mem>>
        %dma_start3A_209 = tpu.memref_slice %arg3[%add3A_96] : memref<323584xi32, #tpu.memory_space<hbm>> -> memref<128xi32, #tpu.memory_space<hbm>>
        %dma_start3A_210 = tpu.memref_slice %arg3[%add3A_96] : memref<323584xi32, #tpu.memory_space<hbm>> -> memref<128xi32, #tpu.memory_space<hbm>>
        tpu.enqueue_dma source(%dma_start3A_210 : memref<128xi32, #tpu.memory_space<hbm>>) target(%arg10 : memref<128xi32, #tpu.memory_space<vmem>>) target_semaphore(%run_scoped3A : memref<!tpu.dma_semaphore, #tpu.memory_space<semaphore_mem>>)
        %dma_wait3A_211 = tpu.memref_slice %arg3[%add3A_96] : memref<323584xi32, #tpu.memory_space<hbm>> -> memref<128xi32, #tpu.memory_space<hbm>>
        %dma_wait3A_212 = tpu.memref_slice %arg3[%add3A_96] : memref<323584xi32, #tpu.memory_space<hbm>> -> memref<128xi32, #tpu.memory_space<hbm>>
        tpu.wait_dma2 semaphore(%run_scoped3A : memref<!tpu.dma_semaphore, #tpu.memory_space<semaphore_mem>>) src(%dma_wait3A_212 : memref<128xi32, #tpu.memory_space<hbm>>) dst(%arg10 : memref<128xi32, #tpu.memory_space<vmem>>)
        tpu.yield
      }) : () -> ()
      "tpu.region"() ({
        %run_scoped3A = tpu.sem_alloc : memref<!tpu.dma_semaphore, #tpu.memory_space<semaphore_mem>>
        %dma_start3A_209 = tpu.memref_slice %arg4[%add3A_96] : memref<323584xi32, #tpu.memory_space<hbm>> -> memref<128xi32, #tpu.memory_space<hbm>>
        %dma_start3A_210 = tpu.memref_slice %arg4[%add3A_96] : memref<323584xi32, #tpu.memory_space<hbm>> -> memref<128xi32, #tpu.memory_space<hbm>>
        tpu.enqueue_dma source(%dma_start3A_210 : memref<128xi32, #tpu.memory_space<hbm>>) target(%arg11 : memref<128xi32, #tpu.memory_space<vmem>>) target_semaphore(%run_scoped3A : memref<!tpu.dma_semaphore, #tpu.memory_space<semaphore_mem>>)
        %dma_wait3A_211 = tpu.memref_slice %arg4[%add3A_96] : memref<323584xi32, #tpu.memory_space<hbm>> -> memref<128xi32, #tpu.memory_space<hbm>>
        %dma_wait3A_212 = tpu.memref_slice %arg4[%add3A_96] : memref<323584xi32, #tpu.memory_space<hbm>> -> memref<128xi32, #tpu.memory_space<hbm>>
        tpu.wait_dma2 semaphore(%run_scoped3A : memref<!tpu.dma_semaphore, #tpu.memory_space<semaphore_mem>>) src(%dma_wait3A_212 : memref<128xi32, #tpu.memory_space<hbm>>) dst(%arg11 : memref<128xi32, #tpu.memory_space<vmem>>)
        tpu.yield
      }) : () -> ()
      "tpu.region"() ({
        %run_scoped3A = tpu.sem_alloc : memref<!tpu.dma_semaphore, #tpu.memory_space<semaphore_mem>>
        %dma_start3A_209 = tpu.memref_slice %arg5[%add3A_96] : memref<323584xi32, #tpu.memory_space<hbm>> -> memref<128xi32, #tpu.memory_space<hbm>>
        %dma_start3A_210 = tpu.memref_slice %arg5[%add3A_96] : memref<323584xi32, #tpu.memory_space<hbm>> -> memref<128xi32, #tpu.memory_space<hbm>>
        tpu.enqueue_dma source(%dma_start3A_210 : memref<128xi32, #tpu.memory_space<hbm>>) target(%arg12 : memref<128xi32, #tpu.memory_space<vmem>>) target_semaphore(%run_scoped3A : memref<!tpu.dma_semaphore, #tpu.memory_space<semaphore_mem>>)
        %dma_wait3A_211 = tpu.memref_slice %arg5[%add3A_96] : memref<323584xi32, #tpu.memory_space<hbm>> -> memref<128xi32, #tpu.memory_space<hbm>>
        %dma_wait3A_212 = tpu.memref_slice %arg5[%add3A_96] : memref<323584xi32, #tpu.memory_space<hbm>> -> memref<128xi32, #tpu.memory_space<hbm>>
        tpu.wait_dma2 semaphore(%run_scoped3A : memref<!tpu.dma_semaphore, #tpu.memory_space<semaphore_mem>>) src(%dma_wait3A_212 : memref<128xi32, #tpu.memory_space<hbm>>) dst(%arg12 : memref<128xi32, #tpu.memory_space<vmem>>)
        tpu.yield
      }) : () -> ()
      %dma_start3A = arith.constant 0 : i32
      %dma_start3A_97 = arith.constant 0 : i32
      %dma_start3A_98 = tpu.memref_slice %arg2[%dma_start3A, %dma_start3A_97] : memref<10240x128xf32, #tpu.memory_space<hbm>> -> memref<10240x128xf32, #tpu.memory_space<hbm>>
      tpu.enqueue_indirect_dma source(%dma_start3A_98 : memref<10240x128xf32, #tpu.memory_space<hbm>>) target(%arg8 : memref<128x128xf32, #tpu.memory_space<vmem>>) offsets(%arg10 : memref<128xi32, #tpu.memory_space<vmem>>) semaphore(%arg13 : memref<!tpu.dma_semaphore, #tpu.memory_space<semaphore_mem>>)
      %dma_wait3A = arith.constant 0 : i32
      %dma_wait3A_99 = arith.constant 0 : i32
      %dma_wait3A_100 = tpu.memref_slice %arg2[%dma_wait3A, %dma_wait3A_99] : memref<10240x128xf32, #tpu.memory_space<hbm>> -> memref<10240x128xf32, #tpu.memory_space<hbm>>
      tpu.wait_indirect_dma semaphore(%arg13 : memref<!tpu.dma_semaphore, #tpu.memory_space<semaphore_mem>>) src(%dma_wait3A_100 : memref<10240x128xf32, #tpu.memory_space<hbm>>) dst(%arg8 : memref<128x128xf32, #tpu.memory_space<vmem>>)
      %get3A = arith.constant 0 : index
      %get3A_101 = tpu.vector_load %arg11[%get3A] {strides = array<i32>} : memref<128xi32, #tpu.memory_space<vmem>>, vector<16xi32>,
      %get3A_102 = vector.shape_cast %get3A_101 : vector<16xi32> to vector<16xi32>
      %get3A_103 = arith.constant 0 : index
      %get3A_104 = tpu.vector_load %arg12[%get3A_103] {strides = array<i32>} : memref<128xi32, #tpu.memory_space<vmem>>, vector<16xi32>,
      %get3A_105 = vector.shape_cast %get3A_104 : vector<16xi32> to vector<16xi32>
      %eq3A = arith.constant 2 : i32
      %eq3A_106 = vector.broadcast %eq3A : i32 to vector<16xi32>
      %eq3A_107 = arith.cmpi eq, %get3A_105, %eq3A_106 : vector<16xi32>
      %select_n3A = arith.select %eq3A_107, %get3A_102, %broadcast_in_dim3A_30 : vector<16xi1>, vector<16xi32>
      %swap3A = arith.constant 0 : index
      %swap3A_108 = tpu.vector_load %arg11[%swap3A] {strides = array<i32>} : memref<128xi32, #tpu.memory_space<vmem>>, vector<16xi32>,
      %swap3A_109 = vector.shape_cast %swap3A_108 : vector<16xi32> to vector<16xi32>
      %swap3A_110 = vector.shape_cast %select_n3A : vector<16xi32> to vector<16xi32>
      tpu.vector_store %arg11[%swap3A], %swap3A_110 {strides = array<i32>} : memref<128xi32, #tpu.memory_space<vmem>>, vector<16xi32>,
      %get3A_111 = arith.constant 16 : index
      %get3A_112 = tpu.vector_load %arg11[%get3A_111] {strides = array<i32>} : memref<128xi32, #tpu.memory_space<vmem>>, vector<16xi32>,
      %get3A_113 = vector.shape_cast %get3A_112 : vector<16xi32> to vector<16xi32>
      %get3A_114 = arith.constant 16 : index
      %get3A_115 = tpu.vector_load %arg12[%get3A_114] {strides = array<i32>} : memref<128xi32, #tpu.memory_space<vmem>>, vector<16xi32>,
      %get3A_116 = vector.shape_cast %get3A_115 : vector<16xi32> to vector<16xi32>
      %eq3A_117 = arith.constant 2 : i32
      %eq3A_118 = vector.broadcast %eq3A_117 : i32 to vector<16xi32>
      %eq3A_119 = arith.cmpi eq, %get3A_116, %eq3A_118 : vector<16xi32>
      %select_n3A_120 = arith.select %eq3A_119, %get3A_113, %broadcast_in_dim3A_30 : vector<16xi1>, vector<16xi32>
      %swap3A_121 = arith.constant 16 : index
      %swap3A_122 = tpu.vector_load %arg11[%swap3A_121] {strides = array<i32>} : memref<128xi32, #tpu.memory_space<vmem>>, vector<16xi32>,
      %swap3A_123 = vector.shape_cast %swap3A_122 : vector<16xi32> to vector<16xi32>
      %swap3A_124 = vector.shape_cast %select_n3A_120 : vector<16xi32> to vector<16xi32>
      tpu.vector_store %arg11[%swap3A_121], %swap3A_124 {strides = array<i32>} : memref<128xi32, #tpu.memory_space<vmem>>, vector<16xi32>,
      %get3A_125 = arith.constant 32 : index
      %get3A_126 = tpu.vector_load %arg11[%get3A_125] {strides = array<i32>} : memref<128xi32, #tpu.memory_space<vmem>>, vector<16xi32>,
      %get3A_127 = vector.shape_cast %get3A_126 : vector<16xi32> to vector<16xi32>
      %get3A_128 = arith.constant 32 : index
      %get3A_129 = tpu.vector_load %arg12[%get3A_128] {strides = array<i32>} : memref<128xi32, #tpu.memory_space<vmem>>, vector<16xi32>,
      %get3A_130 = vector.shape_cast %get3A_129 : vector<16xi32> to vector<16xi32>
      %eq3A_131 = arith.constant 2 : i32
      %eq3A_132 = vector.broadcast %eq3A_131 : i32 to vector<16xi32>
      %eq3A_133 = arith.cmpi eq, %get3A_130, %eq3A_132 : vector<16xi32>
      %select_n3A_134 = arith.select %eq3A_133, %get3A_127, %broadcast_in_dim3A_30 : vector<16xi1>, vector<16xi32>
      %swap3A_135 = arith.constant 32 : index
      %swap3A_136 = tpu.vector_load %arg11[%swap3A_135] {strides = array<i32>} : memref<128xi32, #tpu.memory_space<vmem>>, vector<16xi32>,
      %swap3A_137 = vector.shape_cast %swap3A_136 : vector<16xi32> to vector<16xi32>
      %swap3A_138 = vector.shape_cast %select_n3A_134 : vector<16xi32> to vector<16xi32>
      tpu.vector_store %arg11[%swap3A_135], %swap3A_138 {strides = array<i32>} : memref<128xi32, #tpu.memory_space<vmem>>, vector<16xi32>,
      %get3A_139 = arith.constant 48 : index
      %get3A_140 = tpu.vector_load %arg11[%get3A_139] {strides = array<i32>} : memref<128xi32, #tpu.memory_space<vmem>>, vector<16xi32>,
      %get3A_141 = vector.shape_cast %get3A_140 : vector<16xi32> to vector<16xi32>
      %get3A_142 = arith.constant 48 : index
      %get3A_143 = tpu.vector_load %arg12[%get3A_142] {strides = array<i32>} : memref<128xi32, #tpu.memory_space<vmem>>, vector<16xi32>,
      %get3A_144 = vector.shape_cast %get3A_143 : vector<16xi32> to vector<16xi32>
      %eq3A_145 = arith.constant 2 : i32
      %eq3A_146 = vector.broadcast %eq3A_145 : i32 to vector<16xi32>
      %eq3A_147 = arith.cmpi eq, %get3A_144, %eq3A_146 : vector<16xi32>
      %select_n3A_148 = arith.select %eq3A_147, %get3A_141, %broadcast_in_dim3A_30 : vector<16xi1>, vector<16xi32>
      %swap3A_149 = arith.constant 48 : index
      %swap3A_150 = tpu.vector_load %arg11[%swap3A_149] {strides = array<i32>} : memref<128xi32, #tpu.memory_space<vmem>>, vector<16xi32>,
      %swap3A_151 = vector.shape_cast %swap3A_150 : vector<16xi32> to vector<16xi32>
      %swap3A_152 = vector.shape_cast %select_n3A_148 : vector<16xi32> to vector<16xi32>
      tpu.vector_store %arg11[%swap3A_149], %swap3A_152 {strides = array<i32>} : memref<128xi32, #tpu.memory_space<vmem>>, vector<16xi32>,
      %get3A_153 = arith.constant 64 : index
      %get3A_154 = tpu.vector_load %arg11[%get3A_153] {strides = array<i32>} : memref<128xi32, #tpu.memory_space<vmem>>, vector<16xi32>,
      %get3A_155 = vector.shape_cast %get3A_154 : vector<16xi32> to vector<16xi32>
      %get3A_156 = arith.constant 64 : index
      %get3A_157 = tpu.vector_load %arg12[%get3A_156] {strides = array<i32>} : memref<128xi32, #tpu.memory_space<vmem>>, vector<16xi32>,
      %get3A_158 = vector.shape_cast %get3A_157 : vector<16xi32> to vector<16xi32>
      %eq3A_159 = arith.constant 2 : i32
      %eq3A_160 = vector.broadcast %eq3A_159 : i32 to vector<16xi32>
      %eq3A_161 = arith.cmpi eq, %get3A_158, %eq3A_160 : vector<16xi32>
      %select_n3A_162 = arith.select %eq3A_161, %get3A_155, %broadcast_in_dim3A_30 : vector<16xi1>, vector<16xi32>
      %swap3A_163 = arith.constant 64 : index
      %swap3A_164 = tpu.vector_load %arg11[%swap3A_163] {strides = array<i32>} : memref<128xi32, #tpu.memory_space<vmem>>, vector<16xi32>,
      %swap3A_165 = vector.shape_cast %swap3A_164 : vector<16xi32> to vector<16xi32>
      %swap3A_166 = vector.shape_cast %select_n3A_162 : vector<16xi32> to vector<16xi32>
      tpu.vector_store %arg11[%swap3A_163], %swap3A_166 {strides = array<i32>} : memref<128xi32, #tpu.memory_space<vmem>>, vector<16xi32>,
      %get3A_167 = arith.constant 80 : index
      %get3A_168 = tpu.vector_load %arg11[%get3A_167] {strides = array<i32>} : memref<128xi32, #tpu.memory_space<vmem>>, vector<16xi32>,
      %get3A_169 = vector.shape_cast %get3A_168 : vector<16xi32> to vector<16xi32>
      %get3A_170 = arith.constant 80 : index
      %get3A_171 = tpu.vector_load %arg12[%get3A_170] {strides = array<i32>} : memref<128xi32, #tpu.memory_space<vmem>>, vector<16xi32>,
      %get3A_172 = vector.shape_cast %get3A_171 : vector<16xi32> to vector<16xi32>
      %eq3A_173 = arith.constant 2 : i32
      %eq3A_174 = vector.broadcast %eq3A_173 : i32 to vector<16xi32>
      %eq3A_175 = arith.cmpi eq, %get3A_172, %eq3A_174 : vector<16xi32>
      %select_n3A_176 = arith.select %eq3A_175, %get3A_169, %broadcast_in_dim3A_30 : vector<16xi1>, vector<16xi32>
      %swap3A_177 = arith.constant 80 : index
      %swap3A_178 = tpu.vector_load %arg11[%swap3A_177] {strides = array<i32>} : memref<128xi32, #tpu.memory_space<vmem>>, vector<16xi32>,
      %swap3A_179 = vector.shape_cast %swap3A_178 : vector<16xi32> to vector<16xi32>
      %swap3A_180 = vector.shape_cast %select_n3A_176 : vector<16xi32> to vector<16xi32>
      tpu.vector_store %arg11[%swap3A_177], %swap3A_180 {strides = array<i32>} : memref<128xi32, #tpu.memory_space<vmem>>, vector<16xi32>,
      %get3A_181 = arith.constant 96 : index
      %get3A_182 = tpu.vector_load %arg11[%get3A_181] {strides = array<i32>} : memref<128xi32, #tpu.memory_space<vmem>>, vector<16xi32>,
      %get3A_183 = vector.shape_cast %get3A_182 : vector<16xi32> to vector<16xi32>
      %get3A_184 = arith.constant 96 : index
      %get3A_185 = tpu.vector_load %arg12[%get3A_184] {strides = array<i32>} : memref<128xi32, #tpu.memory_space<vmem>>, vector<16xi32>,
      %get3A_186 = vector.shape_cast %get3A_185 : vector<16xi32> to vector<16xi32>
      %eq3A_187 = arith.constant 2 : i32
      %eq3A_188 = vector.broadcast %eq3A_187 : i32 to vector<16xi32>
      %eq3A_189 = arith.cmpi eq, %get3A_186, %eq3A_188 : vector<16xi32>
      %select_n3A_190 = arith.select %eq3A_189, %get3A_183, %broadcast_in_dim3A_30 : vector<16xi1>, vector<16xi32>
      %swap3A_191 = arith.constant 96 : index
      %swap3A_192 = tpu.vector_load %arg11[%swap3A_191] {strides = array<i32>} : memref<128xi32, #tpu.memory_space<vmem>>, vector<16xi32>,
      %swap3A_193 = vector.shape_cast %swap3A_192 : vector<16xi32> to vector<16xi32>
      %swap3A_194 = vector.shape_cast %select_n3A_190 : vector<16xi32> to vector<16xi32>
      tpu.vector_store %arg11[%swap3A_191], %swap3A_194 {strides = array<i32>} : memref<128xi32, #tpu.memory_space<vmem>>, vector<16xi32>,
      %get3A_195 = arith.constant 112 : index
      %get3A_196 = tpu.vector_load %arg11[%get3A_195] {strides = array<i32>} : memref<128xi32, #tpu.memory_space<vmem>>, vector<16xi32>,
      %get3A_197 = vector.shape_cast %get3A_196 : vector<16xi32> to vector<16xi32>
      %get3A_198 = arith.constant 112 : index
      %get3A_199 = tpu.vector_load %arg12[%get3A_198] {strides = array<i32>} : memref<128xi32, #tpu.memory_space<vmem>>, vector<16xi32>,
      %get3A_200 = vector.shape_cast %get3A_199 : vector<16xi32> to vector<16xi32>
      %eq3A_201 = arith.constant 2 : i32
      %eq3A_202 = vector.broadcast %eq3A_201 : i32 to vector<16xi32>
      %eq3A_203 = arith.cmpi eq, %get3A_200, %eq3A_202 : vector<16xi32>
      %select_n3A_204 = arith.select %eq3A_203, %get3A_197, %broadcast_in_dim3A_30 : vector<16xi1>, vector<16xi32>
      %swap3A_205 = arith.constant 112 : index
      %swap3A_206 = tpu.vector_load %arg11[%swap3A_205] {strides = array<i32>} : memref<128xi32, #tpu.memory_space<vmem>>, vector<16xi32>,
      %swap3A_207 = vector.shape_cast %swap3A_206 : vector<16xi32> to vector<16xi32>
      %swap3A_208 = vector.shape_cast %select_n3A_204 : vector<16xi32> to vector<16xi32>
      tpu.vector_store %arg11[%swap3A_205], %swap3A_208 {strides = array<i32>} : memref<128xi32, #tpu.memory_space<vmem>>, vector<16xi32>,
      "tpu.region"() ({
        %run_scoped3A = tpu.sem_alloc : memref<!tpu.dma_semaphore, #tpu.memory_space<semaphore_mem>>
        %dma_start3A_209 = arith.constant 0 : i32
        %dma_start3A_210 = arith.constant 0 : i32
        %dma_start3A_211 = tpu.memref_slice %arg7[%dma_start3A_209, %dma_start3A_210] : memref<10240x128xf32, #tpu.memory_space<vmem_shared>> -> memref<10240x128xf32, #tpu.memory_space<vmem_shared>>
        tpu.enqueue_indirect_dma source(%arg8 : memref<128x128xf32, #tpu.memory_space<vmem>>) target(%dma_start3A_211 : memref<10240x128xf32, #tpu.memory_space<vmem_shared>>) offsets(%arg11 : memref<128xi32, #tpu.memory_space<vmem>>) semaphore(%run_scoped3A : memref<!tpu.dma_semaphore, #tpu.memory_space<semaphore_mem>>) {add = true}
        %dma_wait3A_212 = arith.constant 0 : i32
        %dma_wait3A_213 = arith.constant 0 : i32
        %dma_wait3A_214 = tpu.memref_slice %arg7[%dma_wait3A_212, %dma_wait3A_213] : memref<10240x128xf32, #tpu.memory_space<vmem_shared>> -> memref<10240x128xf32, #tpu.memory_space<vmem_shared>>
        tpu.wait_indirect_dma semaphore(%run_scoped3A : memref<!tpu.dma_semaphore, #tpu.memory_space<semaphore_mem>>) src(%arg8 : memref<128x128xf32, #tpu.memory_space<vmem>>) dst(%dma_wait3A_214 : memref<10240x128xf32, #tpu.memory_space<vmem_shared>>)
        tpu.yield
      }) : () -> ()
    }
    %scan3A_36 = arith.constant 79 : i32
    %barrier3A_37 = arith.constant 0 : index
    tpu.barrier barrier_id(%barrier3A_37)
    %mul3A_38 = arith.constant 640 : i32
    %mul3A_39 = arith.muli %arg1, %mul3A_38 : i32
    %add3A_40 = arith.constant 0 : i32
    %add3A_41 = arith.addi %mul3A_39, %add3A_40 : i32
    "tpu.region"() ({
      %run_scoped3A = tpu.sem_alloc : memref<!tpu.dma_semaphore, #tpu.memory_space<semaphore_mem>>
      %dma_start3A = arith.constant 0 : i32
      %dma_start3A_93 = tpu.memref_slice %arg7[%add3A_41, %dma_start3A] : memref<10240x128xf32, #tpu.memory_space<vmem_shared>> -> memref<128x128xf32, #tpu.memory_space<vmem_shared>>
      %dma_start3A_94 = arith.constant 0 : i32
      %dma_start3A_95 = tpu.memref_slice %arg7[%add3A_41, %dma_start3A_94] : memref<10240x128xf32, #tpu.memory_space<vmem_shared>> -> memref<128x128xf32, #tpu.memory_space<vmem_shared>>
      tpu.enqueue_dma source(%dma_start3A_95 : memref<128x128xf32, #tpu.memory_space<vmem_shared>>) target(%arg9 : memref<128x128xf32, #tpu.memory_space<vmem>>) target_semaphore(%run_scoped3A : memref<!tpu.dma_semaphore, #tpu.memory_space<semaphore_mem>>)
      %dma_wait3A = arith.constant 0 : i32
      %dma_wait3A_96 = tpu.memref_slice %arg7[%add3A_41, %dma_wait3A] : memref<10240x128xf32, #tpu.memory_space<vmem_shared>> -> memref<128x128xf32, #tpu.memory_space<vmem_shared>>
      %dma_wait3A_97 = arith.constant 0 : i32
      %dma_wait3A_98 = tpu.memref_slice %arg7[%add3A_41, %dma_wait3A_97] : memref<10240x128xf32, #tpu.memory_space<vmem_shared>> -> memref<128x128xf32, #tpu.memory_space<vmem_shared>>
      tpu.wait_dma2 semaphore(%run_scoped3A : memref<!tpu.dma_semaphore, #tpu.memory_space<semaphore_mem>>) src(%dma_wait3A_98 : memref<128x128xf32, #tpu.memory_space<vmem_shared>>) dst(%arg9 : memref<128x128xf32, #tpu.memory_space<vmem>>)
      tpu.yield
    }) : () -> ()
    %mul3A_42 = arith.constant 10240 : i32
    %mul3A_43 = arith.muli %arg0, %mul3A_42 : i32
    %mul3A_44 = arith.constant 640 : i32
    %mul3A_45 = arith.muli %arg1, %mul3A_44 : i32
    %add3A_46 = arith.addi %mul3A_43, %mul3A_45 : i32
    %add3A_47 = arith.constant 0 : i32
    %add3A_48 = arith.addi %add3A_46, %add3A_47 : i32
    "tpu.region"() ({
      %run_scoped3A = tpu.sem_alloc : memref<!tpu.dma_semaphore, #tpu.memory_space<semaphore_mem>>
      %dma_start3A = arith.constant 0 : i32
      %dma_start3A_93 = tpu.memref_slice %arg6[%add3A_48, %dma_start3A] : memref<20480x128xf32, #tpu.memory_space<hbm>> -> memref<128x128xf32, #tpu.memory_space<hbm>>
      %dma_start3A_94 = arith.constant 0 : i32
      %dma_start3A_95 = tpu.memref_slice %arg6[%add3A_48, %dma_start3A_94] : memref<20480x128xf32, #tpu.memory_space<hbm>> -> memref<128x128xf32, #tpu.memory_space<hbm>>
      tpu.enqueue_dma source(%arg9 : memref<128x128xf32, #tpu.memory_space<vmem>>) target(%dma_start3A_95 : memref<128x128xf32, #tpu.memory_space<hbm>>) target_semaphore(%run_scoped3A : memref<!tpu.dma_semaphore, #tpu.memory_space<semaphore_mem>>)
      %dma_wait3A = arith.constant 0 : i32
      %dma_wait3A_96 = tpu.memref_slice %arg6[%add3A_48, %dma_wait3A] : memref<20480x128xf32, #tpu.memory_space<hbm>> -> memref<128x128xf32, #tpu.memory_space<hbm>>
      %dma_wait3A_97 = arith.constant 0 : i32
      %dma_wait3A_98 = tpu.memref_slice %arg6[%add3A_48, %dma_wait3A_97] : memref<20480x128xf32, #tpu.memory_space<hbm>> -> memref<128x128xf32, #tpu.memory_space<hbm>>
      tpu.wait_dma2 semaphore(%run_scoped3A : memref<!tpu.dma_semaphore, #tpu.memory_space<semaphore_mem>>) src(%arg9 : memref<128x128xf32, #tpu.memory_space<vmem>>) dst(%dma_wait3A_98 : memref<128x128xf32, #tpu.memory_space<hbm>>)
      tpu.yield
    }) : () -> ()
    %mul3A_49 = arith.constant 640 : i32
    %mul3A_50 = arith.muli %arg1, %mul3A_49 : i32
    %add3A_51 = arith.constant 128 : i32
    %add3A_52 = arith.addi %mul3A_50, %add3A_51 : i32
    "tpu.region"() ({
      %run_scoped3A = tpu.sem_alloc : memref<!tpu.dma_semaphore, #tpu.memory_space<semaphore_mem>>
      %dma_start3A = arith.constant 0 : i32
      %dma_start3A_93 = tpu.memref_slice %arg7[%add3A_52, %dma_start3A] : memref<10240x128xf32, #tpu.memory_space<vmem_shared>> -> memref<128x128xf32, #tpu.memory_space<vmem_shared>>
      %dma_start3A_94 = arith.constant 0 : i32
      %dma_start3A_95 = tpu.memref_slice %arg7[%add3A_52, %dma_start3A_94] : memref<10240x128xf32, #tpu.memory_space<vmem_shared>> -> memref<128x128xf32, #tpu.memory_space<vmem_shared>>
      tpu.enqueue_dma source(%dma_start3A_95 : memref<128x128xf32, #tpu.memory_space<vmem_shared>>) target(%arg9 : memref<128x128xf32, #tpu.memory_space<vmem>>) target_semaphore(%run_scoped3A : memref<!tpu.dma_semaphore, #tpu.memory_space<semaphore_mem>>)
      %dma_wait3A = arith.constant 0 : i32
      %dma_wait3A_96 = tpu.memref_slice %arg7[%add3A_52, %dma_wait3A] : memref<10240x128xf32, #tpu.memory_space<vmem_shared>> -> memref<128x128xf32, #tpu.memory_space<vmem_shared>>
      %dma_wait3A_97 = arith.constant 0 : i32
      %dma_wait3A_98 = tpu.memref_slice %arg7[%add3A_52, %dma_wait3A_97] : memref<10240x128xf32, #tpu.memory_space<vmem_shared>> -> memref<128x128xf32, #tpu.memory_space<vmem_shared>>
      tpu.wait_dma2 semaphore(%run_scoped3A : memref<!tpu.dma_semaphore, #tpu.memory_space<semaphore_mem>>) src(%dma_wait3A_98 : memref<128x128xf32, #tpu.memory_space<vmem_shared>>) dst(%arg9 : memref<128x128xf32, #tpu.memory_space<vmem>>)
      tpu.yield
    }) : () -> ()
    %mul3A_53 = arith.constant 10240 : i32
    %mul3A_54 = arith.muli %arg0, %mul3A_53 : i32
    %mul3A_55 = arith.constant 640 : i32
    %mul3A_56 = arith.muli %arg1, %mul3A_55 : i32
    %add3A_57 = arith.addi %mul3A_54, %mul3A_56 : i32
    %add3A_58 = arith.constant 128 : i32
    %add3A_59 = arith.addi %add3A_57, %add3A_58 : i32
    "tpu.region"() ({
      %run_scoped3A = tpu.sem_alloc : memref<!tpu.dma_semaphore, #tpu.memory_space<semaphore_mem>>
      %dma_start3A = arith.constant 0 : i32
      %dma_start3A_93 = tpu.memref_slice %arg6[%add3A_59, %dma_start3A] : memref<20480x128xf32, #tpu.memory_space<hbm>> -> memref<128x128xf32, #tpu.memory_space<hbm>>
      %dma_start3A_94 = arith.constant 0 : i32
      %dma_start3A_95 = tpu.memref_slice %arg6[%add3A_59, %dma_start3A_94] : memref<20480x128xf32, #tpu.memory_space<hbm>> -> memref<128x128xf32, #tpu.memory_space<hbm>>
      tpu.enqueue_dma source(%arg9 : memref<128x128xf32, #tpu.memory_space<vmem>>) target(%dma_start3A_95 : memref<128x128xf32, #tpu.memory_space<hbm>>) target_semaphore(%run_scoped3A : memref<!tpu.dma_semaphore, #tpu.memory_space<semaphore_mem>>)
      %dma_wait3A = arith.constant 0 : i32
      %dma_wait3A_96 = tpu.memref_slice %arg6[%add3A_59, %dma_wait3A] : memref<20480x128xf32, #tpu.memory_space<hbm>> -> memref<128x128xf32, #tpu.memory_space<hbm>>
      %dma_wait3A_97 = arith.constant 0 : i32
      %dma_wait3A_98 = tpu.memref_slice %arg6[%add3A_59, %dma_wait3A_97] : memref<20480x128xf32, #tpu.memory_space<hbm>> -> memref<128x128xf32, #tpu.memory_space<hbm>>
      tpu.wait_dma2 semaphore(%run_scoped3A : memref<!tpu.dma_semaphore, #tpu.memory_space<semaphore_mem>>) src(%arg9 : memref<128x128xf32, #tpu.memory_space<vmem>>) dst(%dma_wait3A_98 : memref<128x128xf32, #tpu.memory_space<hbm>>)
      tpu.yield
    }) : () -> ()
    %mul3A_60 = arith.constant 640 : i32
    %mul3A_61 = arith.muli %arg1, %mul3A_60 : i32
    %add3A_62 = arith.constant 256 : i32
    %add3A_63 = arith.addi %mul3A_61, %add3A_62 : i32
    "tpu.region"() ({
      %run_scoped3A = tpu.sem_alloc : memref<!tpu.dma_semaphore, #tpu.memory_space<semaphore_mem>>
      %dma_start3A = arith.constant 0 : i32
      %dma_start3A_93 = tpu.memref_slice %arg7[%add3A_63, %dma_start3A] : memref<10240x128xf32, #tpu.memory_space<vmem_shared>> -> memref<128x128xf32, #tpu.memory_space<vmem_shared>>
      %dma_start3A_94 = arith.constant 0 : i32
      %dma_start3A_95 = tpu.memref_slice %arg7[%add3A_63, %dma_start3A_94] : memref<10240x128xf32, #tpu.memory_space<vmem_shared>> -> memref<128x128xf32, #tpu.memory_space<vmem_shared>>
      tpu.enqueue_dma source(%dma_start3A_95 : memref<128x128xf32, #tpu.memory_space<vmem_shared>>) target(%arg9 : memref<128x128xf32, #tpu.memory_space<vmem>>) target_semaphore(%run_scoped3A : memref<!tpu.dma_semaphore, #tpu.memory_space<semaphore_mem>>)
      %dma_wait3A = arith.constant 0 : i32
      %dma_wait3A_96 = tpu.memref_slice %arg7[%add3A_63, %dma_wait3A] : memref<10240x128xf32, #tpu.memory_space<vmem_shared>> -> memref<128x128xf32, #tpu.memory_space<vmem_shared>>
      %dma_wait3A_97 = arith.constant 0 : i32
      %dma_wait3A_98 = tpu.memref_slice %arg7[%add3A_63, %dma_wait3A_97] : memref<10240x128xf32, #tpu.memory_space<vmem_shared>> -> memref<128x128xf32, #tpu.memory_space<vmem_shared>>
      tpu.wait_dma2 semaphore(%run_scoped3A : memref<!tpu.dma_semaphore, #tpu.memory_space<semaphore_mem>>) src(%dma_wait3A_98 : memref<128x128xf32, #tpu.memory_space<vmem_shared>>) dst(%arg9 : memref<128x128xf32, #tpu.memory_space<vmem>>)
      tpu.yield
    }) : () -> ()
    %mul3A_64 = arith.constant 10240 : i32
    %mul3A_65 = arith.muli %arg0, %mul3A_64 : i32
    %mul3A_66 = arith.constant 640 : i32
    %mul3A_67 = arith.muli %arg1, %mul3A_66 : i32
    %add3A_68 = arith.addi %mul3A_65, %mul3A_67 : i32
    %add3A_69 = arith.constant 256 : i32
    %add3A_70 = arith.addi %add3A_68, %add3A_69 : i32
    "tpu.region"() ({
      %run_scoped3A = tpu.sem_alloc : memref<!tpu.dma_semaphore, #tpu.memory_space<semaphore_mem>>
      %dma_start3A = arith.constant 0 : i32
      %dma_start3A_93 = tpu.memref_slice %arg6[%add3A_70, %dma_start3A] : memref<20480x128xf32, #tpu.memory_space<hbm>> -> memref<128x128xf32, #tpu.memory_space<hbm>>
      %dma_start3A_94 = arith.constant 0 : i32
      %dma_start3A_95 = tpu.memref_slice %arg6[%add3A_70, %dma_start3A_94] : memref<20480x128xf32, #tpu.memory_space<hbm>> -> memref<128x128xf32, #tpu.memory_space<hbm>>
      tpu.enqueue_dma source(%arg9 : memref<128x128xf32, #tpu.memory_space<vmem>>) target(%dma_start3A_95 : memref<128x128xf32, #tpu.memory_space<hbm>>) target_semaphore(%run_scoped3A : memref<!tpu.dma_semaphore, #tpu.memory_space<semaphore_mem>>)
      %dma_wait3A = arith.constant 0 : i32
      %dma_wait3A_96 = tpu.memref_slice %arg6[%add3A_70, %dma_wait3A] : memref<20480x128xf32, #tpu.memory_space<hbm>> -> memref<128x128xf32, #tpu.memory_space<hbm>>
      %dma_wait3A_97 = arith.constant 0 : i32
      %dma_wait3A_98 = tpu.memref_slice %arg6[%add3A_70, %dma_wait3A_97] : memref<20480x128xf32, #tpu.memory_space<hbm>> -> memref<128x128xf32, #tpu.memory_space<hbm>>
      tpu.wait_dma2 semaphore(%run_scoped3A : memref<!tpu.dma_semaphore, #tpu.memory_space<semaphore_mem>>) src(%arg9 : memref<128x128xf32, #tpu.memory_space<vmem>>) dst(%dma_wait3A_98 : memref<128x128xf32, #tpu.memory_space<hbm>>)
      tpu.yield
    }) : () -> ()
    %mul3A_71 = arith.constant 640 : i32
    %mul3A_72 = arith.muli %arg1, %mul3A_71 : i32
    %add3A_73 = arith.constant 384 : i32
    %add3A_74 = arith.addi %mul3A_72, %add3A_73 : i32
    "tpu.region"() ({
      %run_scoped3A = tpu.sem_alloc : memref<!tpu.dma_semaphore, #tpu.memory_space<semaphore_mem>>
      %dma_start3A = arith.constant 0 : i32
      %dma_start3A_93 = tpu.memref_slice %arg7[%add3A_74, %dma_start3A] : memref<10240x128xf32, #tpu.memory_space<vmem_shared>> -> memref<128x128xf32, #tpu.memory_space<vmem_shared>>
      %dma_start3A_94 = arith.constant 0 : i32
      %dma_start3A_95 = tpu.memref_slice %arg7[%add3A_74, %dma_start3A_94] : memref<10240x128xf32, #tpu.memory_space<vmem_shared>> -> memref<128x128xf32, #tpu.memory_space<vmem_shared>>
      tpu.enqueue_dma source(%dma_start3A_95 : memref<128x128xf32, #tpu.memory_space<vmem_shared>>) target(%arg9 : memref<128x128xf32, #tpu.memory_space<vmem>>) target_semaphore(%run_scoped3A : memref<!tpu.dma_semaphore, #tpu.memory_space<semaphore_mem>>)
      %dma_wait3A = arith.constant 0 : i32
      %dma_wait3A_96 = tpu.memref_slice %arg7[%add3A_74, %dma_wait3A] : memref<10240x128xf32, #tpu.memory_space<vmem_shared>> -> memref<128x128xf32, #tpu.memory_space<vmem_shared>>
      %dma_wait3A_97 = arith.constant 0 : i32
      %dma_wait3A_98 = tpu.memref_slice %arg7[%add3A_74, %dma_wait3A_97] : memref<10240x128xf32, #tpu.memory_space<vmem_shared>> -> memref<128x128xf32, #tpu.memory_space<vmem_shared>>
      tpu.wait_dma2 semaphore(%run_scoped3A : memref<!tpu.dma_semaphore, #tpu.memory_space<semaphore_mem>>) src(%dma_wait3A_98 : memref<128x128xf32, #tpu.memory_space<vmem_shared>>) dst(%arg9 : memref<128x128xf32, #tpu.memory_space<vmem>>)
      tpu.yield
    }) : () -> ()
    %mul3A_75 = arith.constant 10240 : i32
    %mul3A_76 = arith.muli %arg0, %mul3A_75 : i32
    %mul3A_77 = arith.constant 640 : i32
    %mul3A_78 = arith.muli %arg1, %mul3A_77 : i32
    %add3A_79 = arith.addi %mul3A_76, %mul3A_78 : i32
    %add3A_80 = arith.constant 384 : i32
    %add3A_81 = arith.addi %add3A_79, %add3A_80 : i32
    "tpu.region"() ({
      %run_scoped3A = tpu.sem_alloc : memref<!tpu.dma_semaphore, #tpu.memory_space<semaphore_mem>>
      %dma_start3A = arith.constant 0 : i32
      %dma_start3A_93 = tpu.memref_slice %arg6[%add3A_81, %dma_start3A] : memref<20480x128xf32, #tpu.memory_space<hbm>> -> memref<128x128xf32, #tpu.memory_space<hbm>>
      %dma_start3A_94 = arith.constant 0 : i32
      %dma_start3A_95 = tpu.memref_slice %arg6[%add3A_81, %dma_start3A_94] : memref<20480x128xf32, #tpu.memory_space<hbm>> -> memref<128x128xf32, #tpu.memory_space<hbm>>
      tpu.enqueue_dma source(%arg9 : memref<128x128xf32, #tpu.memory_space<vmem>>) target(%dma_start3A_95 : memref<128x128xf32, #tpu.memory_space<hbm>>) target_semaphore(%run_scoped3A : memref<!tpu.dma_semaphore, #tpu.memory_space<semaphore_mem>>)
      %dma_wait3A = arith.constant 0 : i32
      %dma_wait3A_96 = tpu.memref_slice %arg6[%add3A_81, %dma_wait3A] : memref<20480x128xf32, #tpu.memory_space<hbm>> -> memref<128x128xf32, #tpu.memory_space<hbm>>
      %dma_wait3A_97 = arith.constant 0 : i32
      %dma_wait3A_98 = tpu.memref_slice %arg6[%add3A_81, %dma_wait3A_97] : memref<20480x128xf32, #tpu.memory_space<hbm>> -> memref<128x128xf32, #tpu.memory_space<hbm>>
      tpu.wait_dma2 semaphore(%run_scoped3A : memref<!tpu.dma_semaphore, #tpu.memory_space<semaphore_mem>>) src(%arg9 : memref<128x128xf32, #tpu.memory_space<vmem>>) dst(%dma_wait3A_98 : memref<128x128xf32, #tpu.memory_space<hbm>>)
      tpu.yield
    }) : () -> ()
    %mul3A_82 = arith.constant 640 : i32
    %mul3A_83 = arith.muli %arg1, %mul3A_82 : i32
    %add3A_84 = arith.constant 512 : i32
    %add3A_85 = arith.addi %mul3A_83, %add3A_84 : i32
    "tpu.region"() ({
      %run_scoped3A = tpu.sem_alloc : memref<!tpu.dma_semaphore, #tpu.memory_space<semaphore_mem>>
      %dma_start3A = arith.constant 0 : i32
      %dma_start3A_93 = tpu.memref_slice %arg7[%add3A_85, %dma_start3A] : memref<10240x128xf32, #tpu.memory_space<vmem_shared>> -> memref<128x128xf32, #tpu.memory_space<vmem_shared>>
      %dma_start3A_94 = arith.constant 0 : i32
      %dma_start3A_95 = tpu.memref_slice %arg7[%add3A_85, %dma_start3A_94] : memref<10240x128xf32, #tpu.memory_space<vmem_shared>> -> memref<128x128xf32, #tpu.memory_space<vmem_shared>>
      tpu.enqueue_dma source(%dma_start3A_95 : memref<128x128xf32, #tpu.memory_space<vmem_shared>>) target(%arg9 : memref<128x128xf32, #tpu.memory_space<vmem>>) target_semaphore(%run_scoped3A : memref<!tpu.dma_semaphore, #tpu.memory_space<semaphore_mem>>)
      %dma_wait3A = arith.constant 0 : i32
      %dma_wait3A_96 = tpu.memref_slice %arg7[%add3A_85, %dma_wait3A] : memref<10240x128xf32, #tpu.memory_space<vmem_shared>> -> memref<128x128xf32, #tpu.memory_space<vmem_shared>>
      %dma_wait3A_97 = arith.constant 0 : i32
      %dma_wait3A_98 = tpu.memref_slice %arg7[%add3A_85, %dma_wait3A_97] : memref<10240x128xf32, #tpu.memory_space<vmem_shared>> -> memref<128x128xf32, #tpu.memory_space<vmem_shared>>
      tpu.wait_dma2 semaphore(%run_scoped3A : memref<!tpu.dma_semaphore, #tpu.memory_space<semaphore_mem>>) src(%dma_wait3A_98 : memref<128x128xf32, #tpu.memory_space<vmem_shared>>) dst(%arg9 : memref<128x128xf32, #tpu.memory_space<vmem>>)
      tpu.yield
    }) : () -> ()
    %mul3A_86 = arith.constant 10240 : i32
    %mul3A_87 = arith.muli %arg0, %mul3A_86 : i32
    %mul3A_88 = arith.constant 640 : i32
    %mul3A_89 = arith.muli %arg1, %mul3A_88 : i32
    %add3A_90 = arith.addi %mul3A_87, %mul3A_89 : i32
    %add3A_91 = arith.constant 512 : i32
    %add3A_92 = arith.addi %add3A_90, %add3A_91 : i32
    "tpu.region"() ({
      %run_scoped3A = tpu.sem_alloc : memref<!tpu.dma_semaphore, #tpu.memory_space<semaphore_mem>>
      %dma_start3A = arith.constant 0 : i32
      %dma_start3A_93 = tpu.memref_slice %arg6[%add3A_92, %dma_start3A] : memref<20480x128xf32, #tpu.memory_space<hbm>> -> memref<128x128xf32, #tpu.memory_space<hbm>>
      %dma_start3A_94 = arith.constant 0 : i32
      %dma_start3A_95 = tpu.memref_slice %arg6[%add3A_92, %dma_start3A_94] : memref<20480x128xf32, #tpu.memory_space<hbm>> -> memref<128x128xf32, #tpu.memory_space<hbm>>
      tpu.enqueue_dma source(%arg9 : memref<128x128xf32, #tpu.memory_space<vmem>>) target(%dma_start3A_95 : memref<128x128xf32, #tpu.memory_space<hbm>>) target_semaphore(%run_scoped3A : memref<!tpu.dma_semaphore, #tpu.memory_space<semaphore_mem>>)
      %dma_wait3A = arith.constant 0 : i32
      %dma_wait3A_96 = tpu.memref_slice %arg6[%add3A_92, %dma_wait3A] : memref<20480x128xf32, #tpu.memory_space<hbm>> -> memref<128x128xf32, #tpu.memory_space<hbm>>
      %dma_wait3A_97 = arith.constant 0 : i32
      %dma_wait3A_98 = tpu.memref_slice %arg6[%add3A_92, %dma_wait3A_97] : memref<20480x128xf32, #tpu.memory_space<hbm>> -> memref<128x128xf32, #tpu.memory_space<hbm>>
      tpu.wait_dma2 semaphore(%run_scoped3A : memref<!tpu.dma_semaphore, #tpu.memory_space<semaphore_mem>>) src(%arg9 : memref<128x128xf32, #tpu.memory_space<vmem>>) dst(%dma_wait3A_98 : memref<128x128xf32, #tpu.memory_space<hbm>>)
      tpu.yield
    }) : () -> ()
    return
  }
}

#map = affine_map<(d0, d1) -> (0, 0)>
#map1 = affine_map<(d0, d1) -> (0)>
module attributes {stable_mosaic.version = 14 : i64} {
  func.func @_spmm_body(%arg0: i32, %arg1: i32, %arg2: memref<10240x128xf32, #tpu.memory_space<hbm>>, %arg3: memref<323584xi32, #tpu.memory_space<hbm>>, %arg4: memref<323584xi32, #tpu.memory_space<hbm>>, %arg5: memref<323584xi32, #tpu.memory_space<hbm>>, %arg6: memref<20480x128xf32, #tpu.memory_space<hbm>>, %arg7: memref<10240x128xf32, #tpu.memory_space<vmem_shared>>, %arg8: memref<128x128xf32, #tpu.memory_space<vmem>>, %arg9: memref<128x128xf32, #tpu.memory_space<vmem>>, %arg10: memref<128xi32, #tpu.memory_space<vmem>>, %arg11: memref<128xi32, #tpu.memory_space<vmem>>, %arg12: memref<128xi32, #tpu.memory_space<vmem>>, %arg13: memref<!tpu.dma_semaphore, #tpu.memory_space<semaphore_mem>>) attributes {dimension_semantics = [#tpu.dimension_semantics<core_parallel>, #tpu.dimension_semantics<subcore_parallel>], iteration_bounds = array<i64: 2, 16>, scalar_prefetch = 0 : i64, scratch_operands = 7 : i64, tpu.core_type = #tpu.core_type<sc_vector_subcore>, window_params = [{transform_indices = #map}, {transform_indices = #map1}, {transform_indices = #map1}, {transform_indices = #map1}, {transform_indices = #map}]} {
    %mul3A = arith.constant 16 : i32
    %mul3A_0 = arith.muli %arg0, %mul3A : i32
    %add3A = arith.addi %mul3A_0, %arg1 : i32
    %broadcast_in_dim3A = arith.constant 0.000000e+00 : f32
    %broadcast_in_dim3A_1 = vector.broadcast %broadcast_in_dim3A : f32 to vector<16xf32>
    %scan3A = arith.constant 0 : i32
    %scan3A_2 = arith.constant 0 : i32
    %scan3A_3 = arith.constant 128 : i32
    %scan3A_4 = arith.addi %scan3A_2, %scan3A_3 : i32
    %scan3A_5 = arith.constant 1 : i32
    scf.for %scan3A_93 = %scan3A_2 to %scan3A_4 step %scan3A_5  : i32 {
      %swap3A = arith.index_cast %scan3A_93 : i32 to index
      %swap3A_94 = arith.constant 0 : index
      %swap3A_95 = tpu.vector_load %arg8[%swap3A, %swap3A_94] {strides = array<i32>} : memref<128x128xf32, #tpu.memory_space<vmem>>, vector<1x16xf32>,
      %swap3A_96 = vector.shape_cast %swap3A_95 : vector<1x16xf32> to vector<16xf32>
      %swap3A_97 = vector.shape_cast %broadcast_in_dim3A_1 : vector<16xf32> to vector<1x16xf32>
      tpu.vector_store %arg8[%swap3A, %swap3A_94], %swap3A_97 {strides = array<i32>} : memref<128x128xf32, #tpu.memory_space<vmem>>, vector<1x16xf32>,
      %swap3A_98 = arith.index_cast %scan3A_93 : i32 to index
      %swap3A_99 = arith.constant 16 : index
      %swap3A_100 = tpu.vector_load %arg8[%swap3A_98, %swap3A_99] {strides = array<i32>} : memref<128x128xf32, #tpu.memory_space<vmem>>, vector<1x16xf32>,
      %swap3A_101 = vector.shape_cast %swap3A_100 : vector<1x16xf32> to vector<16xf32>
      %swap3A_102 = vector.shape_cast %broadcast_in_dim3A_1 : vector<16xf32> to vector<1x16xf32>
      tpu.vector_store %arg8[%swap3A_98, %swap3A_99], %swap3A_102 {strides = array<i32>} : memref<128x128xf32, #tpu.memory_space<vmem>>, vector<1x16xf32>,
      %swap3A_103 = arith.index_cast %scan3A_93 : i32 to index
      %swap3A_104 = arith.constant 32 : index
      %swap3A_105 = tpu.vector_load %arg8[%swap3A_103, %swap3A_104] {strides = array<i32>} : memref<128x128xf32, #tpu.memory_space<vmem>>, vector<1x16xf32>,
      %swap3A_106 = vector.shape_cast %swap3A_105 : vector<1x16xf32> to vector<16xf32>
      %swap3A_107 = vector.shape_cast %broadcast_in_dim3A_1 : vector<16xf32> to vector<1x16xf32>
      tpu.vector_store %arg8[%swap3A_103, %swap3A_104], %swap3A_107 {strides = array<i32>} : memref<128x128xf32, #tpu.memory_space<vmem>>, vector<1x16xf32>,
      %swap3A_108 = arith.index_cast %scan3A_93 : i32 to index
      %swap3A_109 = arith.constant 48 : index
      %swap3A_110 = tpu.vector_load %arg8[%swap3A_108, %swap3A_109] {strides = array<i32>} : memref<128x128xf32, #tpu.memory_space<vmem>>, vector<1x16xf32>,
      %swap3A_111 = vector.shape_cast %swap3A_110 : vector<1x16xf32> to vector<16xf32>
      %swap3A_112 = vector.shape_cast %broadcast_in_dim3A_1 : vector<16xf32> to vector<1x16xf32>
      tpu.vector_store %arg8[%swap3A_108, %swap3A_109], %swap3A_112 {strides = array<i32>} : memref<128x128xf32, #tpu.memory_space<vmem>>, vector<1x16xf32>,
      %swap3A_113 = arith.index_cast %scan3A_93 : i32 to index
      %swap3A_114 = arith.constant 64 : index
      %swap3A_115 = tpu.vector_load %arg8[%swap3A_113, %swap3A_114] {strides = array<i32>} : memref<128x128xf32, #tpu.memory_space<vmem>>, vector<1x16xf32>,
      %swap3A_116 = vector.shape_cast %swap3A_115 : vector<1x16xf32> to vector<16xf32>
      %swap3A_117 = vector.shape_cast %broadcast_in_dim3A_1 : vector<16xf32> to vector<1x16xf32>
      tpu.vector_store %arg8[%swap3A_113, %swap3A_114], %swap3A_117 {strides = array<i32>} : memref<128x128xf32, #tpu.memory_space<vmem>>, vector<1x16xf32>,
      %swap3A_118 = arith.index_cast %scan3A_93 : i32 to index
      %swap3A_119 = arith.constant 80 : index
      %swap3A_120 = tpu.vector_load %arg8[%swap3A_118, %swap3A_119] {strides = array<i32>} : memref<128x128xf32, #tpu.memory_space<vmem>>, vector<1x16xf32>,
      %swap3A_121 = vector.shape_cast %swap3A_120 : vector<1x16xf32> to vector<16xf32>
      %swap3A_122 = vector.shape_cast %broadcast_in_dim3A_1 : vector<16xf32> to vector<1x16xf32>
      tpu.vector_store %arg8[%swap3A_118, %swap3A_119], %swap3A_122 {strides = array<i32>} : memref<128x128xf32, #tpu.memory_space<vmem>>, vector<1x16xf32>,
      %swap3A_123 = arith.index_cast %scan3A_93 : i32 to index
      %swap3A_124 = arith.constant 96 : index
      %swap3A_125 = tpu.vector_load %arg8[%swap3A_123, %swap3A_124] {strides = array<i32>} : memref<128x128xf32, #tpu.memory_space<vmem>>, vector<1x16xf32>,
      %swap3A_126 = vector.shape_cast %swap3A_125 : vector<1x16xf32> to vector<16xf32>
      %swap3A_127 = vector.shape_cast %broadcast_in_dim3A_1 : vector<16xf32> to vector<1x16xf32>
      tpu.vector_store %arg8[%swap3A_123, %swap3A_124], %swap3A_127 {strides = array<i32>} : memref<128x128xf32, #tpu.memory_space<vmem>>, vector<1x16xf32>,
      %swap3A_128 = arith.index_cast %scan3A_93 : i32 to index
      %swap3A_129 = arith.constant 112 : index
      %swap3A_130 = tpu.vector_load %arg8[%swap3A_128, %swap3A_129] {strides = array<i32>} : memref<128x128xf32, #tpu.memory_space<vmem>>, vector<1x16xf32>,
      %swap3A_131 = vector.shape_cast %swap3A_130 : vector<1x16xf32> to vector<16xf32>
      %swap3A_132 = vector.shape_cast %broadcast_in_dim3A_1 : vector<16xf32> to vector<1x16xf32>
      tpu.vector_store %arg8[%swap3A_128, %swap3A_129], %swap3A_132 {strides = array<i32>} : memref<128x128xf32, #tpu.memory_space<vmem>>, vector<1x16xf32>,
    }
    %scan3A_6 = arith.constant 128 : i32
    %mul3A_7 = arith.constant 640 : i32
    %mul3A_8 = arith.muli %arg1, %mul3A_7 : i32
    %add3A_9 = arith.constant 0 : i32
    %add3A_10 = arith.addi %mul3A_8, %add3A_9 : i32
    "tpu.region"() ({
      %run_scoped3A = tpu.sem_alloc : memref<!tpu.dma_semaphore, #tpu.memory_space<semaphore_mem>>
      %dma_start3A = arith.constant 0 : i32
      %dma_start3A_93 = tpu.memref_slice %arg7[%add3A_10, %dma_start3A] : memref<10240x128xf32, #tpu.memory_space<vmem_shared>> -> memref<128x128xf32, #tpu.memory_space<vmem_shared>>
      %dma_start3A_94 = arith.constant 0 : i32
      %dma_start3A_95 = tpu.memref_slice %arg7[%add3A_10, %dma_start3A_94] : memref<10240x128xf32, #tpu.memory_space<vmem_shared>> -> memref<128x128xf32, #tpu.memory_space<vmem_shared>>
      tpu.enqueue_dma source(%arg8 : memref<128x128xf32, #tpu.memory_space<vmem>>) target(%dma_start3A_95 : memref<128x128xf32, #tpu.memory_space<vmem_shared>>) target_semaphore(%run_scoped3A : memref<!tpu.dma_semaphore, #tpu.memory_space<semaphore_mem>>)
      %dma_wait3A = arith.constant 0 : i32
      %dma_wait3A_96 = tpu.memref_slice %arg7[%add3A_10, %dma_wait3A] : memref<10240x128xf32, #tpu.memory_space<vmem_shared>> -> memref<128x128xf32, #tpu.memory_space<vmem_shared>>
      %dma_wait3A_97 = arith.constant 0 : i32
      %dma_wait3A_98 = tpu.memref_slice %arg7[%add3A_10, %dma_wait3A_97] : memref<10240x128xf32, #tpu.memory_space<vmem_shared>> -> memref<128x128xf32, #tpu.memory_space<vmem_shared>>
      tpu.wait_dma2 semaphore(%run_scoped3A : memref<!tpu.dma_semaphore, #tpu.memory_space<semaphore_mem>>) src(%arg8 : memref<128x128xf32, #tpu.memory_space<vmem>>) dst(%dma_wait3A_98 : memref<128x128xf32, #tpu.memory_space<vmem_shared>>)
      tpu.yield
    }) : () -> ()
    %mul3A_11 = arith.constant 640 : i32
    %mul3A_12 = arith.muli %arg1, %mul3A_11 : i32
    %add3A_13 = arith.constant 128 : i32
    %add3A_14 = arith.addi %mul3A_12, %add3A_13 : i32
    "tpu.region"() ({
      %run_scoped3A = tpu.sem_alloc : memref<!tpu.dma_semaphore, #tpu.memory_space<semaphore_mem>>
      %dma_start3A = arith.constant 0 : i32
      %dma_start3A_93 = tpu.memref_slice %arg7[%add3A_14, %dma_start3A] : memref<10240x128xf32, #tpu.memory_space<vmem_shared>> -> memref<128x128xf32, #tpu.memory_space<vmem_shared>>
      %dma_start3A_94 = arith.constant 0 : i32
      %dma_start3A_95 = tpu.memref_slice %arg7[%add3A_14, %dma_start3A_94] : memref<10240x128xf32, #tpu.memory_space<vmem_shared>> -> memref<128x128xf32, #tpu.memory_space<vmem_shared>>
      tpu.enqueue_dma source(%arg8 : memref<128x128xf32, #tpu.memory_space<vmem>>) target(%dma_start3A_95 : memref<128x128xf32, #tpu.memory_space<vmem_shared>>) target_semaphore(%run_scoped3A : memref<!tpu.dma_semaphore, #tpu.memory_space<semaphore_mem>>)
      %dma_wait3A = arith.constant 0 : i32
      %dma_wait3A_96 = tpu.memref_slice %arg7[%add3A_14, %dma_wait3A] : memref<10240x128xf32, #tpu.memory_space<vmem_shared>> -> memref<128x128xf32, #tpu.memory_space<vmem_shared>>
      %dma_wait3A_97 = arith.constant 0 : i32
      %dma_wait3A_98 = tpu.memref_slice %arg7[%add3A_14, %dma_wait3A_97] : memref<10240x128xf32, #tpu.memory_space<vmem_shared>> -> memref<128x128xf32, #tpu.memory_space<vmem_shared>>
      tpu.wait_dma2 semaphore(%run_scoped3A : memref<!tpu.dma_semaphore, #tpu.memory_space<semaphore_mem>>) src(%arg8 : memref<128x128xf32, #tpu.memory_space<vmem>>) dst(%dma_wait3A_98 : memref<128x128xf32, #tpu.memory_space<vmem_shared>>)
      tpu.yield
    }) : () -> ()
    %mul3A_15 = arith.constant 640 : i32
    %mul3A_16 = arith.muli %arg1, %mul3A_15 : i32
    %add3A_17 = arith.constant 256 : i32
    %add3A_18 = arith.addi %mul3A_16, %add3A_17 : i32
    "tpu.region"() ({
      %run_scoped3A = tpu.sem_alloc : memref<!tpu.dma_semaphore, #tpu.memory_space<semaphore_mem>>
      %dma_start3A = arith.constant 0 : i32
      %dma_start3A_93 = tpu.memref_slice %arg7[%add3A_18, %dma_start3A] : memref<10240x128xf32, #tpu.memory_space<vmem_shared>> -> memref<128x128xf32, #tpu.memory_space<vmem_shared>>
      %dma_start3A_94 = arith.constant 0 : i32
      %dma_start3A_95 = tpu.memref_slice %arg7[%add3A_18, %dma_start3A_94] : memref<10240x128xf32, #tpu.memory_space<vmem_shared>> -> memref<128x128xf32, #tpu.memory_space<vmem_shared>>
      tpu.enqueue_dma source(%arg8 : memref<128x128xf32, #tpu.memory_space<vmem>>) target(%dma_start3A_95 : memref<128x128xf32, #tpu.memory_space<vmem_shared>>) target_semaphore(%run_scoped3A : memref<!tpu.dma_semaphore, #tpu.memory_space<semaphore_mem>>)
      %dma_wait3A = arith.constant 0 : i32
      %dma_wait3A_96 = tpu.memref_slice %arg7[%add3A_18, %dma_wait3A] : memref<10240x128xf32, #tpu.memory_space<vmem_shared>> -> memref<128x128xf32, #tpu.memory_space<vmem_shared>>
      %dma_wait3A_97 = arith.constant 0 : i32
      %dma_wait3A_98 = tpu.memref_slice %arg7[%add3A_18, %dma_wait3A_97] : memref<10240x128xf32, #tpu.memory_space<vmem_shared>> -> memref<128x128xf32, #tpu.memory_space<vmem_shared>>
      tpu.wait_dma2 semaphore(%run_scoped3A : memref<!tpu.dma_semaphore, #tpu.memory_space<semaphore_mem>>) src(%arg8 : memref<128x128xf32, #tpu.memory_space<vmem>>) dst(%dma_wait3A_98 : memref<128x128xf32, #tpu.memory_space<vmem_shared>>)
      tpu.yield
    }) : () -> ()
    %mul3A_19 = arith.constant 640 : i32
    %mul3A_20 = arith.muli %arg1, %mul3A_19 : i32
    %add3A_21 = arith.constant 384 : i32
    %add3A_22 = arith.addi %mul3A_20, %add3A_21 : i32
    "tpu.region"() ({
      %run_scoped3A = tpu.sem_alloc : memref<!tpu.dma_semaphore, #tpu.memory_space<semaphore_mem>>
      %dma_start3A = arith.constant 0 : i32
      %dma_start3A_93 = tpu.memref_slice %arg7[%add3A_22, %dma_start3A] : memref<10240x128xf32, #tpu.memory_space<vmem_shared>> -> memref<128x128xf32, #tpu.memory_space<vmem_shared>>
      %dma_start3A_94 = arith.constant 0 : i32
      %dma_start3A_95 = tpu.memref_slice %arg7[%add3A_22, %dma_start3A_94] : memref<10240x128xf32, #tpu.memory_space<vmem_shared>> -> memref<128x128xf32, #tpu.memory_space<vmem_shared>>
      tpu.enqueue_dma source(%arg8 : memref<128x128xf32, #tpu.memory_space<vmem>>) target(%dma_start3A_95 : memref<128x128xf32, #tpu.memory_space<vmem_shared>>) target_semaphore(%run_scoped3A : memref<!tpu.dma_semaphore, #tpu.memory_space<semaphore_mem>>)
      %dma_wait3A = arith.constant 0 : i32
      %dma_wait3A_96 = tpu.memref_slice %arg7[%add3A_22, %dma_wait3A] : memref<10240x128xf32, #tpu.memory_space<vmem_shared>> -> memref<128x128xf32, #tpu.memory_space<vmem_shared>>
      %dma_wait3A_97 = arith.constant 0 : i32
      %dma_wait3A_98 = tpu.memref_slice %arg7[%add3A_22, %dma_wait3A_97] : memref<10240x128xf32, #tpu.memory_space<vmem_shared>> -> memref<128x128xf32, #tpu.memory_space<vmem_shared>>
      tpu.wait_dma2 semaphore(%run_scoped3A : memref<!tpu.dma_semaphore, #tpu.memory_space<semaphore_mem>>) src(%arg8 : memref<128x128xf32, #tpu.memory_space<vmem>>) dst(%dma_wait3A_98 : memref<128x128xf32, #tpu.memory_space<vmem_shared>>)
      tpu.yield
    }) : () -> ()
    %mul3A_23 = arith.constant 640 : i32
    %mul3A_24 = arith.muli %arg1, %mul3A_23 : i32
    %add3A_25 = arith.constant 512 : i32
    %add3A_26 = arith.addi %mul3A_24, %add3A_25 : i32
    "tpu.region"() ({
      %run_scoped3A = tpu.sem_alloc : memref<!tpu.dma_semaphore, #tpu.memory_space<semaphore_mem>>
      %dma_start3A = arith.constant 0 : i32
      %dma_start3A_93 = tpu.memref_slice %arg7[%add3A_26, %dma_start3A] : memref<10240x128xf32, #tpu.memory_space<vmem_shared>> -> memref<128x128xf32, #tpu.memory_space<vmem_shared>>
      %dma_start3A_94 = arith.constant 0 : i32
      %dma_start3A_95 = tpu.memref_slice %arg7[%add3A_26, %dma_start3A_94] : memref<10240x128xf32, #tpu.memory_space<vmem_shared>> -> memref<128x128xf32, #tpu.memory_space<vmem_shared>>
      tpu.enqueue_dma source(%arg8 : memref<128x128xf32, #tpu.memory_space<vmem>>) target(%dma_start3A_95 : memref<128x128xf32, #tpu.memory_space<vmem_shared>>) target_semaphore(%run_scoped3A : memref<!tpu.dma_semaphore, #tpu.memory_space<semaphore_mem>>)
      %dma_wait3A = arith.constant 0 : i32
      %dma_wait3A_96 = tpu.memref_slice %arg7[%add3A_26, %dma_wait3A] : memref<10240x128xf32, #tpu.memory_space<vmem_shared>> -> memref<128x128xf32, #tpu.memory_space<vmem_shared>>
      %dma_wait3A_97 = arith.constant 0 : i32
      %dma_wait3A_98 = tpu.memref_slice %arg7[%add3A_26, %dma_wait3A_97] : memref<10240x128xf32, #tpu.memory_space<vmem_shared>> -> memref<128x128xf32, #tpu.memory_space<vmem_shared>>
      tpu.wait_dma2 semaphore(%run_scoped3A : memref<!tpu.dma_semaphore, #tpu.memory_space<semaphore_mem>>) src(%arg8 : memref<128x128xf32, #tpu.memory_space<vmem>>) dst(%dma_wait3A_98 : memref<128x128xf32, #tpu.memory_space<vmem_shared>>)
      tpu.yield
    }) : () -> ()
    %barrier3A = arith.constant 0 : index
    tpu.barrier barrier_id(%barrier3A)
    %mul3A_27 = arith.constant 10112 : i32
    %mul3A_28 = arith.muli %add3A, %mul3A_27 : i32
    %broadcast_in_dim3A_29 = arith.constant 10232 : i32
    %broadcast_in_dim3A_30 = vector.broadcast %broadcast_in_dim3A_29 : i32 to vector<16xi32>
    %scan3A_31 = arith.constant 0 : i32
    %scan3A_32 = arith.constant 0 : i32
    %scan3A_33 = arith.constant 79 : i32
    %scan3A_34 = arith.addi %scan3A_32, %scan3A_33 : i32
    %scan3A_35 = arith.constant 1 : i32
    scf.for %scan3A_93 = %scan3A_32 to %scan3A_34 step %scan3A_35  : i32 {
      %mul3A_94 = arith.constant 128 : i32
      %mul3A_95 = arith.muli %scan3A_93, %mul3A_94 : i32
      %add3A_96 = arith.addi %mul3A_28, %mul3A_95 : i32
      "tpu.region"() ({
        %run_scoped3A = tpu.sem_alloc : memref<!tpu.dma_semaphore, #tpu.memory_space<semaphore_mem>>
        %dma_start3A_209 = tpu.memref_slice %arg3[%add3A_96] : memref<323584xi32, #tpu.memory_space<hbm>> -> memref<128xi32, #tpu.memory_space<hbm>>
        %dma_start3A_210 = tpu.memref_slice %arg3[%add3A_96] : memref<323584xi32, #tpu.memory_space<hbm>> -> memref<128xi32, #tpu.memory_space<hbm>>
        tpu.enqueue_dma source(%dma_start3A_210 : memref<128xi32, #tpu.memory_space<hbm>>) target(%arg10 : memref<128xi32, #tpu.memory_space<vmem>>) target_semaphore(%run_scoped3A : memref<!tpu.dma_semaphore, #tpu.memory_space<semaphore_mem>>)
        %dma_wait3A_211 = tpu.memref_slice %arg3[%add3A_96] : memref<323584xi32, #tpu.memory_space<hbm>> -> memref<128xi32, #tpu.memory_space<hbm>>
        %dma_wait3A_212 = tpu.memref_slice %arg3[%add3A_96] : memref<323584xi32, #tpu.memory_space<hbm>> -> memref<128xi32, #tpu.memory_space<hbm>>
        tpu.wait_dma2 semaphore(%run_scoped3A : memref<!tpu.dma_semaphore, #tpu.memory_space<semaphore_mem>>) src(%dma_wait3A_212 : memref<128xi32, #tpu.memory_space<hbm>>) dst(%arg10 : memref<128xi32, #tpu.memory_space<vmem>>)
        tpu.yield
      }) : () -> ()
      "tpu.region"() ({
        %run_scoped3A = tpu.sem_alloc : memref<!tpu.dma_semaphore, #tpu.memory_space<semaphore_mem>>
        %dma_start3A_209 = tpu.memref_slice %arg4[%add3A_96] : memref<323584xi32, #tpu.memory_space<hbm>> -> memref<128xi32, #tpu.memory_space<hbm>>
        %dma_start3A_210 = tpu.memref_slice %arg4[%add3A_96] : memref<323584xi32, #tpu.memory_space<hbm>> -> memref<128xi32, #tpu.memory_space<hbm>>
        tpu.enqueue_dma source(%dma_start3A_210 : memref<128xi32, #tpu.memory_space<hbm>>) target(%arg11 : memref<128xi32, #tpu.memory_space<vmem>>) target_semaphore(%run_scoped3A : memref<!tpu.dma_semaphore, #tpu.memory_space<semaphore_mem>>)
        %dma_wait3A_211 = tpu.memref_slice %arg4[%add3A_96] : memref<323584xi32, #tpu.memory_space<hbm>> -> memref<128xi32, #tpu.memory_space<hbm>>
        %dma_wait3A_212 = tpu.memref_slice %arg4[%add3A_96] : memref<323584xi32, #tpu.memory_space<hbm>> -> memref<128xi32, #tpu.memory_space<hbm>>
        tpu.wait_dma2 semaphore(%run_scoped3A : memref<!tpu.dma_semaphore, #tpu.memory_space<semaphore_mem>>) src(%dma_wait3A_212 : memref<128xi32, #tpu.memory_space<hbm>>) dst(%arg11 : memref<128xi32, #tpu.memory_space<vmem>>)
        tpu.yield
      }) : () -> ()
      "tpu.region"() ({
        %run_scoped3A = tpu.sem_alloc : memref<!tpu.dma_semaphore, #tpu.memory_space<semaphore_mem>>
        %dma_start3A_209 = tpu.memref_slice %arg5[%add3A_96] : memref<323584xi32, #tpu.memory_space<hbm>> -> memref<128xi32, #tpu.memory_space<hbm>>
        %dma_start3A_210 = tpu.memref_slice %arg5[%add3A_96] : memref<323584xi32, #tpu.memory_space<hbm>> -> memref<128xi32, #tpu.memory_space<hbm>>
        tpu.enqueue_dma source(%dma_start3A_210 : memref<128xi32, #tpu.memory_space<hbm>>) target(%arg12 : memref<128xi32, #tpu.memory_space<vmem>>) target_semaphore(%run_scoped3A : memref<!tpu.dma_semaphore, #tpu.memory_space<semaphore_mem>>)
        %dma_wait3A_211 = tpu.memref_slice %arg5[%add3A_96] : memref<323584xi32, #tpu.memory_space<hbm>> -> memref<128xi32, #tpu.memory_space<hbm>>
        %dma_wait3A_212 = tpu.memref_slice %arg5[%add3A_96] : memref<323584xi32, #tpu.memory_space<hbm>> -> memref<128xi32, #tpu.memory_space<hbm>>
        tpu.wait_dma2 semaphore(%run_scoped3A : memref<!tpu.dma_semaphore, #tpu.memory_space<semaphore_mem>>) src(%dma_wait3A_212 : memref<128xi32, #tpu.memory_space<hbm>>) dst(%arg12 : memref<128xi32, #tpu.memory_space<vmem>>)
        tpu.yield
      }) : () -> ()
      %dma_start3A = arith.constant 0 : i32
      %dma_start3A_97 = arith.constant 0 : i32
      %dma_start3A_98 = tpu.memref_slice %arg2[%dma_start3A, %dma_start3A_97] : memref<10240x128xf32, #tpu.memory_space<hbm>> -> memref<10240x128xf32, #tpu.memory_space<hbm>>
      tpu.enqueue_indirect_dma source(%dma_start3A_98 : memref<10240x128xf32, #tpu.memory_space<hbm>>) target(%arg8 : memref<128x128xf32, #tpu.memory_space<vmem>>) offsets(%arg10 : memref<128xi32, #tpu.memory_space<vmem>>) semaphore(%arg13 : memref<!tpu.dma_semaphore, #tpu.memory_space<semaphore_mem>>)
      %dma_wait3A = arith.constant 0 : i32
      %dma_wait3A_99 = arith.constant 0 : i32
      %dma_wait3A_100 = tpu.memref_slice %arg2[%dma_wait3A, %dma_wait3A_99] : memref<10240x128xf32, #tpu.memory_space<hbm>> -> memref<10240x128xf32, #tpu.memory_space<hbm>>
      tpu.wait_indirect_dma semaphore(%arg13 : memref<!tpu.dma_semaphore, #tpu.memory_space<semaphore_mem>>) src(%dma_wait3A_100 : memref<10240x128xf32, #tpu.memory_space<hbm>>) dst(%arg8 : memref<128x128xf32, #tpu.memory_space<vmem>>)
      %get3A = arith.constant 0 : index
      %get3A_101 = tpu.vector_load %arg11[%get3A] {strides = array<i32>} : memref<128xi32, #tpu.memory_space<vmem>>, vector<16xi32>,
      %get3A_102 = vector.shape_cast %get3A_101 : vector<16xi32> to vector<16xi32>
      %get3A_103 = arith.constant 0 : index
      %get3A_104 = tpu.vector_load %arg12[%get3A_103] {strides = array<i32>} : memref<128xi32, #tpu.memory_space<vmem>>, vector<16xi32>,
      %get3A_105 = vector.shape_cast %get3A_104 : vector<16xi32> to vector<16xi32>
      %lt3A = arith.constant 3 : i32
      %lt3A_106 = vector.broadcast %lt3A : i32 to vector<16xi32>
      %lt3A_107 = arith.cmpi slt, %get3A_105, %lt3A_106 : vector<16xi32>
      %select_n3A = arith.select %lt3A_107, %get3A_102, %broadcast_in_dim3A_30 : vector<16xi1>, vector<16xi32>
      %swap3A = arith.constant 0 : index
      %swap3A_108 = tpu.vector_load %arg11[%swap3A] {strides = array<i32>} : memref<128xi32, #tpu.memory_space<vmem>>, vector<16xi32>,
      %swap3A_109 = vector.shape_cast %swap3A_108 : vector<16xi32> to vector<16xi32>
      %swap3A_110 = vector.shape_cast %select_n3A : vector<16xi32> to vector<16xi32>
      tpu.vector_store %arg11[%swap3A], %swap3A_110 {strides = array<i32>} : memref<128xi32, #tpu.memory_space<vmem>>, vector<16xi32>,
      %get3A_111 = arith.constant 16 : index
      %get3A_112 = tpu.vector_load %arg11[%get3A_111] {strides = array<i32>} : memref<128xi32, #tpu.memory_space<vmem>>, vector<16xi32>,
      %get3A_113 = vector.shape_cast %get3A_112 : vector<16xi32> to vector<16xi32>
      %get3A_114 = arith.constant 16 : index
      %get3A_115 = tpu.vector_load %arg12[%get3A_114] {strides = array<i32>} : memref<128xi32, #tpu.memory_space<vmem>>, vector<16xi32>,
      %get3A_116 = vector.shape_cast %get3A_115 : vector<16xi32> to vector<16xi32>
      %lt3A_117 = arith.constant 3 : i32
      %lt3A_118 = vector.broadcast %lt3A_117 : i32 to vector<16xi32>
      %lt3A_119 = arith.cmpi slt, %get3A_116, %lt3A_118 : vector<16xi32>
      %select_n3A_120 = arith.select %lt3A_119, %get3A_113, %broadcast_in_dim3A_30 : vector<16xi1>, vector<16xi32>
      %swap3A_121 = arith.constant 16 : index
      %swap3A_122 = tpu.vector_load %arg11[%swap3A_121] {strides = array<i32>} : memref<128xi32, #tpu.memory_space<vmem>>, vector<16xi32>,
      %swap3A_123 = vector.shape_cast %swap3A_122 : vector<16xi32> to vector<16xi32>
      %swap3A_124 = vector.shape_cast %select_n3A_120 : vector<16xi32> to vector<16xi32>
      tpu.vector_store %arg11[%swap3A_121], %swap3A_124 {strides = array<i32>} : memref<128xi32, #tpu.memory_space<vmem>>, vector<16xi32>,
      %get3A_125 = arith.constant 32 : index
      %get3A_126 = tpu.vector_load %arg11[%get3A_125] {strides = array<i32>} : memref<128xi32, #tpu.memory_space<vmem>>, vector<16xi32>,
      %get3A_127 = vector.shape_cast %get3A_126 : vector<16xi32> to vector<16xi32>
      %get3A_128 = arith.constant 32 : index
      %get3A_129 = tpu.vector_load %arg12[%get3A_128] {strides = array<i32>} : memref<128xi32, #tpu.memory_space<vmem>>, vector<16xi32>,
      %get3A_130 = vector.shape_cast %get3A_129 : vector<16xi32> to vector<16xi32>
      %lt3A_131 = arith.constant 3 : i32
      %lt3A_132 = vector.broadcast %lt3A_131 : i32 to vector<16xi32>
      %lt3A_133 = arith.cmpi slt, %get3A_130, %lt3A_132 : vector<16xi32>
      %select_n3A_134 = arith.select %lt3A_133, %get3A_127, %broadcast_in_dim3A_30 : vector<16xi1>, vector<16xi32>
      %swap3A_135 = arith.constant 32 : index
      %swap3A_136 = tpu.vector_load %arg11[%swap3A_135] {strides = array<i32>} : memref<128xi32, #tpu.memory_space<vmem>>, vector<16xi32>,
      %swap3A_137 = vector.shape_cast %swap3A_136 : vector<16xi32> to vector<16xi32>
      %swap3A_138 = vector.shape_cast %select_n3A_134 : vector<16xi32> to vector<16xi32>
      tpu.vector_store %arg11[%swap3A_135], %swap3A_138 {strides = array<i32>} : memref<128xi32, #tpu.memory_space<vmem>>, vector<16xi32>,
      %get3A_139 = arith.constant 48 : index
      %get3A_140 = tpu.vector_load %arg11[%get3A_139] {strides = array<i32>} : memref<128xi32, #tpu.memory_space<vmem>>, vector<16xi32>,
      %get3A_141 = vector.shape_cast %get3A_140 : vector<16xi32> to vector<16xi32>
      %get3A_142 = arith.constant 48 : index
      %get3A_143 = tpu.vector_load %arg12[%get3A_142] {strides = array<i32>} : memref<128xi32, #tpu.memory_space<vmem>>, vector<16xi32>,
      %get3A_144 = vector.shape_cast %get3A_143 : vector<16xi32> to vector<16xi32>
      %lt3A_145 = arith.constant 3 : i32
      %lt3A_146 = vector.broadcast %lt3A_145 : i32 to vector<16xi32>
      %lt3A_147 = arith.cmpi slt, %get3A_144, %lt3A_146 : vector<16xi32>
      %select_n3A_148 = arith.select %lt3A_147, %get3A_141, %broadcast_in_dim3A_30 : vector<16xi1>, vector<16xi32>
      %swap3A_149 = arith.constant 48 : index
      %swap3A_150 = tpu.vector_load %arg11[%swap3A_149] {strides = array<i32>} : memref<128xi32, #tpu.memory_space<vmem>>, vector<16xi32>,
      %swap3A_151 = vector.shape_cast %swap3A_150 : vector<16xi32> to vector<16xi32>
      %swap3A_152 = vector.shape_cast %select_n3A_148 : vector<16xi32> to vector<16xi32>
      tpu.vector_store %arg11[%swap3A_149], %swap3A_152 {strides = array<i32>} : memref<128xi32, #tpu.memory_space<vmem>>, vector<16xi32>,
      %get3A_153 = arith.constant 64 : index
      %get3A_154 = tpu.vector_load %arg11[%get3A_153] {strides = array<i32>} : memref<128xi32, #tpu.memory_space<vmem>>, vector<16xi32>,
      %get3A_155 = vector.shape_cast %get3A_154 : vector<16xi32> to vector<16xi32>
      %get3A_156 = arith.constant 64 : index
      %get3A_157 = tpu.vector_load %arg12[%get3A_156] {strides = array<i32>} : memref<128xi32, #tpu.memory_space<vmem>>, vector<16xi32>,
      %get3A_158 = vector.shape_cast %get3A_157 : vector<16xi32> to vector<16xi32>
      %lt3A_159 = arith.constant 3 : i32
      %lt3A_160 = vector.broadcast %lt3A_159 : i32 to vector<16xi32>
      %lt3A_161 = arith.cmpi slt, %get3A_158, %lt3A_160 : vector<16xi32>
      %select_n3A_162 = arith.select %lt3A_161, %get3A_155, %broadcast_in_dim3A_30 : vector<16xi1>, vector<16xi32>
      %swap3A_163 = arith.constant 64 : index
      %swap3A_164 = tpu.vector_load %arg11[%swap3A_163] {strides = array<i32>} : memref<128xi32, #tpu.memory_space<vmem>>, vector<16xi32>,
      %swap3A_165 = vector.shape_cast %swap3A_164 : vector<16xi32> to vector<16xi32>
      %swap3A_166 = vector.shape_cast %select_n3A_162 : vector<16xi32> to vector<16xi32>
      tpu.vector_store %arg11[%swap3A_163], %swap3A_166 {strides = array<i32>} : memref<128xi32, #tpu.memory_space<vmem>>, vector<16xi32>,
      %get3A_167 = arith.constant 80 : index
      %get3A_168 = tpu.vector_load %arg11[%get3A_167] {strides = array<i32>} : memref<128xi32, #tpu.memory_space<vmem>>, vector<16xi32>,
      %get3A_169 = vector.shape_cast %get3A_168 : vector<16xi32> to vector<16xi32>
      %get3A_170 = arith.constant 80 : index
      %get3A_171 = tpu.vector_load %arg12[%get3A_170] {strides = array<i32>} : memref<128xi32, #tpu.memory_space<vmem>>, vector<16xi32>,
      %get3A_172 = vector.shape_cast %get3A_171 : vector<16xi32> to vector<16xi32>
      %lt3A_173 = arith.constant 3 : i32
      %lt3A_174 = vector.broadcast %lt3A_173 : i32 to vector<16xi32>
      %lt3A_175 = arith.cmpi slt, %get3A_172, %lt3A_174 : vector<16xi32>
      %select_n3A_176 = arith.select %lt3A_175, %get3A_169, %broadcast_in_dim3A_30 : vector<16xi1>, vector<16xi32>
      %swap3A_177 = arith.constant 80 : index
      %swap3A_178 = tpu.vector_load %arg11[%swap3A_177] {strides = array<i32>} : memref<128xi32, #tpu.memory_space<vmem>>, vector<16xi32>,
      %swap3A_179 = vector.shape_cast %swap3A_178 : vector<16xi32> to vector<16xi32>
      %swap3A_180 = vector.shape_cast %select_n3A_176 : vector<16xi32> to vector<16xi32>
      tpu.vector_store %arg11[%swap3A_177], %swap3A_180 {strides = array<i32>} : memref<128xi32, #tpu.memory_space<vmem>>, vector<16xi32>,
      %get3A_181 = arith.constant 96 : index
      %get3A_182 = tpu.vector_load %arg11[%get3A_181] {strides = array<i32>} : memref<128xi32, #tpu.memory_space<vmem>>, vector<16xi32>,
      %get3A_183 = vector.shape_cast %get3A_182 : vector<16xi32> to vector<16xi32>
      %get3A_184 = arith.constant 96 : index
      %get3A_185 = tpu.vector_load %arg12[%get3A_184] {strides = array<i32>} : memref<128xi32, #tpu.memory_space<vmem>>, vector<16xi32>,
      %get3A_186 = vector.shape_cast %get3A_185 : vector<16xi32> to vector<16xi32>
      %lt3A_187 = arith.constant 3 : i32
      %lt3A_188 = vector.broadcast %lt3A_187 : i32 to vector<16xi32>
      %lt3A_189 = arith.cmpi slt, %get3A_186, %lt3A_188 : vector<16xi32>
      %select_n3A_190 = arith.select %lt3A_189, %get3A_183, %broadcast_in_dim3A_30 : vector<16xi1>, vector<16xi32>
      %swap3A_191 = arith.constant 96 : index
      %swap3A_192 = tpu.vector_load %arg11[%swap3A_191] {strides = array<i32>} : memref<128xi32, #tpu.memory_space<vmem>>, vector<16xi32>,
      %swap3A_193 = vector.shape_cast %swap3A_192 : vector<16xi32> to vector<16xi32>
      %swap3A_194 = vector.shape_cast %select_n3A_190 : vector<16xi32> to vector<16xi32>
      tpu.vector_store %arg11[%swap3A_191], %swap3A_194 {strides = array<i32>} : memref<128xi32, #tpu.memory_space<vmem>>, vector<16xi32>,
      %get3A_195 = arith.constant 112 : index
      %get3A_196 = tpu.vector_load %arg11[%get3A_195] {strides = array<i32>} : memref<128xi32, #tpu.memory_space<vmem>>, vector<16xi32>,
      %get3A_197 = vector.shape_cast %get3A_196 : vector<16xi32> to vector<16xi32>
      %get3A_198 = arith.constant 112 : index
      %get3A_199 = tpu.vector_load %arg12[%get3A_198] {strides = array<i32>} : memref<128xi32, #tpu.memory_space<vmem>>, vector<16xi32>,
      %get3A_200 = vector.shape_cast %get3A_199 : vector<16xi32> to vector<16xi32>
      %lt3A_201 = arith.constant 3 : i32
      %lt3A_202 = vector.broadcast %lt3A_201 : i32 to vector<16xi32>
      %lt3A_203 = arith.cmpi slt, %get3A_200, %lt3A_202 : vector<16xi32>
      %select_n3A_204 = arith.select %lt3A_203, %get3A_197, %broadcast_in_dim3A_30 : vector<16xi1>, vector<16xi32>
      %swap3A_205 = arith.constant 112 : index
      %swap3A_206 = tpu.vector_load %arg11[%swap3A_205] {strides = array<i32>} : memref<128xi32, #tpu.memory_space<vmem>>, vector<16xi32>,
      %swap3A_207 = vector.shape_cast %swap3A_206 : vector<16xi32> to vector<16xi32>
      %swap3A_208 = vector.shape_cast %select_n3A_204 : vector<16xi32> to vector<16xi32>
      tpu.vector_store %arg11[%swap3A_205], %swap3A_208 {strides = array<i32>} : memref<128xi32, #tpu.memory_space<vmem>>, vector<16xi32>,
      "tpu.region"() ({
        %run_scoped3A = tpu.sem_alloc : memref<!tpu.dma_semaphore, #tpu.memory_space<semaphore_mem>>
        %dma_start3A_209 = arith.constant 0 : i32
        %dma_start3A_210 = arith.constant 0 : i32
        %dma_start3A_211 = tpu.memref_slice %arg7[%dma_start3A_209, %dma_start3A_210] : memref<10240x128xf32, #tpu.memory_space<vmem_shared>> -> memref<10240x128xf32, #tpu.memory_space<vmem_shared>>
        tpu.enqueue_indirect_dma source(%arg8 : memref<128x128xf32, #tpu.memory_space<vmem>>) target(%dma_start3A_211 : memref<10240x128xf32, #tpu.memory_space<vmem_shared>>) offsets(%arg11 : memref<128xi32, #tpu.memory_space<vmem>>) semaphore(%run_scoped3A : memref<!tpu.dma_semaphore, #tpu.memory_space<semaphore_mem>>) {add = true}
        %dma_wait3A_212 = arith.constant 0 : i32
        %dma_wait3A_213 = arith.constant 0 : i32
        %dma_wait3A_214 = tpu.memref_slice %arg7[%dma_wait3A_212, %dma_wait3A_213] : memref<10240x128xf32, #tpu.memory_space<vmem_shared>> -> memref<10240x128xf32, #tpu.memory_space<vmem_shared>>
        tpu.wait_indirect_dma semaphore(%run_scoped3A : memref<!tpu.dma_semaphore, #tpu.memory_space<semaphore_mem>>) src(%arg8 : memref<128x128xf32, #tpu.memory_space<vmem>>) dst(%dma_wait3A_214 : memref<10240x128xf32, #tpu.memory_space<vmem_shared>>)
        tpu.yield
      }) : () -> ()
    }
    %scan3A_36 = arith.constant 79 : i32
    %barrier3A_37 = arith.constant 0 : index
    tpu.barrier barrier_id(%barrier3A_37)
    %mul3A_38 = arith.constant 640 : i32
    %mul3A_39 = arith.muli %arg1, %mul3A_38 : i32
    %add3A_40 = arith.constant 0 : i32
    %add3A_41 = arith.addi %mul3A_39, %add3A_40 : i32
    "tpu.region"() ({
      %run_scoped3A = tpu.sem_alloc : memref<!tpu.dma_semaphore, #tpu.memory_space<semaphore_mem>>
      %dma_start3A = arith.constant 0 : i32
      %dma_start3A_93 = tpu.memref_slice %arg7[%add3A_41, %dma_start3A] : memref<10240x128xf32, #tpu.memory_space<vmem_shared>> -> memref<128x128xf32, #tpu.memory_space<vmem_shared>>
      %dma_start3A_94 = arith.constant 0 : i32
      %dma_start3A_95 = tpu.memref_slice %arg7[%add3A_41, %dma_start3A_94] : memref<10240x128xf32, #tpu.memory_space<vmem_shared>> -> memref<128x128xf32, #tpu.memory_space<vmem_shared>>
      tpu.enqueue_dma source(%dma_start3A_95 : memref<128x128xf32, #tpu.memory_space<vmem_shared>>) target(%arg9 : memref<128x128xf32, #tpu.memory_space<vmem>>) target_semaphore(%run_scoped3A : memref<!tpu.dma_semaphore, #tpu.memory_space<semaphore_mem>>)
      %dma_wait3A = arith.constant 0 : i32
      %dma_wait3A_96 = tpu.memref_slice %arg7[%add3A_41, %dma_wait3A] : memref<10240x128xf32, #tpu.memory_space<vmem_shared>> -> memref<128x128xf32, #tpu.memory_space<vmem_shared>>
      %dma_wait3A_97 = arith.constant 0 : i32
      %dma_wait3A_98 = tpu.memref_slice %arg7[%add3A_41, %dma_wait3A_97] : memref<10240x128xf32, #tpu.memory_space<vmem_shared>> -> memref<128x128xf32, #tpu.memory_space<vmem_shared>>
      tpu.wait_dma2 semaphore(%run_scoped3A : memref<!tpu.dma_semaphore, #tpu.memory_space<semaphore_mem>>) src(%dma_wait3A_98 : memref<128x128xf32, #tpu.memory_space<vmem_shared>>) dst(%arg9 : memref<128x128xf32, #tpu.memory_space<vmem>>)
      tpu.yield
    }) : () -> ()
    %mul3A_42 = arith.constant 10240 : i32
    %mul3A_43 = arith.muli %arg0, %mul3A_42 : i32
    %mul3A_44 = arith.constant 640 : i32
    %mul3A_45 = arith.muli %arg1, %mul3A_44 : i32
    %add3A_46 = arith.addi %mul3A_43, %mul3A_45 : i32
    %add3A_47 = arith.constant 0 : i32
    %add3A_48 = arith.addi %add3A_46, %add3A_47 : i32
    "tpu.region"() ({
      %run_scoped3A = tpu.sem_alloc : memref<!tpu.dma_semaphore, #tpu.memory_space<semaphore_mem>>
      %dma_start3A = arith.constant 0 : i32
      %dma_start3A_93 = tpu.memref_slice %arg6[%add3A_48, %dma_start3A] : memref<20480x128xf32, #tpu.memory_space<hbm>> -> memref<128x128xf32, #tpu.memory_space<hbm>>
      %dma_start3A_94 = arith.constant 0 : i32
      %dma_start3A_95 = tpu.memref_slice %arg6[%add3A_48, %dma_start3A_94] : memref<20480x128xf32, #tpu.memory_space<hbm>> -> memref<128x128xf32, #tpu.memory_space<hbm>>
      tpu.enqueue_dma source(%arg9 : memref<128x128xf32, #tpu.memory_space<vmem>>) target(%dma_start3A_95 : memref<128x128xf32, #tpu.memory_space<hbm>>) target_semaphore(%run_scoped3A : memref<!tpu.dma_semaphore, #tpu.memory_space<semaphore_mem>>)
      %dma_wait3A = arith.constant 0 : i32
      %dma_wait3A_96 = tpu.memref_slice %arg6[%add3A_48, %dma_wait3A] : memref<20480x128xf32, #tpu.memory_space<hbm>> -> memref<128x128xf32, #tpu.memory_space<hbm>>
      %dma_wait3A_97 = arith.constant 0 : i32
      %dma_wait3A_98 = tpu.memref_slice %arg6[%add3A_48, %dma_wait3A_97] : memref<20480x128xf32, #tpu.memory_space<hbm>> -> memref<128x128xf32, #tpu.memory_space<hbm>>
      tpu.wait_dma2 semaphore(%run_scoped3A : memref<!tpu.dma_semaphore, #tpu.memory_space<semaphore_mem>>) src(%arg9 : memref<128x128xf32, #tpu.memory_space<vmem>>) dst(%dma_wait3A_98 : memref<128x128xf32, #tpu.memory_space<hbm>>)
      tpu.yield
    }) : () -> ()
    %mul3A_49 = arith.constant 640 : i32
    %mul3A_50 = arith.muli %arg1, %mul3A_49 : i32
    %add3A_51 = arith.constant 128 : i32
    %add3A_52 = arith.addi %mul3A_50, %add3A_51 : i32
    "tpu.region"() ({
      %run_scoped3A = tpu.sem_alloc : memref<!tpu.dma_semaphore, #tpu.memory_space<semaphore_mem>>
      %dma_start3A = arith.constant 0 : i32
      %dma_start3A_93 = tpu.memref_slice %arg7[%add3A_52, %dma_start3A] : memref<10240x128xf32, #tpu.memory_space<vmem_shared>> -> memref<128x128xf32, #tpu.memory_space<vmem_shared>>
      %dma_start3A_94 = arith.constant 0 : i32
      %dma_start3A_95 = tpu.memref_slice %arg7[%add3A_52, %dma_start3A_94] : memref<10240x128xf32, #tpu.memory_space<vmem_shared>> -> memref<128x128xf32, #tpu.memory_space<vmem_shared>>
      tpu.enqueue_dma source(%dma_start3A_95 : memref<128x128xf32, #tpu.memory_space<vmem_shared>>) target(%arg9 : memref<128x128xf32, #tpu.memory_space<vmem>>) target_semaphore(%run_scoped3A : memref<!tpu.dma_semaphore, #tpu.memory_space<semaphore_mem>>)
      %dma_wait3A = arith.constant 0 : i32
      %dma_wait3A_96 = tpu.memref_slice %arg7[%add3A_52, %dma_wait3A] : memref<10240x128xf32, #tpu.memory_space<vmem_shared>> -> memref<128x128xf32, #tpu.memory_space<vmem_shared>>
      %dma_wait3A_97 = arith.constant 0 : i32
      %dma_wait3A_98 = tpu.memref_slice %arg7[%add3A_52, %dma_wait3A_97] : memref<10240x128xf32, #tpu.memory_space<vmem_shared>> -> memref<128x128xf32, #tpu.memory_space<vmem_shared>>
      tpu.wait_dma2 semaphore(%run_scoped3A : memref<!tpu.dma_semaphore, #tpu.memory_space<semaphore_mem>>) src(%dma_wait3A_98 : memref<128x128xf32, #tpu.memory_space<vmem_shared>>) dst(%arg9 : memref<128x128xf32, #tpu.memory_space<vmem>>)
      tpu.yield
    }) : () -> ()
    %mul3A_53 = arith.constant 10240 : i32
    %mul3A_54 = arith.muli %arg0, %mul3A_53 : i32
    %mul3A_55 = arith.constant 640 : i32
    %mul3A_56 = arith.muli %arg1, %mul3A_55 : i32
    %add3A_57 = arith.addi %mul3A_54, %mul3A_56 : i32
    %add3A_58 = arith.constant 128 : i32
    %add3A_59 = arith.addi %add3A_57, %add3A_58 : i32
    "tpu.region"() ({
      %run_scoped3A = tpu.sem_alloc : memref<!tpu.dma_semaphore, #tpu.memory_space<semaphore_mem>>
      %dma_start3A = arith.constant 0 : i32
      %dma_start3A_93 = tpu.memref_slice %arg6[%add3A_59, %dma_start3A] : memref<20480x128xf32, #tpu.memory_space<hbm>> -> memref<128x128xf32, #tpu.memory_space<hbm>>
      %dma_start3A_94 = arith.constant 0 : i32
      %dma_start3A_95 = tpu.memref_slice %arg6[%add3A_59, %dma_start3A_94] : memref<20480x128xf32, #tpu.memory_space<hbm>> -> memref<128x128xf32, #tpu.memory_space<hbm>>
      tpu.enqueue_dma source(%arg9 : memref<128x128xf32, #tpu.memory_space<vmem>>) target(%dma_start3A_95 : memref<128x128xf32, #tpu.memory_space<hbm>>) target_semaphore(%run_scoped3A : memref<!tpu.dma_semaphore, #tpu.memory_space<semaphore_mem>>)
      %dma_wait3A = arith.constant 0 : i32
      %dma_wait3A_96 = tpu.memref_slice %arg6[%add3A_59, %dma_wait3A] : memref<20480x128xf32, #tpu.memory_space<hbm>> -> memref<128x128xf32, #tpu.memory_space<hbm>>
      %dma_wait3A_97 = arith.constant 0 : i32
      %dma_wait3A_98 = tpu.memref_slice %arg6[%add3A_59, %dma_wait3A_97] : memref<20480x128xf32, #tpu.memory_space<hbm>> -> memref<128x128xf32, #tpu.memory_space<hbm>>
      tpu.wait_dma2 semaphore(%run_scoped3A : memref<!tpu.dma_semaphore, #tpu.memory_space<semaphore_mem>>) src(%arg9 : memref<128x128xf32, #tpu.memory_space<vmem>>) dst(%dma_wait3A_98 : memref<128x128xf32, #tpu.memory_space<hbm>>)
      tpu.yield
    }) : () -> ()
    %mul3A_60 = arith.constant 640 : i32
    %mul3A_61 = arith.muli %arg1, %mul3A_60 : i32
    %add3A_62 = arith.constant 256 : i32
    %add3A_63 = arith.addi %mul3A_61, %add3A_62 : i32
    "tpu.region"() ({
      %run_scoped3A = tpu.sem_alloc : memref<!tpu.dma_semaphore, #tpu.memory_space<semaphore_mem>>
      %dma_start3A = arith.constant 0 : i32
      %dma_start3A_93 = tpu.memref_slice %arg7[%add3A_63, %dma_start3A] : memref<10240x128xf32, #tpu.memory_space<vmem_shared>> -> memref<128x128xf32, #tpu.memory_space<vmem_shared>>
      %dma_start3A_94 = arith.constant 0 : i32
      %dma_start3A_95 = tpu.memref_slice %arg7[%add3A_63, %dma_start3A_94] : memref<10240x128xf32, #tpu.memory_space<vmem_shared>> -> memref<128x128xf32, #tpu.memory_space<vmem_shared>>
      tpu.enqueue_dma source(%dma_start3A_95 : memref<128x128xf32, #tpu.memory_space<vmem_shared>>) target(%arg9 : memref<128x128xf32, #tpu.memory_space<vmem>>) target_semaphore(%run_scoped3A : memref<!tpu.dma_semaphore, #tpu.memory_space<semaphore_mem>>)
      %dma_wait3A = arith.constant 0 : i32
      %dma_wait3A_96 = tpu.memref_slice %arg7[%add3A_63, %dma_wait3A] : memref<10240x128xf32, #tpu.memory_space<vmem_shared>> -> memref<128x128xf32, #tpu.memory_space<vmem_shared>>
      %dma_wait3A_97 = arith.constant 0 : i32
      %dma_wait3A_98 = tpu.memref_slice %arg7[%add3A_63, %dma_wait3A_97] : memref<10240x128xf32, #tpu.memory_space<vmem_shared>> -> memref<128x128xf32, #tpu.memory_space<vmem_shared>>
      tpu.wait_dma2 semaphore(%run_scoped3A : memref<!tpu.dma_semaphore, #tpu.memory_space<semaphore_mem>>) src(%dma_wait3A_98 : memref<128x128xf32, #tpu.memory_space<vmem_shared>>) dst(%arg9 : memref<128x128xf32, #tpu.memory_space<vmem>>)
      tpu.yield
    }) : () -> ()
    %mul3A_64 = arith.constant 10240 : i32
    %mul3A_65 = arith.muli %arg0, %mul3A_64 : i32
    %mul3A_66 = arith.constant 640 : i32
    %mul3A_67 = arith.muli %arg1, %mul3A_66 : i32
    %add3A_68 = arith.addi %mul3A_65, %mul3A_67 : i32
    %add3A_69 = arith.constant 256 : i32
    %add3A_70 = arith.addi %add3A_68, %add3A_69 : i32
    "tpu.region"() ({
      %run_scoped3A = tpu.sem_alloc : memref<!tpu.dma_semaphore, #tpu.memory_space<semaphore_mem>>
      %dma_start3A = arith.constant 0 : i32
      %dma_start3A_93 = tpu.memref_slice %arg6[%add3A_70, %dma_start3A] : memref<20480x128xf32, #tpu.memory_space<hbm>> -> memref<128x128xf32, #tpu.memory_space<hbm>>
      %dma_start3A_94 = arith.constant 0 : i32
      %dma_start3A_95 = tpu.memref_slice %arg6[%add3A_70, %dma_start3A_94] : memref<20480x128xf32, #tpu.memory_space<hbm>> -> memref<128x128xf32, #tpu.memory_space<hbm>>
      tpu.enqueue_dma source(%arg9 : memref<128x128xf32, #tpu.memory_space<vmem>>) target(%dma_start3A_95 : memref<128x128xf32, #tpu.memory_space<hbm>>) target_semaphore(%run_scoped3A : memref<!tpu.dma_semaphore, #tpu.memory_space<semaphore_mem>>)
      %dma_wait3A = arith.constant 0 : i32
      %dma_wait3A_96 = tpu.memref_slice %arg6[%add3A_70, %dma_wait3A] : memref<20480x128xf32, #tpu.memory_space<hbm>> -> memref<128x128xf32, #tpu.memory_space<hbm>>
      %dma_wait3A_97 = arith.constant 0 : i32
      %dma_wait3A_98 = tpu.memref_slice %arg6[%add3A_70, %dma_wait3A_97] : memref<20480x128xf32, #tpu.memory_space<hbm>> -> memref<128x128xf32, #tpu.memory_space<hbm>>
      tpu.wait_dma2 semaphore(%run_scoped3A : memref<!tpu.dma_semaphore, #tpu.memory_space<semaphore_mem>>) src(%arg9 : memref<128x128xf32, #tpu.memory_space<vmem>>) dst(%dma_wait3A_98 : memref<128x128xf32, #tpu.memory_space<hbm>>)
      tpu.yield
    }) : () -> ()
    %mul3A_71 = arith.constant 640 : i32
    %mul3A_72 = arith.muli %arg1, %mul3A_71 : i32
    %add3A_73 = arith.constant 384 : i32
    %add3A_74 = arith.addi %mul3A_72, %add3A_73 : i32
    "tpu.region"() ({
      %run_scoped3A = tpu.sem_alloc : memref<!tpu.dma_semaphore, #tpu.memory_space<semaphore_mem>>
      %dma_start3A = arith.constant 0 : i32
      %dma_start3A_93 = tpu.memref_slice %arg7[%add3A_74, %dma_start3A] : memref<10240x128xf32, #tpu.memory_space<vmem_shared>> -> memref<128x128xf32, #tpu.memory_space<vmem_shared>>
      %dma_start3A_94 = arith.constant 0 : i32
      %dma_start3A_95 = tpu.memref_slice %arg7[%add3A_74, %dma_start3A_94] : memref<10240x128xf32, #tpu.memory_space<vmem_shared>> -> memref<128x128xf32, #tpu.memory_space<vmem_shared>>
      tpu.enqueue_dma source(%dma_start3A_95 : memref<128x128xf32, #tpu.memory_space<vmem_shared>>) target(%arg9 : memref<128x128xf32, #tpu.memory_space<vmem>>) target_semaphore(%run_scoped3A : memref<!tpu.dma_semaphore, #tpu.memory_space<semaphore_mem>>)
      %dma_wait3A = arith.constant 0 : i32
      %dma_wait3A_96 = tpu.memref_slice %arg7[%add3A_74, %dma_wait3A] : memref<10240x128xf32, #tpu.memory_space<vmem_shared>> -> memref<128x128xf32, #tpu.memory_space<vmem_shared>>
      %dma_wait3A_97 = arith.constant 0 : i32
      %dma_wait3A_98 = tpu.memref_slice %arg7[%add3A_74, %dma_wait3A_97] : memref<10240x128xf32, #tpu.memory_space<vmem_shared>> -> memref<128x128xf32, #tpu.memory_space<vmem_shared>>
      tpu.wait_dma2 semaphore(%run_scoped3A : memref<!tpu.dma_semaphore, #tpu.memory_space<semaphore_mem>>) src(%dma_wait3A_98 : memref<128x128xf32, #tpu.memory_space<vmem_shared>>) dst(%arg9 : memref<128x128xf32, #tpu.memory_space<vmem>>)
      tpu.yield
    }) : () -> ()
    %mul3A_75 = arith.constant 10240 : i32
    %mul3A_76 = arith.muli %arg0, %mul3A_75 : i32
    %mul3A_77 = arith.constant 640 : i32
    %mul3A_78 = arith.muli %arg1, %mul3A_77 : i32
    %add3A_79 = arith.addi %mul3A_76, %mul3A_78 : i32
    %add3A_80 = arith.constant 384 : i32
    %add3A_81 = arith.addi %add3A_79, %add3A_80 : i32
    "tpu.region"() ({
      %run_scoped3A = tpu.sem_alloc : memref<!tpu.dma_semaphore, #tpu.memory_space<semaphore_mem>>
      %dma_start3A = arith.constant 0 : i32
      %dma_start3A_93 = tpu.memref_slice %arg6[%add3A_81, %dma_start3A] : memref<20480x128xf32, #tpu.memory_space<hbm>> -> memref<128x128xf32, #tpu.memory_space<hbm>>
      %dma_start3A_94 = arith.constant 0 : i32
      %dma_start3A_95 = tpu.memref_slice %arg6[%add3A_81, %dma_start3A_94] : memref<20480x128xf32, #tpu.memory_space<hbm>> -> memref<128x128xf32, #tpu.memory_space<hbm>>
      tpu.enqueue_dma source(%arg9 : memref<128x128xf32, #tpu.memory_space<vmem>>) target(%dma_start3A_95 : memref<128x128xf32, #tpu.memory_space<hbm>>) target_semaphore(%run_scoped3A : memref<!tpu.dma_semaphore, #tpu.memory_space<semaphore_mem>>)
      %dma_wait3A = arith.constant 0 : i32
      %dma_wait3A_96 = tpu.memref_slice %arg6[%add3A_81, %dma_wait3A] : memref<20480x128xf32, #tpu.memory_space<hbm>> -> memref<128x128xf32, #tpu.memory_space<hbm>>
      %dma_wait3A_97 = arith.constant 0 : i32
      %dma_wait3A_98 = tpu.memref_slice %arg6[%add3A_81, %dma_wait3A_97] : memref<20480x128xf32, #tpu.memory_space<hbm>> -> memref<128x128xf32, #tpu.memory_space<hbm>>
      tpu.wait_dma2 semaphore(%run_scoped3A : memref<!tpu.dma_semaphore, #tpu.memory_space<semaphore_mem>>) src(%arg9 : memref<128x128xf32, #tpu.memory_space<vmem>>) dst(%dma_wait3A_98 : memref<128x128xf32, #tpu.memory_space<hbm>>)
      tpu.yield
    }) : () -> ()
    %mul3A_82 = arith.constant 640 : i32
    %mul3A_83 = arith.muli %arg1, %mul3A_82 : i32
    %add3A_84 = arith.constant 512 : i32
    %add3A_85 = arith.addi %mul3A_83, %add3A_84 : i32
    "tpu.region"() ({
      %run_scoped3A = tpu.sem_alloc : memref<!tpu.dma_semaphore, #tpu.memory_space<semaphore_mem>>
      %dma_start3A = arith.constant 0 : i32
      %dma_start3A_93 = tpu.memref_slice %arg7[%add3A_85, %dma_start3A] : memref<10240x128xf32, #tpu.memory_space<vmem_shared>> -> memref<128x128xf32, #tpu.memory_space<vmem_shared>>
      %dma_start3A_94 = arith.constant 0 : i32
      %dma_start3A_95 = tpu.memref_slice %arg7[%add3A_85, %dma_start3A_94] : memref<10240x128xf32, #tpu.memory_space<vmem_shared>> -> memref<128x128xf32, #tpu.memory_space<vmem_shared>>
      tpu.enqueue_dma source(%dma_start3A_95 : memref<128x128xf32, #tpu.memory_space<vmem_shared>>) target(%arg9 : memref<128x128xf32, #tpu.memory_space<vmem>>) target_semaphore(%run_scoped3A : memref<!tpu.dma_semaphore, #tpu.memory_space<semaphore_mem>>)
      %dma_wait3A = arith.constant 0 : i32
      %dma_wait3A_96 = tpu.memref_slice %arg7[%add3A_85, %dma_wait3A] : memref<10240x128xf32, #tpu.memory_space<vmem_shared>> -> memref<128x128xf32, #tpu.memory_space<vmem_shared>>
      %dma_wait3A_97 = arith.constant 0 : i32
      %dma_wait3A_98 = tpu.memref_slice %arg7[%add3A_85, %dma_wait3A_97] : memref<10240x128xf32, #tpu.memory_space<vmem_shared>> -> memref<128x128xf32, #tpu.memory_space<vmem_shared>>
      tpu.wait_dma2 semaphore(%run_scoped3A : memref<!tpu.dma_semaphore, #tpu.memory_space<semaphore_mem>>) src(%dma_wait3A_98 : memref<128x128xf32, #tpu.memory_space<vmem_shared>>) dst(%arg9 : memref<128x128xf32, #tpu.memory_space<vmem>>)
      tpu.yield
    }) : () -> ()
    %mul3A_86 = arith.constant 10240 : i32
    %mul3A_87 = arith.muli %arg0, %mul3A_86 : i32
    %mul3A_88 = arith.constant 640 : i32
    %mul3A_89 = arith.muli %arg1, %mul3A_88 : i32
    %add3A_90 = arith.addi %mul3A_87, %mul3A_89 : i32
    %add3A_91 = arith.constant 512 : i32
    %add3A_92 = arith.addi %add3A_90, %add3A_91 : i32
    "tpu.region"() ({
      %run_scoped3A = tpu.sem_alloc : memref<!tpu.dma_semaphore, #tpu.memory_space<semaphore_mem>>
      %dma_start3A = arith.constant 0 : i32
      %dma_start3A_93 = tpu.memref_slice %arg6[%add3A_92, %dma_start3A] : memref<20480x128xf32, #tpu.memory_space<hbm>> -> memref<128x128xf32, #tpu.memory_space<hbm>>
      %dma_start3A_94 = arith.constant 0 : i32
      %dma_start3A_95 = tpu.memref_slice %arg6[%add3A_92, %dma_start3A_94] : memref<20480x128xf32, #tpu.memory_space<hbm>> -> memref<128x128xf32, #tpu.memory_space<hbm>>
      tpu.enqueue_dma source(%arg9 : memref<128x128xf32, #tpu.memory_space<vmem>>) target(%dma_start3A_95 : memref<128x128xf32, #tpu.memory_space<hbm>>) target_semaphore(%run_scoped3A : memref<!tpu.dma_semaphore, #tpu.memory_space<semaphore_mem>>)
      %dma_wait3A = arith.constant 0 : i32
      %dma_wait3A_96 = tpu.memref_slice %arg6[%add3A_92, %dma_wait3A] : memref<20480x128xf32, #tpu.memory_space<hbm>> -> memref<128x128xf32, #tpu.memory_space<hbm>>
      %dma_wait3A_97 = arith.constant 0 : i32
      %dma_wait3A_98 = tpu.memref_slice %arg6[%add3A_92, %dma_wait3A_97] : memref<20480x128xf32, #tpu.memory_space<hbm>> -> memref<128x128xf32, #tpu.memory_space<hbm>>
      tpu.wait_dma2 semaphore(%run_scoped3A : memref<!tpu.dma_semaphore, #tpu.memory_space<semaphore_mem>>) src(%arg9 : memref<128x128xf32, #tpu.memory_space<vmem>>) dst(%dma_wait3A_98 : memref<128x128xf32, #tpu.memory_space<hbm>>)
      tpu.yield
    }) : () -> ()
    return
  }
}

#map = affine_map<(d0, d1) -> (0, 0)>
#map1 = affine_map<(d0, d1) -> (0)>
module attributes {stable_mosaic.version = 14 : i64} {
  func.func @_spmm_body(%arg0: i32, %arg1: i32, %arg2: memref<10240x128xf32, #tpu.memory_space<hbm>>, %arg3: memref<323584xi32, #tpu.memory_space<hbm>>, %arg4: memref<323584xi32, #tpu.memory_space<hbm>>, %arg5: memref<323584xi32, #tpu.memory_space<hbm>>, %arg6: memref<20480x128xf32, #tpu.memory_space<hbm>>, %arg7: memref<10240x128xf32, #tpu.memory_space<vmem_shared>>, %arg8: memref<128x128xf32, #tpu.memory_space<vmem>>, %arg9: memref<128x128xf32, #tpu.memory_space<vmem>>, %arg10: memref<128xi32, #tpu.memory_space<vmem>>, %arg11: memref<128xi32, #tpu.memory_space<vmem>>, %arg12: memref<128xi32, #tpu.memory_space<vmem>>, %arg13: memref<!tpu.dma_semaphore, #tpu.memory_space<semaphore_mem>>) attributes {dimension_semantics = [#tpu.dimension_semantics<core_parallel>, #tpu.dimension_semantics<subcore_parallel>], iteration_bounds = array<i64: 2, 16>, scalar_prefetch = 0 : i64, scratch_operands = 7 : i64, tpu.core_type = #tpu.core_type<sc_vector_subcore>, window_params = [{transform_indices = #map}, {transform_indices = #map1}, {transform_indices = #map1}, {transform_indices = #map1}, {transform_indices = #map}]} {
    %mul3A = arith.constant 16 : i32
    %mul3A_0 = arith.muli %arg0, %mul3A : i32
    %add3A = arith.addi %mul3A_0, %arg1 : i32
    %broadcast_in_dim3A = arith.constant 0.000000e+00 : f32
    %broadcast_in_dim3A_1 = vector.broadcast %broadcast_in_dim3A : f32 to vector<16xf32>
    %scan3A = arith.constant 0 : i32
    %scan3A_2 = arith.constant 0 : i32
    %scan3A_3 = arith.constant 128 : i32
    %scan3A_4 = arith.addi %scan3A_2, %scan3A_3 : i32
    %scan3A_5 = arith.constant 1 : i32
    scf.for %scan3A_93 = %scan3A_2 to %scan3A_4 step %scan3A_5  : i32 {
      %swap3A = arith.index_cast %scan3A_93 : i32 to index
      %swap3A_94 = arith.constant 0 : index
      %swap3A_95 = tpu.vector_load %arg8[%swap3A, %swap3A_94] {strides = array<i32>} : memref<128x128xf32, #tpu.memory_space<vmem>>, vector<1x16xf32>,
      %swap3A_96 = vector.shape_cast %swap3A_95 : vector<1x16xf32> to vector<16xf32>
      %swap3A_97 = vector.shape_cast %broadcast_in_dim3A_1 : vector<16xf32> to vector<1x16xf32>
      tpu.vector_store %arg8[%swap3A, %swap3A_94], %swap3A_97 {strides = array<i32>} : memref<128x128xf32, #tpu.memory_space<vmem>>, vector<1x16xf32>,
      %swap3A_98 = arith.index_cast %scan3A_93 : i32 to index
      %swap3A_99 = arith.constant 16 : index
      %swap3A_100 = tpu.vector_load %arg8[%swap3A_98, %swap3A_99] {strides = array<i32>} : memref<128x128xf32, #tpu.memory_space<vmem>>, vector<1x16xf32>,
      %swap3A_101 = vector.shape_cast %swap3A_100 : vector<1x16xf32> to vector<16xf32>
      %swap3A_102 = vector.shape_cast %broadcast_in_dim3A_1 : vector<16xf32> to vector<1x16xf32>
      tpu.vector_store %arg8[%swap3A_98, %swap3A_99], %swap3A_102 {strides = array<i32>} : memref<128x128xf32, #tpu.memory_space<vmem>>, vector<1x16xf32>,
      %swap3A_103 = arith.index_cast %scan3A_93 : i32 to index
      %swap3A_104 = arith.constant 32 : index
      %swap3A_105 = tpu.vector_load %arg8[%swap3A_103, %swap3A_104] {strides = array<i32>} : memref<128x128xf32, #tpu.memory_space<vmem>>, vector<1x16xf32>,
      %swap3A_106 = vector.shape_cast %swap3A_105 : vector<1x16xf32> to vector<16xf32>
      %swap3A_107 = vector.shape_cast %broadcast_in_dim3A_1 : vector<16xf32> to vector<1x16xf32>
      tpu.vector_store %arg8[%swap3A_103, %swap3A_104], %swap3A_107 {strides = array<i32>} : memref<128x128xf32, #tpu.memory_space<vmem>>, vector<1x16xf32>,
      %swap3A_108 = arith.index_cast %scan3A_93 : i32 to index
      %swap3A_109 = arith.constant 48 : index
      %swap3A_110 = tpu.vector_load %arg8[%swap3A_108, %swap3A_109] {strides = array<i32>} : memref<128x128xf32, #tpu.memory_space<vmem>>, vector<1x16xf32>,
      %swap3A_111 = vector.shape_cast %swap3A_110 : vector<1x16xf32> to vector<16xf32>
      %swap3A_112 = vector.shape_cast %broadcast_in_dim3A_1 : vector<16xf32> to vector<1x16xf32>
      tpu.vector_store %arg8[%swap3A_108, %swap3A_109], %swap3A_112 {strides = array<i32>} : memref<128x128xf32, #tpu.memory_space<vmem>>, vector<1x16xf32>,
      %swap3A_113 = arith.index_cast %scan3A_93 : i32 to index
      %swap3A_114 = arith.constant 64 : index
      %swap3A_115 = tpu.vector_load %arg8[%swap3A_113, %swap3A_114] {strides = array<i32>} : memref<128x128xf32, #tpu.memory_space<vmem>>, vector<1x16xf32>,
      %swap3A_116 = vector.shape_cast %swap3A_115 : vector<1x16xf32> to vector<16xf32>
      %swap3A_117 = vector.shape_cast %broadcast_in_dim3A_1 : vector<16xf32> to vector<1x16xf32>
      tpu.vector_store %arg8[%swap3A_113, %swap3A_114], %swap3A_117 {strides = array<i32>} : memref<128x128xf32, #tpu.memory_space<vmem>>, vector<1x16xf32>,
      %swap3A_118 = arith.index_cast %scan3A_93 : i32 to index
      %swap3A_119 = arith.constant 80 : index
      %swap3A_120 = tpu.vector_load %arg8[%swap3A_118, %swap3A_119] {strides = array<i32>} : memref<128x128xf32, #tpu.memory_space<vmem>>, vector<1x16xf32>,
      %swap3A_121 = vector.shape_cast %swap3A_120 : vector<1x16xf32> to vector<16xf32>
      %swap3A_122 = vector.shape_cast %broadcast_in_dim3A_1 : vector<16xf32> to vector<1x16xf32>
      tpu.vector_store %arg8[%swap3A_118, %swap3A_119], %swap3A_122 {strides = array<i32>} : memref<128x128xf32, #tpu.memory_space<vmem>>, vector<1x16xf32>,
      %swap3A_123 = arith.index_cast %scan3A_93 : i32 to index
      %swap3A_124 = arith.constant 96 : index
      %swap3A_125 = tpu.vector_load %arg8[%swap3A_123, %swap3A_124] {strides = array<i32>} : memref<128x128xf32, #tpu.memory_space<vmem>>, vector<1x16xf32>,
      %swap3A_126 = vector.shape_cast %swap3A_125 : vector<1x16xf32> to vector<16xf32>
      %swap3A_127 = vector.shape_cast %broadcast_in_dim3A_1 : vector<16xf32> to vector<1x16xf32>
      tpu.vector_store %arg8[%swap3A_123, %swap3A_124], %swap3A_127 {strides = array<i32>} : memref<128x128xf32, #tpu.memory_space<vmem>>, vector<1x16xf32>,
      %swap3A_128 = arith.index_cast %scan3A_93 : i32 to index
      %swap3A_129 = arith.constant 112 : index
      %swap3A_130 = tpu.vector_load %arg8[%swap3A_128, %swap3A_129] {strides = array<i32>} : memref<128x128xf32, #tpu.memory_space<vmem>>, vector<1x16xf32>,
      %swap3A_131 = vector.shape_cast %swap3A_130 : vector<1x16xf32> to vector<16xf32>
      %swap3A_132 = vector.shape_cast %broadcast_in_dim3A_1 : vector<16xf32> to vector<1x16xf32>
      tpu.vector_store %arg8[%swap3A_128, %swap3A_129], %swap3A_132 {strides = array<i32>} : memref<128x128xf32, #tpu.memory_space<vmem>>, vector<1x16xf32>,
    }
    %scan3A_6 = arith.constant 128 : i32
    %mul3A_7 = arith.constant 640 : i32
    %mul3A_8 = arith.muli %arg1, %mul3A_7 : i32
    %add3A_9 = arith.constant 0 : i32
    %add3A_10 = arith.addi %mul3A_8, %add3A_9 : i32
    "tpu.region"() ({
      %run_scoped3A = tpu.sem_alloc : memref<!tpu.dma_semaphore, #tpu.memory_space<semaphore_mem>>
      %dma_start3A = arith.constant 0 : i32
      %dma_start3A_93 = tpu.memref_slice %arg7[%add3A_10, %dma_start3A] : memref<10240x128xf32, #tpu.memory_space<vmem_shared>> -> memref<128x128xf32, #tpu.memory_space<vmem_shared>>
      %dma_start3A_94 = arith.constant 0 : i32
      %dma_start3A_95 = tpu.memref_slice %arg7[%add3A_10, %dma_start3A_94] : memref<10240x128xf32, #tpu.memory_space<vmem_shared>> -> memref<128x128xf32, #tpu.memory_space<vmem_shared>>
      tpu.enqueue_dma source(%arg8 : memref<128x128xf32, #tpu.memory_space<vmem>>) target(%dma_start3A_95 : memref<128x128xf32, #tpu.memory_space<vmem_shared>>) target_semaphore(%run_scoped3A : memref<!tpu.dma_semaphore, #tpu.memory_space<semaphore_mem>>)
      %dma_wait3A = arith.constant 0 : i32
      %dma_wait3A_96 = tpu.memref_slice %arg7[%add3A_10, %dma_wait3A] : memref<10240x128xf32, #tpu.memory_space<vmem_shared>> -> memref<128x128xf32, #tpu.memory_space<vmem_shared>>
      %dma_wait3A_97 = arith.constant 0 : i32
      %dma_wait3A_98 = tpu.memref_slice %arg7[%add3A_10, %dma_wait3A_97] : memref<10240x128xf32, #tpu.memory_space<vmem_shared>> -> memref<128x128xf32, #tpu.memory_space<vmem_shared>>
      tpu.wait_dma2 semaphore(%run_scoped3A : memref<!tpu.dma_semaphore, #tpu.memory_space<semaphore_mem>>) src(%arg8 : memref<128x128xf32, #tpu.memory_space<vmem>>) dst(%dma_wait3A_98 : memref<128x128xf32, #tpu.memory_space<vmem_shared>>)
      tpu.yield
    }) : () -> ()
    %mul3A_11 = arith.constant 640 : i32
    %mul3A_12 = arith.muli %arg1, %mul3A_11 : i32
    %add3A_13 = arith.constant 128 : i32
    %add3A_14 = arith.addi %mul3A_12, %add3A_13 : i32
    "tpu.region"() ({
      %run_scoped3A = tpu.sem_alloc : memref<!tpu.dma_semaphore, #tpu.memory_space<semaphore_mem>>
      %dma_start3A = arith.constant 0 : i32
      %dma_start3A_93 = tpu.memref_slice %arg7[%add3A_14, %dma_start3A] : memref<10240x128xf32, #tpu.memory_space<vmem_shared>> -> memref<128x128xf32, #tpu.memory_space<vmem_shared>>
      %dma_start3A_94 = arith.constant 0 : i32
      %dma_start3A_95 = tpu.memref_slice %arg7[%add3A_14, %dma_start3A_94] : memref<10240x128xf32, #tpu.memory_space<vmem_shared>> -> memref<128x128xf32, #tpu.memory_space<vmem_shared>>
      tpu.enqueue_dma source(%arg8 : memref<128x128xf32, #tpu.memory_space<vmem>>) target(%dma_start3A_95 : memref<128x128xf32, #tpu.memory_space<vmem_shared>>) target_semaphore(%run_scoped3A : memref<!tpu.dma_semaphore, #tpu.memory_space<semaphore_mem>>)
      %dma_wait3A = arith.constant 0 : i32
      %dma_wait3A_96 = tpu.memref_slice %arg7[%add3A_14, %dma_wait3A] : memref<10240x128xf32, #tpu.memory_space<vmem_shared>> -> memref<128x128xf32, #tpu.memory_space<vmem_shared>>
      %dma_wait3A_97 = arith.constant 0 : i32
      %dma_wait3A_98 = tpu.memref_slice %arg7[%add3A_14, %dma_wait3A_97] : memref<10240x128xf32, #tpu.memory_space<vmem_shared>> -> memref<128x128xf32, #tpu.memory_space<vmem_shared>>
      tpu.wait_dma2 semaphore(%run_scoped3A : memref<!tpu.dma_semaphore, #tpu.memory_space<semaphore_mem>>) src(%arg8 : memref<128x128xf32, #tpu.memory_space<vmem>>) dst(%dma_wait3A_98 : memref<128x128xf32, #tpu.memory_space<vmem_shared>>)
      tpu.yield
    }) : () -> ()
    %mul3A_15 = arith.constant 640 : i32
    %mul3A_16 = arith.muli %arg1, %mul3A_15 : i32
    %add3A_17 = arith.constant 256 : i32
    %add3A_18 = arith.addi %mul3A_16, %add3A_17 : i32
    "tpu.region"() ({
      %run_scoped3A = tpu.sem_alloc : memref<!tpu.dma_semaphore, #tpu.memory_space<semaphore_mem>>
      %dma_start3A = arith.constant 0 : i32
      %dma_start3A_93 = tpu.memref_slice %arg7[%add3A_18, %dma_start3A] : memref<10240x128xf32, #tpu.memory_space<vmem_shared>> -> memref<128x128xf32, #tpu.memory_space<vmem_shared>>
      %dma_start3A_94 = arith.constant 0 : i32
      %dma_start3A_95 = tpu.memref_slice %arg7[%add3A_18, %dma_start3A_94] : memref<10240x128xf32, #tpu.memory_space<vmem_shared>> -> memref<128x128xf32, #tpu.memory_space<vmem_shared>>
      tpu.enqueue_dma source(%arg8 : memref<128x128xf32, #tpu.memory_space<vmem>>) target(%dma_start3A_95 : memref<128x128xf32, #tpu.memory_space<vmem_shared>>) target_semaphore(%run_scoped3A : memref<!tpu.dma_semaphore, #tpu.memory_space<semaphore_mem>>)
      %dma_wait3A = arith.constant 0 : i32
      %dma_wait3A_96 = tpu.memref_slice %arg7[%add3A_18, %dma_wait3A] : memref<10240x128xf32, #tpu.memory_space<vmem_shared>> -> memref<128x128xf32, #tpu.memory_space<vmem_shared>>
      %dma_wait3A_97 = arith.constant 0 : i32
      %dma_wait3A_98 = tpu.memref_slice %arg7[%add3A_18, %dma_wait3A_97] : memref<10240x128xf32, #tpu.memory_space<vmem_shared>> -> memref<128x128xf32, #tpu.memory_space<vmem_shared>>
      tpu.wait_dma2 semaphore(%run_scoped3A : memref<!tpu.dma_semaphore, #tpu.memory_space<semaphore_mem>>) src(%arg8 : memref<128x128xf32, #tpu.memory_space<vmem>>) dst(%dma_wait3A_98 : memref<128x128xf32, #tpu.memory_space<vmem_shared>>)
      tpu.yield
    }) : () -> ()
    %mul3A_19 = arith.constant 640 : i32
    %mul3A_20 = arith.muli %arg1, %mul3A_19 : i32
    %add3A_21 = arith.constant 384 : i32
    %add3A_22 = arith.addi %mul3A_20, %add3A_21 : i32
    "tpu.region"() ({
      %run_scoped3A = tpu.sem_alloc : memref<!tpu.dma_semaphore, #tpu.memory_space<semaphore_mem>>
      %dma_start3A = arith.constant 0 : i32
      %dma_start3A_93 = tpu.memref_slice %arg7[%add3A_22, %dma_start3A] : memref<10240x128xf32, #tpu.memory_space<vmem_shared>> -> memref<128x128xf32, #tpu.memory_space<vmem_shared>>
      %dma_start3A_94 = arith.constant 0 : i32
      %dma_start3A_95 = tpu.memref_slice %arg7[%add3A_22, %dma_start3A_94] : memref<10240x128xf32, #tpu.memory_space<vmem_shared>> -> memref<128x128xf32, #tpu.memory_space<vmem_shared>>
      tpu.enqueue_dma source(%arg8 : memref<128x128xf32, #tpu.memory_space<vmem>>) target(%dma_start3A_95 : memref<128x128xf32, #tpu.memory_space<vmem_shared>>) target_semaphore(%run_scoped3A : memref<!tpu.dma_semaphore, #tpu.memory_space<semaphore_mem>>)
      %dma_wait3A = arith.constant 0 : i32
      %dma_wait3A_96 = tpu.memref_slice %arg7[%add3A_22, %dma_wait3A] : memref<10240x128xf32, #tpu.memory_space<vmem_shared>> -> memref<128x128xf32, #tpu.memory_space<vmem_shared>>
      %dma_wait3A_97 = arith.constant 0 : i32
      %dma_wait3A_98 = tpu.memref_slice %arg7[%add3A_22, %dma_wait3A_97] : memref<10240x128xf32, #tpu.memory_space<vmem_shared>> -> memref<128x128xf32, #tpu.memory_space<vmem_shared>>
      tpu.wait_dma2 semaphore(%run_scoped3A : memref<!tpu.dma_semaphore, #tpu.memory_space<semaphore_mem>>) src(%arg8 : memref<128x128xf32, #tpu.memory_space<vmem>>) dst(%dma_wait3A_98 : memref<128x128xf32, #tpu.memory_space<vmem_shared>>)
      tpu.yield
    }) : () -> ()
    %mul3A_23 = arith.constant 640 : i32
    %mul3A_24 = arith.muli %arg1, %mul3A_23 : i32
    %add3A_25 = arith.constant 512 : i32
    %add3A_26 = arith.addi %mul3A_24, %add3A_25 : i32
    "tpu.region"() ({
      %run_scoped3A = tpu.sem_alloc : memref<!tpu.dma_semaphore, #tpu.memory_space<semaphore_mem>>
      %dma_start3A = arith.constant 0 : i32
      %dma_start3A_93 = tpu.memref_slice %arg7[%add3A_26, %dma_start3A] : memref<10240x128xf32, #tpu.memory_space<vmem_shared>> -> memref<128x128xf32, #tpu.memory_space<vmem_shared>>
      %dma_start3A_94 = arith.constant 0 : i32
      %dma_start3A_95 = tpu.memref_slice %arg7[%add3A_26, %dma_start3A_94] : memref<10240x128xf32, #tpu.memory_space<vmem_shared>> -> memref<128x128xf32, #tpu.memory_space<vmem_shared>>
      tpu.enqueue_dma source(%arg8 : memref<128x128xf32, #tpu.memory_space<vmem>>) target(%dma_start3A_95 : memref<128x128xf32, #tpu.memory_space<vmem_shared>>) target_semaphore(%run_scoped3A : memref<!tpu.dma_semaphore, #tpu.memory_space<semaphore_mem>>)
      %dma_wait3A = arith.constant 0 : i32
      %dma_wait3A_96 = tpu.memref_slice %arg7[%add3A_26, %dma_wait3A] : memref<10240x128xf32, #tpu.memory_space<vmem_shared>> -> memref<128x128xf32, #tpu.memory_space<vmem_shared>>
      %dma_wait3A_97 = arith.constant 0 : i32
      %dma_wait3A_98 = tpu.memref_slice %arg7[%add3A_26, %dma_wait3A_97] : memref<10240x128xf32, #tpu.memory_space<vmem_shared>> -> memref<128x128xf32, #tpu.memory_space<vmem_shared>>
      tpu.wait_dma2 semaphore(%run_scoped3A : memref<!tpu.dma_semaphore, #tpu.memory_space<semaphore_mem>>) src(%arg8 : memref<128x128xf32, #tpu.memory_space<vmem>>) dst(%dma_wait3A_98 : memref<128x128xf32, #tpu.memory_space<vmem_shared>>)
      tpu.yield
    }) : () -> ()
    %barrier3A = arith.constant 0 : index
    tpu.barrier barrier_id(%barrier3A)
    %mul3A_27 = arith.constant 10112 : i32
    %mul3A_28 = arith.muli %add3A, %mul3A_27 : i32
    %broadcast_in_dim3A_29 = arith.constant 10232 : i32
    %broadcast_in_dim3A_30 = vector.broadcast %broadcast_in_dim3A_29 : i32 to vector<16xi32>
    %scan3A_31 = arith.constant 0 : i32
    %scan3A_32 = arith.constant 0 : i32
    %scan3A_33 = arith.constant 79 : i32
    %scan3A_34 = arith.addi %scan3A_32, %scan3A_33 : i32
    %scan3A_35 = arith.constant 1 : i32
    scf.for %scan3A_93 = %scan3A_32 to %scan3A_34 step %scan3A_35  : i32 {
      %mul3A_94 = arith.constant 128 : i32
      %mul3A_95 = arith.muli %scan3A_93, %mul3A_94 : i32
      %add3A_96 = arith.addi %mul3A_28, %mul3A_95 : i32
      "tpu.region"() ({
        %run_scoped3A = tpu.sem_alloc : memref<!tpu.dma_semaphore, #tpu.memory_space<semaphore_mem>>
        %dma_start3A_209 = tpu.memref_slice %arg3[%add3A_96] : memref<323584xi32, #tpu.memory_space<hbm>> -> memref<128xi32, #tpu.memory_space<hbm>>
        %dma_start3A_210 = tpu.memref_slice %arg3[%add3A_96] : memref<323584xi32, #tpu.memory_space<hbm>> -> memref<128xi32, #tpu.memory_space<hbm>>
        tpu.enqueue_dma source(%dma_start3A_210 : memref<128xi32, #tpu.memory_space<hbm>>) target(%arg10 : memref<128xi32, #tpu.memory_space<vmem>>) target_semaphore(%run_scoped3A : memref<!tpu.dma_semaphore, #tpu.memory_space<semaphore_mem>>)
        %dma_wait3A_211 = tpu.memref_slice %arg3[%add3A_96] : memref<323584xi32, #tpu.memory_space<hbm>> -> memref<128xi32, #tpu.memory_space<hbm>>
        %dma_wait3A_212 = tpu.memref_slice %arg3[%add3A_96] : memref<323584xi32, #tpu.memory_space<hbm>> -> memref<128xi32, #tpu.memory_space<hbm>>
        tpu.wait_dma2 semaphore(%run_scoped3A : memref<!tpu.dma_semaphore, #tpu.memory_space<semaphore_mem>>) src(%dma_wait3A_212 : memref<128xi32, #tpu.memory_space<hbm>>) dst(%arg10 : memref<128xi32, #tpu.memory_space<vmem>>)
        tpu.yield
      }) : () -> ()
      "tpu.region"() ({
        %run_scoped3A = tpu.sem_alloc : memref<!tpu.dma_semaphore, #tpu.memory_space<semaphore_mem>>
        %dma_start3A_209 = tpu.memref_slice %arg4[%add3A_96] : memref<323584xi32, #tpu.memory_space<hbm>> -> memref<128xi32, #tpu.memory_space<hbm>>
        %dma_start3A_210 = tpu.memref_slice %arg4[%add3A_96] : memref<323584xi32, #tpu.memory_space<hbm>> -> memref<128xi32, #tpu.memory_space<hbm>>
        tpu.enqueue_dma source(%dma_start3A_210 : memref<128xi32, #tpu.memory_space<hbm>>) target(%arg11 : memref<128xi32, #tpu.memory_space<vmem>>) target_semaphore(%run_scoped3A : memref<!tpu.dma_semaphore, #tpu.memory_space<semaphore_mem>>)
        %dma_wait3A_211 = tpu.memref_slice %arg4[%add3A_96] : memref<323584xi32, #tpu.memory_space<hbm>> -> memref<128xi32, #tpu.memory_space<hbm>>
        %dma_wait3A_212 = tpu.memref_slice %arg4[%add3A_96] : memref<323584xi32, #tpu.memory_space<hbm>> -> memref<128xi32, #tpu.memory_space<hbm>>
        tpu.wait_dma2 semaphore(%run_scoped3A : memref<!tpu.dma_semaphore, #tpu.memory_space<semaphore_mem>>) src(%dma_wait3A_212 : memref<128xi32, #tpu.memory_space<hbm>>) dst(%arg11 : memref<128xi32, #tpu.memory_space<vmem>>)
        tpu.yield
      }) : () -> ()
      "tpu.region"() ({
        %run_scoped3A = tpu.sem_alloc : memref<!tpu.dma_semaphore, #tpu.memory_space<semaphore_mem>>
        %dma_start3A_209 = tpu.memref_slice %arg5[%add3A_96] : memref<323584xi32, #tpu.memory_space<hbm>> -> memref<128xi32, #tpu.memory_space<hbm>>
        %dma_start3A_210 = tpu.memref_slice %arg5[%add3A_96] : memref<323584xi32, #tpu.memory_space<hbm>> -> memref<128xi32, #tpu.memory_space<hbm>>
        tpu.enqueue_dma source(%dma_start3A_210 : memref<128xi32, #tpu.memory_space<hbm>>) target(%arg12 : memref<128xi32, #tpu.memory_space<vmem>>) target_semaphore(%run_scoped3A : memref<!tpu.dma_semaphore, #tpu.memory_space<semaphore_mem>>)
        %dma_wait3A_211 = tpu.memref_slice %arg5[%add3A_96] : memref<323584xi32, #tpu.memory_space<hbm>> -> memref<128xi32, #tpu.memory_space<hbm>>
        %dma_wait3A_212 = tpu.memref_slice %arg5[%add3A_96] : memref<323584xi32, #tpu.memory_space<hbm>> -> memref<128xi32, #tpu.memory_space<hbm>>
        tpu.wait_dma2 semaphore(%run_scoped3A : memref<!tpu.dma_semaphore, #tpu.memory_space<semaphore_mem>>) src(%dma_wait3A_212 : memref<128xi32, #tpu.memory_space<hbm>>) dst(%arg12 : memref<128xi32, #tpu.memory_space<vmem>>)
        tpu.yield
      }) : () -> ()
      %dma_start3A = arith.constant 0 : i32
      %dma_start3A_97 = arith.constant 0 : i32
      %dma_start3A_98 = tpu.memref_slice %arg2[%dma_start3A, %dma_start3A_97] : memref<10240x128xf32, #tpu.memory_space<hbm>> -> memref<10240x128xf32, #tpu.memory_space<hbm>>
      tpu.enqueue_indirect_dma source(%dma_start3A_98 : memref<10240x128xf32, #tpu.memory_space<hbm>>) target(%arg8 : memref<128x128xf32, #tpu.memory_space<vmem>>) offsets(%arg10 : memref<128xi32, #tpu.memory_space<vmem>>) semaphore(%arg13 : memref<!tpu.dma_semaphore, #tpu.memory_space<semaphore_mem>>)
      %dma_wait3A = arith.constant 0 : i32
      %dma_wait3A_99 = arith.constant 0 : i32
      %dma_wait3A_100 = tpu.memref_slice %arg2[%dma_wait3A, %dma_wait3A_99] : memref<10240x128xf32, #tpu.memory_space<hbm>> -> memref<10240x128xf32, #tpu.memory_space<hbm>>
      tpu.wait_indirect_dma semaphore(%arg13 : memref<!tpu.dma_semaphore, #tpu.memory_space<semaphore_mem>>) src(%dma_wait3A_100 : memref<10240x128xf32, #tpu.memory_space<hbm>>) dst(%arg8 : memref<128x128xf32, #tpu.memory_space<vmem>>)
      %get3A = arith.constant 0 : index
      %get3A_101 = tpu.vector_load %arg11[%get3A] {strides = array<i32>} : memref<128xi32, #tpu.memory_space<vmem>>, vector<16xi32>,
      %get3A_102 = vector.shape_cast %get3A_101 : vector<16xi32> to vector<16xi32>
      %get3A_103 = arith.constant 0 : index
      %get3A_104 = tpu.vector_load %arg12[%get3A_103] {strides = array<i32>} : memref<128xi32, #tpu.memory_space<vmem>>, vector<16xi32>,
      %get3A_105 = vector.shape_cast %get3A_104 : vector<16xi32> to vector<16xi32>
      %eq3A = arith.constant 1 : i32
      %eq3A_106 = vector.broadcast %eq3A : i32 to vector<16xi32>
      %eq3A_107 = arith.cmpi eq, %get3A_105, %eq3A_106 : vector<16xi32>
      %select_n3A = arith.select %eq3A_107, %get3A_102, %broadcast_in_dim3A_30 : vector<16xi1>, vector<16xi32>
      %swap3A = arith.constant 0 : index
      %swap3A_108 = tpu.vector_load %arg11[%swap3A] {strides = array<i32>} : memref<128xi32, #tpu.memory_space<vmem>>, vector<16xi32>,
      %swap3A_109 = vector.shape_cast %swap3A_108 : vector<16xi32> to vector<16xi32>
      %swap3A_110 = vector.shape_cast %select_n3A : vector<16xi32> to vector<16xi32>
      tpu.vector_store %arg11[%swap3A], %swap3A_110 {strides = array<i32>} : memref<128xi32, #tpu.memory_space<vmem>>, vector<16xi32>,
      %get3A_111 = arith.constant 16 : index
      %get3A_112 = tpu.vector_load %arg11[%get3A_111] {strides = array<i32>} : memref<128xi32, #tpu.memory_space<vmem>>, vector<16xi32>,
      %get3A_113 = vector.shape_cast %get3A_112 : vector<16xi32> to vector<16xi32>
      %get3A_114 = arith.constant 16 : index
      %get3A_115 = tpu.vector_load %arg12[%get3A_114] {strides = array<i32>} : memref<128xi32, #tpu.memory_space<vmem>>, vector<16xi32>,
      %get3A_116 = vector.shape_cast %get3A_115 : vector<16xi32> to vector<16xi32>
      %eq3A_117 = arith.constant 1 : i32
      %eq3A_118 = vector.broadcast %eq3A_117 : i32 to vector<16xi32>
      %eq3A_119 = arith.cmpi eq, %get3A_116, %eq3A_118 : vector<16xi32>
      %select_n3A_120 = arith.select %eq3A_119, %get3A_113, %broadcast_in_dim3A_30 : vector<16xi1>, vector<16xi32>
      %swap3A_121 = arith.constant 16 : index
      %swap3A_122 = tpu.vector_load %arg11[%swap3A_121] {strides = array<i32>} : memref<128xi32, #tpu.memory_space<vmem>>, vector<16xi32>,
      %swap3A_123 = vector.shape_cast %swap3A_122 : vector<16xi32> to vector<16xi32>
      %swap3A_124 = vector.shape_cast %select_n3A_120 : vector<16xi32> to vector<16xi32>
      tpu.vector_store %arg11[%swap3A_121], %swap3A_124 {strides = array<i32>} : memref<128xi32, #tpu.memory_space<vmem>>, vector<16xi32>,
      %get3A_125 = arith.constant 32 : index
      %get3A_126 = tpu.vector_load %arg11[%get3A_125] {strides = array<i32>} : memref<128xi32, #tpu.memory_space<vmem>>, vector<16xi32>,
      %get3A_127 = vector.shape_cast %get3A_126 : vector<16xi32> to vector<16xi32>
      %get3A_128 = arith.constant 32 : index
      %get3A_129 = tpu.vector_load %arg12[%get3A_128] {strides = array<i32>} : memref<128xi32, #tpu.memory_space<vmem>>, vector<16xi32>,
      %get3A_130 = vector.shape_cast %get3A_129 : vector<16xi32> to vector<16xi32>
      %eq3A_131 = arith.constant 1 : i32
      %eq3A_132 = vector.broadcast %eq3A_131 : i32 to vector<16xi32>
      %eq3A_133 = arith.cmpi eq, %get3A_130, %eq3A_132 : vector<16xi32>
      %select_n3A_134 = arith.select %eq3A_133, %get3A_127, %broadcast_in_dim3A_30 : vector<16xi1>, vector<16xi32>
      %swap3A_135 = arith.constant 32 : index
      %swap3A_136 = tpu.vector_load %arg11[%swap3A_135] {strides = array<i32>} : memref<128xi32, #tpu.memory_space<vmem>>, vector<16xi32>,
      %swap3A_137 = vector.shape_cast %swap3A_136 : vector<16xi32> to vector<16xi32>
      %swap3A_138 = vector.shape_cast %select_n3A_134 : vector<16xi32> to vector<16xi32>
      tpu.vector_store %arg11[%swap3A_135], %swap3A_138 {strides = array<i32>} : memref<128xi32, #tpu.memory_space<vmem>>, vector<16xi32>,
      %get3A_139 = arith.constant 48 : index
      %get3A_140 = tpu.vector_load %arg11[%get3A_139] {strides = array<i32>} : memref<128xi32, #tpu.memory_space<vmem>>, vector<16xi32>,
      %get3A_141 = vector.shape_cast %get3A_140 : vector<16xi32> to vector<16xi32>
      %get3A_142 = arith.constant 48 : index
      %get3A_143 = tpu.vector_load %arg12[%get3A_142] {strides = array<i32>} : memref<128xi32, #tpu.memory_space<vmem>>, vector<16xi32>,
      %get3A_144 = vector.shape_cast %get3A_143 : vector<16xi32> to vector<16xi32>
      %eq3A_145 = arith.constant 1 : i32
      %eq3A_146 = vector.broadcast %eq3A_145 : i32 to vector<16xi32>
      %eq3A_147 = arith.cmpi eq, %get3A_144, %eq3A_146 : vector<16xi32>
      %select_n3A_148 = arith.select %eq3A_147, %get3A_141, %broadcast_in_dim3A_30 : vector<16xi1>, vector<16xi32>
      %swap3A_149 = arith.constant 48 : index
      %swap3A_150 = tpu.vector_load %arg11[%swap3A_149] {strides = array<i32>} : memref<128xi32, #tpu.memory_space<vmem>>, vector<16xi32>,
      %swap3A_151 = vector.shape_cast %swap3A_150 : vector<16xi32> to vector<16xi32>
      %swap3A_152 = vector.shape_cast %select_n3A_148 : vector<16xi32> to vector<16xi32>
      tpu.vector_store %arg11[%swap3A_149], %swap3A_152 {strides = array<i32>} : memref<128xi32, #tpu.memory_space<vmem>>, vector<16xi32>,
      %get3A_153 = arith.constant 64 : index
      %get3A_154 = tpu.vector_load %arg11[%get3A_153] {strides = array<i32>} : memref<128xi32, #tpu.memory_space<vmem>>, vector<16xi32>,
      %get3A_155 = vector.shape_cast %get3A_154 : vector<16xi32> to vector<16xi32>
      %get3A_156 = arith.constant 64 : index
      %get3A_157 = tpu.vector_load %arg12[%get3A_156] {strides = array<i32>} : memref<128xi32, #tpu.memory_space<vmem>>, vector<16xi32>,
      %get3A_158 = vector.shape_cast %get3A_157 : vector<16xi32> to vector<16xi32>
      %eq3A_159 = arith.constant 1 : i32
      %eq3A_160 = vector.broadcast %eq3A_159 : i32 to vector<16xi32>
      %eq3A_161 = arith.cmpi eq, %get3A_158, %eq3A_160 : vector<16xi32>
      %select_n3A_162 = arith.select %eq3A_161, %get3A_155, %broadcast_in_dim3A_30 : vector<16xi1>, vector<16xi32>
      %swap3A_163 = arith.constant 64 : index
      %swap3A_164 = tpu.vector_load %arg11[%swap3A_163] {strides = array<i32>} : memref<128xi32, #tpu.memory_space<vmem>>, vector<16xi32>,
      %swap3A_165 = vector.shape_cast %swap3A_164 : vector<16xi32> to vector<16xi32>
      %swap3A_166 = vector.shape_cast %select_n3A_162 : vector<16xi32> to vector<16xi32>
      tpu.vector_store %arg11[%swap3A_163], %swap3A_166 {strides = array<i32>} : memref<128xi32, #tpu.memory_space<vmem>>, vector<16xi32>,
      %get3A_167 = arith.constant 80 : index
      %get3A_168 = tpu.vector_load %arg11[%get3A_167] {strides = array<i32>} : memref<128xi32, #tpu.memory_space<vmem>>, vector<16xi32>,
      %get3A_169 = vector.shape_cast %get3A_168 : vector<16xi32> to vector<16xi32>
      %get3A_170 = arith.constant 80 : index
      %get3A_171 = tpu.vector_load %arg12[%get3A_170] {strides = array<i32>} : memref<128xi32, #tpu.memory_space<vmem>>, vector<16xi32>,
      %get3A_172 = vector.shape_cast %get3A_171 : vector<16xi32> to vector<16xi32>
      %eq3A_173 = arith.constant 1 : i32
      %eq3A_174 = vector.broadcast %eq3A_173 : i32 to vector<16xi32>
      %eq3A_175 = arith.cmpi eq, %get3A_172, %eq3A_174 : vector<16xi32>
      %select_n3A_176 = arith.select %eq3A_175, %get3A_169, %broadcast_in_dim3A_30 : vector<16xi1>, vector<16xi32>
      %swap3A_177 = arith.constant 80 : index
      %swap3A_178 = tpu.vector_load %arg11[%swap3A_177] {strides = array<i32>} : memref<128xi32, #tpu.memory_space<vmem>>, vector<16xi32>,
      %swap3A_179 = vector.shape_cast %swap3A_178 : vector<16xi32> to vector<16xi32>
      %swap3A_180 = vector.shape_cast %select_n3A_176 : vector<16xi32> to vector<16xi32>
      tpu.vector_store %arg11[%swap3A_177], %swap3A_180 {strides = array<i32>} : memref<128xi32, #tpu.memory_space<vmem>>, vector<16xi32>,
      %get3A_181 = arith.constant 96 : index
      %get3A_182 = tpu.vector_load %arg11[%get3A_181] {strides = array<i32>} : memref<128xi32, #tpu.memory_space<vmem>>, vector<16xi32>,
      %get3A_183 = vector.shape_cast %get3A_182 : vector<16xi32> to vector<16xi32>
      %get3A_184 = arith.constant 96 : index
      %get3A_185 = tpu.vector_load %arg12[%get3A_184] {strides = array<i32>} : memref<128xi32, #tpu.memory_space<vmem>>, vector<16xi32>,
      %get3A_186 = vector.shape_cast %get3A_185 : vector<16xi32> to vector<16xi32>
      %eq3A_187 = arith.constant 1 : i32
      %eq3A_188 = vector.broadcast %eq3A_187 : i32 to vector<16xi32>
      %eq3A_189 = arith.cmpi eq, %get3A_186, %eq3A_188 : vector<16xi32>
      %select_n3A_190 = arith.select %eq3A_189, %get3A_183, %broadcast_in_dim3A_30 : vector<16xi1>, vector<16xi32>
      %swap3A_191 = arith.constant 96 : index
      %swap3A_192 = tpu.vector_load %arg11[%swap3A_191] {strides = array<i32>} : memref<128xi32, #tpu.memory_space<vmem>>, vector<16xi32>,
      %swap3A_193 = vector.shape_cast %swap3A_192 : vector<16xi32> to vector<16xi32>
      %swap3A_194 = vector.shape_cast %select_n3A_190 : vector<16xi32> to vector<16xi32>
      tpu.vector_store %arg11[%swap3A_191], %swap3A_194 {strides = array<i32>} : memref<128xi32, #tpu.memory_space<vmem>>, vector<16xi32>,
      %get3A_195 = arith.constant 112 : index
      %get3A_196 = tpu.vector_load %arg11[%get3A_195] {strides = array<i32>} : memref<128xi32, #tpu.memory_space<vmem>>, vector<16xi32>,
      %get3A_197 = vector.shape_cast %get3A_196 : vector<16xi32> to vector<16xi32>
      %get3A_198 = arith.constant 112 : index
      %get3A_199 = tpu.vector_load %arg12[%get3A_198] {strides = array<i32>} : memref<128xi32, #tpu.memory_space<vmem>>, vector<16xi32>,
      %get3A_200 = vector.shape_cast %get3A_199 : vector<16xi32> to vector<16xi32>
      %eq3A_201 = arith.constant 1 : i32
      %eq3A_202 = vector.broadcast %eq3A_201 : i32 to vector<16xi32>
      %eq3A_203 = arith.cmpi eq, %get3A_200, %eq3A_202 : vector<16xi32>
      %select_n3A_204 = arith.select %eq3A_203, %get3A_197, %broadcast_in_dim3A_30 : vector<16xi1>, vector<16xi32>
      %swap3A_205 = arith.constant 112 : index
      %swap3A_206 = tpu.vector_load %arg11[%swap3A_205] {strides = array<i32>} : memref<128xi32, #tpu.memory_space<vmem>>, vector<16xi32>,
      %swap3A_207 = vector.shape_cast %swap3A_206 : vector<16xi32> to vector<16xi32>
      %swap3A_208 = vector.shape_cast %select_n3A_204 : vector<16xi32> to vector<16xi32>
      tpu.vector_store %arg11[%swap3A_205], %swap3A_208 {strides = array<i32>} : memref<128xi32, #tpu.memory_space<vmem>>, vector<16xi32>,
      "tpu.region"() ({
        %run_scoped3A = tpu.sem_alloc : memref<!tpu.dma_semaphore, #tpu.memory_space<semaphore_mem>>
        %dma_start3A_209 = arith.constant 0 : i32
        %dma_start3A_210 = arith.constant 0 : i32
        %dma_start3A_211 = tpu.memref_slice %arg7[%dma_start3A_209, %dma_start3A_210] : memref<10240x128xf32, #tpu.memory_space<vmem_shared>> -> memref<10240x128xf32, #tpu.memory_space<vmem_shared>>
        tpu.enqueue_indirect_dma source(%arg8 : memref<128x128xf32, #tpu.memory_space<vmem>>) target(%dma_start3A_211 : memref<10240x128xf32, #tpu.memory_space<vmem_shared>>) offsets(%arg11 : memref<128xi32, #tpu.memory_space<vmem>>) semaphore(%run_scoped3A : memref<!tpu.dma_semaphore, #tpu.memory_space<semaphore_mem>>) {add = true}
        %dma_wait3A_212 = arith.constant 0 : i32
        %dma_wait3A_213 = arith.constant 0 : i32
        %dma_wait3A_214 = tpu.memref_slice %arg7[%dma_wait3A_212, %dma_wait3A_213] : memref<10240x128xf32, #tpu.memory_space<vmem_shared>> -> memref<10240x128xf32, #tpu.memory_space<vmem_shared>>
        tpu.wait_indirect_dma semaphore(%run_scoped3A : memref<!tpu.dma_semaphore, #tpu.memory_space<semaphore_mem>>) src(%arg8 : memref<128x128xf32, #tpu.memory_space<vmem>>) dst(%dma_wait3A_214 : memref<10240x128xf32, #tpu.memory_space<vmem_shared>>)
        tpu.yield
      }) : () -> ()
    }
    %scan3A_36 = arith.constant 79 : i32
    %barrier3A_37 = arith.constant 0 : index
    tpu.barrier barrier_id(%barrier3A_37)
    %mul3A_38 = arith.constant 640 : i32
    %mul3A_39 = arith.muli %arg1, %mul3A_38 : i32
    %add3A_40 = arith.constant 0 : i32
    %add3A_41 = arith.addi %mul3A_39, %add3A_40 : i32
    "tpu.region"() ({
      %run_scoped3A = tpu.sem_alloc : memref<!tpu.dma_semaphore, #tpu.memory_space<semaphore_mem>>
      %dma_start3A = arith.constant 0 : i32
      %dma_start3A_93 = tpu.memref_slice %arg7[%add3A_41, %dma_start3A] : memref<10240x128xf32, #tpu.memory_space<vmem_shared>> -> memref<128x128xf32, #tpu.memory_space<vmem_shared>>
      %dma_start3A_94 = arith.constant 0 : i32
      %dma_start3A_95 = tpu.memref_slice %arg7[%add3A_41, %dma_start3A_94] : memref<10240x128xf32, #tpu.memory_space<vmem_shared>> -> memref<128x128xf32, #tpu.memory_space<vmem_shared>>
      tpu.enqueue_dma source(%dma_start3A_95 : memref<128x128xf32, #tpu.memory_space<vmem_shared>>) target(%arg9 : memref<128x128xf32, #tpu.memory_space<vmem>>) target_semaphore(%run_scoped3A : memref<!tpu.dma_semaphore, #tpu.memory_space<semaphore_mem>>)
      %dma_wait3A = arith.constant 0 : i32
      %dma_wait3A_96 = tpu.memref_slice %arg7[%add3A_41, %dma_wait3A] : memref<10240x128xf32, #tpu.memory_space<vmem_shared>> -> memref<128x128xf32, #tpu.memory_space<vmem_shared>>
      %dma_wait3A_97 = arith.constant 0 : i32
      %dma_wait3A_98 = tpu.memref_slice %arg7[%add3A_41, %dma_wait3A_97] : memref<10240x128xf32, #tpu.memory_space<vmem_shared>> -> memref<128x128xf32, #tpu.memory_space<vmem_shared>>
      tpu.wait_dma2 semaphore(%run_scoped3A : memref<!tpu.dma_semaphore, #tpu.memory_space<semaphore_mem>>) src(%dma_wait3A_98 : memref<128x128xf32, #tpu.memory_space<vmem_shared>>) dst(%arg9 : memref<128x128xf32, #tpu.memory_space<vmem>>)
      tpu.yield
    }) : () -> ()
    %mul3A_42 = arith.constant 10240 : i32
    %mul3A_43 = arith.muli %arg0, %mul3A_42 : i32
    %mul3A_44 = arith.constant 640 : i32
    %mul3A_45 = arith.muli %arg1, %mul3A_44 : i32
    %add3A_46 = arith.addi %mul3A_43, %mul3A_45 : i32
    %add3A_47 = arith.constant 0 : i32
    %add3A_48 = arith.addi %add3A_46, %add3A_47 : i32
    "tpu.region"() ({
      %run_scoped3A = tpu.sem_alloc : memref<!tpu.dma_semaphore, #tpu.memory_space<semaphore_mem>>
      %dma_start3A = arith.constant 0 : i32
      %dma_start3A_93 = tpu.memref_slice %arg6[%add3A_48, %dma_start3A] : memref<20480x128xf32, #tpu.memory_space<hbm>> -> memref<128x128xf32, #tpu.memory_space<hbm>>
      %dma_start3A_94 = arith.constant 0 : i32
      %dma_start3A_95 = tpu.memref_slice %arg6[%add3A_48, %dma_start3A_94] : memref<20480x128xf32, #tpu.memory_space<hbm>> -> memref<128x128xf32, #tpu.memory_space<hbm>>
      tpu.enqueue_dma source(%arg9 : memref<128x128xf32, #tpu.memory_space<vmem>>) target(%dma_start3A_95 : memref<128x128xf32, #tpu.memory_space<hbm>>) target_semaphore(%run_scoped3A : memref<!tpu.dma_semaphore, #tpu.memory_space<semaphore_mem>>)
      %dma_wait3A = arith.constant 0 : i32
      %dma_wait3A_96 = tpu.memref_slice %arg6[%add3A_48, %dma_wait3A] : memref<20480x128xf32, #tpu.memory_space<hbm>> -> memref<128x128xf32, #tpu.memory_space<hbm>>
      %dma_wait3A_97 = arith.constant 0 : i32
      %dma_wait3A_98 = tpu.memref_slice %arg6[%add3A_48, %dma_wait3A_97] : memref<20480x128xf32, #tpu.memory_space<hbm>> -> memref<128x128xf32, #tpu.memory_space<hbm>>
      tpu.wait_dma2 semaphore(%run_scoped3A : memref<!tpu.dma_semaphore, #tpu.memory_space<semaphore_mem>>) src(%arg9 : memref<128x128xf32, #tpu.memory_space<vmem>>) dst(%dma_wait3A_98 : memref<128x128xf32, #tpu.memory_space<hbm>>)
      tpu.yield
    }) : () -> ()
    %mul3A_49 = arith.constant 640 : i32
    %mul3A_50 = arith.muli %arg1, %mul3A_49 : i32
    %add3A_51 = arith.constant 128 : i32
    %add3A_52 = arith.addi %mul3A_50, %add3A_51 : i32
    "tpu.region"() ({
      %run_scoped3A = tpu.sem_alloc : memref<!tpu.dma_semaphore, #tpu.memory_space<semaphore_mem>>
      %dma_start3A = arith.constant 0 : i32
      %dma_start3A_93 = tpu.memref_slice %arg7[%add3A_52, %dma_start3A] : memref<10240x128xf32, #tpu.memory_space<vmem_shared>> -> memref<128x128xf32, #tpu.memory_space<vmem_shared>>
      %dma_start3A_94 = arith.constant 0 : i32
      %dma_start3A_95 = tpu.memref_slice %arg7[%add3A_52, %dma_start3A_94] : memref<10240x128xf32, #tpu.memory_space<vmem_shared>> -> memref<128x128xf32, #tpu.memory_space<vmem_shared>>
      tpu.enqueue_dma source(%dma_start3A_95 : memref<128x128xf32, #tpu.memory_space<vmem_shared>>) target(%arg9 : memref<128x128xf32, #tpu.memory_space<vmem>>) target_semaphore(%run_scoped3A : memref<!tpu.dma_semaphore, #tpu.memory_space<semaphore_mem>>)
      %dma_wait3A = arith.constant 0 : i32
      %dma_wait3A_96 = tpu.memref_slice %arg7[%add3A_52, %dma_wait3A] : memref<10240x128xf32, #tpu.memory_space<vmem_shared>> -> memref<128x128xf32, #tpu.memory_space<vmem_shared>>
      %dma_wait3A_97 = arith.constant 0 : i32
      %dma_wait3A_98 = tpu.memref_slice %arg7[%add3A_52, %dma_wait3A_97] : memref<10240x128xf32, #tpu.memory_space<vmem_shared>> -> memref<128x128xf32, #tpu.memory_space<vmem_shared>>
      tpu.wait_dma2 semaphore(%run_scoped3A : memref<!tpu.dma_semaphore, #tpu.memory_space<semaphore_mem>>) src(%dma_wait3A_98 : memref<128x128xf32, #tpu.memory_space<vmem_shared>>) dst(%arg9 : memref<128x128xf32, #tpu.memory_space<vmem>>)
      tpu.yield
    }) : () -> ()
    %mul3A_53 = arith.constant 10240 : i32
    %mul3A_54 = arith.muli %arg0, %mul3A_53 : i32
    %mul3A_55 = arith.constant 640 : i32
    %mul3A_56 = arith.muli %arg1, %mul3A_55 : i32
    %add3A_57 = arith.addi %mul3A_54, %mul3A_56 : i32
    %add3A_58 = arith.constant 128 : i32
    %add3A_59 = arith.addi %add3A_57, %add3A_58 : i32
    "tpu.region"() ({
      %run_scoped3A = tpu.sem_alloc : memref<!tpu.dma_semaphore, #tpu.memory_space<semaphore_mem>>
      %dma_start3A = arith.constant 0 : i32
      %dma_start3A_93 = tpu.memref_slice %arg6[%add3A_59, %dma_start3A] : memref<20480x128xf32, #tpu.memory_space<hbm>> -> memref<128x128xf32, #tpu.memory_space<hbm>>
      %dma_start3A_94 = arith.constant 0 : i32
      %dma_start3A_95 = tpu.memref_slice %arg6[%add3A_59, %dma_start3A_94] : memref<20480x128xf32, #tpu.memory_space<hbm>> -> memref<128x128xf32, #tpu.memory_space<hbm>>
      tpu.enqueue_dma source(%arg9 : memref<128x128xf32, #tpu.memory_space<vmem>>) target(%dma_start3A_95 : memref<128x128xf32, #tpu.memory_space<hbm>>) target_semaphore(%run_scoped3A : memref<!tpu.dma_semaphore, #tpu.memory_space<semaphore_mem>>)
      %dma_wait3A = arith.constant 0 : i32
      %dma_wait3A_96 = tpu.memref_slice %arg6[%add3A_59, %dma_wait3A] : memref<20480x128xf32, #tpu.memory_space<hbm>> -> memref<128x128xf32, #tpu.memory_space<hbm>>
      %dma_wait3A_97 = arith.constant 0 : i32
      %dma_wait3A_98 = tpu.memref_slice %arg6[%add3A_59, %dma_wait3A_97] : memref<20480x128xf32, #tpu.memory_space<hbm>> -> memref<128x128xf32, #tpu.memory_space<hbm>>
      tpu.wait_dma2 semaphore(%run_scoped3A : memref<!tpu.dma_semaphore, #tpu.memory_space<semaphore_mem>>) src(%arg9 : memref<128x128xf32, #tpu.memory_space<vmem>>) dst(%dma_wait3A_98 : memref<128x128xf32, #tpu.memory_space<hbm>>)
      tpu.yield
    }) : () -> ()
    %mul3A_60 = arith.constant 640 : i32
    %mul3A_61 = arith.muli %arg1, %mul3A_60 : i32
    %add3A_62 = arith.constant 256 : i32
    %add3A_63 = arith.addi %mul3A_61, %add3A_62 : i32
    "tpu.region"() ({
      %run_scoped3A = tpu.sem_alloc : memref<!tpu.dma_semaphore, #tpu.memory_space<semaphore_mem>>
      %dma_start3A = arith.constant 0 : i32
      %dma_start3A_93 = tpu.memref_slice %arg7[%add3A_63, %dma_start3A] : memref<10240x128xf32, #tpu.memory_space<vmem_shared>> -> memref<128x128xf32, #tpu.memory_space<vmem_shared>>
      %dma_start3A_94 = arith.constant 0 : i32
      %dma_start3A_95 = tpu.memref_slice %arg7[%add3A_63, %dma_start3A_94] : memref<10240x128xf32, #tpu.memory_space<vmem_shared>> -> memref<128x128xf32, #tpu.memory_space<vmem_shared>>
      tpu.enqueue_dma source(%dma_start3A_95 : memref<128x128xf32, #tpu.memory_space<vmem_shared>>) target(%arg9 : memref<128x128xf32, #tpu.memory_space<vmem>>) target_semaphore(%run_scoped3A : memref<!tpu.dma_semaphore, #tpu.memory_space<semaphore_mem>>)
      %dma_wait3A = arith.constant 0 : i32
      %dma_wait3A_96 = tpu.memref_slice %arg7[%add3A_63, %dma_wait3A] : memref<10240x128xf32, #tpu.memory_space<vmem_shared>> -> memref<128x128xf32, #tpu.memory_space<vmem_shared>>
      %dma_wait3A_97 = arith.constant 0 : i32
      %dma_wait3A_98 = tpu.memref_slice %arg7[%add3A_63, %dma_wait3A_97] : memref<10240x128xf32, #tpu.memory_space<vmem_shared>> -> memref<128x128xf32, #tpu.memory_space<vmem_shared>>
      tpu.wait_dma2 semaphore(%run_scoped3A : memref<!tpu.dma_semaphore, #tpu.memory_space<semaphore_mem>>) src(%dma_wait3A_98 : memref<128x128xf32, #tpu.memory_space<vmem_shared>>) dst(%arg9 : memref<128x128xf32, #tpu.memory_space<vmem>>)
      tpu.yield
    }) : () -> ()
    %mul3A_64 = arith.constant 10240 : i32
    %mul3A_65 = arith.muli %arg0, %mul3A_64 : i32
    %mul3A_66 = arith.constant 640 : i32
    %mul3A_67 = arith.muli %arg1, %mul3A_66 : i32
    %add3A_68 = arith.addi %mul3A_65, %mul3A_67 : i32
    %add3A_69 = arith.constant 256 : i32
    %add3A_70 = arith.addi %add3A_68, %add3A_69 : i32
    "tpu.region"() ({
      %run_scoped3A = tpu.sem_alloc : memref<!tpu.dma_semaphore, #tpu.memory_space<semaphore_mem>>
      %dma_start3A = arith.constant 0 : i32
      %dma_start3A_93 = tpu.memref_slice %arg6[%add3A_70, %dma_start3A] : memref<20480x128xf32, #tpu.memory_space<hbm>> -> memref<128x128xf32, #tpu.memory_space<hbm>>
      %dma_start3A_94 = arith.constant 0 : i32
      %dma_start3A_95 = tpu.memref_slice %arg6[%add3A_70, %dma_start3A_94] : memref<20480x128xf32, #tpu.memory_space<hbm>> -> memref<128x128xf32, #tpu.memory_space<hbm>>
      tpu.enqueue_dma source(%arg9 : memref<128x128xf32, #tpu.memory_space<vmem>>) target(%dma_start3A_95 : memref<128x128xf32, #tpu.memory_space<hbm>>) target_semaphore(%run_scoped3A : memref<!tpu.dma_semaphore, #tpu.memory_space<semaphore_mem>>)
      %dma_wait3A = arith.constant 0 : i32
      %dma_wait3A_96 = tpu.memref_slice %arg6[%add3A_70, %dma_wait3A] : memref<20480x128xf32, #tpu.memory_space<hbm>> -> memref<128x128xf32, #tpu.memory_space<hbm>>
      %dma_wait3A_97 = arith.constant 0 : i32
      %dma_wait3A_98 = tpu.memref_slice %arg6[%add3A_70, %dma_wait3A_97] : memref<20480x128xf32, #tpu.memory_space<hbm>> -> memref<128x128xf32, #tpu.memory_space<hbm>>
      tpu.wait_dma2 semaphore(%run_scoped3A : memref<!tpu.dma_semaphore, #tpu.memory_space<semaphore_mem>>) src(%arg9 : memref<128x128xf32, #tpu.memory_space<vmem>>) dst(%dma_wait3A_98 : memref<128x128xf32, #tpu.memory_space<hbm>>)
      tpu.yield
    }) : () -> ()
    %mul3A_71 = arith.constant 640 : i32
    %mul3A_72 = arith.muli %arg1, %mul3A_71 : i32
    %add3A_73 = arith.constant 384 : i32
    %add3A_74 = arith.addi %mul3A_72, %add3A_73 : i32
    "tpu.region"() ({
      %run_scoped3A = tpu.sem_alloc : memref<!tpu.dma_semaphore, #tpu.memory_space<semaphore_mem>>
      %dma_start3A = arith.constant 0 : i32
      %dma_start3A_93 = tpu.memref_slice %arg7[%add3A_74, %dma_start3A] : memref<10240x128xf32, #tpu.memory_space<vmem_shared>> -> memref<128x128xf32, #tpu.memory_space<vmem_shared>>
      %dma_start3A_94 = arith.constant 0 : i32
      %dma_start3A_95 = tpu.memref_slice %arg7[%add3A_74, %dma_start3A_94] : memref<10240x128xf32, #tpu.memory_space<vmem_shared>> -> memref<128x128xf32, #tpu.memory_space<vmem_shared>>
      tpu.enqueue_dma source(%dma_start3A_95 : memref<128x128xf32, #tpu.memory_space<vmem_shared>>) target(%arg9 : memref<128x128xf32, #tpu.memory_space<vmem>>) target_semaphore(%run_scoped3A : memref<!tpu.dma_semaphore, #tpu.memory_space<semaphore_mem>>)
      %dma_wait3A = arith.constant 0 : i32
      %dma_wait3A_96 = tpu.memref_slice %arg7[%add3A_74, %dma_wait3A] : memref<10240x128xf32, #tpu.memory_space<vmem_shared>> -> memref<128x128xf32, #tpu.memory_space<vmem_shared>>
      %dma_wait3A_97 = arith.constant 0 : i32
      %dma_wait3A_98 = tpu.memref_slice %arg7[%add3A_74, %dma_wait3A_97] : memref<10240x128xf32, #tpu.memory_space<vmem_shared>> -> memref<128x128xf32, #tpu.memory_space<vmem_shared>>
      tpu.wait_dma2 semaphore(%run_scoped3A : memref<!tpu.dma_semaphore, #tpu.memory_space<semaphore_mem>>) src(%dma_wait3A_98 : memref<128x128xf32, #tpu.memory_space<vmem_shared>>) dst(%arg9 : memref<128x128xf32, #tpu.memory_space<vmem>>)
      tpu.yield
    }) : () -> ()
    %mul3A_75 = arith.constant 10240 : i32
    %mul3A_76 = arith.muli %arg0, %mul3A_75 : i32
    %mul3A_77 = arith.constant 640 : i32
    %mul3A_78 = arith.muli %arg1, %mul3A_77 : i32
    %add3A_79 = arith.addi %mul3A_76, %mul3A_78 : i32
    %add3A_80 = arith.constant 384 : i32
    %add3A_81 = arith.addi %add3A_79, %add3A_80 : i32
    "tpu.region"() ({
      %run_scoped3A = tpu.sem_alloc : memref<!tpu.dma_semaphore, #tpu.memory_space<semaphore_mem>>
      %dma_start3A = arith.constant 0 : i32
      %dma_start3A_93 = tpu.memref_slice %arg6[%add3A_81, %dma_start3A] : memref<20480x128xf32, #tpu.memory_space<hbm>> -> memref<128x128xf32, #tpu.memory_space<hbm>>
      %dma_start3A_94 = arith.constant 0 : i32
      %dma_start3A_95 = tpu.memref_slice %arg6[%add3A_81, %dma_start3A_94] : memref<20480x128xf32, #tpu.memory_space<hbm>> -> memref<128x128xf32, #tpu.memory_space<hbm>>
      tpu.enqueue_dma source(%arg9 : memref<128x128xf32, #tpu.memory_space<vmem>>) target(%dma_start3A_95 : memref<128x128xf32, #tpu.memory_space<hbm>>) target_semaphore(%run_scoped3A : memref<!tpu.dma_semaphore, #tpu.memory_space<semaphore_mem>>)
      %dma_wait3A = arith.constant 0 : i32
      %dma_wait3A_96 = tpu.memref_slice %arg6[%add3A_81, %dma_wait3A] : memref<20480x128xf32, #tpu.memory_space<hbm>> -> memref<128x128xf32, #tpu.memory_space<hbm>>
      %dma_wait3A_97 = arith.constant 0 : i32
      %dma_wait3A_98 = tpu.memref_slice %arg6[%add3A_81, %dma_wait3A_97] : memref<20480x128xf32, #tpu.memory_space<hbm>> -> memref<128x128xf32, #tpu.memory_space<hbm>>
      tpu.wait_dma2 semaphore(%run_scoped3A : memref<!tpu.dma_semaphore, #tpu.memory_space<semaphore_mem>>) src(%arg9 : memref<128x128xf32, #tpu.memory_space<vmem>>) dst(%dma_wait3A_98 : memref<128x128xf32, #tpu.memory_space<hbm>>)
      tpu.yield
    }) : () -> ()
    %mul3A_82 = arith.constant 640 : i32
    %mul3A_83 = arith.muli %arg1, %mul3A_82 : i32
    %add3A_84 = arith.constant 512 : i32
    %add3A_85 = arith.addi %mul3A_83, %add3A_84 : i32
    "tpu.region"() ({
      %run_scoped3A = tpu.sem_alloc : memref<!tpu.dma_semaphore, #tpu.memory_space<semaphore_mem>>
      %dma_start3A = arith.constant 0 : i32
      %dma_start3A_93 = tpu.memref_slice %arg7[%add3A_85, %dma_start3A] : memref<10240x128xf32, #tpu.memory_space<vmem_shared>> -> memref<128x128xf32, #tpu.memory_space<vmem_shared>>
      %dma_start3A_94 = arith.constant 0 : i32
      %dma_start3A_95 = tpu.memref_slice %arg7[%add3A_85, %dma_start3A_94] : memref<10240x128xf32, #tpu.memory_space<vmem_shared>> -> memref<128x128xf32, #tpu.memory_space<vmem_shared>>
      tpu.enqueue_dma source(%dma_start3A_95 : memref<128x128xf32, #tpu.memory_space<vmem_shared>>) target(%arg9 : memref<128x128xf32, #tpu.memory_space<vmem>>) target_semaphore(%run_scoped3A : memref<!tpu.dma_semaphore, #tpu.memory_space<semaphore_mem>>)
      %dma_wait3A = arith.constant 0 : i32
      %dma_wait3A_96 = tpu.memref_slice %arg7[%add3A_85, %dma_wait3A] : memref<10240x128xf32, #tpu.memory_space<vmem_shared>> -> memref<128x128xf32, #tpu.memory_space<vmem_shared>>
      %dma_wait3A_97 = arith.constant 0 : i32
      %dma_wait3A_98 = tpu.memref_slice %arg7[%add3A_85, %dma_wait3A_97] : memref<10240x128xf32, #tpu.memory_space<vmem_shared>> -> memref<128x128xf32, #tpu.memory_space<vmem_shared>>
      tpu.wait_dma2 semaphore(%run_scoped3A : memref<!tpu.dma_semaphore, #tpu.memory_space<semaphore_mem>>) src(%dma_wait3A_98 : memref<128x128xf32, #tpu.memory_space<vmem_shared>>) dst(%arg9 : memref<128x128xf32, #tpu.memory_space<vmem>>)
      tpu.yield
    }) : () -> ()
    %mul3A_86 = arith.constant 10240 : i32
    %mul3A_87 = arith.muli %arg0, %mul3A_86 : i32
    %mul3A_88 = arith.constant 640 : i32
    %mul3A_89 = arith.muli %arg1, %mul3A_88 : i32
    %add3A_90 = arith.addi %mul3A_87, %mul3A_89 : i32
    %add3A_91 = arith.constant 512 : i32
    %add3A_92 = arith.addi %add3A_90, %add3A_91 : i32
    "tpu.region"() ({
      %run_scoped3A = tpu.sem_alloc : memref<!tpu.dma_semaphore, #tpu.memory_space<semaphore_mem>>
      %dma_start3A = arith.constant 0 : i32
      %dma_start3A_93 = tpu.memref_slice %arg6[%add3A_92, %dma_start3A] : memref<20480x128xf32, #tpu.memory_space<hbm>> -> memref<128x128xf32, #tpu.memory_space<hbm>>
      %dma_start3A_94 = arith.constant 0 : i32
      %dma_start3A_95 = tpu.memref_slice %arg6[%add3A_92, %dma_start3A_94] : memref<20480x128xf32, #tpu.memory_space<hbm>> -> memref<128x128xf32, #tpu.memory_space<hbm>>
      tpu.enqueue_dma source(%arg9 : memref<128x128xf32, #tpu.memory_space<vmem>>) target(%dma_start3A_95 : memref<128x128xf32, #tpu.memory_space<hbm>>) target_semaphore(%run_scoped3A : memref<!tpu.dma_semaphore, #tpu.memory_space<semaphore_mem>>)
      %dma_wait3A = arith.constant 0 : i32
      %dma_wait3A_96 = tpu.memref_slice %arg6[%add3A_92, %dma_wait3A] : memref<20480x128xf32, #tpu.memory_space<hbm>> -> memref<128x128xf32, #tpu.memory_space<hbm>>
      %dma_wait3A_97 = arith.constant 0 : i32
      %dma_wait3A_98 = tpu.memref_slice %arg6[%add3A_92, %dma_wait3A_97] : memref<20480x128xf32, #tpu.memory_space<hbm>> -> memref<128x128xf32, #tpu.memory_space<hbm>>
      tpu.wait_dma2 semaphore(%run_scoped3A : memref<!tpu.dma_semaphore, #tpu.memory_space<semaphore_mem>>) src(%arg9 : memref<128x128xf32, #tpu.memory_space<vmem>>) dst(%dma_wait3A_98 : memref<128x128xf32, #tpu.memory_space<hbm>>)
      tpu.yield
    }) : () -> ()
    return
  }
}

module attributes {stable_mosaic.version = 14 : i64} {
  func.func @_prep_body(%arg0: i32, %arg1: memref<1024x128xf32, #tpu.memory_space<vmem>>, %arg2: memref<128x128xf32, #tpu.memory_space<vmem>>, %arg3: memref<2x1024x128xf32, #tpu.memory_space<vmem>>, %arg4: memref<1024x128xf32, #tpu.memory_space<vmem>>) attributes {dimension_semantics = [#tpu.dimension_semantics<arbitrary>], iteration_bounds = array<i64: 10>, scalar_prefetch = 0 : i64, scratch_operands = 0 : i64, tpu.core_type = #tpu.core_type<tc>, window_params = [{transform_indices = @transform_0, window_bounds = array<i64: 1024, 128>}, {pipeline_mode = #tpu.pipeline_mode<synchronous>, transform_indices = @transform_1, window_bounds = array<i64: 128, 128>}, {transform_indices = @transform_2, window_bounds = array<i64: 2, 1024, 128>}, {transform_indices = @transform_3, window_bounds = array<i64: 1024, 128>}]} {
    %get3A = arith.constant 0 : index
    %get3A_0 = arith.constant 0 : index
    %get3A_1 = vector.load %arg1[%get3A, %get3A_0] : memref<1024x128xf32, #tpu.memory_space<vmem>>, vector<1024x128xf32>
    %get3A_2 = arith.constant 0 : index
    %get3A_3 = arith.constant 0 : index
    %get3A_4 = vector.load %arg2[%get3A_2, %get3A_3] : memref<128x128xf32, #tpu.memory_space<vmem>>, vector<128x128xf32>
    %dot_general3A = arith.constant dense<0.000000e+00> : vector<1024x128xf32>
    %dot_general3A_5 = tpu.matmul %get3A_1, %get3A_4, %dot_general3A {dimension_numbers = #tpu.dot_dimension_numbers<[1], [0], [0], [1], [0, 0, 1, 1], [], []>, transpose_lhs_hint = false} : vector<1024x128xf32>, vector<128x128xf32>, vector<1024x128xf32> -> vector<1024x128xf32>
    %get3A_6 = arith.constant 0 : index
    %get3A_7 = arith.constant 0 : index
    %get3A_8 = arith.constant 0 : index
    %get3A_9 = vector.load %arg3[%get3A_6, %get3A_7, %get3A_8] : memref<2x1024x128xf32, #tpu.memory_space<vmem>>, vector<1x1024x128xf32>
    %get3A_10 = vector.shape_cast %get3A_9 : vector<1x1024x128xf32> to vector<1024x128xf32>
    %slice3A = vector.extract_strided_slice %get3A_10 {offsets = [0, 0], sizes = [1024, 1], strides = [1, 1]} : vector<1024x128xf32> to vector<1024x1xf32>
    %get3A_11 = arith.constant 1 : index
    %get3A_12 = arith.constant 0 : index
    %get3A_13 = arith.constant 0 : index
    %get3A_14 = vector.load %arg3[%get3A_11, %get3A_12, %get3A_13] : memref<2x1024x128xf32, #tpu.memory_space<vmem>>, vector<1x1024x128xf32>
    %get3A_15 = vector.shape_cast %get3A_14 : vector<1x1024x128xf32> to vector<1024x128xf32>
    %slice3A_16 = vector.extract_strided_slice %get3A_15 {offsets = [0, 0], sizes = [1024, 1], strides = [1, 1]} : vector<1024x128xf32> to vector<1024x1xf32>
    %add3A = arith.addf %slice3A, %slice3A_16 : vector<1024x1xf32>
    %add3A_17 = arith.constant 1.000000e+00 : f32
    %add3A_18 = vector.broadcast %add3A_17 : f32 to vector<1024x1xf32>
    %add3A_19 = arith.addf %add3A, %add3A_18 : vector<1024x1xf32>
    %rsqrt3A = math.rsqrt %add3A_19 : vector<1024x1xf32>
    %mul3A = arith.constant 5.000000e-01 : f32
    %mul3A_20 = vector.broadcast %mul3A : f32 to vector<1024x1xf32>
    %mul3A_21 = arith.mulf %mul3A_20, %add3A_19 : vector<1024x1xf32>
    %mul3A_22 = arith.mulf %mul3A_21, %rsqrt3A : vector<1024x1xf32>
    %mul3A_23 = arith.mulf %mul3A_22, %rsqrt3A : vector<1024x1xf32>
    %sub3A = arith.constant 1.500000e+00 : f32
    %sub3A_24 = vector.broadcast %sub3A : f32 to vector<1024x1xf32>
    %sub3A_25 = arith.subf %sub3A_24, %mul3A_23 : vector<1024x1xf32>
    %mul3A_26 = arith.mulf %rsqrt3A, %sub3A_25 : vector<1024x1xf32>
    %mul3A_27 = vector.broadcast %mul3A_26 : vector<1024x1xf32> to vector<1024x128xf32>
    %mul3A_28 = arith.mulf %dot_general3A_5, %mul3A_27 : vector<1024x128xf32>
    %swap3A = arith.constant 0 : index
    %swap3A_29 = arith.constant 0 : index
    %swap3A_30 = vector.load %arg4[%swap3A, %swap3A_29] : memref<1024x128xf32, #tpu.memory_space<vmem>>, vector<1024x128xf32>
    tpu.vector_store %arg4[%swap3A, %swap3A_29], %mul3A_28 {strides = array<i32>} : memref<1024x128xf32, #tpu.memory_space<vmem>>, vector<1024x128xf32>,
    return
  }
  func.func @transform_0(%arg0: i32) -> (i32, i32) {
    %c0_i32 = arith.constant 0 : i32
    %c0_i32_0 = arith.constant 0 : i32
    return %arg0, %c0_i32 : i32, i32
  }
  func.func @transform_1(%arg0: i32) -> (i32, i32) {
    %c0_i32 = arith.constant 0 : i32
    %c0_i32_0 = arith.constant 0 : i32
    %c0_i32_1 = arith.constant 0 : i32
    return %c0_i32, %c0_i32_0 : i32, i32
  }
  func.func @transform_2(%arg0: i32) -> (i32, i32, i32) {
    %c0_i32 = arith.constant 0 : i32
    %c0_i32_0 = arith.constant 0 : i32
    %c0_i32_1 = arith.constant 0 : i32
    return %c0_i32, %arg0, %c0_i32_0 : i32, i32, i32
  }
  func.func @transform_3(%arg0: i32) -> (i32, i32) {
    %c0_i32 = arith.constant 0 : i32
    %c0_i32_0 = arith.constant 0 : i32
    return %arg0, %c0_i32 : i32, i32
  }
}

module attributes {stable_mosaic.version = 14 : i64} {
  func.func @_fuse_body(%arg0: i32, %arg1: memref<2x1024x128xf32, #tpu.memory_space<vmem>>, %arg2: memref<1024x128xf32, #tpu.memory_space<vmem>>, %arg3: memref<2x1024x128xf32, #tpu.memory_space<vmem>>, %arg4: memref<1x128xf32, #tpu.memory_space<vmem>>, %arg5: memref<128x128xf32, #tpu.memory_space<vmem>>, %arg6: memref<1024x128xf32, #tpu.memory_space<vmem>>) attributes {dimension_semantics = [#tpu.dimension_semantics<arbitrary>], iteration_bounds = array<i64: 10>, scalar_prefetch = 0 : i64, scratch_operands = 0 : i64, tpu.core_type = #tpu.core_type<tc>, window_params = [{transform_indices = @transform_0, window_bounds = array<i64: 2, 1024, 128>}, {transform_indices = @transform_1, window_bounds = array<i64: 1024, 128>}, {transform_indices = @transform_2, window_bounds = array<i64: 2, 1024, 128>}, {pipeline_mode = #tpu.pipeline_mode<synchronous>, transform_indices = @transform_3, window_bounds = array<i64: 1, 128>}, {pipeline_mode = #tpu.pipeline_mode<synchronous>, transform_indices = @transform_4, window_bounds = array<i64: 128, 128>}, {transform_indices = @transform_5, window_bounds = array<i64: 1024, 128>}]} {
    %get3A = arith.constant 0 : index
    %get3A_0 = arith.constant 0 : index
    %get3A_1 = arith.constant 0 : index
    %get3A_2 = vector.load %arg1[%get3A, %get3A_0, %get3A_1] : memref<2x1024x128xf32, #tpu.memory_space<vmem>>, vector<1x1024x128xf32>
    %get3A_3 = vector.shape_cast %get3A_2 : vector<1x1024x128xf32> to vector<1024x128xf32>
    %get3A_4 = arith.constant 1 : index
    %get3A_5 = arith.constant 0 : index
    %get3A_6 = arith.constant 0 : index
    %get3A_7 = vector.load %arg1[%get3A_4, %get3A_5, %get3A_6] : memref<2x1024x128xf32, #tpu.memory_space<vmem>>, vector<1x1024x128xf32>
    %get3A_8 = vector.shape_cast %get3A_7 : vector<1x1024x128xf32> to vector<1024x128xf32>
    %add3A = arith.addf %get3A_3, %get3A_8 : vector<1024x128xf32>
    %get3A_9 = arith.constant 0 : index
    %get3A_10 = arith.constant 0 : index
    %get3A_11 = vector.load %arg2[%get3A_9, %get3A_10] : memref<1024x128xf32, #tpu.memory_space<vmem>>, vector<1024x128xf32>
    %add3A_12 = arith.addf %add3A, %get3A_11 : vector<1024x128xf32>
    %get3A_13 = arith.constant 0 : index
    %get3A_14 = arith.constant 0 : index
    %get3A_15 = arith.constant 0 : index
    %get3A_16 = vector.load %arg3[%get3A_13, %get3A_14, %get3A_15] : memref<2x1024x128xf32, #tpu.memory_space<vmem>>, vector<1x1024x128xf32>
    %get3A_17 = vector.shape_cast %get3A_16 : vector<1x1024x128xf32> to vector<1024x128xf32>
    %slice3A = vector.extract_strided_slice %get3A_17 {offsets = [0, 0], sizes = [1024, 1], strides = [1, 1]} : vector<1024x128xf32> to vector<1024x1xf32>
    %get3A_18 = arith.constant 1 : index
    %get3A_19 = arith.constant 0 : index
    %get3A_20 = arith.constant 0 : index
    %get3A_21 = vector.load %arg3[%get3A_18, %get3A_19, %get3A_20] : memref<2x1024x128xf32, #tpu.memory_space<vmem>>, vector<1x1024x128xf32>
    %get3A_22 = vector.shape_cast %get3A_21 : vector<1x1024x128xf32> to vector<1024x128xf32>
    %slice3A_23 = vector.extract_strided_slice %get3A_22 {offsets = [0, 0], sizes = [1024, 1], strides = [1, 1]} : vector<1024x128xf32> to vector<1024x1xf32>
    %add3A_24 = arith.addf %slice3A, %slice3A_23 : vector<1024x1xf32>
    %add3A_25 = arith.constant 1.000000e+00 : f32
    %add3A_26 = vector.broadcast %add3A_25 : f32 to vector<1024x1xf32>
    %add3A_27 = arith.addf %add3A_24, %add3A_26 : vector<1024x1xf32>
    %rsqrt3A = math.rsqrt %add3A_27 : vector<1024x1xf32>
    %mul3A = arith.constant 5.000000e-01 : f32
    %mul3A_28 = vector.broadcast %mul3A : f32 to vector<1024x1xf32>
    %mul3A_29 = arith.mulf %mul3A_28, %add3A_27 : vector<1024x1xf32>
    %mul3A_30 = arith.mulf %mul3A_29, %rsqrt3A : vector<1024x1xf32>
    %mul3A_31 = arith.mulf %mul3A_30, %rsqrt3A : vector<1024x1xf32>
    %sub3A = arith.constant 1.500000e+00 : f32
    %sub3A_32 = vector.broadcast %sub3A : f32 to vector<1024x1xf32>
    %sub3A_33 = arith.subf %sub3A_32, %mul3A_31 : vector<1024x1xf32>
    %mul3A_34 = arith.mulf %rsqrt3A, %sub3A_33 : vector<1024x1xf32>
    %mul3A_35 = vector.broadcast %mul3A_34 : vector<1024x1xf32> to vector<1024x128xf32>
    %mul3A_36 = arith.mulf %add3A_12, %mul3A_35 : vector<1024x128xf32>
    %get3A_37 = arith.constant 0 : index
    %get3A_38 = arith.constant 0 : index
    %get3A_39 = vector.load %arg4[%get3A_37, %get3A_38] : memref<1x128xf32, #tpu.memory_space<vmem>>, vector<1x128xf32>
    %add3A_40 = vector.broadcast %get3A_39 : vector<1x128xf32> to vector<1024x128xf32>
    %add3A_41 = arith.addf %mul3A_36, %add3A_40 : vector<1024x128xf32>
    %max3A = arith.constant 0.000000e+00 : f32
    %max3A_42 = vector.broadcast %max3A : f32 to vector<1024x128xf32>
    %max3A_43 = arith.maximumf %add3A_41, %max3A_42 : vector<1024x128xf32>
    %get3A_44 = arith.constant 0 : index
    %get3A_45 = arith.constant 0 : index
    %get3A_46 = vector.load %arg5[%get3A_44, %get3A_45] : memref<128x128xf32, #tpu.memory_space<vmem>>, vector<128x128xf32>
    %dot_general3A = arith.constant dense<0.000000e+00> : vector<1024x128xf32>
    %dot_general3A_47 = tpu.matmul %max3A_43, %get3A_46, %dot_general3A {dimension_numbers = #tpu.dot_dimension_numbers<[1], [0], [0], [1], [0, 0, 1, 1], [], []>, transpose_lhs_hint = false} : vector<1024x128xf32>, vector<128x128xf32>, vector<1024x128xf32> -> vector<1024x128xf32>
    %get3A_48 = arith.constant 0 : index
    %get3A_49 = arith.constant 0 : index
    %get3A_50 = arith.constant 0 : index
    %get3A_51 = vector.load %arg3[%get3A_48, %get3A_49, %get3A_50] : memref<2x1024x128xf32, #tpu.memory_space<vmem>>, vector<1x1024x128xf32>
    %get3A_52 = vector.shape_cast %get3A_51 : vector<1x1024x128xf32> to vector<1024x128xf32>
    %slice3A_53 = vector.extract_strided_slice %get3A_52 {offsets = [0, 16], sizes = [1024, 1], strides = [1, 1]} : vector<1024x128xf32> to vector<1024x1xf32>
    %get3A_54 = arith.constant 1 : index
    %get3A_55 = arith.constant 0 : index
    %get3A_56 = arith.constant 0 : index
    %get3A_57 = vector.load %arg3[%get3A_54, %get3A_55, %get3A_56] : memref<2x1024x128xf32, #tpu.memory_space<vmem>>, vector<1x1024x128xf32>
    %get3A_58 = vector.shape_cast %get3A_57 : vector<1x1024x128xf32> to vector<1024x128xf32>
    %slice3A_59 = vector.extract_strided_slice %get3A_58 {offsets = [0, 16], sizes = [1024, 1], strides = [1, 1]} : vector<1024x128xf32> to vector<1024x1xf32>
    %add3A_60 = arith.addf %slice3A_53, %slice3A_59 : vector<1024x1xf32>
    %add3A_61 = arith.constant 1.000000e+00 : f32
    %add3A_62 = vector.broadcast %add3A_61 : f32 to vector<1024x1xf32>
    %add3A_63 = arith.addf %add3A_60, %add3A_62 : vector<1024x1xf32>
    %rsqrt3A_64 = math.rsqrt %add3A_63 : vector<1024x1xf32>
    %mul3A_65 = arith.constant 5.000000e-01 : f32
    %mul3A_66 = vector.broadcast %mul3A_65 : f32 to vector<1024x1xf32>
    %mul3A_67 = arith.mulf %mul3A_66, %add3A_63 : vector<1024x1xf32>
    %mul3A_68 = arith.mulf %mul3A_67, %rsqrt3A_64 : vector<1024x1xf32>
    %mul3A_69 = arith.mulf %mul3A_68, %rsqrt3A_64 : vector<1024x1xf32>
    %sub3A_70 = arith.constant 1.500000e+00 : f32
    %sub3A_71 = vector.broadcast %sub3A_70 : f32 to vector<1024x1xf32>
    %sub3A_72 = arith.subf %sub3A_71, %mul3A_69 : vector<1024x1xf32>
    %mul3A_73 = arith.mulf %rsqrt3A_64, %sub3A_72 : vector<1024x1xf32>
    %mul3A_74 = vector.broadcast %mul3A_73 : vector<1024x1xf32> to vector<1024x128xf32>
    %mul3A_75 = arith.mulf %dot_general3A_47, %mul3A_74 : vector<1024x128xf32>
    %swap3A = arith.constant 0 : index
    %swap3A_76 = arith.constant 0 : index
    %swap3A_77 = vector.load %arg6[%swap3A, %swap3A_76] : memref<1024x128xf32, #tpu.memory_space<vmem>>, vector<1024x128xf32>
    tpu.vector_store %arg6[%swap3A, %swap3A_76], %mul3A_75 {strides = array<i32>} : memref<1024x128xf32, #tpu.memory_space<vmem>>, vector<1024x128xf32>,
    return
  }
  func.func @transform_0(%arg0: i32) -> (i32, i32, i32) {
    %c0_i32 = arith.constant 0 : i32
    %c0_i32_0 = arith.constant 0 : i32
    %c0_i32_1 = arith.constant 0 : i32
    return %c0_i32, %arg0, %c0_i32_0 : i32, i32, i32
  }
  func.func @transform_1(%arg0: i32) -> (i32, i32) {
    %c0_i32 = arith.constant 0 : i32
    %c0_i32_0 = arith.constant 0 : i32
    return %arg0, %c0_i32 : i32, i32
  }
  func.func @transform_2(%arg0: i32) -> (i32, i32, i32) {
    %c0_i32 = arith.constant 0 : i32
    %c0_i32_0 = arith.constant 0 : i32
    %c0_i32_1 = arith.constant 0 : i32
    return %c0_i32, %arg0, %c0_i32_0 : i32, i32, i32
  }
  func.func @transform_3(%arg0: i32) -> (i32, i32) {
    %c0_i32 = arith.constant 0 : i32
    %c0_i32_0 = arith.constant 0 : i32
    %c0_i32_1 = arith.constant 0 : i32
    return %c0_i32, %c0_i32_0 : i32, i32
  }
  func.func @transform_4(%arg0: i32) -> (i32, i32) {
    %c0_i32 = arith.constant 0 : i32
    %c0_i32_0 = arith.constant 0 : i32
    %c0_i32_1 = arith.constant 0 : i32
    return %c0_i32, %c0_i32_0 : i32, i32
  }
  func.func @transform_5(%arg0: i32) -> (i32, i32) {
    %c0_i32 = arith.constant 0 : i32
    %c0_i32_0 = arith.constant 0 : i32
    return %arg0, %c0_i32 : i32, i32
  }
}

module attributes {stable_mosaic.version = 14 : i64} {
  func.func @_fuse_body(%arg0: i32, %arg1: memref<2x1024x128xf32, #tpu.memory_space<vmem>>, %arg2: memref<1024x128xf32, #tpu.memory_space<vmem>>, %arg3: memref<2x1024x128xf32, #tpu.memory_space<vmem>>, %arg4: memref<1x128xf32, #tpu.memory_space<vmem>>, %arg5: memref<128x128xf32, #tpu.memory_space<vmem>>, %arg6: memref<1024x128xf32, #tpu.memory_space<vmem>>) attributes {dimension_semantics = [#tpu.dimension_semantics<arbitrary>], iteration_bounds = array<i64: 10>, scalar_prefetch = 0 : i64, scratch_operands = 0 : i64, tpu.core_type = #tpu.core_type<tc>, window_params = [{transform_indices = @transform_0, window_bounds = array<i64: 2, 1024, 128>}, {transform_indices = @transform_1, window_bounds = array<i64: 1024, 128>}, {transform_indices = @transform_2, window_bounds = array<i64: 2, 1024, 128>}, {pipeline_mode = #tpu.pipeline_mode<synchronous>, transform_indices = @transform_3, window_bounds = array<i64: 1, 128>}, {pipeline_mode = #tpu.pipeline_mode<synchronous>, transform_indices = @transform_4, window_bounds = array<i64: 128, 128>}, {transform_indices = @transform_5, window_bounds = array<i64: 1024, 128>}]} {
    %get3A = arith.constant 0 : index
    %get3A_0 = arith.constant 0 : index
    %get3A_1 = arith.constant 0 : index
    %get3A_2 = vector.load %arg1[%get3A, %get3A_0, %get3A_1] : memref<2x1024x128xf32, #tpu.memory_space<vmem>>, vector<1x1024x128xf32>
    %get3A_3 = vector.shape_cast %get3A_2 : vector<1x1024x128xf32> to vector<1024x128xf32>
    %get3A_4 = arith.constant 1 : index
    %get3A_5 = arith.constant 0 : index
    %get3A_6 = arith.constant 0 : index
    %get3A_7 = vector.load %arg1[%get3A_4, %get3A_5, %get3A_6] : memref<2x1024x128xf32, #tpu.memory_space<vmem>>, vector<1x1024x128xf32>
    %get3A_8 = vector.shape_cast %get3A_7 : vector<1x1024x128xf32> to vector<1024x128xf32>
    %add3A = arith.addf %get3A_3, %get3A_8 : vector<1024x128xf32>
    %get3A_9 = arith.constant 0 : index
    %get3A_10 = arith.constant 0 : index
    %get3A_11 = vector.load %arg2[%get3A_9, %get3A_10] : memref<1024x128xf32, #tpu.memory_space<vmem>>, vector<1024x128xf32>
    %add3A_12 = arith.addf %add3A, %get3A_11 : vector<1024x128xf32>
    %get3A_13 = arith.constant 0 : index
    %get3A_14 = arith.constant 0 : index
    %get3A_15 = arith.constant 0 : index
    %get3A_16 = vector.load %arg3[%get3A_13, %get3A_14, %get3A_15] : memref<2x1024x128xf32, #tpu.memory_space<vmem>>, vector<1x1024x128xf32>
    %get3A_17 = vector.shape_cast %get3A_16 : vector<1x1024x128xf32> to vector<1024x128xf32>
    %slice3A = vector.extract_strided_slice %get3A_17 {offsets = [0, 16], sizes = [1024, 1], strides = [1, 1]} : vector<1024x128xf32> to vector<1024x1xf32>
    %get3A_18 = arith.constant 1 : index
    %get3A_19 = arith.constant 0 : index
    %get3A_20 = arith.constant 0 : index
    %get3A_21 = vector.load %arg3[%get3A_18, %get3A_19, %get3A_20] : memref<2x1024x128xf32, #tpu.memory_space<vmem>>, vector<1x1024x128xf32>
    %get3A_22 = vector.shape_cast %get3A_21 : vector<1x1024x128xf32> to vector<1024x128xf32>
    %slice3A_23 = vector.extract_strided_slice %get3A_22 {offsets = [0, 16], sizes = [1024, 1], strides = [1, 1]} : vector<1024x128xf32> to vector<1024x1xf32>
    %add3A_24 = arith.addf %slice3A, %slice3A_23 : vector<1024x1xf32>
    %add3A_25 = arith.constant 1.000000e+00 : f32
    %add3A_26 = vector.broadcast %add3A_25 : f32 to vector<1024x1xf32>
    %add3A_27 = arith.addf %add3A_24, %add3A_26 : vector<1024x1xf32>
    %rsqrt3A = math.rsqrt %add3A_27 : vector<1024x1xf32>
    %mul3A = arith.constant 5.000000e-01 : f32
    %mul3A_28 = vector.broadcast %mul3A : f32 to vector<1024x1xf32>
    %mul3A_29 = arith.mulf %mul3A_28, %add3A_27 : vector<1024x1xf32>
    %mul3A_30 = arith.mulf %mul3A_29, %rsqrt3A : vector<1024x1xf32>
    %mul3A_31 = arith.mulf %mul3A_30, %rsqrt3A : vector<1024x1xf32>
    %sub3A = arith.constant 1.500000e+00 : f32
    %sub3A_32 = vector.broadcast %sub3A : f32 to vector<1024x1xf32>
    %sub3A_33 = arith.subf %sub3A_32, %mul3A_31 : vector<1024x1xf32>
    %mul3A_34 = arith.mulf %rsqrt3A, %sub3A_33 : vector<1024x1xf32>
    %mul3A_35 = vector.broadcast %mul3A_34 : vector<1024x1xf32> to vector<1024x128xf32>
    %mul3A_36 = arith.mulf %add3A_12, %mul3A_35 : vector<1024x128xf32>
    %get3A_37 = arith.constant 0 : index
    %get3A_38 = arith.constant 0 : index
    %get3A_39 = vector.load %arg4[%get3A_37, %get3A_38] : memref<1x128xf32, #tpu.memory_space<vmem>>, vector<1x128xf32>
    %add3A_40 = vector.broadcast %get3A_39 : vector<1x128xf32> to vector<1024x128xf32>
    %add3A_41 = arith.addf %mul3A_36, %add3A_40 : vector<1024x128xf32>
    %max3A = arith.constant 0.000000e+00 : f32
    %max3A_42 = vector.broadcast %max3A : f32 to vector<1024x128xf32>
    %max3A_43 = arith.maximumf %add3A_41, %max3A_42 : vector<1024x128xf32>
    %get3A_44 = arith.constant 0 : index
    %get3A_45 = arith.constant 0 : index
    %get3A_46 = vector.load %arg5[%get3A_44, %get3A_45] : memref<128x128xf32, #tpu.memory_space<vmem>>, vector<128x128xf32>
    %dot_general3A = arith.constant dense<0.000000e+00> : vector<1024x128xf32>
    %dot_general3A_47 = tpu.matmul %max3A_43, %get3A_46, %dot_general3A {dimension_numbers = #tpu.dot_dimension_numbers<[1], [0], [0], [1], [0, 0, 1, 1], [], []>, transpose_lhs_hint = false} : vector<1024x128xf32>, vector<128x128xf32>, vector<1024x128xf32> -> vector<1024x128xf32>
    %get3A_48 = arith.constant 0 : index
    %get3A_49 = arith.constant 0 : index
    %get3A_50 = arith.constant 0 : index
    %get3A_51 = vector.load %arg3[%get3A_48, %get3A_49, %get3A_50] : memref<2x1024x128xf32, #tpu.memory_space<vmem>>, vector<1x1024x128xf32>
    %get3A_52 = vector.shape_cast %get3A_51 : vector<1x1024x128xf32> to vector<1024x128xf32>
    %slice3A_53 = vector.extract_strided_slice %get3A_52 {offsets = [0, 32], sizes = [1024, 1], strides = [1, 1]} : vector<1024x128xf32> to vector<1024x1xf32>
    %get3A_54 = arith.constant 1 : index
    %get3A_55 = arith.constant 0 : index
    %get3A_56 = arith.constant 0 : index
    %get3A_57 = vector.load %arg3[%get3A_54, %get3A_55, %get3A_56] : memref<2x1024x128xf32, #tpu.memory_space<vmem>>, vector<1x1024x128xf32>
    %get3A_58 = vector.shape_cast %get3A_57 : vector<1x1024x128xf32> to vector<1024x128xf32>
    %slice3A_59 = vector.extract_strided_slice %get3A_58 {offsets = [0, 32], sizes = [1024, 1], strides = [1, 1]} : vector<1024x128xf32> to vector<1024x1xf32>
    %add3A_60 = arith.addf %slice3A_53, %slice3A_59 : vector<1024x1xf32>
    %add3A_61 = arith.constant 1.000000e+00 : f32
    %add3A_62 = vector.broadcast %add3A_61 : f32 to vector<1024x1xf32>
    %add3A_63 = arith.addf %add3A_60, %add3A_62 : vector<1024x1xf32>
    %rsqrt3A_64 = math.rsqrt %add3A_63 : vector<1024x1xf32>
    %mul3A_65 = arith.constant 5.000000e-01 : f32
    %mul3A_66 = vector.broadcast %mul3A_65 : f32 to vector<1024x1xf32>
    %mul3A_67 = arith.mulf %mul3A_66, %add3A_63 : vector<1024x1xf32>
    %mul3A_68 = arith.mulf %mul3A_67, %rsqrt3A_64 : vector<1024x1xf32>
    %mul3A_69 = arith.mulf %mul3A_68, %rsqrt3A_64 : vector<1024x1xf32>
    %sub3A_70 = arith.constant 1.500000e+00 : f32
    %sub3A_71 = vector.broadcast %sub3A_70 : f32 to vector<1024x1xf32>
    %sub3A_72 = arith.subf %sub3A_71, %mul3A_69 : vector<1024x1xf32>
    %mul3A_73 = arith.mulf %rsqrt3A_64, %sub3A_72 : vector<1024x1xf32>
    %mul3A_74 = vector.broadcast %mul3A_73 : vector<1024x1xf32> to vector<1024x128xf32>
    %mul3A_75 = arith.mulf %dot_general3A_47, %mul3A_74 : vector<1024x128xf32>
    %swap3A = arith.constant 0 : index
    %swap3A_76 = arith.constant 0 : index
    %swap3A_77 = vector.load %arg6[%swap3A, %swap3A_76] : memref<1024x128xf32, #tpu.memory_space<vmem>>, vector<1024x128xf32>
    tpu.vector_store %arg6[%swap3A, %swap3A_76], %mul3A_75 {strides = array<i32>} : memref<1024x128xf32, #tpu.memory_space<vmem>>, vector<1024x128xf32>,
    return
  }
  func.func @transform_0(%arg0: i32) -> (i32, i32, i32) {
    %c0_i32 = arith.constant 0 : i32
    %c0_i32_0 = arith.constant 0 : i32
    %c0_i32_1 = arith.constant 0 : i32
    return %c0_i32, %arg0, %c0_i32_0 : i32, i32, i32
  }
  func.func @transform_1(%arg0: i32) -> (i32, i32) {
    %c0_i32 = arith.constant 0 : i32
    %c0_i32_0 = arith.constant 0 : i32
    return %arg0, %c0_i32 : i32, i32
  }
  func.func @transform_2(%arg0: i32) -> (i32, i32, i32) {
    %c0_i32 = arith.constant 0 : i32
    %c0_i32_0 = arith.constant 0 : i32
    %c0_i32_1 = arith.constant 0 : i32
    return %c0_i32, %arg0, %c0_i32_0 : i32, i32, i32
  }
  func.func @transform_3(%arg0: i32) -> (i32, i32) {
    %c0_i32 = arith.constant 0 : i32
    %c0_i32_0 = arith.constant 0 : i32
    %c0_i32_1 = arith.constant 0 : i32
    return %c0_i32, %c0_i32_0 : i32, i32
  }
  func.func @transform_4(%arg0: i32) -> (i32, i32) {
    %c0_i32 = arith.constant 0 : i32
    %c0_i32_0 = arith.constant 0 : i32
    %c0_i32_1 = arith.constant 0 : i32
    return %c0_i32, %c0_i32_0 : i32, i32
  }
  func.func @transform_5(%arg0: i32) -> (i32, i32) {
    %c0_i32 = arith.constant 0 : i32
    %c0_i32_0 = arith.constant 0 : i32
    return %arg0, %c0_i32 : i32, i32
  }
}

module attributes {stable_mosaic.version = 14 : i64} {
  func.func @_final_body(%arg0: i32, %arg1: memref<2x1024x128xf32, #tpu.memory_space<vmem>>, %arg2: memref<1024x128xf32, #tpu.memory_space<vmem>>, %arg3: memref<2x1024x128xf32, #tpu.memory_space<vmem>>, %arg4: memref<1x128xf32, #tpu.memory_space<vmem>>, %arg5: memref<1x1x1024xi32, #tpu.memory_space<vmem>>, %arg6: memref<128x128xf32, #tpu.memory_space<vmem>>, %arg7: memref<1x128xf32, #tpu.memory_space<vmem>>, %arg8: memref<256x128xf32, #tpu.memory_space<vmem>>, %arg9: memref<256x128xf32, #tpu.memory_space<vmem>>, %arg10: memref<256x128xf32, #tpu.memory_space<vmem>>) attributes {dimension_semantics = [#tpu.dimension_semantics<arbitrary>], iteration_bounds = array<i64: 10>, scalar_prefetch = 0 : i64, scratch_operands = 2 : i64, tpu.core_type = #tpu.core_type<tc>, window_params = [{transform_indices = @transform_0, window_bounds = array<i64: 2, 1024, 128>}, {transform_indices = @transform_1, window_bounds = array<i64: 1024, 128>}, {transform_indices = @transform_2, window_bounds = array<i64: 2, 1024, 128>}, {pipeline_mode = #tpu.pipeline_mode<synchronous>, transform_indices = @transform_3, window_bounds = array<i64: 1, 128>}, {transform_indices = @transform_4, window_bounds = array<i64: 1, 1, 1024>}, {pipeline_mode = #tpu.pipeline_mode<synchronous>, transform_indices = @transform_5, window_bounds = array<i64: 128, 128>}, {pipeline_mode = #tpu.pipeline_mode<synchronous>, transform_indices = @transform_6, window_bounds = array<i64: 1, 128>}, {pipeline_mode = #tpu.pipeline_mode<synchronous>, transform_indices = @transform_7, window_bounds = array<i64: 256, 128>}]} {
    %eq3A = arith.constant 0 : i32
    %eq3A_0 = arith.cmpi eq, %arg0, %eq3A : i32
    %convert_element_type3A = arith.extui %eq3A_0 : i1 to i32
    %cond3A = arith.constant 0 : i32
    %cond3A_1 = arith.cmpi ne, %convert_element_type3A, %cond3A : i32
    scf.if %cond3A_1 {
      %broadcast_in_dim3A_75 = arith.constant 0.000000e+00 : f32
      %broadcast_in_dim3A_76 = vector.broadcast %broadcast_in_dim3A_75 : f32 to vector<256x128xf32>
      %swap3A_77 = arith.constant 0 : index
      %swap3A_78 = arith.constant 0 : index
      %swap3A_79 = vector.load %arg9[%swap3A_77, %swap3A_78] : memref<256x128xf32, #tpu.memory_space<vmem>>, vector<256x128xf32>
      tpu.vector_store %arg9[%swap3A_77, %swap3A_78], %broadcast_in_dim3A_76 {strides = array<i32>} : memref<256x128xf32, #tpu.memory_space<vmem>>, vector<256x128xf32>,
      %broadcast_in_dim3A_80 = arith.constant 0.000000e+00 : f32
      %broadcast_in_dim3A_81 = vector.broadcast %broadcast_in_dim3A_80 : f32 to vector<256x128xf32>
      %swap3A_82 = arith.constant 0 : index
      %swap3A_83 = arith.constant 0 : index
      %swap3A_84 = vector.load %arg10[%swap3A_82, %swap3A_83] : memref<256x128xf32, #tpu.memory_space<vmem>>, vector<256x128xf32>
      tpu.vector_store %arg10[%swap3A_82, %swap3A_83], %broadcast_in_dim3A_81 {strides = array<i32>} : memref<256x128xf32, #tpu.memory_space<vmem>>, vector<256x128xf32>,
    } else {
    }
    %get3A = arith.constant 0 : index
    %get3A_2 = arith.constant 0 : index
    %get3A_3 = arith.constant 0 : index
    %get3A_4 = vector.load %arg1[%get3A, %get3A_2, %get3A_3] : memref<2x1024x128xf32, #tpu.memory_space<vmem>>, vector<1x1024x128xf32>
    %get3A_5 = vector.shape_cast %get3A_4 : vector<1x1024x128xf32> to vector<1024x128xf32>
    %get3A_6 = arith.constant 1 : index
    %get3A_7 = arith.constant 0 : index
    %get3A_8 = arith.constant 0 : index
    %get3A_9 = vector.load %arg1[%get3A_6, %get3A_7, %get3A_8] : memref<2x1024x128xf32, #tpu.memory_space<vmem>>, vector<1x1024x128xf32>
    %get3A_10 = vector.shape_cast %get3A_9 : vector<1x1024x128xf32> to vector<1024x128xf32>
    %add3A = arith.addf %get3A_5, %get3A_10 : vector<1024x128xf32>
    %get3A_11 = arith.constant 0 : index
    %get3A_12 = arith.constant 0 : index
    %get3A_13 = vector.load %arg2[%get3A_11, %get3A_12] : memref<1024x128xf32, #tpu.memory_space<vmem>>, vector<1024x128xf32>
    %add3A_14 = arith.addf %add3A, %get3A_13 : vector<1024x128xf32>
    %get3A_15 = arith.constant 0 : index
    %get3A_16 = arith.constant 0 : index
    %get3A_17 = arith.constant 0 : index
    %get3A_18 = vector.load %arg3[%get3A_15, %get3A_16, %get3A_17] : memref<2x1024x128xf32, #tpu.memory_space<vmem>>, vector<1x1024x128xf32>
    %get3A_19 = vector.shape_cast %get3A_18 : vector<1x1024x128xf32> to vector<1024x128xf32>
    %slice3A = vector.extract_strided_slice %get3A_19 {offsets = [0, 32], sizes = [1024, 1], strides = [1, 1]} : vector<1024x128xf32> to vector<1024x1xf32>
    %get3A_20 = arith.constant 1 : index
    %get3A_21 = arith.constant 0 : index
    %get3A_22 = arith.constant 0 : index
    %get3A_23 = vector.load %arg3[%get3A_20, %get3A_21, %get3A_22] : memref<2x1024x128xf32, #tpu.memory_space<vmem>>, vector<1x1024x128xf32>
    %get3A_24 = vector.shape_cast %get3A_23 : vector<1x1024x128xf32> to vector<1024x128xf32>
    %slice3A_25 = vector.extract_strided_slice %get3A_24 {offsets = [0, 32], sizes = [1024, 1], strides = [1, 1]} : vector<1024x128xf32> to vector<1024x1xf32>
    %add3A_26 = arith.addf %slice3A, %slice3A_25 : vector<1024x1xf32>
    %add3A_27 = arith.constant 1.000000e+00 : f32
    %add3A_28 = vector.broadcast %add3A_27 : f32 to vector<1024x1xf32>
    %add3A_29 = arith.addf %add3A_26, %add3A_28 : vector<1024x1xf32>
    %rsqrt3A = math.rsqrt %add3A_29 : vector<1024x1xf32>
    %mul3A = arith.constant 5.000000e-01 : f32
    %mul3A_30 = vector.broadcast %mul3A : f32 to vector<1024x1xf32>
    %mul3A_31 = arith.mulf %mul3A_30, %add3A_29 : vector<1024x1xf32>
    %mul3A_32 = arith.mulf %mul3A_31, %rsqrt3A : vector<1024x1xf32>
    %mul3A_33 = arith.mulf %mul3A_32, %rsqrt3A : vector<1024x1xf32>
    %sub3A = arith.constant 1.500000e+00 : f32
    %sub3A_34 = vector.broadcast %sub3A : f32 to vector<1024x1xf32>
    %sub3A_35 = arith.subf %sub3A_34, %mul3A_33 : vector<1024x1xf32>
    %mul3A_36 = arith.mulf %rsqrt3A, %sub3A_35 : vector<1024x1xf32>
    %mul3A_37 = vector.broadcast %mul3A_36 : vector<1024x1xf32> to vector<1024x128xf32>
    %mul3A_38 = arith.mulf %add3A_14, %mul3A_37 : vector<1024x128xf32>
    %get3A_39 = arith.constant 0 : index
    %get3A_40 = arith.constant 0 : index
    %get3A_41 = vector.load %arg4[%get3A_39, %get3A_40] : memref<1x128xf32, #tpu.memory_space<vmem>>, vector<1x128xf32>
    %add3A_42 = vector.broadcast %get3A_41 : vector<1x128xf32> to vector<1024x128xf32>
    %add3A_43 = arith.addf %mul3A_38, %add3A_42 : vector<1024x128xf32>
    %get3A_44 = arith.constant 0 : index
    %get3A_45 = arith.constant 0 : index
    %get3A_46 = arith.constant 0 : index
    %get3A_47 = vector.load %arg5[%get3A_44, %get3A_45, %get3A_46] : memref<1x1x1024xi32, #tpu.memory_space<vmem>>, vector<1x1x1024xi32>
    %reshape3A = vector.shape_cast %get3A_47 : vector<1x1x1024xi32> to vector<1024xi32>
    %iota3A = tpu.iota {dimensions = array<i32: 0>} : vector<256x1024xi32>
    %broadcast_in_dim3A = vector.shape_cast %reshape3A : vector<1024xi32> to vector<1x1024xi32>
    %eq3A_48 = vector.broadcast %broadcast_in_dim3A : vector<1x1024xi32> to vector<256x1024xi32>
    %eq3A_49 = arith.cmpi eq, %iota3A, %eq3A_48 : vector<256x1024xi32>
    %convert_element_type3A_50 = arith.extui %eq3A_49 : vector<256x1024xi1> to vector<256x1024xi32>
    %convert_element_type3A_51 = arith.sitofp %convert_element_type3A_50 : vector<256x1024xi32> to vector<256x1024xf32>
    %get3A_52 = arith.constant 0 : index
    %get3A_53 = arith.constant 0 : index
    %get3A_54 = vector.load %arg9[%get3A_52, %get3A_53] : memref<256x128xf32, #tpu.memory_space<vmem>>, vector<256x128xf32>
    %dot_general3A = arith.constant dense<0.000000e+00> : vector<256x128xf32>
    %dot_general3A_55 = tpu.matmul %convert_element_type3A_51, %add3A_43, %dot_general3A {dimension_numbers = #tpu.dot_dimension_numbers<[1], [0], [0], [1], [0, 0, 1, 1], [], []>, transpose_lhs_hint = false} : vector<256x1024xf32>, vector<1024x128xf32>, vector<256x128xf32> -> vector<256x128xf32>
    %add3A_56 = arith.addf %get3A_54, %dot_general3A_55 : vector<256x128xf32>
    %swap3A = arith.constant 0 : index
    %swap3A_57 = arith.constant 0 : index
    %swap3A_58 = vector.load %arg9[%swap3A, %swap3A_57] : memref<256x128xf32, #tpu.memory_space<vmem>>, vector<256x128xf32>
    tpu.vector_store %arg9[%swap3A, %swap3A_57], %add3A_56 {strides = array<i32>} : memref<256x128xf32, #tpu.memory_space<vmem>>, vector<256x128xf32>,
    %reduce_sum3A = arith.constant dense<0.000000e+00> : vector<256xf32>
    %reduce_sum3A_59 = vector.multi_reduction <add>, %convert_element_type3A_51, %reduce_sum3A [1] : vector<256x1024xf32> to vector<256xf32>
    %get3A_60 = arith.constant 0 : index
    %get3A_61 = arith.constant 0 : index
    %get3A_62 = vector.load %arg10[%get3A_60, %get3A_61] : memref<256x128xf32, #tpu.memory_space<vmem>>, vector<256x128xf32>
    %broadcast_in_dim3A_63 = vector.shape_cast %reduce_sum3A_59 : vector<256xf32> to vector<256x1xf32>
    %broadcast_in_dim3A_64 = vector.shape_cast %broadcast_in_dim3A_63 : vector<256x1xf32> to vector<256x1xf32>
    %broadcast_in_dim3A_65 = vector.broadcast %broadcast_in_dim3A_64 : vector<256x1xf32> to vector<256x128xf32>
    %add3A_66 = arith.addf %get3A_62, %broadcast_in_dim3A_65 : vector<256x128xf32>
    %swap3A_67 = arith.constant 0 : index
    %swap3A_68 = arith.constant 0 : index
    %swap3A_69 = vector.load %arg10[%swap3A_67, %swap3A_68] : memref<256x128xf32, #tpu.memory_space<vmem>>, vector<256x128xf32>
    tpu.vector_store %arg10[%swap3A_67, %swap3A_68], %add3A_66 {strides = array<i32>} : memref<256x128xf32, #tpu.memory_space<vmem>>, vector<256x128xf32>,
    %eq3A_70 = arith.constant 9 : i32
    %eq3A_71 = arith.cmpi eq, %arg0, %eq3A_70 : i32
    %convert_element_type3A_72 = arith.extui %eq3A_71 : i1 to i32
    %cond3A_73 = arith.constant 0 : i32
    %cond3A_74 = arith.cmpi ne, %convert_element_type3A_72, %cond3A_73 : i32
    scf.if %cond3A_74 {
      %get3A_75 = arith.constant 0 : index
      %get3A_76 = arith.constant 0 : index
      %get3A_77 = vector.load %arg9[%get3A_75, %get3A_76] : memref<256x128xf32, #tpu.memory_space<vmem>>, vector<256x128xf32>
      %get3A_78 = arith.constant 0 : index
      %get3A_79 = arith.constant 0 : index
      %get3A_80 = vector.load %arg10[%get3A_78, %get3A_79] : memref<256x128xf32, #tpu.memory_space<vmem>>, vector<256x128xf32>
      %max3A = arith.constant 1.000000e+00 : f32
      %max3A_81 = vector.broadcast %max3A : f32 to vector<256x128xf32>
      %max3A_82 = arith.maximumf %get3A_80, %max3A_81 : vector<256x128xf32>
      %div3A = arith.divf %get3A_77, %max3A_82 : vector<256x128xf32>
      %get3A_83 = arith.constant 0 : index
      %get3A_84 = arith.constant 0 : index
      %get3A_85 = vector.load %arg6[%get3A_83, %get3A_84] : memref<128x128xf32, #tpu.memory_space<vmem>>, vector<128x128xf32>
      %dot_general3A_86 = arith.constant dense<0.000000e+00> : vector<256x128xf32>
      %dot_general3A_87 = tpu.matmul %div3A, %get3A_85, %dot_general3A_86 {dimension_numbers = #tpu.dot_dimension_numbers<[1], [0], [0], [1], [0, 0, 1, 1], [], []>, transpose_lhs_hint = false} : vector<256x128xf32>, vector<128x128xf32>, vector<256x128xf32> -> vector<256x128xf32>
      %get3A_88 = arith.constant 0 : index
      %get3A_89 = arith.constant 0 : index
      %get3A_90 = vector.load %arg7[%get3A_88, %get3A_89] : memref<1x128xf32, #tpu.memory_space<vmem>>, vector<1x128xf32>
      %add3A_91 = vector.broadcast %get3A_90 : vector<1x128xf32> to vector<256x128xf32>
      %add3A_92 = arith.addf %dot_general3A_87, %add3A_91 : vector<256x128xf32>
      %swap3A_93 = arith.constant 0 : index
      %swap3A_94 = arith.constant 0 : index
      %swap3A_95 = vector.load %arg8[%swap3A_93, %swap3A_94] : memref<256x128xf32, #tpu.memory_space<vmem>>, vector<256x128xf32>
      tpu.vector_store %arg8[%swap3A_93, %swap3A_94], %add3A_92 {strides = array<i32>} : memref<256x128xf32, #tpu.memory_space<vmem>>, vector<256x128xf32>,
    } else {
    }
    return
  }
  func.func @transform_0(%arg0: i32) -> (i32, i32, i32) {
    %c0_i32 = arith.constant 0 : i32
    %c0_i32_0 = arith.constant 0 : i32
    %c0_i32_1 = arith.constant 0 : i32
    return %c0_i32, %arg0, %c0_i32_0 : i32, i32, i32
  }
  func.func @transform_1(%arg0: i32) -> (i32, i32) {
    %c0_i32 = arith.constant 0 : i32
    %c0_i32_0 = arith.constant 0 : i32
    return %arg0, %c0_i32 : i32, i32
  }
  func.func @transform_2(%arg0: i32) -> (i32, i32, i32) {
    %c0_i32 = arith.constant 0 : i32
    %c0_i32_0 = arith.constant 0 : i32
    %c0_i32_1 = arith.constant 0 : i32
    return %c0_i32, %arg0, %c0_i32_0 : i32, i32, i32
  }
  func.func @transform_3(%arg0: i32) -> (i32, i32) {
    %c0_i32 = arith.constant 0 : i32
    %c0_i32_0 = arith.constant 0 : i32
    %c0_i32_1 = arith.constant 0 : i32
    return %c0_i32, %c0_i32_0 : i32, i32
  }
  func.func @transform_4(%arg0: i32) -> (i32, i32, i32) {
    %c0_i32 = arith.constant 0 : i32
    %c0_i32_0 = arith.constant 0 : i32
    %c0_i32_1 = arith.constant 0 : i32
    return %arg0, %c0_i32, %c0_i32_0 : i32, i32, i32
  }
  func.func @transform_5(%arg0: i32) -> (i32, i32) {
    %c0_i32 = arith.constant 0 : i32
    %c0_i32_0 = arith.constant 0 : i32
    %c0_i32_1 = arith.constant 0 : i32
    return %c0_i32, %c0_i32_0 : i32, i32
  }
  func.func @transform_6(%arg0: i32) -> (i32, i32) {
    %c0_i32 = arith.constant 0 : i32
    %c0_i32_0 = arith.constant 0 : i32
    %c0_i32_1 = arith.constant 0 : i32
    return %c0_i32, %c0_i32_0 : i32, i32
  }
  func.func @transform_7(%arg0: i32) -> (i32, i32) {
    %c0_i32 = arith.constant 0 : i32
    %c0_i32_0 = arith.constant 0 : i32
    %c0_i32_1 = arith.constant 0 : i32
    return %c0_i32, %c0_i32_0 : i32, i32
  }
}

</mosaic_0001>

<sc_bundles>
// kernel: kernel.10.cloned.1.call-start
scs
__scs_entry_jumppad:
0x0: {  	(pc) =	sbr.rel $0x88, $3  }
0x1: {  	(tag) =	ssettag $0x0;
	lr =	simm.s32 $0x1  }
0x2: {  	[smem:$0x3F95] =	sst lr;
	_ =	strace $0xD0000000  }
0x3: {  	_ = 	snop  }
0x4: {  	_ = 	snop  }
0x5: {  	_ = 	snop  }
0x6: {  	_ = 	snop  }
0x7: {  	_ = 	snop  }
__scs_overlays_trampoline_lowered:
0x8: {  	[smem:$0x3FA4] =	sst s0  }
0x9: {  	[smem:$0x3FA5] =	sst s1  }
0xa: {  	[smem:$0x3FA6] =	sst s2  }
0xb: {  	[smem:$0x3FA7] =	sst s3  }
0xc: {  	[smem:$0x3FA8] =	sst s4  }
0xd: {  	[smem:$0x3FA9] =	sst s5  }
0xe: {  	[smem:$0x3FAA] =	sst s6  }
0xf: {  	[smem:$0x3FAB] =	sst s7  }
0x10: {  	[smem:$0x3FAC] =	sst s8  }
0x11: {  	[smem:$0x3FAD] =	sst s9;
	s0 =	simm.s32 @!p0 $0x0  }
0x12: {  	s1 =	sld [smem:$0x3F93];
	s0 =	simm.s32 @p0 $0x1  }
0x13: {  	[smem:$0x3FAE] =	sst s0;
	s0 =	simm.s32 @!p1 $0x0  }
0x14: {  	s2 =	sld [smem:$0x3F92];
	s0 =	simm.s32 @p1 $0x1  }
0x15: {  	[smem:$0x3FAF] =	sst s0;
	s0 =	simm.s32 @!p2 $0x0  }
0x16: {  	s3 =	sld [smem:$0x3FDB];
	s0 =	simm.s32 @p2 $0x1  }
0x17: {  	s4 =	simm.s32 $0x1BF5;
	[smem:$0x3FB1] =	sst s0  }
0x18: {  	s0 =	sld [smem:$0x3F94];
	_ =	swait.ge [sflag:s4], $0x0  }
0x19: {  	s7 =	sld [smem:$0x3F95]  }
0x1a: {  	s8 =	sadd.s32 $0xFFFFE003, lr  }
0x1b: {  	s9 =	sadd.s32 $0xFFFFFEF7, lr;
	s5 =	simm.s32 $0xFFFFFFFF;
	p2 =	slt.u32 s8, $0xFFFFF086  }
0x1c: {  	p1 =	slt.u32 s9, $0xF7A;
	s5 =	simm.s32 @!p2 $0x0  }
0x1d: {  	s5 =	simm.s32 @p1 $0x1;
	p0 =	seq.s32 s7, s2  }
0x1e: {  	s7 =	smul.u32 @!p0 $0xF7A, s2;
	p2 =	seq.s32 @!p0 s5, $0x0  }
0x1f: {  	s9 =	smul.u32 $0xF7A, s1;
	s8 =	simm.s32 @!p0 $0x1BF5;
	p2 =	por !p2, p0  }
0x20: {  	[sflag:s8] =	ssyncset.s32 @!p0 $0xFFFFF086;
	s6 =	sadd.s32 @!p0 s3, s7;
	s7 =	simm.s32 @!p0 $0x108  }
0x21: {  	s3 =	sadd.s32 s3, s9;
	s6 =	sadd.s32 @!p0 $0x88, s6;
	s7 =	simm.s32 @p2 $0x1082  }
0x22: {  	[simem:s7], [sflag:s8] =	dma.local @!p0 [hbm:s6], $0xF7A  }
0x23: {  	s9 =	sor.u32 $0xD0000000, s2;
	s6 =	simm.s32 $0x108;
	_ =	swait.ge @!p0 [sflag:s8], $0x0  }
0x24: {  	s3 =	sadd.s32 $0x88, s3;
	s6 =	simm.s32 @!p1 $0x1082;
	[sflag:s4] =	ssyncset.s32 $0xFFFFF086  }
0x25: {  	[simem:s6], [sflag:s4] =	dma.local [hbm:s3], $0xF7A  }
0x26: {  	[smem:$0x3F95] =	sst s1;
	(tag) =	ssettag s2;
	_ =	strace s9  }
0x27: {  	s1 =	sld [smem:$0x3FA5]  }
0x28: {  	s2 =	sld [smem:$0x3FA6]  }
0x29: {  	s4 =	sld [smem:$0x3FA8]  }
0x2a: {  	p0 =	seq.s32 s5, $0x0;
	s5 =	sld [smem:$0x3FA9]  }
0x2b: {  	s6 =	sld [smem:$0x3FAA]  }
0x2c: {  	s7 =	sld [smem:$0x3FAB]  }
0x2d: {  	s3 =	simm.s32 $0x108;
	s8 =	sld [smem:$0x3FAC]  }
0x2e: {  	s3 =	simm.s32 @!p0 $0x1082;
	s9 =	sld [smem:$0x3FAD]  }
0x2f: {  	lr =	sadd.s32 s0, s3;
	s0 =	sld [smem:$0x3FA4]  }
0x30: {  	s3 =	sld [smem:$0x3FA7]  }
0x31: {  	[smem:$0x3FB0] =	sst s10  }
0x32: {  	s10 =	sld [smem:$0x3FAE];
	_ =	sdelay $0x3  }
0x33: {  	p0 =	seq.s32 s10, $0x1;
	s10 =	sld [smem:$0x3FB0];
	_ =	sdelay $0x3  }
0x34: {  	[smem:$0x3FB0] =	sst s10  }
0x35: {  	s10 =	sld [smem:$0x3FAF];
	_ =	sdelay $0x3  }
0x36: {  	p1 =	seq.s32 s10, $0x1;
	s10 =	sld [smem:$0x3FB0];
	_ =	sdelay $0x3  }
0x37: {  	[smem:$0x3FB0] =	sst s10  }
0x38: {  	s10 =	sld [smem:$0x3FB1]  }
0x39: {  	_ = 	snop;
	(pc) =	sbr.ind lr, $3  }
0x3a: {  	_ = 	snop  }
0x3b: {  	_ = 	snop  }
0x3c: {  	p2 =	seq.s32 s10, $0x1;
	s10 =	sld [smem:$0x3FB0]  }
0x3d: {  	_ =	shalt  }
0x3e: {  	_ =	shalt  }
0x3f: {  	_ =	shalt  }
0x40: {  	_ =	shalt  }
0x41: {  	_ =	shalt  }
0x42: {  	_ =	shalt  }
0x43: {  	_ =	shalt  }
0x44: {  	_ =	shalt  }
0x45: {  	_ =	shalt  }
0x46: {  	_ =	shalt  }
0x47: {  	_ =	shalt  }
0x48: {  	_ =	shalt  }
0x49: {  	_ =	shalt  }
0x4a: {  	_ =	shalt  }
0x4b: {  	_ =	shalt  }
0x4c: {  	_ =	shalt  }
0x4d: {  	_ =	shalt  }
0x4e: {  	_ =	shalt  }
0x4f: {  	_ =	shalt  }
0x50: {  	_ =	shalt  }
0x51: {  	_ =	shalt  }
0x52: {  	_ =	shalt  }
0x53: {  	_ =	shalt  }
0x54: {  	_ =	shalt  }
0x55: {  	_ =	shalt  }
0x56: {  	_ =	shalt  }
0x57: {  	_ =	shalt  }
0x58: {  	_ =	shalt  }
0x59: {  	_ =	shalt  }
0x5a: {  	_ =	shalt  }
0x5b: {  	_ =	shalt  }
0x5c: {  	_ =	shalt  }
0x5d: {  	_ =	shalt  }
0x5e: {  	_ =	shalt  }
0x5f: {  	_ =	shalt  }
0x60: {  	_ =	shalt  }
0x61: {  	_ =	shalt  }
0x62: {  	_ =	shalt  }
0x63: {  	_ =	shalt  }
0x64: {  	_ =	shalt  }
0x65: {  	_ =	shalt  }
0x66: {  	_ =	shalt  }
0x67: {  	_ =	shalt  }
0x68: {  	_ =	shalt  }
0x69: {  	_ =	shalt  }
0x6a: {  	_ =	shalt  }
0x6b: {  	_ =	shalt  }
0x6c: {  	_ =	shalt  }
0x6d: {  	_ =	shalt  }
0x6e: {  	_ =	shalt  }
0x6f: {  	_ =	shalt  }
0x70: {  	_ =	shalt  }
0x71: {  	_ =	shalt  }
0x72: {  	_ =	shalt  }
0x73: {  	_ =	shalt  }
0x74: {  	_ =	shalt  }
0x75: {  	_ =	shalt  }
0x76: {  	_ =	shalt  }
0x77: {  	_ =	shalt  }
0x78: {  	_ =	shalt  }
0x79: {  	_ =	shalt  }
0x7a: {  	_ =	shalt  }
0x7b: {  	_ =	shalt  }
0x7c: {  	_ =	shalt  }
0x7d: {  	_ =	shalt  }
0x7e: {  	_ =	shalt  }
0x7f: {  	_ =	shalt  }
0x80: {  	_ =	shalt  }
0x81: {  	_ =	shalt  }
0x82: {  	_ =	shalt  }
0x83: {  	_ =	shalt  }
0x84: {  	_ =	shalt  }
0x85: {  	_ =	shalt  }
0x86: {  	_ =	shalt  }
0x87: {  	_ =	shalt  }
.Lfunc_end0:
.L_simem_size_0:
called_computation_lowered:
.L_overlay_start_0:
0x88: {  	s2 =	sld [smem:$0x3FD9]  }
0x89: {  	s3 =	sld [smem:$0x3FFE];
	_ =	sdelay $0x1  }
0x8a: {  	s1 =	srdreg.scid  }
0x8b: {  	s0 =	sand.u32 $0x1, s1  }
0x8c: {  	s16 =	sshll.u32 s0, $0xA;
	s2 =	sadd.s32 s3, s2  }
0x8d: {  	s2 =	sadd.s32 s2, s16  }
0x8e: {  	[smem:$0x3FBC] =	sst s2  }
0x8f: {  	_ = 	snop  }
0x90: {  	(tm) =	ssettm $0x1  }
0x91: {  	s17 =	sld [smem:$0x3FFB];
	_ =	sdelay $0x3  }
0x92: {  	_ =	strace s17  }
0x93: {  	s2 =	sld [smem:$0x3FFC];
	_ =	sdelay $0x3  }
0x94: {  	_ =	strace s2  }
0x95: {  	s2 =	sld [smem:$0x3FFD];
	_ =	sdelay $0x3  }
0x96: {  	_ =	strace s2  }
0x97: {  	_ =	strace $0x8FFFFFFF  }
0x98: {  	s18 =	sld [smem:$0x3FDB];
	_ =	sdelay $0x1  }
0x99: {  	s19 =	simm.s32 $_scs_section_size  }
0x9a: {  	s4 =	simm.s32 $_size__tile_overlayer_lowered;
	s5 =	simm.s32 $_tile_overlayer_lowered  }
0x9b: {  	s22 =	simm.s32 $0x1BFF;
	s21 =	sshll.u32 s5, $0x1;
	s2 =	sadd.s32 s19, s18  }
0x9c: {  	s6 =	simm.s32 $0x0;
	s20 =	sshll.u32 s4, $0x1;
	s4 =	sadd.s32 s21, s2  }
0x9d: {  	[timem:s6], [sflag:s22] =	dma.local [hbm:s4], s20  }
0x9e: {  	_ =	swait.ge [sflag:s22], s20  }
0x9f: {  	s3 =	ssub.s32 $0x0, s20;
	[sflag:s22] =	ssyncset.done $0x0  }
0xa0: {  	[sflag:s22] =	ssyncadd.s32 s3;
	_ =	sdelay $0x1  }
0xa1: {  	s23 =	simm.s32 $0x1B8B  }
0xa2: {  	_ =	swait.ge [sflag:s23], $0x1  }
0xa3: {  	[sflag:s23] =	ssyncset.done $0x0  }
0xa4: {  	s25 =	simm.s32 $0x1B8E;
	s24 =	sld [smem:$0x3FFE];
	[sflag:s23] =	ssyncadd.s32 $0xFFFFFFFF  }
0xa5: {  	s26 =	simm.s32 $execute0_lowered;
	[smem:$0x3FD2] =	sst s25  }
0xa6: {  	s4 =	sshll.u32 s26, $0x1;
	_ =	strace $0x80000046;
	[dreg:$0x1] =	wrdreg $0xFFFFFFFF  }
0xa7: {  	s28 =	simm.s32 $_size_execute0_lowered;
	s2 =	sadd.s32 s2, s4;
	[dreg:$0x0] =	wrdreg $0x0  }
0xa8: {  	s4 =	sshll.u32 s28, $0x1;
	[dreg:$0x2] =	wrdreg s2  }
0xa9: {  	[dreg:$0x3] =	wrdreg s4  }
0xaa: {  	[dreg:$0x4] =	wrdreg $0xC0  }
0xab: {  	_ =	task [dreg:s6], $0x5FFFF  }
0xac: {  	[dreg:$0x1] =	wrdreg $0xFFFFFFFF  }
0xad: {  	[dreg:$0x0] =	wrdreg $0x60  }
0xae: {  	[dreg:$0x2] =	wrdreg s24  }
0xaf: {  	[dreg:$0x3] =	wrdreg $0x0  }
0xb0: {  	[dreg:$0x4] =	wrdreg $0x9  }
0xb1: {  	_ =	task.clear_ibuf [dreg:s6], $0x5FFFF;
	_ =	strace $0x90000046  }
0xb2: {  	s29 =	simm.s32 $0x9;
	_ =	strace $0x80000048  }
0xb3: {  	_ =	swait.ge [sflag:s29], $0x1  }
0xb4: {  	[sflag:s29] =	ssyncadd.s32 $0xFFFFFFFF  }
0xb5: {  	_ =	strace $0x90000048  }
0xb6: {  	_ =	sfence  }
0xb7: {  	s30 =	sld [smem:$0x0];
	_ =	sdelay $0x2  }
0xb8: {  	s31 =	sshll.u32 s1, $0xD;
	s1 =	sshrl.u32 s1, $0x2  }
0xb9: {  	s3 =	sand.u32 $0x4000, s31;
	s1 =	sadd.s32 s1, s30  }
0xba: {  	s0 =	sor.u32 s3, s0;
	s1 =	sshll.u32 s1, $0x11  }
0xbb: {  	s0 =	sor.u32 s1, s0  }
0xbc: {  	s0 =	sadd.s32 $0x8F2B, s0  }
0xbd: {  	[sflag:s0] =	ssyncadd.remote.s32 $0x1  }
0xbe: {  	_ =	sfence.sel $0xFFFF  }
0xbf: {  	[dreg:$0x0] =	wrdreg $0xFFFFFFFF;
	(pc) =	sbr.abs _section_cstart, $3  }
0xc0: {  	[dreg:$0x1] =	wrdreg $0xFFFFFFFF  }
0xc1: {  	_ =	task.clear_ibuf [dreg:s6], $0x2FFFF;
	_ =	strace $0x9FFFFFFF  }
0xc2: {  	(tm) =	ssettm $0x7FFFFFFF  }
0xc3: {  	_ =	shalt  }
tec
execute0_lowered:
.L_overlay_start_1:
0x0: {  	(tag) =	ssettag $0x1  }
0x1: {  	s4 =	rddreg [dreg:$0x0]  }
0x2: {  	s0 =	srdreg.scid;
	s2 =	rddreg [dreg:$0x1]  }
0x3: {  	s1 =	rddreg [dreg:$0x2];
	s3 =	simm.s32 $0x0;
	s5 =	sand.u32 $0x1, s0  }
0x4: {  	s17 =	simm.s32 $0x14000;
	s0 =	stileid.u32;
	s6 =	smul.u32 $0x27800, s5  }
0x5: {  	s18 =	simm.s32 $0x1;
	s19 =	simm.s32 $0x1C000;
	s7 =	smul.u32 $0x2780, s0  }
0x6: {  	s20 =	simm.s32 $0x1C080;
	s21 =	simm.s32 $0x80;
	s8 =	smul.u32 $0x280, s0  }
0x7: {  	s22 =	simm.s32 $0x1C100;
	s23 =	simm.s32 $0x18000;
	s28 =	smul.u32 $0x2800, s5  }
0x8: {  	s24 =	simm.s32 $0x0;
	[smem:$0x7FF] =	sst s3;
	s9 =	smul.u32 $0x50000, s0  }
0x9: {  	_ =	strace $0x80000047;
	s5 =	ssub.s32 $0x2, s5;
	s6 =	sadd.s32 s7, s6  }
0xa: {  	s31 =	sshrl.u32 s5, $0x1;
	s29 =	sadd.s32 s8, s28;
	s6 =	sshrl.u32 s6, $0x3  }
0xb: {  	s14 =	ssub.s32 s5, s31;
	s16 =	sadd.s32 s6, s4;
	s6 =	sshll.u32 s29, $0x4  }
0xc: {  	s30 =	sshrl.u32 s9, $0x2;
	s14 =	smax.u32 s14, $0x1;
	s13 =	sadd.s32 s6, s4  }
0xd: {  	s4 =	sadd.s32 s30, s2;
	s15 =	sadd.s32 $0xD400, s16;
	s16 =	sadd.s32 $0x3600, s16  }
0xe: {  	s5 =	sadd.s32 $0x4000, s4;
	s6 =	sadd.s32 $0x8000, s4;
	s7 =	sadd.s32 $0xC000, s4  }
0xf: {  	s8 =	sadd.s32 $0x10000, s4;
	s9 =	sadd.s32 $0x17200, s13;
	s10 =	sadd.s32 $0x17A00, s13  }
0x10: {  	v0 =	vimm.f32 $0.0e+00;
	v1 =	vimm.f32 $1.000000000e+00;
	s11 =	sadd.s32 $0x18200, s13;
	s12 =	sadd.s32 $0x18A00, s13;
	s13 =	sadd.s32 $0x19200, s13  }
.LBB2_1:
0x11: {  	s25 =	simm.s32 $0x0;
	s26 =	simm.s32 $0x200  }
.LBB2_2:
0x12: {  	p0 =	sne.s32 s26, $0xFE00;
	[tilespmem:s25+$0x14070] =	vst v0  }
0x13: {  	[tilespmem:s25+$0x14000] =	vst v0  }
0x14: {  	[tilespmem:s25+$0x14010] =	vst v0  }
.Ltmp0:
0x15: {  	[tilespmem:s25+$0x14020] =	vst v0;
	(pc) =	sbr.rel @p0 .LBB2_2-.Ltmp0, $4  }
0x16: {  	[tilespmem:s25+$0x14030] =	vst v0  }
0x17: {  	[tilespmem:s25+$0x14040] =	vst v0  }
0x18: {  	[tilespmem:s25+$0x14050] =	vst v0  }
0x19: {  	[tilespmem:s25+$0x14060] =	vst v0;
	s25 =	sshra.s32 s26, $0x2;
	s26 =	sadd.s32 $0x200, s26  }
0x1a: {  	[tilespmem:s25+$0x14070] =	vst v0  }
0x1b: {  	[tilespmem:s25+$0x14000] =	vst v0  }
0x1c: {  	[tilespmem:s25+$0x14010] =	vst v0  }
0x1d: {  	[tilespmem:s25+$0x14020] =	vst v0  }
0x1e: {  	[tilespmem:s25+$0x14030] =	vst v0  }
0x1f: {  	[tilespmem:s25+$0x14040] =	vst v0  }
0x20: {  	[tilespmem:s25+$0x14050] =	vst v0  }
0x21: {  	[tilespmem:s25+$0x14060] =	vst v0  }
0x22: {  	[spmem:s4] =	stream.linear.scatter [tilespmem:s17], [sflag:$0x1], $0x4000, $0x38;
	[tilespmem:$0x1C180] =	vst v63  }
0x23: {  	_ =	swait.ge [sflag:s18], $0x4000  }
0x24: {  	[sflag:s18] =	ssyncset.done $0x0  }
0x25: {  	[sflag:s18] =	ssyncadd.s32 $0xFFFFC000  }
0x26: {  	[spmem:s5] =	stream.linear.scatter [tilespmem:s17], [sflag:$0x1], $0x4000, $0x38;
	[tilespmem:$0x1C180] =	vst v63  }
0x27: {  	_ =	swait.ge [sflag:s18], $0x4000  }
0x28: {  	[sflag:s18] =	ssyncset.done $0x0  }
0x29: {  	[sflag:s18] =	ssyncadd.s32 $0xFFFFC000  }
0x2a: {  	[spmem:s6] =	stream.linear.scatter [tilespmem:s17], [sflag:$0x1], $0x4000, $0x38;
	[tilespmem:$0x1C180] =	vst v63  }
0x2b: {  	_ =	swait.ge [sflag:s18], $0x4000  }
0x2c: {  	[sflag:s18] =	ssyncset.done $0x0  }
0x2d: {  	[sflag:s18] =	ssyncadd.s32 $0xFFFFC000  }
0x2e: {  	[spmem:s7] =	stream.linear.scatter [tilespmem:s17], [sflag:$0x1], $0x4000, $0x38;
	[tilespmem:$0x1C180] =	vst v63  }
0x2f: {  	_ =	swait.ge [sflag:s18], $0x4000  }
0x30: {  	[sflag:s18] =	ssyncset.done $0x0  }
0x31: {  	[sflag:s18] =	ssyncadd.s32 $0xFFFFC000  }
0x32: {  	[spmem:s8] =	stream.linear.scatter [tilespmem:s17], [sflag:$0x1], $0x4000, $0x38;
	[tilespmem:$0x1C180] =	vst v63  }
0x33: {  	_ =	swait.ge [sflag:s18], $0x4000  }
0x34: {  	[sflag:s18] =	ssyncset.done $0x0  }
0x35: {  	[sflag:s18] =	ssyncadd.s32 $0xFFFFC000  }
0x36: {  	s25 =	simm.s32 $0x0;
	s26 =	simm.s32 $0x200;
	[bflag:$0x0] =	sbarrier.arrive $0xFFFF  }
.LBB2_4:
0x37: {  	p0 =	sne.s32 s26, $0xFE00;
	[tilespmem:s25+$0x14070] =	vst v0  }
0x38: {  	[tilespmem:s25+$0x14000] =	vst v1  }
0x39: {  	[tilespmem:s25+$0x14010] =	vst v0  }
.Ltmp1:
0x3a: {  	[tilespmem:s25+$0x14020] =	vst v0;
	(pc) =	sbr.rel @p0 .LBB2_4-.Ltmp1, $4  }
0x3b: {  	[tilespmem:s25+$0x14030] =	vst v0  }
0x3c: {  	[tilespmem:s25+$0x14040] =	vst v0  }
0x3d: {  	[tilespmem:s25+$0x14050] =	vst v0  }
0x3e: {  	[tilespmem:s25+$0x14060] =	vst v0;
	s25 =	sshra.s32 s26, $0x2;
	s26 =	sadd.s32 $0x200, s26  }
0x3f: {  	[tilespmem:s25+$0x14070] =	vst v0  }
0x40: {  	[tilespmem:s25+$0x14000] =	vst v1  }
0x41: {  	[tilespmem:s25+$0x14010] =	vst v0  }
0x42: {  	[tilespmem:s25+$0x14020] =	vst v0  }
0x43: {  	[tilespmem:s25+$0x14030] =	vst v0  }
0x44: {  	[tilespmem:s25+$0x14040] =	vst v0  }
0x45: {  	[tilespmem:s25+$0x14050] =	vst v0  }
0x46: {  	[tilespmem:s25+$0x14060] =	vst v0;
	s26 =	sadd.s32 $0x0, s16;
	s25 =	simm.s32 $0x0  }
0x47: {  	[tilespmem:s19], [sflag:$0x1] =	stream.linear.gather [hbm4b:s26+s25], $0x80, $0x38;
	[tilespmem:$0x1C180] =	vst v63  }
0x48: {  	_ =	swait.ge [sflag:s18], $0x80  }
0x49: {  	[sflag:s18] =	ssyncset.done $0x0  }
0x4a: {  	s31 =	sadd.s32 $0x0, s15;
	[sflag:s18] =	ssyncadd.s32 $0xFFFFFF80  }
0x4b: {  	[tilespmem:s20], [sflag:$0x1] =	stream.linear.gather [hbm4b:s31+s25], $0x80, $0x38;
	[tilespmem:$0x1C180] =	vst v63  }
0x4c: {  	_ =	swait.ge [sflag:s18], $0x80  }
0x4d: {  	[sflag:s18] =	ssyncset.done $0x0  }
0x4e: {  	s26 =	simm.s32 $0x10;
	[sflag:s18] =	ssyncadd.s32 $0xFFFFFF80  }
.LBB2_6:
0x4f: {  	p0 =	sne.s32 s26, $0x4E0;
	v2 =	vld [tilespmem:$0x1C060];
	s28 =	smov.u32 s26;
	s26 =	sadd.s32 $0x10, s26  }
0x50: {  	v3 =	vld [tilespmem:$0x1C070]  }
0x51: {  	v4 =	vld [tilespmem:$0x1C020]  }
0x52: {  	v5 =	vld [tilespmem:$0x1C040]  }
0x53: {  	v6 =	vld [tilespmem:$0x1C010]  }
0x54: {  	v7 =	vld [tilespmem:$0x1C030]  }
0x55: {  	v8 =	vld [tilespmem:$0x1C0B0]  }
0x56: {  	v9 =	vld [tilespmem:$0x1C000]  }
0x57: {  	v10 =	vld [tilespmem:$0x1C0C0]  }
0x58: {  	v11 =	vld [tilespmem:$0x1C090]  }
0x59: {  	v12 =	vld [tilespmem:$0x1C080]  }
0x5a: {  	v13 =	vld [tilespmem:$0x1C0A0];
	vm0 =	vlt.s32 v8, $0x3  }
0x5b: {  	v7 =	vnsel vm0, $0x27F8, v7;
	v8 =	vld [tilespmem:$0x1C0F0]  }
0x5c: {  	[tilespmem:$0x1C130] =	vst v7;
	vm0 =	vlt.s32 v10, $0x3;
	v7 =	vld [tilespmem:$0x1C0E0]  }
0x5d: {  	vm1 =	vlt.s32 v11, $0x3;
	v5 =	vnsel vm0, $0x27F8, v5;
	v10 =	vld [tilespmem:$0x1C0D0]  }
0x5e: {  	vm0 =	vlt.s32 v12, $0x3;
	v6 =	vnsel vm1, $0x27F8, v6;
	[tilespmem:$0x1C140] =	vst v5;
	v5 =	vld [tilespmem:$0x1C050]  }
0x5f: {  	v9 =	vnsel vm0, $0x27F8, v9;
	[tilespmem:$0x1C110] =	vst v6;
	vm0 =	vlt.s32 v13, $0x3  }
0x60: {  	[tilespmem:$0x1C100] =	vst v9;
	v4 =	vnsel vm0, $0x27F8, v4;
	vm0 =	vlt.s32 v8, $0x3  }
0x61: {  	[tilespmem:$0x1C120] =	vst v4;
	vm1 =	vlt.s32 v7, $0x3;
	v3 =	vnsel vm0, $0x27F8, v3  }
0x62: {  	vm0 =	vlt.s32 v10, $0x3;
	v2 =	vnsel vm1, $0x27F8, v2;
	[tilespmem:$0x1C170] =	vst v3  }
0x63: {  	v3 =	vnsel vm0, $0x27F8, v5;
	[tilespmem:$0x1C160] =	vst v2  }
0x64: {  	[tilespmem:$0x1C150] =	vst v3  }
0x65: {  	[spmem:s2] =	stream.indirect.scatter.add.f32 [tilespmem:s17], [sflag:$0x1], $0x80, s22, s21, $0xb8;
	[tilespmem:$0x1C180] =	vst v63  }
0x66: {  	_ =	swait.ge [sflag:s18], $0x4000  }
0x67: {  	[sflag:s18] =	ssyncset.done $0x0  }
0x68: {  	s29 =	sadd.s32 s28, s16;
	[sflag:s18] =	ssyncadd.s32 $0xFFFFC000  }
0x69: {  	[tilespmem:s19], [sflag:$0x1] =	stream.linear.gather [hbm4b:s29+s25], $0x80, $0x38;
	[tilespmem:$0x1C180] =	vst v63  }
0x6a: {  	_ =	swait.ge [sflag:s18], $0x80  }
0x6b: {  	[sflag:s18] =	ssyncset.done $0x0  }
.Ltmp2:
0x6c: {  	s28 =	sadd.s32 s28, s15;
	[sflag:s18] =	ssyncadd.s32 $0xFFFFFF80;
	(pc) =	sbr.rel @p0 .LBB2_6-.Ltmp2, $4  }
0x6d: {  	[tilespmem:s20], [sflag:$0x1] =	stream.linear.gather [hbm4b:s28+s25], $0x80, $0x38;
	[tilespmem:$0x1C180] =	vst v63  }
0x6e: {  	_ =	swait.ge [sflag:s18], $0x80  }
0x6f: {  	[sflag:s18] =	ssyncset.done $0x0  }
0x70: {  	[sflag:s18] =	ssyncadd.s32 $0xFFFFFF80  }
0x71: {  	v2 =	vld [tilespmem:$0x1C060]  }
0x72: {  	v3 =	vld [tilespmem:$0x1C070]  }
0x73: {  	v4 =	vld [tilespmem:$0x1C020]  }
0x74: {  	v5 =	vld [tilespmem:$0x1C040]  }
0x75: {  	v6 =	vld [tilespmem:$0x1C010]  }
0x76: {  	v7 =	vld [tilespmem:$0x1C030]  }
0x77: {  	v8 =	vld [tilespmem:$0x1C0B0]  }
0x78: {  	v9 =	vld [tilespmem:$0x1C000]  }
0x79: {  	v10 =	vld [tilespmem:$0x1C0C0]  }
0x7a: {  	v11 =	vld [tilespmem:$0x1C090]  }
0x7b: {  	v12 =	vld [tilespmem:$0x1C080]  }
0x7c: {  	v13 =	vld [tilespmem:$0x1C0A0]  }
0x7d: {  	v60 =	vld [tilespmem:$0x1C0F0];
	vm0 =	vlt.s32 v8, $0x3  }
0x7e: {  	v61 =	vld [tilespmem:$0x1C0E0];
	vm10 =	vlt.s32 v10, $0x3;
	v7 =	vnsel vm0, $0x27F8, v7  }
0x7f: {  	v62 =	vld [tilespmem:$0x1C0D0];
	vm1 =	vlt.s32 v11, $0x3;
	v5 =	vnsel vm10, $0x27F8, v5;
	[tilespmem:$0x1C130] =	vst v7  }
0x80: {  	v63 =	vld [tilespmem:$0x1C050];
	vm11 =	vlt.s32 v12, $0x3;
	v6 =	vnsel vm1, $0x27F8, v6;
	[tilespmem:$0x1C140] =	vst v5  }
0x81: {  	vm12 =	vlt.s32 v13, $0x3;
	v9 =	vnsel vm11, $0x27F8, v9;
	[tilespmem:$0x1C110] =	vst v6  }
0x82: {  	vm13 =	vlt.s32 v60, $0x3;
	v4 =	vnsel vm12, $0x27F8, v4;
	[tilespmem:$0x1C100] =	vst v9  }
0x83: {  	vm14 =	vlt.s32 v61, $0x3;
	v3 =	vnsel vm13, $0x27F8, v3;
	[tilespmem:$0x1C120] =	vst v4  }
0x84: {  	vm15 =	vlt.s32 v62, $0x3;
	v2 =	vnsel vm14, $0x27F8, v2;
	[tilespmem:$0x1C170] =	vst v3  }
0x85: {  	v3 =	vnsel vm15, $0x27F8, v63;
	[tilespmem:$0x1C160] =	vst v2  }
0x86: {  	[tilespmem:$0x1C150] =	vst v3  }
0x87: {  	[spmem:s2] =	stream.indirect.scatter.add.f32 [tilespmem:s17], [sflag:$0x1], $0x80, s22, s21, $0xb8;
	[tilespmem:$0x1C180] =	vst v63  }
0x88: {  	_ =	swait.ge [sflag:s18], $0x4000  }
0x89: {  	[sflag:s18] =	ssyncset.done $0x0  }
0x8a: {  	s25 =	simm.s32 $0x0;
	s26 =	simm.s32 $0x200;
	[sflag:s18] =	ssyncadd.s32 $0xFFFFC000  }
.LBB2_8:
0x8b: {  	p0 =	sne.s32 s26, $0xFE00;
	[tilespmem:s25+$0x14070] =	vst v0  }
0x8c: {  	[tilespmem:s25+$0x14000] =	vst v0  }
0x8d: {  	[tilespmem:s25+$0x14010] =	vst v1  }
.Ltmp3:
0x8e: {  	[tilespmem:s25+$0x14020] =	vst v0;
	(pc) =	sbr.rel @p0 .LBB2_8-.Ltmp3, $4  }
0x8f: {  	[tilespmem:s25+$0x14030] =	vst v0  }
0x90: {  	[tilespmem:s25+$0x14040] =	vst v0  }
0x91: {  	[tilespmem:s25+$0x14050] =	vst v0  }
0x92: {  	[tilespmem:s25+$0x14060] =	vst v0;
	s25 =	sshra.s32 s26, $0x2;
	s26 =	sadd.s32 $0x200, s26  }
0x93: {  	[tilespmem:s25+$0x14070] =	vst v0  }
0x94: {  	[tilespmem:s25+$0x14000] =	vst v0  }
0x95: {  	[tilespmem:s25+$0x14010] =	vst v1  }
0x96: {  	[tilespmem:s25+$0x14020] =	vst v0  }
0x97: {  	[tilespmem:s25+$0x14030] =	vst v0  }
0x98: {  	[tilespmem:s25+$0x14040] =	vst v0  }
0x99: {  	[tilespmem:s25+$0x14050] =	vst v0  }
0x9a: {  	[tilespmem:s25+$0x14060] =	vst v0;
	s26 =	sadd.s32 $0x0, s16;
	s25 =	simm.s32 $0x0  }
0x9b: {  	[tilespmem:s19], [sflag:$0x1] =	stream.linear.gather [hbm4b:s26+s25], $0x80, $0x38;
	[tilespmem:$0x1C180] =	vst v63  }
0x9c: {  	_ =	swait.ge [sflag:s18], $0x80  }
0x9d: {  	[sflag:s18] =	ssyncset.done $0x0  }
0x9e: {  	s31 =	sadd.s32 $0x0, s15;
	[sflag:s18] =	ssyncadd.s32 $0xFFFFFF80  }
0x9f: {  	[tilespmem:s20], [sflag:$0x1] =	stream.linear.gather [hbm4b:s31+s25], $0x80, $0x38;
	[tilespmem:$0x1C180] =	vst v63  }
0xa0: {  	_ =	swait.ge [sflag:s18], $0x80  }
0xa1: {  	[sflag:s18] =	ssyncset.done $0x0  }
0xa2: {  	s26 =	simm.s32 $0x10;
	[sflag:s18] =	ssyncadd.s32 $0xFFFFFF80  }
.LBB2_10:
0xa3: {  	p0 =	sne.s32 s26, $0x4E0;
	v2 =	vld [tilespmem:$0x1C060];
	s28 =	smov.u32 s26;
	s26 =	sadd.s32 $0x10, s26  }
0xa4: {  	v3 =	vld [tilespmem:$0x1C070]  }
0xa5: {  	v4 =	vld [tilespmem:$0x1C020]  }
0xa6: {  	v5 =	vld [tilespmem:$0x1C040]  }
0xa7: {  	v6 =	vld [tilespmem:$0x1C010]  }
0xa8: {  	v7 =	vld [tilespmem:$0x1C030]  }
0xa9: {  	v8 =	vld [tilespmem:$0x1C0B0]  }
0xaa: {  	v9 =	vld [tilespmem:$0x1C000]  }
0xab: {  	v10 =	vld [tilespmem:$0x1C0C0]  }
0xac: {  	v11 =	vld [tilespmem:$0x1C090]  }
0xad: {  	v12 =	vld [tilespmem:$0x1C080]  }
0xae: {  	v13 =	vld [tilespmem:$0x1C0A0];
	vm0 =	veq.s32 v8, $0x1  }
0xaf: {  	v7 =	vnsel vm0, $0x27F8, v7;
	v8 =	vld [tilespmem:$0x1C0F0]  }
0xb0: {  	[tilespmem:$0x1C130] =	vst v7;
	vm0 =	veq.s32 v10, $0x1;
	v7 =	vld [tilespmem:$0x1C0E0]  }
0xb1: {  	vm1 =	veq.s32 v11, $0x1;
	v5 =	vnsel vm0, $0x27F8, v5;
	v10 =	vld [tilespmem:$0x1C0D0]  }
0xb2: {  	vm0 =	veq.s32 v12, $0x1;
	v6 =	vnsel vm1, $0x27F8, v6;
	[tilespmem:$0x1C140] =	vst v5;
	v5 =	vld [tilespmem:$0x1C050]  }
0xb3: {  	v9 =	vnsel vm0, $0x27F8, v9;
	[tilespmem:$0x1C110] =	vst v6;
	vm0 =	veq.s32 v13, $0x1  }
0xb4: {  	[tilespmem:$0x1C100] =	vst v9;
	v4 =	vnsel vm0, $0x27F8, v4;
	vm0 =	veq.s32 v8, $0x1  }
0xb5: {  	[tilespmem:$0x1C120] =	vst v4;
	vm1 =	veq.s32 v7, $0x1;
	v3 =	vnsel vm0, $0x27F8, v3  }
0xb6: {  	vm0 =	veq.s32 v10, $0x1;
	v2 =	vnsel vm1, $0x27F8, v2;
	[tilespmem:$0x1C170] =	vst v3  }
0xb7: {  	v3 =	vnsel vm0, $0x27F8, v5;
	[tilespmem:$0x1C160] =	vst v2  }
0xb8: {  	[tilespmem:$0x1C150] =	vst v3  }
0xb9: {  	[spmem:s2] =	stream.indirect.scatter.add.f32 [tilespmem:s17], [sflag:$0x1], $0x80, s22, s21, $0xb8;
	[tilespmem:$0x1C180] =	vst v63  }
0xba: {  	_ =	swait.ge [sflag:s18], $0x4000  }
0xbb: {  	[sflag:s18] =	ssyncset.done $0x0  }
0xbc: {  	s29 =	sadd.s32 s28, s16;
	[sflag:s18] =	ssyncadd.s32 $0xFFFFC000  }
0xbd: {  	[tilespmem:s19], [sflag:$0x1] =	stream.linear.gather [hbm4b:s29+s25], $0x80, $0x38;
	[tilespmem:$0x1C180] =	vst v63  }
0xbe: {  	_ =	swait.ge [sflag:s18], $0x80  }
0xbf: {  	[sflag:s18] =	ssyncset.done $0x0  }
.Ltmp4:
0xc0: {  	s28 =	sadd.s32 s28, s15;
	[sflag:s18] =	ssyncadd.s32 $0xFFFFFF80;
	(pc) =	sbr.rel @p0 .LBB2_10-.Ltmp4, $4  }
0xc1: {  	[tilespmem:s20], [sflag:$0x1] =	stream.linear.gather [hbm4b:s28+s25], $0x80, $0x38;
	[tilespmem:$0x1C180] =	vst v63  }
0xc2: {  	_ =	swait.ge [sflag:s18], $0x80  }
0xc3: {  	[sflag:s18] =	ssyncset.done $0x0  }
0xc4: {  	[sflag:s18] =	ssyncadd.s32 $0xFFFFFF80  }
0xc5: {  	v2 =	vld [tilespmem:$0x1C060]  }
0xc6: {  	v3 =	vld [tilespmem:$0x1C070]  }
0xc7: {  	v4 =	vld [tilespmem:$0x1C020]  }
0xc8: {  	v5 =	vld [tilespmem:$0x1C040]  }
0xc9: {  	v6 =	vld [tilespmem:$0x1C010]  }
0xca: {  	v7 =	vld [tilespmem:$0x1C030]  }
0xcb: {  	v8 =	vld [tilespmem:$0x1C0B0]  }
0xcc: {  	v9 =	vld [tilespmem:$0x1C000]  }
0xcd: {  	v10 =	vld [tilespmem:$0x1C0C0]  }
0xce: {  	v11 =	vld [tilespmem:$0x1C090]  }
0xcf: {  	v12 =	vld [tilespmem:$0x1C080]  }
0xd0: {  	v13 =	vld [tilespmem:$0x1C0A0]  }
0xd1: {  	v60 =	vld [tilespmem:$0x1C0F0];
	vm0 =	veq.s32 v8, $0x1  }
0xd2: {  	v61 =	vld [tilespmem:$0x1C0E0];
	vm10 =	veq.s32 v10, $0x1;
	v7 =	vnsel vm0, $0x27F8, v7  }
0xd3: {  	v62 =	vld [tilespmem:$0x1C0D0];
	vm1 =	veq.s32 v11, $0x1;
	v5 =	vnsel vm10, $0x27F8, v5;
	[tilespmem:$0x1C130] =	vst v7  }
0xd4: {  	v63 =	vld [tilespmem:$0x1C050];
	vm11 =	veq.s32 v12, $0x1;
	v6 =	vnsel vm1, $0x27F8, v6;
	[tilespmem:$0x1C140] =	vst v5  }
0xd5: {  	vm12 =	veq.s32 v13, $0x1;
	v9 =	vnsel vm11, $0x27F8, v9;
	[tilespmem:$0x1C110] =	vst v6  }
0xd6: {  	vm13 =	veq.s32 v60, $0x1;
	v4 =	vnsel vm12, $0x27F8, v4;
	[tilespmem:$0x1C100] =	vst v9  }
0xd7: {  	vm14 =	veq.s32 v61, $0x1;
	v3 =	vnsel vm13, $0x27F8, v3;
	[tilespmem:$0x1C120] =	vst v4  }
0xd8: {  	vm15 =	veq.s32 v62, $0x1;
	v2 =	vnsel vm14, $0x27F8, v2;
	[tilespmem:$0x1C170] =	vst v3  }
0xd9: {  	v3 =	vnsel vm15, $0x27F8, v63;
	[tilespmem:$0x1C160] =	vst v2  }
0xda: {  	[tilespmem:$0x1C150] =	vst v3  }
0xdb: {  	[spmem:s2] =	stream.indirect.scatter.add.f32 [tilespmem:s17], [sflag:$0x1], $0x80, s22, s21, $0xb8;
	[tilespmem:$0x1C180] =	vst v63  }
0xdc: {  	_ =	swait.ge [sflag:s18], $0x4000  }
0xdd: {  	[sflag:s18] =	ssyncset.done $0x0  }
0xde: {  	s25 =	simm.s32 $0x0;
	s26 =	simm.s32 $0x200;
	[sflag:s18] =	ssyncadd.s32 $0xFFFFC000  }
.LBB2_12:
0xdf: {  	p0 =	sne.s32 s26, $0xFE00;
	[tilespmem:s25+$0x14070] =	vst v0  }
0xe0: {  	[tilespmem:s25+$0x14000] =	vst v0  }
0xe1: {  	[tilespmem:s25+$0x14010] =	vst v0  }
.Ltmp5:
0xe2: {  	[tilespmem:s25+$0x14020] =	vst v1;
	(pc) =	sbr.rel @p0 .LBB2_12-.Ltmp5, $4  }
0xe3: {  	[tilespmem:s25+$0x14030] =	vst v0  }
0xe4: {  	[tilespmem:s25+$0x14040] =	vst v0  }
0xe5: {  	[tilespmem:s25+$0x14050] =	vst v0  }
0xe6: {  	[tilespmem:s25+$0x14060] =	vst v0;
	s25 =	sshra.s32 s26, $0x2;
	s26 =	sadd.s32 $0x200, s26  }
0xe7: {  	[tilespmem:s25+$0x14070] =	vst v0  }
0xe8: {  	[tilespmem:s25+$0x14000] =	vst v0  }
0xe9: {  	[tilespmem:s25+$0x14010] =	vst v0  }
0xea: {  	[tilespmem:s25+$0x14020] =	vst v1  }
0xeb: {  	[tilespmem:s25+$0x14030] =	vst v0  }
0xec: {  	[tilespmem:s25+$0x14040] =	vst v0  }
0xed: {  	[tilespmem:s25+$0x14050] =	vst v0  }
0xee: {  	[tilespmem:s25+$0x14060] =	vst v0;
	s31 =	sadd.s32 $0x0, s16  }
0xef: {  	[tilespmem:s19], [sflag:$0x1] =	stream.linear.gather [hbm4b:s31+s3], $0x80, $0x38;
	[tilespmem:$0x1C180] =	vst v63  }
0xf0: {  	_ =	swait.ge [sflag:s18], $0x80  }
0xf1: {  	[sflag:s18] =	ssyncset.done $0x0  }
0xf2: {  	s25 =	simm.s32 $0x10;
	s26 =	sadd.s32 $0x0, s15;
	[sflag:s18] =	ssyncadd.s32 $0xFFFFFF80  }
.LBB2_14:
0xf3: {  	[tilespmem:s20], [sflag:$0x1] =	stream.linear.gather [hbm4b:s26+s3], $0x80, $0x38;
	[tilespmem:$0x1C180] =	vst v63  }
0xf4: {  	s26 =	smov.u32 s25  }
0xf5: {  	p0 =	sne.s32 s25, $0x4E0;
	s25 =	sadd.s32 $0x10, s25;
	_ =	swait.ge [sflag:s18], $0x80  }
0xf6: {  	[sflag:s18] =	ssyncset.done $0x0  }
0xf7: {  	[sflag:s18] =	ssyncadd.s32 $0xFFFFFF80  }
0xf8: {  	v2 =	vld [tilespmem:$0x1C040]  }
0xf9: {  	v3 =	vld [tilespmem:$0x1C070]  }
0xfa: {  	v4 =	vld [tilespmem:$0x1C020]  }
0xfb: {  	v5 =	vld [tilespmem:$0x1C050]  }
0xfc: {  	v6 =	vld [tilespmem:$0x1C010]  }
0xfd: {  	v7 =	vld [tilespmem:$0x1C030]  }
0xfe: {  	v8 =	vld [tilespmem:$0x1C0B0]  }
0xff: {  	v9 =	vld [tilespmem:$0x1C000]  }
0x100: {  	v10 =	vld [tilespmem:$0x1C0D0]  }
0x101: {  	v11 =	vld [tilespmem:$0x1C090]  }
0x102: {  	v12 =	vld [tilespmem:$0x1C080]  }
0x103: {  	v13 =	vld [tilespmem:$0x1C0A0];
	vm0 =	veq.s32 v8, $0x2  }
0x104: {  	v7 =	vnsel vm0, $0x27F8, v7;
	v8 =	vld [tilespmem:$0x1C0F0]  }
0x105: {  	[tilespmem:$0x1C130] =	vst v7;
	v7 =	vld [tilespmem:$0x1C0C0];
	vm0 =	veq.s32 v10, $0x2  }
0x106: {  	vm1 =	veq.s32 v11, $0x2;
	v5 =	vnsel vm0, $0x27F8, v5;
	v10 =	vld [tilespmem:$0x1C0E0]  }
0x107: {  	vm0 =	veq.s32 v12, $0x2;
	v6 =	vnsel vm1, $0x27F8, v6;
	[tilespmem:$0x1C150] =	vst v5;
	v5 =	vld [tilespmem:$0x1C060]  }
0x108: {  	v9 =	vnsel vm0, $0x27F8, v9;
	[tilespmem:$0x1C110] =	vst v6;
	vm0 =	veq.s32 v13, $0x2  }
0x109: {  	[tilespmem:$0x1C100] =	vst v9;
	v4 =	vnsel vm0, $0x27F8, v4;
	vm0 =	veq.s32 v8, $0x2  }
0x10a: {  	[tilespmem:$0x1C120] =	vst v4;
	vm1 =	veq.s32 v7, $0x2;
	v3 =	vnsel vm0, $0x27F8, v3  }
0x10b: {  	v2 =	vnsel vm1, $0x27F8, v2;
	vm0 =	veq.s32 v10, $0x2;
	[tilespmem:$0x1C170] =	vst v3  }
0x10c: {  	[tilespmem:$0x1C140] =	vst v2;
	v2 =	vnsel vm0, $0x27F8, v5  }
0x10d: {  	[tilespmem:$0x1C160] =	vst v2  }
0x10e: {  	[spmem:s2] =	stream.indirect.scatter.add.f32 [tilespmem:s17], [sflag:$0x1], $0x80, s22, s21, $0xb8;
	[tilespmem:$0x1C180] =	vst v63  }
0x10f: {  	_ =	swait.ge [sflag:s18], $0x4000  }
0x110: {  	[sflag:s18] =	ssyncset.done $0x0  }
.Ltmp6:
0x111: {  	s28 =	sadd.s32 s26, s16;
	[sflag:s18] =	ssyncadd.s32 $0xFFFFC000;
	(pc) =	sbr.rel @p0 .LBB2_14-.Ltmp6, $4  }
0x112: {  	[tilespmem:s19], [sflag:$0x1] =	stream.linear.gather [hbm4b:s28+s3], $0x80, $0x38;
	[tilespmem:$0x1C180] =	vst v63  }
0x113: {  	_ =	swait.ge [sflag:s18], $0x80  }
0x114: {  	[sflag:s18] =	ssyncset.done $0x0  }
0x115: {  	s26 =	sadd.s32 s26, s15;
	[sflag:s18] =	ssyncadd.s32 $0xFFFFFF80  }
0x116: {  	[tilespmem:s20], [sflag:$0x1] =	stream.linear.gather [hbm4b:s26+s3], $0x80, $0x38;
	[tilespmem:$0x1C180] =	vst v63  }
0x117: {  	_ =	swait.ge [sflag:s18], $0x80  }
0x118: {  	[sflag:s18] =	ssyncset.done $0x0  }
0x119: {  	[sflag:s18] =	ssyncadd.s32 $0xFFFFFF80  }
0x11a: {  	v2 =	vld [tilespmem:$0x1C040]  }
0x11b: {  	v3 =	vld [tilespmem:$0x1C070]  }
0x11c: {  	v4 =	vld [tilespmem:$0x1C020]  }
0x11d: {  	v5 =	vld [tilespmem:$0x1C050]  }
0x11e: {  	v6 =	vld [tilespmem:$0x1C010]  }
0x11f: {  	v7 =	vld [tilespmem:$0x1C030]  }
0x120: {  	v8 =	vld [tilespmem:$0x1C0B0]  }
0x121: {  	v9 =	vld [tilespmem:$0x1C000]  }
0x122: {  	v10 =	vld [tilespmem:$0x1C0D0]  }
0x123: {  	v11 =	vld [tilespmem:$0x1C090]  }
0x124: {  	v12 =	vld [tilespmem:$0x1C080]  }
0x125: {  	v13 =	vld [tilespmem:$0x1C0A0]  }
0x126: {  	v60 =	vld [tilespmem:$0x1C0F0];
	vm0 =	veq.s32 v8, $0x2  }
0x127: {  	v61 =	vld [tilespmem:$0x1C0C0];
	vm10 =	veq.s32 v10, $0x2;
	v7 =	vnsel vm0, $0x27F8, v7  }
0x128: {  	v62 =	vld [tilespmem:$0x1C0E0];
	vm1 =	veq.s32 v11, $0x2;
	v5 =	vnsel vm10, $0x27F8, v5;
	[tilespmem:$0x1C130] =	vst v7  }
0x129: {  	v63 =	vld [tilespmem:$0x1C060];
	vm11 =	veq.s32 v12, $0x2;
	v6 =	vnsel vm1, $0x27F8, v6;
	[tilespmem:$0x1C150] =	vst v5  }
0x12a: {  	vm12 =	veq.s32 v13, $0x2;
	v9 =	vnsel vm11, $0x27F8, v9;
	[tilespmem:$0x1C110] =	vst v6  }
0x12b: {  	vm13 =	veq.s32 v60, $0x2;
	v4 =	vnsel vm12, $0x27F8, v4;
	[tilespmem:$0x1C100] =	vst v9  }
0x12c: {  	vm14 =	veq.s32 v61, $0x2;
	v3 =	vnsel vm13, $0x27F8, v3;
	[tilespmem:$0x1C120] =	vst v4  }
0x12d: {  	vm15 =	veq.s32 v62, $0x2;
	v2 =	vnsel vm14, $0x27F8, v2;
	[tilespmem:$0x1C170] =	vst v3  }
0x12e: {  	[tilespmem:$0x1C140] =	vst v2;
	v2 =	vnsel vm15, $0x27F8, v63  }
0x12f: {  	[tilespmem:$0x1C160] =	vst v2  }
0x130: {  	[spmem:s2] =	stream.indirect.scatter.add.f32 [tilespmem:s17], [sflag:$0x1], $0x80, s22, s21, $0xb8;
	[tilespmem:$0x1C180] =	vst v63  }
0x131: {  	_ =	swait.ge [sflag:s18], $0x4000  }
0x132: {  	[sflag:s18] =	ssyncset.done $0x0  }
0x133: {  	[sflag:s18] =	ssyncadd.s32 $0xFFFFC000  }
0x134: {  	[bflag:$0x0] =	sbarrier.arrive $0xFFFF  }
0x135: {  	[tilespmem:s23], [sflag:$0x1] =	stream.linear.gather [spmem:s4], $0x4000, $0x38;
	[tilespmem:$0x1C180] =	vst v63  }
0x136: {  	_ =	swait.ge [sflag:s18], $0x4000  }
0x137: {  	[sflag:s18] =	ssyncset.done $0x0  }
0x138: {  	[sflag:s18] =	ssyncadd.s32 $0xFFFFC000  }
0x139: {  	[hbm4b:s9+s3] =	stream.linear.scatter [tilespmem:s23], [sflag:$0x1], $0x4000, $0x38;
	[tilespmem:$0x1C180] =	vst v63  }
0x13a: {  	_ =	swait.ge [sflag:s18], $0x4000  }
0x13b: {  	[sflag:s18] =	ssyncset.done $0x0  }
0x13c: {  	[sflag:s18] =	ssyncadd.s32 $0xFFFFC000  }
0x13d: {  	[tilespmem:s23], [sflag:$0x1] =	stream.linear.gather [spmem:s5], $0x4000, $0x38;
	[tilespmem:$0x1C180] =	vst v63  }
0x13e: {  	_ =	swait.ge [sflag:s18], $0x4000  }
0x13f: {  	[sflag:s18] =	ssyncset.done $0x0  }
0x140: {  	[sflag:s18] =	ssyncadd.s32 $0xFFFFC000  }
0x141: {  	[hbm4b:s10+s3] =	stream.linear.scatter [tilespmem:s23], [sflag:$0x1], $0x4000, $0x38;
	[tilespmem:$0x1C180] =	vst v63  }
0x142: {  	_ =	swait.ge [sflag:s18], $0x4000  }
0x143: {  	[sflag:s18] =	ssyncset.done $0x0  }
0x144: {  	[sflag:s18] =	ssyncadd.s32 $0xFFFFC000  }
0x145: {  	[tilespmem:s23], [sflag:$0x1] =	stream.linear.gather [spmem:s6], $0x4000, $0x38;
	[tilespmem:$0x1C180] =	vst v63  }
0x146: {  	_ =	swait.ge [sflag:s18], $0x4000  }
0x147: {  	[sflag:s18] =	ssyncset.done $0x0  }
0x148: {  	[sflag:s18] =	ssyncadd.s32 $0xFFFFC000  }
0x149: {  	[hbm4b:s11+s3] =	stream.linear.scatter [tilespmem:s23], [sflag:$0x1], $0x4000, $0x38;
	[tilespmem:$0x1C180] =	vst v63  }
0x14a: {  	_ =	swait.ge [sflag:s18], $0x4000  }
0x14b: {  	[sflag:s18] =	ssyncset.done $0x0  }
0x14c: {  	[sflag:s18] =	ssyncadd.s32 $0xFFFFC000  }
0x14d: {  	[tilespmem:s23], [sflag:$0x1] =	stream.linear.gather [spmem:s7], $0x4000, $0x38;
	[tilespmem:$0x1C180] =	vst v63  }
0x14e: {  	_ =	swait.ge [sflag:s18], $0x4000  }
0x14f: {  	[sflag:s18] =	ssyncset.done $0x0  }
0x150: {  	[sflag:s18] =	ssyncadd.s32 $0xFFFFC000  }
0x151: {  	[hbm4b:s12+s3] =	stream.linear.scatter [tilespmem:s23], [sflag:$0x1], $0x4000, $0x38;
	[tilespmem:$0x1C180] =	vst v63  }
0x152: {  	_ =	swait.ge [sflag:s18], $0x4000  }
0x153: {  	[sflag:s18] =	ssyncset.done $0x0  }
0x154: {  	[sflag:s18] =	ssyncadd.s32 $0xFFFFC000  }
0x155: {  	[tilespmem:s23], [sflag:$0x1] =	stream.linear.gather [spmem:s8], $0x4000, $0x38;
	[tilespmem:$0x1C180] =	vst v63  }
0x156: {  	s24 =	sadd.s32 $0x1, s24;
	_ =	swait.ge [sflag:s18], $0x4000  }
0x157: {  	p0 =	sne.s32 s24, s14;
	[sflag:s18] =	ssyncset.done $0x0  }
.Ltmp7:
0x158: {  	[sflag:s18] =	ssyncadd.s32 $0xFFFFC000;
	(pc) =	sbr.rel @p0 .LBB2_1-.Ltmp7, $4  }
0x159: {  	[hbm4b:s13+s3] =	stream.linear.scatter [tilespmem:s23], [sflag:$0x1], $0x4000, $0x38;
	[tilespmem:$0x1C180] =	vst v63  }
0x15a: {  	_ =	swait.ge [sflag:s18], $0x4000  }
0x15b: {  	[sflag:s18] =	ssyncset.done $0x0  }
0x15c: {  	[sflag:s18] =	ssyncadd.s32 $0xFFFFC000  }
0x15d: {  	_ =	sfence.sel $0x180000  }
0x15e: {  	[bflag:$0x0] =	sbarrier.arrive $0xFFFF  }
0x15f: {  	p0 =	sne.s32 s0, $0x0;
	_ =	strace $0x90000047  }
0x160: {  	s0 =	sadd.s32 @!p0 $0x100000, s1;
	[bflag:$0x2] =	sbarrier.arrive $0xFFFF  }
0x161: {  	[sflag:s0] =	ssyncadd.tile.s32 @!p0 $0x1;
	_ =	shalt  }
.Lfunc_end2:
_tile_overlayer_lowered:
.L_overlay_start_2:
0x162: {  	(tag) =	ssettag $0x2  }
0x163: {  	s0 =	rddreg [dreg:$0x0];
	s2 =	stileid.u32  }
0x164: {  	s1 =	rddreg [dreg:$0x1];
	p0 =	sne.s32 s2, $0x0  }
0x165: {  	s3 =	rddreg [dreg:$0x2];
	[bflag:$0x3] =	sbarrier.arrive $0xFFFF;
	s2 =	simm.s32 @!p0 $0x1C01  }
0x166: {  	[timem:s3], [sflag:s2] =	dma.local @!p0 [hbm:s0], s1  }
0x167: {  	s0 =	simm.s32 @!p0 $0x1  }
0x168: {  	_ =	swait.ge @!p0 [sflag:s0], s1  }
0x169: {  	s1 =	ssub.s32 @!p0 $0x0, s1;
	[sflag:s0] =	ssyncset.done @!p0 $0x0  }
0x16a: {  	[sflag:s0] =	ssyncadd.s32 @!p0 s1  }
0x16b: {  	[bflag:$0x3] =	sbarrier.arrive $0xFFFF  }
0x16c: {  	_ =	shalt  }

// kernel: kernel.13.cloned.1.call-start
scs
__scs_entry_jumppad:
0x0: {  	(pc) =	sbr.rel $0x88, $3  }
0x1: {  	(tag) =	ssettag $0x0;
	lr =	simm.s32 $0x1  }
0x2: {  	[smem:$0x3F95] =	sst lr;
	_ =	strace $0xD0000000  }
0x3: {  	_ = 	snop  }
0x4: {  	_ = 	snop  }
0x5: {  	_ = 	snop  }
0x6: {  	_ = 	snop  }
0x7: {  	_ = 	snop  }
__scs_overlays_trampoline_lowered:
0x8: {  	[smem:$0x3FA4] =	sst s0  }
0x9: {  	[smem:$0x3FA5] =	sst s1  }
0xa: {  	[smem:$0x3FA6] =	sst s2  }
0xb: {  	[smem:$0x3FA7] =	sst s3  }
0xc: {  	[smem:$0x3FA8] =	sst s4  }
0xd: {  	[smem:$0x3FA9] =	sst s5  }
0xe: {  	[smem:$0x3FAA] =	sst s6  }
0xf: {  	[smem:$0x3FAB] =	sst s7  }
0x10: {  	[smem:$0x3FAC] =	sst s8  }
0x11: {  	[smem:$0x3FAD] =	sst s9;
	s0 =	simm.s32 @!p0 $0x0  }
0x12: {  	s1 =	sld [smem:$0x3F93];
	s0 =	simm.s32 @p0 $0x1  }
0x13: {  	[smem:$0x3FAE] =	sst s0;
	s0 =	simm.s32 @!p1 $0x0  }
0x14: {  	s2 =	sld [smem:$0x3F92];
	s0 =	simm.s32 @p1 $0x1  }
0x15: {  	[smem:$0x3FAF] =	sst s0;
	s0 =	simm.s32 @!p2 $0x0  }
0x16: {  	s3 =	sld [smem:$0x3FDB];
	s0 =	simm.s32 @p2 $0x1  }
0x17: {  	s4 =	simm.s32 $0x1BF5;
	[smem:$0x3FB1] =	sst s0  }
0x18: {  	s0 =	sld [smem:$0x3F94];
	_ =	swait.ge [sflag:s4], $0x0  }
0x19: {  	s7 =	sld [smem:$0x3F95]  }
0x1a: {  	s8 =	sadd.s32 $0xFFFFE003, lr  }
0x1b: {  	s9 =	sadd.s32 $0xFFFFFEF7, lr;
	s5 =	simm.s32 $0xFFFFFFFF;
	p2 =	slt.u32 s8, $0xFFFFF086  }
0x1c: {  	p1 =	slt.u32 s9, $0xF7A;
	s5 =	simm.s32 @!p2 $0x0  }
0x1d: {  	s5 =	simm.s32 @p1 $0x1;
	p0 =	seq.s32 s7, s2  }
0x1e: {  	s7 =	smul.u32 @!p0 $0xF7A, s2;
	p2 =	seq.s32 @!p0 s5, $0x0  }
0x1f: {  	s9 =	smul.u32 $0xF7A, s1;
	s8 =	simm.s32 @!p0 $0x1BF5;
	p2 =	por !p2, p0  }
0x20: {  	[sflag:s8] =	ssyncset.s32 @!p0 $0xFFFFF086;
	s6 =	sadd.s32 @!p0 s3, s7;
	s7 =	simm.s32 @!p0 $0x108  }
0x21: {  	s3 =	sadd.s32 s3, s9;
	s6 =	sadd.s32 @!p0 $0x88, s6;
	s7 =	simm.s32 @p2 $0x1082  }
0x22: {  	[simem:s7], [sflag:s8] =	dma.local @!p0 [hbm:s6], $0xF7A  }
0x23: {  	s9 =	sor.u32 $0xD0000000, s2;
	s6 =	simm.s32 $0x108;
	_ =	swait.ge @!p0 [sflag:s8], $0x0  }
0x24: {  	s3 =	sadd.s32 $0x88, s3;
	s6 =	simm.s32 @!p1 $0x1082;
	[sflag:s4] =	ssyncset.s32 $0xFFFFF086  }
0x25: {  	[simem:s6], [sflag:s4] =	dma.local [hbm:s3], $0xF7A  }
0x26: {  	[smem:$0x3F95] =	sst s1;
	(tag) =	ssettag s2;
	_ =	strace s9  }
0x27: {  	s1 =	sld [smem:$0x3FA5]  }
0x28: {  	s2 =	sld [smem:$0x3FA6]  }
0x29: {  	s4 =	sld [smem:$0x3FA8]  }
0x2a: {  	p0 =	seq.s32 s5, $0x0;
	s5 =	sld [smem:$0x3FA9]  }
0x2b: {  	s6 =	sld [smem:$0x3FAA]  }
0x2c: {  	s7 =	sld [smem:$0x3FAB]  }
0x2d: {  	s3 =	simm.s32 $0x108;
	s8 =	sld [smem:$0x3FAC]  }
0x2e: {  	s3 =	simm.s32 @!p0 $0x1082;
	s9 =	sld [smem:$0x3FAD]  }
0x2f: {  	lr =	sadd.s32 s0, s3;
	s0 =	sld [smem:$0x3FA4]  }
0x30: {  	s3 =	sld [smem:$0x3FA7]  }
0x31: {  	[smem:$0x3FB0] =	sst s10  }
0x32: {  	s10 =	sld [smem:$0x3FAE];
	_ =	sdelay $0x3  }
0x33: {  	p0 =	seq.s32 s10, $0x1;
	s10 =	sld [smem:$0x3FB0];
	_ =	sdelay $0x3  }
0x34: {  	[smem:$0x3FB0] =	sst s10  }
0x35: {  	s10 =	sld [smem:$0x3FAF];
	_ =	sdelay $0x3  }
0x36: {  	p1 =	seq.s32 s10, $0x1;
	s10 =	sld [smem:$0x3FB0];
	_ =	sdelay $0x3  }
0x37: {  	[smem:$0x3FB0] =	sst s10  }
0x38: {  	s10 =	sld [smem:$0x3FB1]  }
0x39: {  	_ = 	snop;
	(pc) =	sbr.ind lr, $3  }
0x3a: {  	_ = 	snop  }
0x3b: {  	_ = 	snop  }
0x3c: {  	p2 =	seq.s32 s10, $0x1;
	s10 =	sld [smem:$0x3FB0]  }
0x3d: {  	_ =	shalt  }
0x3e: {  	_ =	shalt  }
0x3f: {  	_ =	shalt  }
0x40: {  	_ =	shalt  }
0x41: {  	_ =	shalt  }
0x42: {  	_ =	shalt  }
0x43: {  	_ =	shalt  }
0x44: {  	_ =	shalt  }
0x45: {  	_ =	shalt  }
0x46: {  	_ =	shalt  }
0x47: {  	_ =	shalt  }
0x48: {  	_ =	shalt  }
0x49: {  	_ =	shalt  }
0x4a: {  	_ =	shalt  }
0x4b: {  	_ =	shalt  }
0x4c: {  	_ =	shalt  }
0x4d: {  	_ =	shalt  }
0x4e: {  	_ =	shalt  }
0x4f: {  	_ =	shalt  }
0x50: {  	_ =	shalt  }
0x51: {  	_ =	shalt  }
0x52: {  	_ =	shalt  }
0x53: {  	_ =	shalt  }
0x54: {  	_ =	shalt  }
0x55: {  	_ =	shalt  }
0x56: {  	_ =	shalt  }
0x57: {  	_ =	shalt  }
0x58: {  	_ =	shalt  }
0x59: {  	_ =	shalt  }
0x5a: {  	_ =	shalt  }
0x5b: {  	_ =	shalt  }
0x5c: {  	_ =	shalt  }
0x5d: {  	_ =	shalt  }
0x5e: {  	_ =	shalt  }
0x5f: {  	_ =	shalt  }
0x60: {  	_ =	shalt  }
0x61: {  	_ =	shalt  }
0x62: {  	_ =	shalt  }
0x63: {  	_ =	shalt  }
0x64: {  	_ =	shalt  }
0x65: {  	_ =	shalt  }
0x66: {  	_ =	shalt  }
0x67: {  	_ =	shalt  }
0x68: {  	_ =	shalt  }
0x69: {  	_ =	shalt  }
0x6a: {  	_ =	shalt  }
0x6b: {  	_ =	shalt  }
0x6c: {  	_ =	shalt  }
0x6d: {  	_ =	shalt  }
0x6e: {  	_ =	shalt  }
0x6f: {  	_ =	shalt  }
0x70: {  	_ =	shalt  }
0x71: {  	_ =	shalt  }
0x72: {  	_ =	shalt  }
0x73: {  	_ =	shalt  }
0x74: {  	_ =	shalt  }
0x75: {  	_ =	shalt  }
0x76: {  	_ =	shalt  }
0x77: {  	_ =	shalt  }
0x78: {  	_ =	shalt  }
0x79: {  	_ =	shalt  }
0x7a: {  	_ =	shalt  }
0x7b: {  	_ =	shalt  }
0x7c: {  	_ =	shalt  }
0x7d: {  	_ =	shalt  }
0x7e: {  	_ =	shalt  }
0x7f: {  	_ =	shalt  }
0x80: {  	_ =	shalt  }
0x81: {  	_ =	shalt  }
0x82: {  	_ =	shalt  }
0x83: {  	_ =	shalt  }
0x84: {  	_ =	shalt  }
0x85: {  	_ =	shalt  }
0x86: {  	_ =	shalt  }
0x87: {  	_ =	shalt  }
.Lfunc_end0:
.L_simem_size_0:
called_computation.1_lowered:
.L_overlay_start_0:
0x88: {  	s2 =	sld [smem:$0x3FD9]  }
0x89: {  	s3 =	sld [smem:$0x3FFE];
	_ =	sdelay $0x1  }
0x8a: {  	s1 =	srdreg.scid  }
0x8b: {  	s0 =	sand.u32 $0x1, s1  }
0x8c: {  	s16 =	sshll.u32 s0, $0xA;
	s2 =	sadd.s32 s3, s2  }
0x8d: {  	s2 =	sadd.s32 s2, s16  }
0x8e: {  	[smem:$0x3FBC] =	sst s2  }
0x8f: {  	_ = 	snop  }
0x90: {  	(tm) =	ssettm $0x1  }
0x91: {  	s17 =	sld [smem:$0x3FFB];
	_ =	sdelay $0x3  }
0x92: {  	_ =	strace s17  }
0x93: {  	s2 =	sld [smem:$0x3FFC];
	_ =	sdelay $0x3  }
0x94: {  	_ =	strace s2  }
0x95: {  	s2 =	sld [smem:$0x3FFD];
	_ =	sdelay $0x3  }
0x96: {  	_ =	strace s2  }
0x97: {  	_ =	strace $0x8FFFFFFF  }
0x98: {  	s18 =	sld [smem:$0x3FDB];
	_ =	sdelay $0x1  }
0x99: {  	s19 =	simm.s32 $_scs_section_size  }
0x9a: {  	s4 =	simm.s32 $_size__tile_overlayer_lowered;
	s5 =	simm.s32 $_tile_overlayer_lowered  }
0x9b: {  	s22 =	simm.s32 $0x1BFF;
	s21 =	sshll.u32 s5, $0x1;
	s2 =	sadd.s32 s19, s18  }
0x9c: {  	s6 =	simm.s32 $0x0;
	s20 =	sshll.u32 s4, $0x1;
	s4 =	sadd.s32 s21, s2  }
0x9d: {  	[timem:s6], [sflag:s22] =	dma.local [hbm:s4], s20  }
0x9e: {  	_ =	swait.ge [sflag:s22], s20  }
0x9f: {  	s3 =	ssub.s32 $0x0, s20;
	[sflag:s22] =	ssyncset.done $0x0  }
0xa0: {  	[sflag:s22] =	ssyncadd.s32 s3;
	_ =	sdelay $0x1  }
0xa1: {  	s23 =	simm.s32 $0x1B8B  }
0xa2: {  	_ =	swait.ge [sflag:s23], $0x1  }
0xa3: {  	[sflag:s23] =	ssyncset.done $0x0  }
0xa4: {  	s25 =	simm.s32 $0x1B8E;
	s24 =	sld [smem:$0x3FFE];
	[sflag:s23] =	ssyncadd.s32 $0xFFFFFFFF  }
0xa5: {  	s26 =	simm.s32 $execute0_lowered;
	[smem:$0x3FD2] =	sst s25  }
0xa6: {  	s4 =	sshll.u32 s26, $0x1;
	_ =	strace $0x80000049;
	[dreg:$0x1] =	wrdreg $0xFFFFFFFF  }
0xa7: {  	s28 =	simm.s32 $_size_execute0_lowered;
	s2 =	sadd.s32 s2, s4;
	[dreg:$0x0] =	wrdreg $0x0  }
0xa8: {  	s4 =	sshll.u32 s28, $0x1;
	[dreg:$0x2] =	wrdreg s2  }
0xa9: {  	[dreg:$0x3] =	wrdreg s4  }
0xaa: {  	[dreg:$0x4] =	wrdreg $0xC0  }
0xab: {  	_ =	task [dreg:s6], $0x5FFFF  }
0xac: {  	[dreg:$0x1] =	wrdreg $0xFFFFFFFF  }
0xad: {  	[dreg:$0x0] =	wrdreg $0x60  }
0xae: {  	[dreg:$0x2] =	wrdreg s24  }
0xaf: {  	[dreg:$0x3] =	wrdreg $0x0  }
0xb0: {  	[dreg:$0x4] =	wrdreg $0x9  }
0xb1: {  	_ =	task.clear_ibuf [dreg:s6], $0x5FFFF;
	_ =	strace $0x90000049  }
0xb2: {  	s29 =	simm.s32 $0x9;
	_ =	strace $0x8000004B  }
0xb3: {  	_ =	swait.ge [sflag:s29], $0x1  }
0xb4: {  	[sflag:s29] =	ssyncadd.s32 $0xFFFFFFFF  }
0xb5: {  	_ =	strace $0x9000004B  }
0xb6: {  	_ =	sfence  }
0xb7: {  	s30 =	sld [smem:$0x0];
	_ =	sdelay $0x2  }
0xb8: {  	s31 =	sshll.u32 s1, $0xD;
	s1 =	sshrl.u32 s1, $0x2  }
0xb9: {  	s3 =	sand.u32 $0x4000, s31;
	s1 =	sadd.s32 s1, s30  }
0xba: {  	s0 =	sor.u32 s3, s0;
	s1 =	sshll.u32 s1, $0x11  }
0xbb: {  	s0 =	sor.u32 s1, s0  }
0xbc: {  	s0 =	sadd.s32 $0x8F2B, s0  }
0xbd: {  	[sflag:s0] =	ssyncadd.remote.s32 $0x1  }
0xbe: {  	_ =	sfence.sel $0xFFFF  }
0xbf: {  	[dreg:$0x0] =	wrdreg $0xFFFFFFFF;
	(pc) =	sbr.abs _section_cstart, $3  }
0xc0: {  	[dreg:$0x1] =	wrdreg $0xFFFFFFFF  }
0xc1: {  	_ =	task.clear_ibuf [dreg:s6], $0x2FFFF;
	_ =	strace $0x9FFFFFFF  }
0xc2: {  	(tm) =	ssettm $0x7FFFFFFF  }
0xc3: {  	_ =	shalt  }
tec
execute0_lowered:
.L_overlay_start_1:
0x0: {  	(tag) =	ssettag $0x1  }
0x1: {  	s5 =	rddreg [dreg:$0x0];
	s0 =	srdreg.scid  }
0x2: {  	s2 =	rddreg [dreg:$0x1];
	s1 =	stileid.u32  }
0x3: {  	s3 =	simm.s32 $0x0;
	s19 =	simm.s32 $0x14000;
	s20 =	simm.s32 $0x2  }
0x4: {  	s21 =	simm.s32 $0x1C000;
	s22 =	simm.s32 $0x1C080;
	s23 =	simm.s32 $0x1C100  }
0x5: {  	s24 =	simm.s32 $0x80;
	s25 =	simm.s32 $0x1;
	s8 =	smul.u32 $0x280, s1  }
0x6: {  	s26 =	simm.s32 $0x18000;
	s6 =	sand.u32 $0x1, s0;
	s10 =	smul.u32 $0x50000, s1  }
0x7: {  	s28 =	simm.s32 $0x0;
	[smem:$0x7FF] =	sst s3;
	s7 =	smul.u32 $0x4F00, s6  }
0x8: {  	s4 =	sadd.s32 $0x71000, s5;
	s9 =	smul.u32 $0x2800, s6;
	s6 =	ssub.s32 $0x2, s6  }
0x9: {  	s17 =	smul.u32 $0x4F0, s1;
	_ =	strace $0x8000004A;
	s30 =	sshrl.u32 s6, $0x1  }
0xa: {  	s31 =	sshrl.u32 s10, $0x2;
	s29 =	sadd.s32 s8, s9;
	s15 =	ssub.s32 s6, s30  }
0xb: {  	s16 =	sadd.s32 s7, s5;
	s7 =	sshll.u32 s29, $0x4;
	s15 =	smax.u32 s15, $0x1  }
0xc: {  	s18 =	sadd.s32 s17, s16;
	s14 =	sadd.s32 s7, s5;
	s5 =	sadd.s32 s31, s2  }
0xd: {  	s16 =	sadd.s32 $0xD400, s18;
	s17 =	sadd.s32 $0x3600, s18;
	s18 =	sadd.s32 $0x67200, s18  }
0xe: {  	s6 =	sadd.s32 $0x4000, s5;
	s7 =	sadd.s32 $0x8000, s5;
	s8 =	sadd.s32 $0xC000, s5  }
0xf: {  	s9 =	sadd.s32 $0x10000, s5;
	s10 =	sadd.s32 $0x99000, s14;
	s11 =	sadd.s32 $0x99800, s14  }
0x10: {  	v0 =	vimm.f32 $0.0e+00;
	s12 =	sadd.s32 $0x9A000, s14;
	s13 =	sadd.s32 $0x9A800, s14;
	s14 =	sadd.s32 $0x9B000, s14  }
.LBB2_1:
0x11: {  	s29 =	simm.s32 $0x0;
	s30 =	simm.s32 $0x200  }
.LBB2_2:
0x12: {  	p0 =	sne.s32 s30, $0xFE00;
	[tilespmem:s29+$0x14070] =	vst v0  }
0x13: {  	[tilespmem:s29+$0x14000] =	vst v0  }
0x14: {  	[tilespmem:s29+$0x14010] =	vst v0  }
.Ltmp0:
0x15: {  	[tilespmem:s29+$0x14020] =	vst v0;
	(pc) =	sbr.rel @p0 .LBB2_2-.Ltmp0, $4  }
0x16: {  	[tilespmem:s29+$0x14030] =	vst v0  }
0x17: {  	[tilespmem:s29+$0x14040] =	vst v0  }
0x18: {  	[tilespmem:s29+$0x14050] =	vst v0  }
0x19: {  	[tilespmem:s29+$0x14060] =	vst v0;
	s29 =	sshra.s32 s30, $0x2;
	s30 =	sadd.s32 $0x200, s30  }
0x1a: {  	[tilespmem:s29+$0x14070] =	vst v0  }
0x1b: {  	[tilespmem:s29+$0x14000] =	vst v0  }
0x1c: {  	[tilespmem:s29+$0x14010] =	vst v0  }
0x1d: {  	[tilespmem:s29+$0x14020] =	vst v0  }
0x1e: {  	[tilespmem:s29+$0x14030] =	vst v0  }
0x1f: {  	[tilespmem:s29+$0x14040] =	vst v0  }
0x20: {  	[tilespmem:s29+$0x14050] =	vst v0  }
0x21: {  	[tilespmem:s29+$0x14060] =	vst v0  }
0x22: {  	[spmem:s5] =	stream.linear.scatter [tilespmem:s19], [sflag:$0x2], $0x4000, $0x38;
	[tilespmem:$0x1C180] =	vst v63  }
0x23: {  	_ =	swait.ge [sflag:s20], $0x4000  }
0x24: {  	[sflag:s20] =	ssyncset.done $0x0  }
0x25: {  	[sflag:s20] =	ssyncadd.s32 $0xFFFFC000  }
0x26: {  	[spmem:s6] =	stream.linear.scatter [tilespmem:s19], [sflag:$0x2], $0x4000, $0x38;
	[tilespmem:$0x1C180] =	vst v63  }
0x27: {  	_ =	swait.ge [sflag:s20], $0x4000  }
0x28: {  	[sflag:s20] =	ssyncset.done $0x0  }
0x29: {  	[sflag:s20] =	ssyncadd.s32 $0xFFFFC000  }
0x2a: {  	[spmem:s7] =	stream.linear.scatter [tilespmem:s19], [sflag:$0x2], $0x4000, $0x38;
	[tilespmem:$0x1C180] =	vst v63  }
0x2b: {  	_ =	swait.ge [sflag:s20], $0x4000  }
0x2c: {  	[sflag:s20] =	ssyncset.done $0x0  }
0x2d: {  	[sflag:s20] =	ssyncadd.s32 $0xFFFFC000  }
0x2e: {  	[spmem:s8] =	stream.linear.scatter [tilespmem:s19], [sflag:$0x2], $0x4000, $0x38;
	[tilespmem:$0x1C180] =	vst v63  }
0x2f: {  	_ =	swait.ge [sflag:s20], $0x4000  }
0x30: {  	[sflag:s20] =	ssyncset.done $0x0  }
0x31: {  	[sflag:s20] =	ssyncadd.s32 $0xFFFFC000  }
0x32: {  	[spmem:s9] =	stream.linear.scatter [tilespmem:s19], [sflag:$0x2], $0x4000, $0x38;
	[tilespmem:$0x1C180] =	vst v63  }
0x33: {  	_ =	swait.ge [sflag:s20], $0x4000  }
0x34: {  	[sflag:s20] =	ssyncset.done $0x0  }
0x35: {  	[sflag:s20] =	ssyncadd.s32 $0xFFFFC000  }
0x36: {  	s29 =	sadd.s32 $0x0, s18;
	[bflag:$0x0] =	sbarrier.arrive $0xFFFF  }
0x37: {  	[tilespmem:s21], [sflag:$0x2] =	stream.linear.gather [hbm4b:s29+s3], $0x80, $0x38;
	[tilespmem:$0x1C180] =	vst v63  }
0x38: {  	_ =	swait.ge [sflag:s20], $0x80  }
0x39: {  	[sflag:s20] =	ssyncset.done $0x0  }
0x3a: {  	s29 =	sadd.s32 $0x0, s17;
	[sflag:s20] =	ssyncadd.s32 $0xFFFFFF80  }
0x3b: {  	[tilespmem:s22], [sflag:$0x2] =	stream.linear.gather [hbm4b:s29+s3], $0x80, $0x38;
	[tilespmem:$0x1C180] =	vst v63  }
0x3c: {  	_ =	swait.ge [sflag:s20], $0x80  }
0x3d: {  	[sflag:s20] =	ssyncset.done $0x0  }
0x3e: {  	s29 =	sadd.s32 $0x0, s16;
	[sflag:s20] =	ssyncadd.s32 $0xFFFFFF80  }
0x3f: {  	[tilespmem:s23], [sflag:$0x2] =	stream.linear.gather [hbm4b:s29+s3], $0x80, $0x38;
	[tilespmem:$0x1C180] =	vst v63  }
0x40: {  	_ =	swait.ge [sflag:s20], $0x80  }
0x41: {  	[sflag:s20] =	ssyncset.done $0x0  }
0x42: {  	[sflag:s20] =	ssyncadd.s32 $0xFFFFFF80  }
0x43: {  	[tilespmem:s19], [sflag:$0x1] =	stream.indirect.gather [hbm4b:s4+s24], $0x80, s21, s24, $0xb8;
	[tilespmem:$0x1C180] =	vst v63  }
0x44: {  	_ =	swait.ge [sflag:s25], $0x4000  }
0x45: {  	[sflag:s25] =	ssyncset.done $0x0  }
0x46: {  	[sflag:s25] =	ssyncadd.s32 $0xFFFFC000  }
0x47: {  	v1 =	vld [tilespmem:$0x1C0E0]  }
0x48: {  	v2 =	vld [tilespmem:$0x1C0F0]  }
0x49: {  	v3 =	vld [tilespmem:$0x1C0A0]  }
0x4a: {  	v4 =	vld [tilespmem:$0x1C0D0]  }
0x4b: {  	v5 =	vld [tilespmem:$0x1C090]  }
0x4c: {  	v6 =	vld [tilespmem:$0x1C0B0]  }
0x4d: {  	v7 =	vld [tilespmem:$0x1C130]  }
0x4e: {  	v8 =	vld [tilespmem:$0x1C080]  }
0x4f: {  	v9 =	vld [tilespmem:$0x1C150]  }
0x50: {  	v10 =	vld [tilespmem:$0x1C110]  }
0x51: {  	v11 =	vld [tilespmem:$0x1C100]  }
0x52: {  	v12 =	vld [tilespmem:$0x1C120]  }
0x53: {  	v59 =	vld [tilespmem:$0x1C170];
	vm0 =	vlt.s32 v7, $0x3  }
0x54: {  	v60 =	vld [tilespmem:$0x1C160];
	vm10 =	vlt.s32 v9, $0x3;
	v6 =	vnsel vm0, $0x27F8, v6  }
0x55: {  	v61 =	vld [tilespmem:$0x1C140];
	vm1 =	vlt.s32 v10, $0x3;
	v4 =	vnsel vm10, $0x27F8, v4;
	[tilespmem:$0x1C0B0] =	vst v6  }
0x56: {  	v62 =	vld [tilespmem:$0x1C0C0];
	vm11 =	vlt.s32 v11, $0x3;
	v5 =	vnsel vm1, $0x27F8, v5;
	[tilespmem:$0x1C0D0] =	vst v4  }
0x57: {  	vm12 =	vlt.s32 v12, $0x3;
	v63 =	vnsel vm11, $0x27F8, v8;
	[tilespmem:$0x1C090] =	vst v5  }
0x58: {  	vm13 =	vlt.s32 v59, $0x3;
	v3 =	vnsel vm12, $0x27F8, v3;
	[tilespmem:$0x1C080] =	vst v63  }
0x59: {  	vm14 =	vlt.s32 v60, $0x3;
	v2 =	vnsel vm13, $0x27F8, v2;
	[tilespmem:$0x1C0A0] =	vst v3  }
0x5a: {  	vm15 =	vlt.s32 v61, $0x3;
	v3 =	vnsel vm14, $0x27F8, v1;
	[tilespmem:$0x1C0F0] =	vst v2  }
0x5b: {  	s30 =	simm.s32 $0x20;
	s29 =	simm.s32 $0x10;
	v1 =	vnsel vm15, $0x27F8, v62;
	[tilespmem:$0x1C0E0] =	vst v3  }
.LBB2_4:
0x5c: {  	p0 =	sne.s32 s30, $0x4E0;
	[tilespmem:$0x1C0C0] =	vst v1;
	s31 =	smov.u32 s30;
	s30 =	sadd.s32 $0x10, s30  }
0x5d: {  	[spmem:s2] =	stream.indirect.scatter.add.f32 [tilespmem:s19], [sflag:$0x2], $0x80, s22, s24, $0xb8;
	[tilespmem:$0x1C180] =	vst v63  }
0x5e: {  	_ =	swait.ge [sflag:s20], $0x4000  }
0x5f: {  	[sflag:s20] =	ssyncset.done $0x0  }
0x60: {  	s0 =	sadd.s32 s29, s18;
	[sflag:s20] =	ssyncadd.s32 $0xFFFFC000  }
0x61: {  	[tilespmem:s21], [sflag:$0x2] =	stream.linear.gather [hbm4b:s0+s3], $0x80, $0x38;
	[tilespmem:$0x1C180] =	vst v63  }
0x62: {  	_ =	swait.ge [sflag:s20], $0x80  }
0x63: {  	[sflag:s20] =	ssyncset.done $0x0  }
0x64: {  	s0 =	sadd.s32 s29, s17;
	[sflag:s20] =	ssyncadd.s32 $0xFFFFFF80  }
0x65: {  	[tilespmem:s22], [sflag:$0x2] =	stream.linear.gather [hbm4b:s0+s3], $0x80, $0x38;
	[tilespmem:$0x1C180] =	vst v63  }
0x66: {  	_ =	swait.ge [sflag:s20], $0x80  }
0x67: {  	[sflag:s20] =	ssyncset.done $0x0  }
0x68: {  	s0 =	sadd.s32 s29, s16;
	s29 =	smov.u32 s31;
	[sflag:s20] =	ssyncadd.s32 $0xFFFFFF80  }
0x69: {  	[tilespmem:s23], [sflag:$0x2] =	stream.linear.gather [hbm4b:s0+s3], $0x80, $0x38;
	[tilespmem:$0x1C180] =	vst v63  }
0x6a: {  	_ =	swait.ge [sflag:s20], $0x80  }
0x6b: {  	[sflag:s20] =	ssyncset.done $0x0  }
0x6c: {  	[sflag:s20] =	ssyncadd.s32 $0xFFFFFF80  }
0x6d: {  	[tilespmem:s19], [sflag:$0x1] =	stream.indirect.gather [hbm4b:s4+s24], $0x80, s21, s24, $0xb8;
	[tilespmem:$0x1C180] =	vst v63  }
0x6e: {  	_ =	swait.ge [sflag:s25], $0x4000  }
0x6f: {  	[sflag:s25] =	ssyncset.done $0x0  }
0x70: {  	[sflag:s25] =	ssyncadd.s32 $0xFFFFC000  }
0x71: {  	v1 =	vld [tilespmem:$0x1C0E0]  }
0x72: {  	v2 =	vld [tilespmem:$0x1C0F0]  }
0x73: {  	v3 =	vld [tilespmem:$0x1C0A0]  }
0x74: {  	v4 =	vld [tilespmem:$0x1C0D0]  }
0x75: {  	v5 =	vld [tilespmem:$0x1C090]  }
0x76: {  	v6 =	vld [tilespmem:$0x1C0B0]  }
0x77: {  	v7 =	vld [tilespmem:$0x1C130]  }
0x78: {  	v8 =	vld [tilespmem:$0x1C080]  }
0x79: {  	v9 =	vld [tilespmem:$0x1C150]  }
0x7a: {  	v10 =	vld [tilespmem:$0x1C110]  }
0x7b: {  	v11 =	vld [tilespmem:$0x1C100]  }
0x7c: {  	v12 =	vld [tilespmem:$0x1C120];
	vm0 =	vlt.s32 v7, $0x3  }
0x7d: {  	v6 =	vnsel vm0, $0x27F8, v6;
	v7 =	vld [tilespmem:$0x1C170]  }
0x7e: {  	[tilespmem:$0x1C0B0] =	vst v6;
	vm0 =	vlt.s32 v9, $0x3;
	v6 =	vld [tilespmem:$0x1C160]  }
0x7f: {  	vm1 =	vlt.s32 v10, $0x3;
	v9 =	vld [tilespmem:$0x1C140];
	v4 =	vnsel vm0, $0x27F8, v4  }
0x80: {  	vm0 =	vlt.s32 v11, $0x3;
	v5 =	vnsel vm1, $0x27F8, v5;
	v10 =	vld [tilespmem:$0x1C0C0];
	[tilespmem:$0x1C0D0] =	vst v4  }
.Ltmp1:
0x81: {  	v4 =	vnsel vm0, $0x27F8, v8;
	[tilespmem:$0x1C090] =	vst v5;
	vm0 =	vlt.s32 v12, $0x3;
	(pc) =	sbr.rel @p0 .LBB2_4-.Ltmp1, $4  }
0x82: {  	[tilespmem:$0x1C080] =	vst v4;
	v3 =	vnsel vm0, $0x27F8, v3;
	vm0 =	vlt.s32 v7, $0x3  }
0x83: {  	[tilespmem:$0x1C0A0] =	vst v3;
	vm1 =	vlt.s32 v6, $0x3;
	v2 =	vnsel vm0, $0x27F8, v2  }
0x84: {  	vm0 =	vlt.s32 v9, $0x3;
	v3 =	vnsel vm1, $0x27F8, v1;
	[tilespmem:$0x1C0F0] =	vst v2  }
0x85: {  	v1 =	vnsel vm0, $0x27F8, v10;
	[tilespmem:$0x1C0E0] =	vst v3  }
0x86: {  	[tilespmem:$0x1C0C0] =	vst v1  }
0x87: {  	[spmem:s2] =	stream.indirect.scatter.add.f32 [tilespmem:s19], [sflag:$0x2], $0x80, s22, s24, $0xb8;
	[tilespmem:$0x1C180] =	vst v63  }
0x88: {  	_ =	swait.ge [sflag:s20], $0x4000  }
0x89: {  	[sflag:s20] =	ssyncset.done $0x0  }
0x8a: {  	s0 =	sadd.s32 s29, s18;
	[sflag:s20] =	ssyncadd.s32 $0xFFFFC000  }
0x8b: {  	[tilespmem:s21], [sflag:$0x2] =	stream.linear.gather [hbm4b:s0+s3], $0x80, $0x38;
	[tilespmem:$0x1C180] =	vst v63  }
0x8c: {  	_ =	swait.ge [sflag:s20], $0x80  }
0x8d: {  	[sflag:s20] =	ssyncset.done $0x0  }
0x8e: {  	s30 =	sadd.s32 s29, s17;
	[sflag:s20] =	ssyncadd.s32 $0xFFFFFF80  }
0x8f: {  	[tilespmem:s22], [sflag:$0x2] =	stream.linear.gather [hbm4b:s30+s3], $0x80, $0x38;
	[tilespmem:$0x1C180] =	vst v63  }
0x90: {  	_ =	swait.ge [sflag:s20], $0x80  }
0x91: {  	[sflag:s20] =	ssyncset.done $0x0  }
0x92: {  	s31 =	sadd.s32 s29, s16;
	[sflag:s20] =	ssyncadd.s32 $0xFFFFFF80  }
0x93: {  	[tilespmem:s23], [sflag:$0x2] =	stream.linear.gather [hbm4b:s31+s3], $0x80, $0x38;
	[tilespmem:$0x1C180] =	vst v63  }
0x94: {  	_ =	swait.ge [sflag:s20], $0x80  }
0x95: {  	[sflag:s20] =	ssyncset.done $0x0  }
0x96: {  	[sflag:s20] =	ssyncadd.s32 $0xFFFFFF80  }
0x97: {  	[tilespmem:s19], [sflag:$0x1] =	stream.indirect.gather [hbm4b:s4+s24], $0x80, s21, s24, $0xb8;
	[tilespmem:$0x1C180] =	vst v63  }
0x98: {  	_ =	swait.ge [sflag:s25], $0x4000  }
0x99: {  	[sflag:s25] =	ssyncset.done $0x0  }
0x9a: {  	[sflag:s25] =	ssyncadd.s32 $0xFFFFC000  }
0x9b: {  	v1 =	vld [tilespmem:$0x1C0E0]  }
0x9c: {  	v2 =	vld [tilespmem:$0x1C0F0]  }
0x9d: {  	v3 =	vld [tilespmem:$0x1C0A0]  }
0x9e: {  	v4 =	vld [tilespmem:$0x1C0D0]  }
0x9f: {  	v5 =	vld [tilespmem:$0x1C090]  }
0xa0: {  	v6 =	vld [tilespmem:$0x1C0B0]  }
0xa1: {  	v7 =	vld [tilespmem:$0x1C130]  }
0xa2: {  	v8 =	vld [tilespmem:$0x1C080]  }
0xa3: {  	v9 =	vld [tilespmem:$0x1C150]  }
0xa4: {  	v10 =	vld [tilespmem:$0x1C110]  }
0xa5: {  	v11 =	vld [tilespmem:$0x1C100]  }
0xa6: {  	v12 =	vld [tilespmem:$0x1C120]  }
0xa7: {  	v59 =	vld [tilespmem:$0x1C170];
	vm0 =	vlt.s32 v7, $0x3  }
0xa8: {  	v60 =	vld [tilespmem:$0x1C160];
	vm10 =	vlt.s32 v9, $0x3;
	v6 =	vnsel vm0, $0x27F8, v6  }
0xa9: {  	v61 =	vld [tilespmem:$0x1C140];
	vm1 =	vlt.s32 v10, $0x3;
	v4 =	vnsel vm10, $0x27F8, v4;
	[tilespmem:$0x1C0B0] =	vst v6  }
0xaa: {  	v62 =	vld [tilespmem:$0x1C0C0];
	vm11 =	vlt.s32 v11, $0x3;
	v5 =	vnsel vm1, $0x27F8, v5;
	[tilespmem:$0x1C0D0] =	vst v4  }
0xab: {  	vm12 =	vlt.s32 v12, $0x3;
	v63 =	vnsel vm11, $0x27F8, v8;
	[tilespmem:$0x1C090] =	vst v5  }
0xac: {  	vm13 =	vlt.s32 v59, $0x3;
	v3 =	vnsel vm12, $0x27F8, v3;
	[tilespmem:$0x1C080] =	vst v63  }
0xad: {  	vm14 =	vlt.s32 v60, $0x3;
	v2 =	vnsel vm13, $0x27F8, v2;
	[tilespmem:$0x1C0A0] =	vst v3  }
0xae: {  	vm15 =	vlt.s32 v61, $0x3;
	v1 =	vnsel vm14, $0x27F8, v1;
	[tilespmem:$0x1C0F0] =	vst v2  }
0xaf: {  	v2 =	vnsel vm15, $0x27F8, v62;
	[tilespmem:$0x1C0E0] =	vst v1  }
0xb0: {  	[tilespmem:$0x1C0C0] =	vst v2  }
0xb1: {  	[spmem:s2] =	stream.indirect.scatter.add.f32 [tilespmem:s19], [sflag:$0x2], $0x80, s22, s24, $0xb8;
	[tilespmem:$0x1C180] =	vst v63  }
0xb2: {  	_ =	swait.ge [sflag:s20], $0x4000  }
0xb3: {  	[sflag:s20] =	ssyncset.done $0x0  }
0xb4: {  	[sflag:s20] =	ssyncadd.s32 $0xFFFFC000  }
0xb5: {  	[bflag:$0x0] =	sbarrier.arrive $0xFFFF  }
0xb6: {  	[tilespmem:s26], [sflag:$0x2] =	stream.linear.gather [spmem:s5], $0x4000, $0x38;
	[tilespmem:$0x1C180] =	vst v63  }
0xb7: {  	_ =	swait.ge [sflag:s20], $0x4000  }
0xb8: {  	[sflag:s20] =	ssyncset.done $0x0  }
0xb9: {  	[sflag:s20] =	ssyncadd.s32 $0xFFFFC000  }
0xba: {  	[hbm4b:s10+s3] =	stream.linear.scatter [tilespmem:s26], [sflag:$0x2], $0x4000, $0x38;
	[tilespmem:$0x1C180] =	vst v63  }
0xbb: {  	_ =	swait.ge [sflag:s20], $0x4000  }
0xbc: {  	[sflag:s20] =	ssyncset.done $0x0  }
0xbd: {  	[sflag:s20] =	ssyncadd.s32 $0xFFFFC000  }
0xbe: {  	[tilespmem:s26], [sflag:$0x2] =	stream.linear.gather [spmem:s6], $0x4000, $0x38;
	[tilespmem:$0x1C180] =	vst v63  }
0xbf: {  	_ =	swait.ge [sflag:s20], $0x4000  }
0xc0: {  	[sflag:s20] =	ssyncset.done $0x0  }
0xc1: {  	[sflag:s20] =	ssyncadd.s32 $0xFFFFC000  }
0xc2: {  	[hbm4b:s11+s3] =	stream.linear.scatter [tilespmem:s26], [sflag:$0x2], $0x4000, $0x38;
	[tilespmem:$0x1C180] =	vst v63  }
0xc3: {  	_ =	swait.ge [sflag:s20], $0x4000  }
0xc4: {  	[sflag:s20] =	ssyncset.done $0x0  }
0xc5: {  	[sflag:s20] =	ssyncadd.s32 $0xFFFFC000  }
0xc6: {  	[tilespmem:s26], [sflag:$0x2] =	stream.linear.gather [spmem:s7], $0x4000, $0x38;
	[tilespmem:$0x1C180] =	vst v63  }
0xc7: {  	_ =	swait.ge [sflag:s20], $0x4000  }
0xc8: {  	[sflag:s20] =	ssyncset.done $0x0  }
0xc9: {  	[sflag:s20] =	ssyncadd.s32 $0xFFFFC000  }
0xca: {  	[hbm4b:s12+s3] =	stream.linear.scatter [tilespmem:s26], [sflag:$0x2], $0x4000, $0x38;
	[tilespmem:$0x1C180] =	vst v63  }
0xcb: {  	_ =	swait.ge [sflag:s20], $0x4000  }
0xcc: {  	[sflag:s20] =	ssyncset.done $0x0  }
0xcd: {  	[sflag:s20] =	ssyncadd.s32 $0xFFFFC000  }
0xce: {  	[tilespmem:s26], [sflag:$0x2] =	stream.linear.gather [spmem:s8], $0x4000, $0x38;
	[tilespmem:$0x1C180] =	vst v63  }
0xcf: {  	_ =	swait.ge [sflag:s20], $0x4000  }
0xd0: {  	[sflag:s20] =	ssyncset.done $0x0  }
0xd1: {  	[sflag:s20] =	ssyncadd.s32 $0xFFFFC000  }
0xd2: {  	[hbm4b:s13+s3] =	stream.linear.scatter [tilespmem:s26], [sflag:$0x2], $0x4000, $0x38;
	[tilespmem:$0x1C180] =	vst v63  }
0xd3: {  	_ =	swait.ge [sflag:s20], $0x4000  }
0xd4: {  	[sflag:s20] =	ssyncset.done $0x0  }
0xd5: {  	[sflag:s20] =	ssyncadd.s32 $0xFFFFC000  }
0xd6: {  	[tilespmem:s26], [sflag:$0x2] =	stream.linear.gather [spmem:s9], $0x4000, $0x38;
	[tilespmem:$0x1C180] =	vst v63  }
0xd7: {  	s28 =	sadd.s32 $0x1, s28;
	_ =	swait.ge [sflag:s20], $0x4000  }
0xd8: {  	p0 =	sne.s32 s28, s15;
	[sflag:s20] =	ssyncset.done $0x0  }
.Ltmp2:
0xd9: {  	[sflag:s20] =	ssyncadd.s32 $0xFFFFC000;
	(pc) =	sbr.rel @p0 .LBB2_1-.Ltmp2, $4  }
0xda: {  	[hbm4b:s14+s3] =	stream.linear.scatter [tilespmem:s26], [sflag:$0x2], $0x4000, $0x38;
	[tilespmem:$0x1C180] =	vst v63  }
0xdb: {  	_ =	swait.ge [sflag:s20], $0x4000  }
0xdc: {  	[sflag:s20] =	ssyncset.done $0x0  }
0xdd: {  	[sflag:s20] =	ssyncadd.s32 $0xFFFFC000  }
0xde: {  	_ =	sfence.sel $0x180000  }
0xdf: {  	[bflag:$0x0] =	sbarrier.arrive $0xFFFF  }
0xe0: {  	_ =	strace $0x9000004A  }
0xe1: {  	[bflag:$0x2] =	sbarrier.arrive $0xFFFF  }
0xe2: {  	p0 =	sne.s32 s1, $0x0;
	s0 =	rddreg [dreg:$0x2]  }
0xe3: {  	s0 =	sadd.s32 @!p0 $0x100000, s0  }
0xe4: {  	[sflag:s0] =	ssyncadd.tile.s32 @!p0 $0x1;
	_ =	shalt  }
.Lfunc_end2:
_tile_overlayer_lowered:
.L_overlay_start_2:
0xe5: {  	(tag) =	ssettag $0x2  }
0xe6: {  	s0 =	rddreg [dreg:$0x0];
	s2 =	stileid.u32  }
0xe7: {  	s1 =	rddreg [dreg:$0x1];
	p0 =	sne.s32 s2, $0x0  }
0xe8: {  	s3 =	rddreg [dreg:$0x2];
	[bflag:$0x3] =	sbarrier.arrive $0xFFFF;
	s2 =	simm.s32 @!p0 $0x1C02  }
0xe9: {  	[timem:s3], [sflag:s2] =	dma.local @!p0 [hbm:s0], s1  }
0xea: {  	s0 =	simm.s32 @!p0 $0x2  }
0xeb: {  	_ =	swait.ge @!p0 [sflag:s0], s1  }
0xec: {  	s1 =	ssub.s32 @!p0 $0x0, s1;
	[sflag:s0] =	ssyncset.done @!p0 $0x0  }
0xed: {  	[sflag:s0] =	ssyncadd.s32 @!p0 s1  }
0xee: {  	[bflag:$0x3] =	sbarrier.arrive $0xFFFF  }
0xef: {  	_ =	shalt  }

// kernel: kernel.16.cloned.1.call-start
scs
__scs_entry_jumppad:
0x0: {  	(pc) =	sbr.rel $0x88, $3  }
0x1: {  	(tag) =	ssettag $0x0;
	lr =	simm.s32 $0x1  }
0x2: {  	[smem:$0x3F95] =	sst lr;
	_ =	strace $0xD0000000  }
0x3: {  	_ = 	snop  }
0x4: {  	_ = 	snop  }
0x5: {  	_ = 	snop  }
0x6: {  	_ = 	snop  }
0x7: {  	_ = 	snop  }
__scs_overlays_trampoline_lowered:
0x8: {  	[smem:$0x3FA4] =	sst s0  }
0x9: {  	[smem:$0x3FA5] =	sst s1  }
0xa: {  	[smem:$0x3FA6] =	sst s2  }
0xb: {  	[smem:$0x3FA7] =	sst s3  }
0xc: {  	[smem:$0x3FA8] =	sst s4  }
0xd: {  	[smem:$0x3FA9] =	sst s5  }
0xe: {  	[smem:$0x3FAA] =	sst s6  }
0xf: {  	[smem:$0x3FAB] =	sst s7  }
0x10: {  	[smem:$0x3FAC] =	sst s8  }
0x11: {  	[smem:$0x3FAD] =	sst s9;
	s0 =	simm.s32 @!p0 $0x0  }
0x12: {  	s1 =	sld [smem:$0x3F93];
	s0 =	simm.s32 @p0 $0x1  }
0x13: {  	[smem:$0x3FAE] =	sst s0;
	s0 =	simm.s32 @!p1 $0x0  }
0x14: {  	s2 =	sld [smem:$0x3F92];
	s0 =	simm.s32 @p1 $0x1  }
0x15: {  	[smem:$0x3FAF] =	sst s0;
	s0 =	simm.s32 @!p2 $0x0  }
0x16: {  	s3 =	sld [smem:$0x3FDB];
	s0 =	simm.s32 @p2 $0x1  }
0x17: {  	s4 =	simm.s32 $0x1BF5;
	[smem:$0x3FB1] =	sst s0  }
0x18: {  	s0 =	sld [smem:$0x3F94];
	_ =	swait.ge [sflag:s4], $0x0  }
0x19: {  	s7 =	sld [smem:$0x3F95]  }
0x1a: {  	s8 =	sadd.s32 $0xFFFFE003, lr  }
0x1b: {  	s9 =	sadd.s32 $0xFFFFFEF7, lr;
	s5 =	simm.s32 $0xFFFFFFFF;
	p2 =	slt.u32 s8, $0xFFFFF086  }
0x1c: {  	p1 =	slt.u32 s9, $0xF7A;
	s5 =	simm.s32 @!p2 $0x0  }
0x1d: {  	s5 =	simm.s32 @p1 $0x1;
	p0 =	seq.s32 s7, s2  }
0x1e: {  	s7 =	smul.u32 @!p0 $0xF7A, s2;
	p2 =	seq.s32 @!p0 s5, $0x0  }
0x1f: {  	s9 =	smul.u32 $0xF7A, s1;
	s8 =	simm.s32 @!p0 $0x1BF5;
	p2 =	por !p2, p0  }
0x20: {  	[sflag:s8] =	ssyncset.s32 @!p0 $0xFFFFF086;
	s6 =	sadd.s32 @!p0 s3, s7;
	s7 =	simm.s32 @!p0 $0x108  }
0x21: {  	s3 =	sadd.s32 s3, s9;
	s6 =	sadd.s32 @!p0 $0x88, s6;
	s7 =	simm.s32 @p2 $0x1082  }
0x22: {  	[simem:s7], [sflag:s8] =	dma.local @!p0 [hbm:s6], $0xF7A  }
0x23: {  	s9 =	sor.u32 $0xD0000000, s2;
	s6 =	simm.s32 $0x108;
	_ =	swait.ge @!p0 [sflag:s8], $0x0  }
0x24: {  	s3 =	sadd.s32 $0x88, s3;
	s6 =	simm.s32 @!p1 $0x1082;
	[sflag:s4] =	ssyncset.s32 $0xFFFFF086  }
0x25: {  	[simem:s6], [sflag:s4] =	dma.local [hbm:s3], $0xF7A  }
0x26: {  	[smem:$0x3F95] =	sst s1;
	(tag) =	ssettag s2;
	_ =	strace s9  }
0x27: {  	s1 =	sld [smem:$0x3FA5]  }
0x28: {  	s2 =	sld [smem:$0x3FA6]  }
0x29: {  	s4 =	sld [smem:$0x3FA8]  }
0x2a: {  	p0 =	seq.s32 s5, $0x0;
	s5 =	sld [smem:$0x3FA9]  }
0x2b: {  	s6 =	sld [smem:$0x3FAA]  }
0x2c: {  	s7 =	sld [smem:$0x3FAB]  }
0x2d: {  	s3 =	simm.s32 $0x108;
	s8 =	sld [smem:$0x3FAC]  }
0x2e: {  	s3 =	simm.s32 @!p0 $0x1082;
	s9 =	sld [smem:$0x3FAD]  }
0x2f: {  	lr =	sadd.s32 s0, s3;
	s0 =	sld [smem:$0x3FA4]  }
0x30: {  	s3 =	sld [smem:$0x3FA7]  }
0x31: {  	[smem:$0x3FB0] =	sst s10  }
0x32: {  	s10 =	sld [smem:$0x3FAE];
	_ =	sdelay $0x3  }
0x33: {  	p0 =	seq.s32 s10, $0x1;
	s10 =	sld [smem:$0x3FB0];
	_ =	sdelay $0x3  }
0x34: {  	[smem:$0x3FB0] =	sst s10  }
0x35: {  	s10 =	sld [smem:$0x3FAF];
	_ =	sdelay $0x3  }
0x36: {  	p1 =	seq.s32 s10, $0x1;
	s10 =	sld [smem:$0x3FB0];
	_ =	sdelay $0x3  }
0x37: {  	[smem:$0x3FB0] =	sst s10  }
0x38: {  	s10 =	sld [smem:$0x3FB1]  }
0x39: {  	_ = 	snop;
	(pc) =	sbr.ind lr, $3  }
0x3a: {  	_ = 	snop  }
0x3b: {  	_ = 	snop  }
0x3c: {  	p2 =	seq.s32 s10, $0x1;
	s10 =	sld [smem:$0x3FB0]  }
0x3d: {  	_ =	shalt  }
0x3e: {  	_ =	shalt  }
0x3f: {  	_ =	shalt  }
0x40: {  	_ =	shalt  }
0x41: {  	_ =	shalt  }
0x42: {  	_ =	shalt  }
0x43: {  	_ =	shalt  }
0x44: {  	_ =	shalt  }
0x45: {  	_ =	shalt  }
0x46: {  	_ =	shalt  }
0x47: {  	_ =	shalt  }
0x48: {  	_ =	shalt  }
0x49: {  	_ =	shalt  }
0x4a: {  	_ =	shalt  }
0x4b: {  	_ =	shalt  }
0x4c: {  	_ =	shalt  }
0x4d: {  	_ =	shalt  }
0x4e: {  	_ =	shalt  }
0x4f: {  	_ =	shalt  }
0x50: {  	_ =	shalt  }
0x51: {  	_ =	shalt  }
0x52: {  	_ =	shalt  }
0x53: {  	_ =	shalt  }
0x54: {  	_ =	shalt  }
0x55: {  	_ =	shalt  }
0x56: {  	_ =	shalt  }
0x57: {  	_ =	shalt  }
0x58: {  	_ =	shalt  }
0x59: {  	_ =	shalt  }
0x5a: {  	_ =	shalt  }
0x5b: {  	_ =	shalt  }
0x5c: {  	_ =	shalt  }
0x5d: {  	_ =	shalt  }
0x5e: {  	_ =	shalt  }
0x5f: {  	_ =	shalt  }
0x60: {  	_ =	shalt  }
0x61: {  	_ =	shalt  }
0x62: {  	_ =	shalt  }
0x63: {  	_ =	shalt  }
0x64: {  	_ =	shalt  }
0x65: {  	_ =	shalt  }
0x66: {  	_ =	shalt  }
0x67: {  	_ =	shalt  }
0x68: {  	_ =	shalt  }
0x69: {  	_ =	shalt  }
0x6a: {  	_ =	shalt  }
0x6b: {  	_ =	shalt  }
0x6c: {  	_ =	shalt  }
0x6d: {  	_ =	shalt  }
0x6e: {  	_ =	shalt  }
0x6f: {  	_ =	shalt  }
0x70: {  	_ =	shalt  }
0x71: {  	_ =	shalt  }
0x72: {  	_ =	shalt  }
0x73: {  	_ =	shalt  }
0x74: {  	_ =	shalt  }
0x75: {  	_ =	shalt  }
0x76: {  	_ =	shalt  }
0x77: {  	_ =	shalt  }
0x78: {  	_ =	shalt  }
0x79: {  	_ =	shalt  }
0x7a: {  	_ =	shalt  }
0x7b: {  	_ =	shalt  }
0x7c: {  	_ =	shalt  }
0x7d: {  	_ =	shalt  }
0x7e: {  	_ =	shalt  }
0x7f: {  	_ =	shalt  }
0x80: {  	_ =	shalt  }
0x81: {  	_ =	shalt  }
0x82: {  	_ =	shalt  }
0x83: {  	_ =	shalt  }
0x84: {  	_ =	shalt  }
0x85: {  	_ =	shalt  }
0x86: {  	_ =	shalt  }
0x87: {  	_ =	shalt  }
.Lfunc_end0:
.L_simem_size_0:
called_computation.2_lowered:
.L_overlay_start_0:
0x88: {  	s2 =	sld [smem:$0x3FD9]  }
0x89: {  	s3 =	sld [smem:$0x3FFE];
	_ =	sdelay $0x1  }
0x8a: {  	s1 =	srdreg.scid  }
0x8b: {  	s0 =	sand.u32 $0x1, s1  }
0x8c: {  	s16 =	sshll.u32 s0, $0xA;
	s2 =	sadd.s32 s3, s2  }
0x8d: {  	s2 =	sadd.s32 s2, s16  }
0x8e: {  	[smem:$0x3FBC] =	sst s2  }
0x8f: {  	_ = 	snop  }
0x90: {  	(tm) =	ssettm $0x1  }
0x91: {  	s17 =	sld [smem:$0x3FFB];
	_ =	sdelay $0x3  }
0x92: {  	_ =	strace s17  }
0x93: {  	s2 =	sld [smem:$0x3FFC];
	_ =	sdelay $0x3  }
0x94: {  	_ =	strace s2  }
0x95: {  	s2 =	sld [smem:$0x3FFD];
	_ =	sdelay $0x3  }
0x96: {  	_ =	strace s2  }
0x97: {  	_ =	strace $0x8FFFFFFF  }
0x98: {  	s18 =	sld [smem:$0x3FDB];
	_ =	sdelay $0x1  }
0x99: {  	s19 =	simm.s32 $_scs_section_size  }
0x9a: {  	s4 =	simm.s32 $_size__tile_overlayer_lowered;
	s5 =	simm.s32 $_tile_overlayer_lowered  }
0x9b: {  	s22 =	simm.s32 $0x1BFF;
	s21 =	sshll.u32 s5, $0x1;
	s2 =	sadd.s32 s19, s18  }
0x9c: {  	s6 =	simm.s32 $0x0;
	s20 =	sshll.u32 s4, $0x1;
	s4 =	sadd.s32 s21, s2  }
0x9d: {  	[timem:s6], [sflag:s22] =	dma.local [hbm:s4], s20  }
0x9e: {  	_ =	swait.ge [sflag:s22], s20  }
0x9f: {  	s3 =	ssub.s32 $0x0, s20;
	[sflag:s22] =	ssyncset.done $0x0  }
0xa0: {  	[sflag:s22] =	ssyncadd.s32 s3;
	_ =	sdelay $0x1  }
0xa1: {  	s23 =	simm.s32 $0x1B8B  }
0xa2: {  	_ =	swait.ge [sflag:s23], $0x1  }
0xa3: {  	[sflag:s23] =	ssyncset.done $0x0  }
0xa4: {  	s25 =	simm.s32 $0x1B8E;
	s24 =	sld [smem:$0x3FFE];
	[sflag:s23] =	ssyncadd.s32 $0xFFFFFFFF  }
0xa5: {  	s26 =	simm.s32 $execute0_lowered;
	[smem:$0x3FD2] =	sst s25  }
0xa6: {  	s4 =	sshll.u32 s26, $0x1;
	_ =	strace $0x8000004C;
	[dreg:$0x1] =	wrdreg $0xFFFFFFFF  }
0xa7: {  	s28 =	simm.s32 $_size_execute0_lowered;
	s2 =	sadd.s32 s2, s4;
	[dreg:$0x0] =	wrdreg $0x0  }
0xa8: {  	s4 =	sshll.u32 s28, $0x1;
	[dreg:$0x2] =	wrdreg s2  }
0xa9: {  	[dreg:$0x3] =	wrdreg s4  }
0xaa: {  	[dreg:$0x4] =	wrdreg $0xC0  }
0xab: {  	_ =	task [dreg:s6], $0x5FFFF  }
0xac: {  	[dreg:$0x1] =	wrdreg $0xFFFFFFFF  }
0xad: {  	[dreg:$0x0] =	wrdreg $0x60  }
0xae: {  	[dreg:$0x2] =	wrdreg s24  }
0xaf: {  	[dreg:$0x3] =	wrdreg $0x0  }
0xb0: {  	[dreg:$0x4] =	wrdreg $0x9  }
0xb1: {  	_ =	task.clear_ibuf [dreg:s6], $0x5FFFF;
	_ =	strace $0x9000004C  }
0xb2: {  	s29 =	simm.s32 $0x9;
	_ =	strace $0x8000004E  }
0xb3: {  	_ =	swait.ge [sflag:s29], $0x1  }
0xb4: {  	[sflag:s29] =	ssyncadd.s32 $0xFFFFFFFF  }
0xb5: {  	_ =	strace $0x9000004E  }
0xb6: {  	_ =	sfence  }
0xb7: {  	s30 =	sld [smem:$0x0];
	_ =	sdelay $0x2  }
0xb8: {  	s31 =	sshll.u32 s1, $0xD;
	s1 =	sshrl.u32 s1, $0x2  }
0xb9: {  	s3 =	sand.u32 $0x4000, s31;
	s1 =	sadd.s32 s1, s30  }
0xba: {  	s0 =	sor.u32 s3, s0;
	s1 =	sshll.u32 s1, $0x11  }
0xbb: {  	s0 =	sor.u32 s1, s0  }
0xbc: {  	s0 =	sadd.s32 $0x8F2B, s0  }
0xbd: {  	[sflag:s0] =	ssyncadd.remote.s32 $0x1  }
0xbe: {  	_ =	sfence.sel $0xFFFF  }
0xbf: {  	[dreg:$0x0] =	wrdreg $0xFFFFFFFF;
	(pc) =	sbr.abs _section_cstart, $3  }
0xc0: {  	[dreg:$0x1] =	wrdreg $0xFFFFFFFF  }
0xc1: {  	_ =	task.clear_ibuf [dreg:s6], $0x2FFFF;
	_ =	strace $0x9FFFFFFF  }
0xc2: {  	(tm) =	ssettm $0x7FFFFFFF  }
0xc3: {  	_ =	shalt  }
tec
execute0_lowered:
.L_overlay_start_1:
0x0: {  	(tag) =	ssettag $0x1  }
0x1: {  	s5 =	rddreg [dreg:$0x0];
	s0 =	srdreg.scid  }
0x2: {  	s2 =	rddreg [dreg:$0x1];
	s1 =	stileid.u32  }
0x3: {  	s3 =	simm.s32 $0x0;
	s19 =	simm.s32 $0x14000;
	s20 =	simm.s32 $0x2  }
0x4: {  	s21 =	simm.s32 $0x1C000;
	s22 =	simm.s32 $0x1C080;
	s23 =	simm.s32 $0x1C100  }
0x5: {  	s24 =	simm.s32 $0x80;
	s25 =	simm.s32 $0x1;
	s8 =	smul.u32 $0x280, s1  }
0x6: {  	s26 =	simm.s32 $0x18000;
	s6 =	sand.u32 $0x1, s0;
	s10 =	smul.u32 $0x50000, s1  }
0x7: {  	s28 =	simm.s32 $0x0;
	[smem:$0x7FF] =	sst s3;
	s7 =	smul.u32 $0x4F00, s6  }
0x8: {  	s4 =	sadd.s32 $0x71000, s5;
	s9 =	smul.u32 $0x2800, s6;
	s6 =	ssub.s32 $0x2, s6  }
0x9: {  	s17 =	smul.u32 $0x4F0, s1;
	_ =	strace $0x8000004D;
	s30 =	sshrl.u32 s6, $0x1  }
0xa: {  	s31 =	sshrl.u32 s10, $0x2;
	s29 =	sadd.s32 s8, s9;
	s15 =	ssub.s32 s6, s30  }
0xb: {  	s16 =	sadd.s32 s7, s5;
	s7 =	sshll.u32 s29, $0x4;
	s15 =	smax.u32 s15, $0x1  }
0xc: {  	s18 =	sadd.s32 s17, s16;
	s14 =	sadd.s32 s7, s5;
	s5 =	sadd.s32 s31, s2  }
0xd: {  	s16 =	sadd.s32 $0xD400, s18;
	s17 =	sadd.s32 $0x3600, s18;
	s18 =	sadd.s32 $0x67200, s18  }
0xe: {  	s6 =	sadd.s32 $0x4000, s5;
	s7 =	sadd.s32 $0x8000, s5;
	s8 =	sadd.s32 $0xC000, s5  }
0xf: {  	s9 =	sadd.s32 $0x10000, s5;
	s10 =	sadd.s32 $0x99000, s14;
	s11 =	sadd.s32 $0x99800, s14  }
0x10: {  	v0 =	vimm.f32 $0.0e+00;
	s12 =	sadd.s32 $0x9A000, s14;
	s13 =	sadd.s32 $0x9A800, s14;
	s14 =	sadd.s32 $0x9B000, s14  }
.LBB2_1:
0x11: {  	s29 =	simm.s32 $0x0;
	s30 =	simm.s32 $0x200  }
.LBB2_2:
0x12: {  	p0 =	sne.s32 s30, $0xFE00;
	[tilespmem:s29+$0x14070] =	vst v0  }
0x13: {  	[tilespmem:s29+$0x14000] =	vst v0  }
0x14: {  	[tilespmem:s29+$0x14010] =	vst v0  }
.Ltmp0:
0x15: {  	[tilespmem:s29+$0x14020] =	vst v0;
	(pc) =	sbr.rel @p0 .LBB2_2-.Ltmp0, $4  }
0x16: {  	[tilespmem:s29+$0x14030] =	vst v0  }
0x17: {  	[tilespmem:s29+$0x14040] =	vst v0  }
0x18: {  	[tilespmem:s29+$0x14050] =	vst v0  }
0x19: {  	[tilespmem:s29+$0x14060] =	vst v0;
	s29 =	sshra.s32 s30, $0x2;
	s30 =	sadd.s32 $0x200, s30  }
0x1a: {  	[tilespmem:s29+$0x14070] =	vst v0  }
0x1b: {  	[tilespmem:s29+$0x14000] =	vst v0  }
0x1c: {  	[tilespmem:s29+$0x14010] =	vst v0  }
0x1d: {  	[tilespmem:s29+$0x14020] =	vst v0  }
0x1e: {  	[tilespmem:s29+$0x14030] =	vst v0  }
0x1f: {  	[tilespmem:s29+$0x14040] =	vst v0  }
0x20: {  	[tilespmem:s29+$0x14050] =	vst v0  }
0x21: {  	[tilespmem:s29+$0x14060] =	vst v0  }
0x22: {  	[spmem:s5] =	stream.linear.scatter [tilespmem:s19], [sflag:$0x2], $0x4000, $0x38;
	[tilespmem:$0x1C180] =	vst v63  }
0x23: {  	_ =	swait.ge [sflag:s20], $0x4000  }
0x24: {  	[sflag:s20] =	ssyncset.done $0x0  }
0x25: {  	[sflag:s20] =	ssyncadd.s32 $0xFFFFC000  }
0x26: {  	[spmem:s6] =	stream.linear.scatter [tilespmem:s19], [sflag:$0x2], $0x4000, $0x38;
	[tilespmem:$0x1C180] =	vst v63  }
0x27: {  	_ =	swait.ge [sflag:s20], $0x4000  }
0x28: {  	[sflag:s20] =	ssyncset.done $0x0  }
0x29: {  	[sflag:s20] =	ssyncadd.s32 $0xFFFFC000  }
0x2a: {  	[spmem:s7] =	stream.linear.scatter [tilespmem:s19], [sflag:$0x2], $0x4000, $0x38;
	[tilespmem:$0x1C180] =	vst v63  }
0x2b: {  	_ =	swait.ge [sflag:s20], $0x4000  }
0x2c: {  	[sflag:s20] =	ssyncset.done $0x0  }
0x2d: {  	[sflag:s20] =	ssyncadd.s32 $0xFFFFC000  }
0x2e: {  	[spmem:s8] =	stream.linear.scatter [tilespmem:s19], [sflag:$0x2], $0x4000, $0x38;
	[tilespmem:$0x1C180] =	vst v63  }
0x2f: {  	_ =	swait.ge [sflag:s20], $0x4000  }
0x30: {  	[sflag:s20] =	ssyncset.done $0x0  }
0x31: {  	[sflag:s20] =	ssyncadd.s32 $0xFFFFC000  }
0x32: {  	[spmem:s9] =	stream.linear.scatter [tilespmem:s19], [sflag:$0x2], $0x4000, $0x38;
	[tilespmem:$0x1C180] =	vst v63  }
0x33: {  	_ =	swait.ge [sflag:s20], $0x4000  }
0x34: {  	[sflag:s20] =	ssyncset.done $0x0  }
0x35: {  	[sflag:s20] =	ssyncadd.s32 $0xFFFFC000  }
0x36: {  	s29 =	sadd.s32 $0x0, s18;
	[bflag:$0x0] =	sbarrier.arrive $0xFFFF  }
0x37: {  	[tilespmem:s21], [sflag:$0x2] =	stream.linear.gather [hbm4b:s29+s3], $0x80, $0x38;
	[tilespmem:$0x1C180] =	vst v63  }
0x38: {  	_ =	swait.ge [sflag:s20], $0x80  }
0x39: {  	[sflag:s20] =	ssyncset.done $0x0  }
0x3a: {  	s29 =	sadd.s32 $0x0, s17;
	[sflag:s20] =	ssyncadd.s32 $0xFFFFFF80  }
0x3b: {  	[tilespmem:s22], [sflag:$0x2] =	stream.linear.gather [hbm4b:s29+s3], $0x80, $0x38;
	[tilespmem:$0x1C180] =	vst v63  }
0x3c: {  	_ =	swait.ge [sflag:s20], $0x80  }
0x3d: {  	[sflag:s20] =	ssyncset.done $0x0  }
0x3e: {  	s29 =	sadd.s32 $0x0, s16;
	[sflag:s20] =	ssyncadd.s32 $0xFFFFFF80  }
0x3f: {  	[tilespmem:s23], [sflag:$0x2] =	stream.linear.gather [hbm4b:s29+s3], $0x80, $0x38;
	[tilespmem:$0x1C180] =	vst v63  }
0x40: {  	_ =	swait.ge [sflag:s20], $0x80  }
0x41: {  	[sflag:s20] =	ssyncset.done $0x0  }
0x42: {  	[sflag:s20] =	ssyncadd.s32 $0xFFFFFF80  }
0x43: {  	[tilespmem:s19], [sflag:$0x1] =	stream.indirect.gather [hbm4b:s4+s24], $0x80, s21, s24, $0xb8;
	[tilespmem:$0x1C180] =	vst v63  }
0x44: {  	_ =	swait.ge [sflag:s25], $0x4000  }
0x45: {  	[sflag:s25] =	ssyncset.done $0x0  }
0x46: {  	[sflag:s25] =	ssyncadd.s32 $0xFFFFC000  }
0x47: {  	v1 =	vld [tilespmem:$0x1C0E0]  }
0x48: {  	v2 =	vld [tilespmem:$0x1C0F0]  }
0x49: {  	v3 =	vld [tilespmem:$0x1C0A0]  }
0x4a: {  	v4 =	vld [tilespmem:$0x1C0D0]  }
0x4b: {  	v5 =	vld [tilespmem:$0x1C090]  }
0x4c: {  	v6 =	vld [tilespmem:$0x1C0B0]  }
0x4d: {  	v7 =	vld [tilespmem:$0x1C130]  }
0x4e: {  	v8 =	vld [tilespmem:$0x1C080]  }
0x4f: {  	v9 =	vld [tilespmem:$0x1C150]  }
0x50: {  	v10 =	vld [tilespmem:$0x1C110]  }
0x51: {  	v11 =	vld [tilespmem:$0x1C100]  }
0x52: {  	v12 =	vld [tilespmem:$0x1C120]  }
0x53: {  	v59 =	vld [tilespmem:$0x1C170];
	vm0 =	veq.s32 v7, $0x1  }
0x54: {  	v60 =	vld [tilespmem:$0x1C160];
	vm10 =	veq.s32 v9, $0x1;
	v6 =	vnsel vm0, $0x27F8, v6  }
0x55: {  	v61 =	vld [tilespmem:$0x1C140];
	vm1 =	veq.s32 v10, $0x1;
	v4 =	vnsel vm10, $0x27F8, v4;
	[tilespmem:$0x1C0B0] =	vst v6  }
0x56: {  	v62 =	vld [tilespmem:$0x1C0C0];
	vm11 =	veq.s32 v11, $0x1;
	v5 =	vnsel vm1, $0x27F8, v5;
	[tilespmem:$0x1C0D0] =	vst v4  }
0x57: {  	vm12 =	veq.s32 v12, $0x1;
	v63 =	vnsel vm11, $0x27F8, v8;
	[tilespmem:$0x1C090] =	vst v5  }
0x58: {  	vm13 =	veq.s32 v59, $0x1;
	v3 =	vnsel vm12, $0x27F8, v3;
	[tilespmem:$0x1C080] =	vst v63  }
0x59: {  	vm14 =	veq.s32 v60, $0x1;
	v2 =	vnsel vm13, $0x27F8, v2;
	[tilespmem:$0x1C0A0] =	vst v3  }
0x5a: {  	vm15 =	veq.s32 v61, $0x1;
	v3 =	vnsel vm14, $0x27F8, v1;
	[tilespmem:$0x1C0F0] =	vst v2  }
0x5b: {  	s30 =	simm.s32 $0x20;
	s29 =	simm.s32 $0x10;
	v1 =	vnsel vm15, $0x27F8, v62;
	[tilespmem:$0x1C0E0] =	vst v3  }
.LBB2_4:
0x5c: {  	p0 =	sne.s32 s30, $0x4E0;
	[tilespmem:$0x1C0C0] =	vst v1;
	s31 =	smov.u32 s30;
	s30 =	sadd.s32 $0x10, s30  }
0x5d: {  	[spmem:s2] =	stream.indirect.scatter.add.f32 [tilespmem:s19], [sflag:$0x2], $0x80, s22, s24, $0xb8;
	[tilespmem:$0x1C180] =	vst v63  }
0x5e: {  	_ =	swait.ge [sflag:s20], $0x4000  }
0x5f: {  	[sflag:s20] =	ssyncset.done $0x0  }
0x60: {  	s0 =	sadd.s32 s29, s18;
	[sflag:s20] =	ssyncadd.s32 $0xFFFFC000  }
0x61: {  	[tilespmem:s21], [sflag:$0x2] =	stream.linear.gather [hbm4b:s0+s3], $0x80, $0x38;
	[tilespmem:$0x1C180] =	vst v63  }
0x62: {  	_ =	swait.ge [sflag:s20], $0x80  }
0x63: {  	[sflag:s20] =	ssyncset.done $0x0  }
0x64: {  	s0 =	sadd.s32 s29, s17;
	[sflag:s20] =	ssyncadd.s32 $0xFFFFFF80  }
0x65: {  	[tilespmem:s22], [sflag:$0x2] =	stream.linear.gather [hbm4b:s0+s3], $0x80, $0x38;
	[tilespmem:$0x1C180] =	vst v63  }
0x66: {  	_ =	swait.ge [sflag:s20], $0x80  }
0x67: {  	[sflag:s20] =	ssyncset.done $0x0  }
0x68: {  	s0 =	sadd.s32 s29, s16;
	s29 =	smov.u32 s31;
	[sflag:s20] =	ssyncadd.s32 $0xFFFFFF80  }
0x69: {  	[tilespmem:s23], [sflag:$0x2] =	stream.linear.gather [hbm4b:s0+s3], $0x80, $0x38;
	[tilespmem:$0x1C180] =	vst v63  }
0x6a: {  	_ =	swait.ge [sflag:s20], $0x80  }
0x6b: {  	[sflag:s20] =	ssyncset.done $0x0  }
0x6c: {  	[sflag:s20] =	ssyncadd.s32 $0xFFFFFF80  }
0x6d: {  	[tilespmem:s19], [sflag:$0x1] =	stream.indirect.gather [hbm4b:s4+s24], $0x80, s21, s24, $0xb8;
	[tilespmem:$0x1C180] =	vst v63  }
0x6e: {  	_ =	swait.ge [sflag:s25], $0x4000  }
0x6f: {  	[sflag:s25] =	ssyncset.done $0x0  }
0x70: {  	[sflag:s25] =	ssyncadd.s32 $0xFFFFC000  }
0x71: {  	v1 =	vld [tilespmem:$0x1C0E0]  }
0x72: {  	v2 =	vld [tilespmem:$0x1C0F0]  }
0x73: {  	v3 =	vld [tilespmem:$0x1C0A0]  }
0x74: {  	v4 =	vld [tilespmem:$0x1C0D0]  }
0x75: {  	v5 =	vld [tilespmem:$0x1C090]  }
0x76: {  	v6 =	vld [tilespmem:$0x1C0B0]  }
0x77: {  	v7 =	vld [tilespmem:$0x1C130]  }
0x78: {  	v8 =	vld [tilespmem:$0x1C080]  }
0x79: {  	v9 =	vld [tilespmem:$0x1C150]  }
0x7a: {  	v10 =	vld [tilespmem:$0x1C110]  }
0x7b: {  	v11 =	vld [tilespmem:$0x1C100]  }
0x7c: {  	v12 =	vld [tilespmem:$0x1C120];
	vm0 =	veq.s32 v7, $0x1  }
0x7d: {  	v6 =	vnsel vm0, $0x27F8, v6;
	v7 =	vld [tilespmem:$0x1C170]  }
0x7e: {  	[tilespmem:$0x1C0B0] =	vst v6;
	vm0 =	veq.s32 v9, $0x1;
	v6 =	vld [tilespmem:$0x1C160]  }
0x7f: {  	vm1 =	veq.s32 v10, $0x1;
	v9 =	vld [tilespmem:$0x1C140];
	v4 =	vnsel vm0, $0x27F8, v4  }
0x80: {  	vm0 =	veq.s32 v11, $0x1;
	v5 =	vnsel vm1, $0x27F8, v5;
	v10 =	vld [tilespmem:$0x1C0C0];
	[tilespmem:$0x1C0D0] =	vst v4  }
.Ltmp1:
0x81: {  	v4 =	vnsel vm0, $0x27F8, v8;
	[tilespmem:$0x1C090] =	vst v5;
	vm0 =	veq.s32 v12, $0x1;
	(pc) =	sbr.rel @p0 .LBB2_4-.Ltmp1, $4  }
0x82: {  	[tilespmem:$0x1C080] =	vst v4;
	v3 =	vnsel vm0, $0x27F8, v3;
	vm0 =	veq.s32 v7, $0x1  }
0x83: {  	[tilespmem:$0x1C0A0] =	vst v3;
	vm1 =	veq.s32 v6, $0x1;
	v2 =	vnsel vm0, $0x27F8, v2  }
0x84: {  	vm0 =	veq.s32 v9, $0x1;
	v3 =	vnsel vm1, $0x27F8, v1;
	[tilespmem:$0x1C0F0] =	vst v2  }
0x85: {  	v1 =	vnsel vm0, $0x27F8, v10;
	[tilespmem:$0x1C0E0] =	vst v3  }
0x86: {  	[tilespmem:$0x1C0C0] =	vst v1  }
0x87: {  	[spmem:s2] =	stream.indirect.scatter.add.f32 [tilespmem:s19], [sflag:$0x2], $0x80, s22, s24, $0xb8;
	[tilespmem:$0x1C180] =	vst v63  }
0x88: {  	_ =	swait.ge [sflag:s20], $0x4000  }
0x89: {  	[sflag:s20] =	ssyncset.done $0x0  }
0x8a: {  	s0 =	sadd.s32 s29, s18;
	[sflag:s20] =	ssyncadd.s32 $0xFFFFC000  }
0x8b: {  	[tilespmem:s21], [sflag:$0x2] =	stream.linear.gather [hbm4b:s0+s3], $0x80, $0x38;
	[tilespmem:$0x1C180] =	vst v63  }
0x8c: {  	_ =	swait.ge [sflag:s20], $0x80  }
0x8d: {  	[sflag:s20] =	ssyncset.done $0x0  }
0x8e: {  	s30 =	sadd.s32 s29, s17;
	[sflag:s20] =	ssyncadd.s32 $0xFFFFFF80  }
0x8f: {  	[tilespmem:s22], [sflag:$0x2] =	stream.linear.gather [hbm4b:s30+s3], $0x80, $0x38;
	[tilespmem:$0x1C180] =	vst v63  }
0x90: {  	_ =	swait.ge [sflag:s20], $0x80  }
0x91: {  	[sflag:s20] =	ssyncset.done $0x0  }
0x92: {  	s31 =	sadd.s32 s29, s16;
	[sflag:s20] =	ssyncadd.s32 $0xFFFFFF80  }
0x93: {  	[tilespmem:s23], [sflag:$0x2] =	stream.linear.gather [hbm4b:s31+s3], $0x80, $0x38;
	[tilespmem:$0x1C180] =	vst v63  }
0x94: {  	_ =	swait.ge [sflag:s20], $0x80  }
0x95: {  	[sflag:s20] =	ssyncset.done $0x0  }
0x96: {  	[sflag:s20] =	ssyncadd.s32 $0xFFFFFF80  }
0x97: {  	[tilespmem:s19], [sflag:$0x1] =	stream.indirect.gather [hbm4b:s4+s24], $0x80, s21, s24, $0xb8;
	[tilespmem:$0x1C180] =	vst v63  }
0x98: {  	_ =	swait.ge [sflag:s25], $0x4000  }
0x99: {  	[sflag:s25] =	ssyncset.done $0x0  }
0x9a: {  	[sflag:s25] =	ssyncadd.s32 $0xFFFFC000  }
0x9b: {  	v1 =	vld [tilespmem:$0x1C0E0]  }
0x9c: {  	v2 =	vld [tilespmem:$0x1C0F0]  }
0x9d: {  	v3 =	vld [tilespmem:$0x1C0A0]  }
0x9e: {  	v4 =	vld [tilespmem:$0x1C0D0]  }
0x9f: {  	v5 =	vld [tilespmem:$0x1C090]  }
0xa0: {  	v6 =	vld [tilespmem:$0x1C0B0]  }
0xa1: {  	v7 =	vld [tilespmem:$0x1C130]  }
0xa2: {  	v8 =	vld [tilespmem:$0x1C080]  }
0xa3: {  	v9 =	vld [tilespmem:$0x1C150]  }
0xa4: {  	v10 =	vld [tilespmem:$0x1C110]  }
0xa5: {  	v11 =	vld [tilespmem:$0x1C100]  }
0xa6: {  	v12 =	vld [tilespmem:$0x1C120]  }
0xa7: {  	v59 =	vld [tilespmem:$0x1C170];
	vm0 =	veq.s32 v7, $0x1  }
0xa8: {  	v60 =	vld [tilespmem:$0x1C160];
	vm10 =	veq.s32 v9, $0x1;
	v6 =	vnsel vm0, $0x27F8, v6  }
0xa9: {  	v61 =	vld [tilespmem:$0x1C140];
	vm1 =	veq.s32 v10, $0x1;
	v4 =	vnsel vm10, $0x27F8, v4;
	[tilespmem:$0x1C0B0] =	vst v6  }
0xaa: {  	v62 =	vld [tilespmem:$0x1C0C0];
	vm11 =	veq.s32 v11, $0x1;
	v5 =	vnsel vm1, $0x27F8, v5;
	[tilespmem:$0x1C0D0] =	vst v4  }
0xab: {  	vm12 =	veq.s32 v12, $0x1;
	v63 =	vnsel vm11, $0x27F8, v8;
	[tilespmem:$0x1C090] =	vst v5  }
0xac: {  	vm13 =	veq.s32 v59, $0x1;
	v3 =	vnsel vm12, $0x27F8, v3;
	[tilespmem:$0x1C080] =	vst v63  }
0xad: {  	vm14 =	veq.s32 v60, $0x1;
	v2 =	vnsel vm13, $0x27F8, v2;
	[tilespmem:$0x1C0A0] =	vst v3  }
0xae: {  	vm15 =	veq.s32 v61, $0x1;
	v1 =	vnsel vm14, $0x27F8, v1;
	[tilespmem:$0x1C0F0] =	vst v2  }
0xaf: {  	v2 =	vnsel vm15, $0x27F8, v62;
	[tilespmem:$0x1C0E0] =	vst v1  }
0xb0: {  	[tilespmem:$0x1C0C0] =	vst v2  }
0xb1: {  	[spmem:s2] =	stream.indirect.scatter.add.f32 [tilespmem:s19], [sflag:$0x2], $0x80, s22, s24, $0xb8;
	[tilespmem:$0x1C180] =	vst v63  }
0xb2: {  	_ =	swait.ge [sflag:s20], $0x4000  }
0xb3: {  	[sflag:s20] =	ssyncset.done $0x0  }
0xb4: {  	[sflag:s20] =	ssyncadd.s32 $0xFFFFC000  }
0xb5: {  	[bflag:$0x0] =	sbarrier.arrive $0xFFFF  }
0xb6: {  	[tilespmem:s26], [sflag:$0x2] =	stream.linear.gather [spmem:s5], $0x4000, $0x38;
	[tilespmem:$0x1C180] =	vst v63  }
0xb7: {  	_ =	swait.ge [sflag:s20], $0x4000  }
0xb8: {  	[sflag:s20] =	ssyncset.done $0x0  }
0xb9: {  	[sflag:s20] =	ssyncadd.s32 $0xFFFFC000  }
0xba: {  	[hbm4b:s10+s3] =	stream.linear.scatter [tilespmem:s26], [sflag:$0x2], $0x4000, $0x38;
	[tilespmem:$0x1C180] =	vst v63  }
0xbb: {  	_ =	swait.ge [sflag:s20], $0x4000  }
0xbc: {  	[sflag:s20] =	ssyncset.done $0x0  }
0xbd: {  	[sflag:s20] =	ssyncadd.s32 $0xFFFFC000  }
0xbe: {  	[tilespmem:s26], [sflag:$0x2] =	stream.linear.gather [spmem:s6], $0x4000, $0x38;
	[tilespmem:$0x1C180] =	vst v63  }
0xbf: {  	_ =	swait.ge [sflag:s20], $0x4000  }
0xc0: {  	[sflag:s20] =	ssyncset.done $0x0  }
0xc1: {  	[sflag:s20] =	ssyncadd.s32 $0xFFFFC000  }
0xc2: {  	[hbm4b:s11+s3] =	stream.linear.scatter [tilespmem:s26], [sflag:$0x2], $0x4000, $0x38;
	[tilespmem:$0x1C180] =	vst v63  }
0xc3: {  	_ =	swait.ge [sflag:s20], $0x4000  }
0xc4: {  	[sflag:s20] =	ssyncset.done $0x0  }
0xc5: {  	[sflag:s20] =	ssyncadd.s32 $0xFFFFC000  }
0xc6: {  	[tilespmem:s26], [sflag:$0x2] =	stream.linear.gather [spmem:s7], $0x4000, $0x38;
	[tilespmem:$0x1C180] =	vst v63  }
0xc7: {  	_ =	swait.ge [sflag:s20], $0x4000  }
0xc8: {  	[sflag:s20] =	ssyncset.done $0x0  }
0xc9: {  	[sflag:s20] =	ssyncadd.s32 $0xFFFFC000  }
0xca: {  	[hbm4b:s12+s3] =	stream.linear.scatter [tilespmem:s26], [sflag:$0x2], $0x4000, $0x38;
	[tilespmem:$0x1C180] =	vst v63  }
0xcb: {  	_ =	swait.ge [sflag:s20], $0x4000  }
0xcc: {  	[sflag:s20] =	ssyncset.done $0x0  }
0xcd: {  	[sflag:s20] =	ssyncadd.s32 $0xFFFFC000  }
0xce: {  	[tilespmem:s26], [sflag:$0x2] =	stream.linear.gather [spmem:s8], $0x4000, $0x38;
	[tilespmem:$0x1C180] =	vst v63  }
0xcf: {  	_ =	swait.ge [sflag:s20], $0x4000  }
0xd0: {  	[sflag:s20] =	ssyncset.done $0x0  }
0xd1: {  	[sflag:s20] =	ssyncadd.s32 $0xFFFFC000  }
0xd2: {  	[hbm4b:s13+s3] =	stream.linear.scatter [tilespmem:s26], [sflag:$0x2], $0x4000, $0x38;
	[tilespmem:$0x1C180] =	vst v63  }
0xd3: {  	_ =	swait.ge [sflag:s20], $0x4000  }
0xd4: {  	[sflag:s20] =	ssyncset.done $0x0  }
0xd5: {  	[sflag:s20] =	ssyncadd.s32 $0xFFFFC000  }
0xd6: {  	[tilespmem:s26], [sflag:$0x2] =	stream.linear.gather [spmem:s9], $0x4000, $0x38;
	[tilespmem:$0x1C180] =	vst v63  }
0xd7: {  	s28 =	sadd.s32 $0x1, s28;
	_ =	swait.ge [sflag:s20], $0x4000  }
0xd8: {  	p0 =	sne.s32 s28, s15;
	[sflag:s20] =	ssyncset.done $0x0  }
.Ltmp2:
0xd9: {  	[sflag:s20] =	ssyncadd.s32 $0xFFFFC000;
	(pc) =	sbr.rel @p0 .LBB2_1-.Ltmp2, $4  }
0xda: {  	[hbm4b:s14+s3] =	stream.linear.scatter [tilespmem:s26], [sflag:$0x2], $0x4000, $0x38;
	[tilespmem:$0x1C180] =	vst v63  }
0xdb: {  	_ =	swait.ge [sflag:s20], $0x4000  }
0xdc: {  	[sflag:s20] =	ssyncset.done $0x0  }
0xdd: {  	[sflag:s20] =	ssyncadd.s32 $0xFFFFC000  }
0xde: {  	_ =	sfence.sel $0x180000  }
0xdf: {  	[bflag:$0x0] =	sbarrier.arrive $0xFFFF  }
0xe0: {  	_ =	strace $0x9000004D  }
0xe1: {  	[bflag:$0x2] =	sbarrier.arrive $0xFFFF  }
0xe2: {  	p0 =	sne.s32 s1, $0x0;
	s0 =	rddreg [dreg:$0x2]  }
0xe3: {  	s0 =	sadd.s32 @!p0 $0x100000, s0  }
0xe4: {  	[sflag:s0] =	ssyncadd.tile.s32 @!p0 $0x1;
	_ =	shalt  }
.Lfunc_end2:
_tile_overlayer_lowered:
.L_overlay_start_2:
0xe5: {  	(tag) =	ssettag $0x2  }
0xe6: {  	s0 =	rddreg [dreg:$0x0];
	s2 =	stileid.u32  }
0xe7: {  	s1 =	rddreg [dreg:$0x1];
	p0 =	sne.s32 s2, $0x0  }
0xe8: {  	s3 =	rddreg [dreg:$0x2];
	[bflag:$0x3] =	sbarrier.arrive $0xFFFF;
	s2 =	simm.s32 @!p0 $0x1C02  }
0xe9: {  	[timem:s3], [sflag:s2] =	dma.local @!p0 [hbm:s0], s1  }
0xea: {  	s0 =	simm.s32 @!p0 $0x2  }
0xeb: {  	_ =	swait.ge @!p0 [sflag:s0], s1  }
0xec: {  	s1 =	ssub.s32 @!p0 $0x0, s1;
	[sflag:s0] =	ssyncset.done @!p0 $0x0  }
0xed: {  	[sflag:s0] =	ssyncadd.s32 @!p0 s1  }
0xee: {  	[bflag:$0x3] =	sbarrier.arrive $0xFFFF  }
0xef: {  	_ =	shalt  }

// kernel: kernel.19.cloned.1.call-start
scs
__scs_entry_jumppad:
0x0: {  	(pc) =	sbr.rel $0x88, $3  }
0x1: {  	(tag) =	ssettag $0x0;
	lr =	simm.s32 $0x1  }
0x2: {  	[smem:$0x3F95] =	sst lr;
	_ =	strace $0xD0000000  }
0x3: {  	_ = 	snop  }
0x4: {  	_ = 	snop  }
0x5: {  	_ = 	snop  }
0x6: {  	_ = 	snop  }
0x7: {  	_ = 	snop  }
__scs_overlays_trampoline_lowered:
0x8: {  	[smem:$0x3FA4] =	sst s0  }
0x9: {  	[smem:$0x3FA5] =	sst s1  }
0xa: {  	[smem:$0x3FA6] =	sst s2  }
0xb: {  	[smem:$0x3FA7] =	sst s3  }
0xc: {  	[smem:$0x3FA8] =	sst s4  }
0xd: {  	[smem:$0x3FA9] =	sst s5  }
0xe: {  	[smem:$0x3FAA] =	sst s6  }
0xf: {  	[smem:$0x3FAB] =	sst s7  }
0x10: {  	[smem:$0x3FAC] =	sst s8  }
0x11: {  	[smem:$0x3FAD] =	sst s9;
	s0 =	simm.s32 @!p0 $0x0  }
0x12: {  	s1 =	sld [smem:$0x3F93];
	s0 =	simm.s32 @p0 $0x1  }
0x13: {  	[smem:$0x3FAE] =	sst s0;
	s0 =	simm.s32 @!p1 $0x0  }
0x14: {  	s2 =	sld [smem:$0x3F92];
	s0 =	simm.s32 @p1 $0x1  }
0x15: {  	[smem:$0x3FAF] =	sst s0;
	s0 =	simm.s32 @!p2 $0x0  }
0x16: {  	s3 =	sld [smem:$0x3FDB];
	s0 =	simm.s32 @p2 $0x1  }
0x17: {  	s4 =	simm.s32 $0x1BF5;
	[smem:$0x3FB1] =	sst s0  }
0x18: {  	s0 =	sld [smem:$0x3F94];
	_ =	swait.ge [sflag:s4], $0x0  }
0x19: {  	s7 =	sld [smem:$0x3F95]  }
0x1a: {  	s8 =	sadd.s32 $0xFFFFE003, lr  }
0x1b: {  	s9 =	sadd.s32 $0xFFFFFEF7, lr;
	s5 =	simm.s32 $0xFFFFFFFF;
	p2 =	slt.u32 s8, $0xFFFFF086  }
0x1c: {  	p1 =	slt.u32 s9, $0xF7A;
	s5 =	simm.s32 @!p2 $0x0  }
0x1d: {  	s5 =	simm.s32 @p1 $0x1;
	p0 =	seq.s32 s7, s2  }
0x1e: {  	s7 =	smul.u32 @!p0 $0xF7A, s2;
	p2 =	seq.s32 @!p0 s5, $0x0  }
0x1f: {  	s9 =	smul.u32 $0xF7A, s1;
	s8 =	simm.s32 @!p0 $0x1BF5;
	p2 =	por !p2, p0  }
0x20: {  	[sflag:s8] =	ssyncset.s32 @!p0 $0xFFFFF086;
	s6 =	sadd.s32 @!p0 s3, s7;
	s7 =	simm.s32 @!p0 $0x108  }
0x21: {  	s3 =	sadd.s32 s3, s9;
	s6 =	sadd.s32 @!p0 $0x88, s6;
	s7 =	simm.s32 @p2 $0x1082  }
0x22: {  	[simem:s7], [sflag:s8] =	dma.local @!p0 [hbm:s6], $0xF7A  }
0x23: {  	s9 =	sor.u32 $0xD0000000, s2;
	s6 =	simm.s32 $0x108;
	_ =	swait.ge @!p0 [sflag:s8], $0x0  }
0x24: {  	s3 =	sadd.s32 $0x88, s3;
	s6 =	simm.s32 @!p1 $0x1082;
	[sflag:s4] =	ssyncset.s32 $0xFFFFF086  }
0x25: {  	[simem:s6], [sflag:s4] =	dma.local [hbm:s3], $0xF7A  }
0x26: {  	[smem:$0x3F95] =	sst s1;
	(tag) =	ssettag s2;
	_ =	strace s9  }
0x27: {  	s1 =	sld [smem:$0x3FA5]  }
0x28: {  	s2 =	sld [smem:$0x3FA6]  }
0x29: {  	s4 =	sld [smem:$0x3FA8]  }
0x2a: {  	p0 =	seq.s32 s5, $0x0;
	s5 =	sld [smem:$0x3FA9]  }
0x2b: {  	s6 =	sld [smem:$0x3FAA]  }
0x2c: {  	s7 =	sld [smem:$0x3FAB]  }
0x2d: {  	s3 =	simm.s32 $0x108;
	s8 =	sld [smem:$0x3FAC]  }
0x2e: {  	s3 =	simm.s32 @!p0 $0x1082;
	s9 =	sld [smem:$0x3FAD]  }
0x2f: {  	lr =	sadd.s32 s0, s3;
	s0 =	sld [smem:$0x3FA4]  }
0x30: {  	s3 =	sld [smem:$0x3FA7]  }
0x31: {  	[smem:$0x3FB0] =	sst s10  }
0x32: {  	s10 =	sld [smem:$0x3FAE];
	_ =	sdelay $0x3  }
0x33: {  	p0 =	seq.s32 s10, $0x1;
	s10 =	sld [smem:$0x3FB0];
	_ =	sdelay $0x3  }
0x34: {  	[smem:$0x3FB0] =	sst s10  }
0x35: {  	s10 =	sld [smem:$0x3FAF];
	_ =	sdelay $0x3  }
0x36: {  	p1 =	seq.s32 s10, $0x1;
	s10 =	sld [smem:$0x3FB0];
	_ =	sdelay $0x3  }
0x37: {  	[smem:$0x3FB0] =	sst s10  }
0x38: {  	s10 =	sld [smem:$0x3FB1]  }
0x39: {  	_ = 	snop;
	(pc) =	sbr.ind lr, $3  }
0x3a: {  	_ = 	snop  }
0x3b: {  	_ = 	snop  }
0x3c: {  	p2 =	seq.s32 s10, $0x1;
	s10 =	sld [smem:$0x3FB0]  }
0x3d: {  	_ =	shalt  }
0x3e: {  	_ =	shalt  }
0x3f: {  	_ =	shalt  }
0x40: {  	_ =	shalt  }
0x41: {  	_ =	shalt  }
0x42: {  	_ =	shalt  }
0x43: {  	_ =	shalt  }
0x44: {  	_ =	shalt  }
0x45: {  	_ =	shalt  }
0x46: {  	_ =	shalt  }
0x47: {  	_ =	shalt  }
0x48: {  	_ =	shalt  }
0x49: {  	_ =	shalt  }
0x4a: {  	_ =	shalt  }
0x4b: {  	_ =	shalt  }
0x4c: {  	_ =	shalt  }
0x4d: {  	_ =	shalt  }
0x4e: {  	_ =	shalt  }
0x4f: {  	_ =	shalt  }
0x50: {  	_ =	shalt  }
0x51: {  	_ =	shalt  }
0x52: {  	_ =	shalt  }
0x53: {  	_ =	shalt  }
0x54: {  	_ =	shalt  }
0x55: {  	_ =	shalt  }
0x56: {  	_ =	shalt  }
0x57: {  	_ =	shalt  }
0x58: {  	_ =	shalt  }
0x59: {  	_ =	shalt  }
0x5a: {  	_ =	shalt  }
0x5b: {  	_ =	shalt  }
0x5c: {  	_ =	shalt  }
0x5d: {  	_ =	shalt  }
0x5e: {  	_ =	shalt  }
0x5f: {  	_ =	shalt  }
0x60: {  	_ =	shalt  }
0x61: {  	_ =	shalt  }
0x62: {  	_ =	shalt  }
0x63: {  	_ =	shalt  }
0x64: {  	_ =	shalt  }
0x65: {  	_ =	shalt  }
0x66: {  	_ =	shalt  }
0x67: {  	_ =	shalt  }
0x68: {  	_ =	shalt  }
0x69: {  	_ =	shalt  }
0x6a: {  	_ =	shalt  }
0x6b: {  	_ =	shalt  }
0x6c: {  	_ =	shalt  }
0x6d: {  	_ =	shalt  }
0x6e: {  	_ =	shalt  }
0x6f: {  	_ =	shalt  }
0x70: {  	_ =	shalt  }
0x71: {  	_ =	shalt  }
0x72: {  	_ =	shalt  }
0x73: {  	_ =	shalt  }
0x74: {  	_ =	shalt  }
0x75: {  	_ =	shalt  }
0x76: {  	_ =	shalt  }
0x77: {  	_ =	shalt  }
0x78: {  	_ =	shalt  }
0x79: {  	_ =	shalt  }
0x7a: {  	_ =	shalt  }
0x7b: {  	_ =	shalt  }
0x7c: {  	_ =	shalt  }
0x7d: {  	_ =	shalt  }
0x7e: {  	_ =	shalt  }
0x7f: {  	_ =	shalt  }
0x80: {  	_ =	shalt  }
0x81: {  	_ =	shalt  }
0x82: {  	_ =	shalt  }
0x83: {  	_ =	shalt  }
0x84: {  	_ =	shalt  }
0x85: {  	_ =	shalt  }
0x86: {  	_ =	shalt  }
0x87: {  	_ =	shalt  }
.Lfunc_end0:
.L_simem_size_0:
called_computation.3_lowered:
.L_overlay_start_0:
0x88: {  	s2 =	sld [smem:$0x3FD9]  }
0x89: {  	s3 =	sld [smem:$0x3FFE];
	_ =	sdelay $0x1  }
0x8a: {  	s1 =	srdreg.scid  }
0x8b: {  	s0 =	sand.u32 $0x1, s1  }
0x8c: {  	s16 =	sshll.u32 s0, $0xA;
	s2 =	sadd.s32 s3, s2  }
0x8d: {  	s2 =	sadd.s32 s2, s16  }
0x8e: {  	[smem:$0x3FBC] =	sst s2  }
0x8f: {  	_ = 	snop  }
0x90: {  	(tm) =	ssettm $0x1  }
0x91: {  	s17 =	sld [smem:$0x3FFB];
	_ =	sdelay $0x3  }
0x92: {  	_ =	strace s17  }
0x93: {  	s2 =	sld [smem:$0x3FFC];
	_ =	sdelay $0x3  }
0x94: {  	_ =	strace s2  }
0x95: {  	s2 =	sld [smem:$0x3FFD];
	_ =	sdelay $0x3  }
0x96: {  	_ =	strace s2  }
0x97: {  	_ =	strace $0x8FFFFFFF  }
0x98: {  	s18 =	sld [smem:$0x3FDB];
	_ =	sdelay $0x1  }
0x99: {  	s19 =	simm.s32 $_scs_section_size  }
0x9a: {  	s4 =	simm.s32 $_size__tile_overlayer_lowered;
	s5 =	simm.s32 $_tile_overlayer_lowered  }
0x9b: {  	s22 =	simm.s32 $0x1BFF;
	s21 =	sshll.u32 s5, $0x1;
	s2 =	sadd.s32 s19, s18  }
0x9c: {  	s6 =	simm.s32 $0x0;
	s20 =	sshll.u32 s4, $0x1;
	s4 =	sadd.s32 s21, s2  }
0x9d: {  	[timem:s6], [sflag:s22] =	dma.local [hbm:s4], s20  }
0x9e: {  	_ =	swait.ge [sflag:s22], s20  }
0x9f: {  	s3 =	ssub.s32 $0x0, s20;
	[sflag:s22] =	ssyncset.done $0x0  }
0xa0: {  	[sflag:s22] =	ssyncadd.s32 s3;
	_ =	sdelay $0x1  }
0xa1: {  	s23 =	simm.s32 $0x1B8B  }
0xa2: {  	_ =	swait.ge [sflag:s23], $0x1  }
0xa3: {  	[sflag:s23] =	ssyncset.done $0x0  }
0xa4: {  	s25 =	simm.s32 $0x1B8E;
	s24 =	sld [smem:$0x3FFE];
	[sflag:s23] =	ssyncadd.s32 $0xFFFFFFFF  }
0xa5: {  	s26 =	simm.s32 $execute0_lowered;
	[smem:$0x3FD2] =	sst s25  }
0xa6: {  	s4 =	sshll.u32 s26, $0x1;
	_ =	strace $0x8000004F;
	[dreg:$0x1] =	wrdreg $0xFFFFFFFF  }
0xa7: {  	s28 =	simm.s32 $_size_execute0_lowered;
	s2 =	sadd.s32 s2, s4;
	[dreg:$0x0] =	wrdreg $0x0  }
0xa8: {  	s4 =	sshll.u32 s28, $0x1;
	[dreg:$0x2] =	wrdreg s2  }
0xa9: {  	[dreg:$0x3] =	wrdreg s4  }
0xaa: {  	[dreg:$0x4] =	wrdreg $0xC0  }
0xab: {  	_ =	task [dreg:s6], $0x5FFFF  }
0xac: {  	[dreg:$0x1] =	wrdreg $0xFFFFFFFF  }
0xad: {  	[dreg:$0x0] =	wrdreg $0x60  }
0xae: {  	[dreg:$0x2] =	wrdreg s24  }
0xaf: {  	[dreg:$0x3] =	wrdreg $0x0  }
0xb0: {  	[dreg:$0x4] =	wrdreg $0x9  }
0xb1: {  	_ =	task.clear_ibuf [dreg:s6], $0x5FFFF;
	_ =	strace $0x9000004F  }
0xb2: {  	s29 =	simm.s32 $0x9;
	_ =	strace $0x80000051  }
0xb3: {  	_ =	swait.ge [sflag:s29], $0x1  }
0xb4: {  	[sflag:s29] =	ssyncadd.s32 $0xFFFFFFFF  }
0xb5: {  	_ =	strace $0x90000051  }
0xb6: {  	_ =	sfence  }
0xb7: {  	s30 =	sld [smem:$0x0];
	_ =	sdelay $0x2  }
0xb8: {  	s31 =	sshll.u32 s1, $0xD;
	s1 =	sshrl.u32 s1, $0x2  }
0xb9: {  	s3 =	sand.u32 $0x4000, s31;
	s1 =	sadd.s32 s1, s30  }
0xba: {  	s0 =	sor.u32 s3, s0;
	s1 =	sshll.u32 s1, $0x11  }
0xbb: {  	s0 =	sor.u32 s1, s0  }
0xbc: {  	s0 =	sadd.s32 $0x8F2B, s0  }
0xbd: {  	[sflag:s0] =	ssyncadd.remote.s32 $0x1  }
0xbe: {  	_ =	sfence.sel $0xFFFF  }
0xbf: {  	[dreg:$0x0] =	wrdreg $0xFFFFFFFF;
	(pc) =	sbr.abs _section_cstart, $3  }
0xc0: {  	[dreg:$0x1] =	wrdreg $0xFFFFFFFF  }
0xc1: {  	_ =	task.clear_ibuf [dreg:s6], $0x2FFFF;
	_ =	strace $0x9FFFFFFF  }
0xc2: {  	(tm) =	ssettm $0x7FFFFFFF  }
0xc3: {  	_ =	shalt  }
tec
execute0_lowered:
.L_overlay_start_1:
0x0: {  	(tag) =	ssettag $0x1  }
0x1: {  	s5 =	rddreg [dreg:$0x0];
	s0 =	srdreg.scid  }
0x2: {  	s2 =	rddreg [dreg:$0x1];
	s1 =	stileid.u32  }
0x3: {  	s3 =	simm.s32 $0x0;
	s19 =	simm.s32 $0x14000;
	s20 =	simm.s32 $0x2  }
0x4: {  	s21 =	simm.s32 $0x1C000;
	s22 =	simm.s32 $0x1C080;
	s23 =	simm.s32 $0x1C100  }
0x5: {  	s24 =	simm.s32 $0x80;
	s25 =	simm.s32 $0x1;
	s8 =	smul.u32 $0x280, s1  }
0x6: {  	s26 =	simm.s32 $0x18000;
	s6 =	sand.u32 $0x1, s0;
	s10 =	smul.u32 $0x50000, s1  }
0x7: {  	s28 =	simm.s32 $0x0;
	[smem:$0x7FF] =	sst s3;
	s7 =	smul.u32 $0x4F00, s6  }
0x8: {  	s4 =	sadd.s32 $0x71000, s5;
	s9 =	smul.u32 $0x2800, s6;
	s6 =	ssub.s32 $0x2, s6  }
0x9: {  	s17 =	smul.u32 $0x4F0, s1;
	_ =	strace $0x80000050;
	s30 =	sshrl.u32 s6, $0x1  }
0xa: {  	s31 =	sshrl.u32 s10, $0x2;
	s29 =	sadd.s32 s8, s9;
	s15 =	ssub.s32 s6, s30  }
0xb: {  	s16 =	sadd.s32 s7, s5;
	s7 =	sshll.u32 s29, $0x4;
	s15 =	smax.u32 s15, $0x1  }
0xc: {  	s18 =	sadd.s32 s17, s16;
	s14 =	sadd.s32 s7, s5;
	s5 =	sadd.s32 s31, s2  }
0xd: {  	s16 =	sadd.s32 $0xD400, s18;
	s17 =	sadd.s32 $0x3600, s18;
	s18 =	sadd.s32 $0x67200, s18  }
0xe: {  	s6 =	sadd.s32 $0x4000, s5;
	s7 =	sadd.s32 $0x8000, s5;
	s8 =	sadd.s32 $0xC000, s5  }
0xf: {  	s9 =	sadd.s32 $0x10000, s5;
	s10 =	sadd.s32 $0x99000, s14;
	s11 =	sadd.s32 $0x99800, s14  }
0x10: {  	v0 =	vimm.f32 $0.0e+00;
	s12 =	sadd.s32 $0x9A000, s14;
	s13 =	sadd.s32 $0x9A800, s14;
	s14 =	sadd.s32 $0x9B000, s14  }
.LBB2_1:
0x11: {  	s29 =	simm.s32 $0x0;
	s30 =	simm.s32 $0x200  }
.LBB2_2:
0x12: {  	p0 =	sne.s32 s30, $0xFE00;
	[tilespmem:s29+$0x14070] =	vst v0  }
0x13: {  	[tilespmem:s29+$0x14000] =	vst v0  }
0x14: {  	[tilespmem:s29+$0x14010] =	vst v0  }
.Ltmp0:
0x15: {  	[tilespmem:s29+$0x14020] =	vst v0;
	(pc) =	sbr.rel @p0 .LBB2_2-.Ltmp0, $4  }
0x16: {  	[tilespmem:s29+$0x14030] =	vst v0  }
0x17: {  	[tilespmem:s29+$0x14040] =	vst v0  }
0x18: {  	[tilespmem:s29+$0x14050] =	vst v0  }
0x19: {  	[tilespmem:s29+$0x14060] =	vst v0;
	s29 =	sshra.s32 s30, $0x2;
	s30 =	sadd.s32 $0x200, s30  }
0x1a: {  	[tilespmem:s29+$0x14070] =	vst v0  }
0x1b: {  	[tilespmem:s29+$0x14000] =	vst v0  }
0x1c: {  	[tilespmem:s29+$0x14010] =	vst v0  }
0x1d: {  	[tilespmem:s29+$0x14020] =	vst v0  }
0x1e: {  	[tilespmem:s29+$0x14030] =	vst v0  }
0x1f: {  	[tilespmem:s29+$0x14040] =	vst v0  }
0x20: {  	[tilespmem:s29+$0x14050] =	vst v0  }
0x21: {  	[tilespmem:s29+$0x14060] =	vst v0  }
0x22: {  	[spmem:s5] =	stream.linear.scatter [tilespmem:s19], [sflag:$0x2], $0x4000, $0x38;
	[tilespmem:$0x1C180] =	vst v63  }
0x23: {  	_ =	swait.ge [sflag:s20], $0x4000  }
0x24: {  	[sflag:s20] =	ssyncset.done $0x0  }
0x25: {  	[sflag:s20] =	ssyncadd.s32 $0xFFFFC000  }
0x26: {  	[spmem:s6] =	stream.linear.scatter [tilespmem:s19], [sflag:$0x2], $0x4000, $0x38;
	[tilespmem:$0x1C180] =	vst v63  }
0x27: {  	_ =	swait.ge [sflag:s20], $0x4000  }
0x28: {  	[sflag:s20] =	ssyncset.done $0x0  }
0x29: {  	[sflag:s20] =	ssyncadd.s32 $0xFFFFC000  }
0x2a: {  	[spmem:s7] =	stream.linear.scatter [tilespmem:s19], [sflag:$0x2], $0x4000, $0x38;
	[tilespmem:$0x1C180] =	vst v63  }
0x2b: {  	_ =	swait.ge [sflag:s20], $0x4000  }
0x2c: {  	[sflag:s20] =	ssyncset.done $0x0  }
0x2d: {  	[sflag:s20] =	ssyncadd.s32 $0xFFFFC000  }
0x2e: {  	[spmem:s8] =	stream.linear.scatter [tilespmem:s19], [sflag:$0x2], $0x4000, $0x38;
	[tilespmem:$0x1C180] =	vst v63  }
0x2f: {  	_ =	swait.ge [sflag:s20], $0x4000  }
0x30: {  	[sflag:s20] =	ssyncset.done $0x0  }
0x31: {  	[sflag:s20] =	ssyncadd.s32 $0xFFFFC000  }
0x32: {  	[spmem:s9] =	stream.linear.scatter [tilespmem:s19], [sflag:$0x2], $0x4000, $0x38;
	[tilespmem:$0x1C180] =	vst v63  }
0x33: {  	_ =	swait.ge [sflag:s20], $0x4000  }
0x34: {  	[sflag:s20] =	ssyncset.done $0x0  }
0x35: {  	[sflag:s20] =	ssyncadd.s32 $0xFFFFC000  }
0x36: {  	s29 =	sadd.s32 $0x0, s18;
	[bflag:$0x0] =	sbarrier.arrive $0xFFFF  }
0x37: {  	[tilespmem:s21], [sflag:$0x2] =	stream.linear.gather [hbm4b:s29+s3], $0x80, $0x38;
	[tilespmem:$0x1C180] =	vst v63  }
0x38: {  	_ =	swait.ge [sflag:s20], $0x80  }
0x39: {  	[sflag:s20] =	ssyncset.done $0x0  }
0x3a: {  	s29 =	sadd.s32 $0x0, s17;
	[sflag:s20] =	ssyncadd.s32 $0xFFFFFF80  }
0x3b: {  	[tilespmem:s22], [sflag:$0x2] =	stream.linear.gather [hbm4b:s29+s3], $0x80, $0x38;
	[tilespmem:$0x1C180] =	vst v63  }
0x3c: {  	_ =	swait.ge [sflag:s20], $0x80  }
0x3d: {  	[sflag:s20] =	ssyncset.done $0x0  }
0x3e: {  	s29 =	sadd.s32 $0x0, s16;
	[sflag:s20] =	ssyncadd.s32 $0xFFFFFF80  }
0x3f: {  	[tilespmem:s23], [sflag:$0x2] =	stream.linear.gather [hbm4b:s29+s3], $0x80, $0x38;
	[tilespmem:$0x1C180] =	vst v63  }
0x40: {  	_ =	swait.ge [sflag:s20], $0x80  }
0x41: {  	[sflag:s20] =	ssyncset.done $0x0  }
0x42: {  	[sflag:s20] =	ssyncadd.s32 $0xFFFFFF80  }
0x43: {  	[tilespmem:s19], [sflag:$0x1] =	stream.indirect.gather [hbm4b:s4+s24], $0x80, s21, s24, $0xb8;
	[tilespmem:$0x1C180] =	vst v63  }
0x44: {  	_ =	swait.ge [sflag:s25], $0x4000  }
0x45: {  	[sflag:s25] =	ssyncset.done $0x0  }
0x46: {  	[sflag:s25] =	ssyncadd.s32 $0xFFFFC000  }
0x47: {  	v1 =	vld [tilespmem:$0x1C0E0]  }
0x48: {  	v2 =	vld [tilespmem:$0x1C0F0]  }
0x49: {  	v3 =	vld [tilespmem:$0x1C0A0]  }
0x4a: {  	v4 =	vld [tilespmem:$0x1C0D0]  }
0x4b: {  	v5 =	vld [tilespmem:$0x1C090]  }
0x4c: {  	v6 =	vld [tilespmem:$0x1C0B0]  }
0x4d: {  	v7 =	vld [tilespmem:$0x1C130]  }
0x4e: {  	v8 =	vld [tilespmem:$0x1C080]  }
0x4f: {  	v9 =	vld [tilespmem:$0x1C150]  }
0x50: {  	v10 =	vld [tilespmem:$0x1C110]  }
0x51: {  	v11 =	vld [tilespmem:$0x1C100]  }
0x52: {  	v12 =	vld [tilespmem:$0x1C120]  }
0x53: {  	v59 =	vld [tilespmem:$0x1C170];
	vm0 =	veq.s32 v7, $0x2  }
0x54: {  	v60 =	vld [tilespmem:$0x1C160];
	vm10 =	veq.s32 v9, $0x2;
	v6 =	vnsel vm0, $0x27F8, v6  }
0x55: {  	v61 =	vld [tilespmem:$0x1C140];
	vm1 =	veq.s32 v10, $0x2;
	v4 =	vnsel vm10, $0x27F8, v4;
	[tilespmem:$0x1C0B0] =	vst v6  }
0x56: {  	v62 =	vld [tilespmem:$0x1C0C0];
	vm11 =	veq.s32 v11, $0x2;
	v5 =	vnsel vm1, $0x27F8, v5;
	[tilespmem:$0x1C0D0] =	vst v4  }
0x57: {  	vm12 =	veq.s32 v12, $0x2;
	v63 =	vnsel vm11, $0x27F8, v8;
	[tilespmem:$0x1C090] =	vst v5  }
0x58: {  	vm13 =	veq.s32 v59, $0x2;
	v3 =	vnsel vm12, $0x27F8, v3;
	[tilespmem:$0x1C080] =	vst v63  }
0x59: {  	vm14 =	veq.s32 v60, $0x2;
	v2 =	vnsel vm13, $0x27F8, v2;
	[tilespmem:$0x1C0A0] =	vst v3  }
0x5a: {  	vm15 =	veq.s32 v61, $0x2;
	v3 =	vnsel vm14, $0x27F8, v1;
	[tilespmem:$0x1C0F0] =	vst v2  }
0x5b: {  	s30 =	simm.s32 $0x20;
	s29 =	simm.s32 $0x10;
	v1 =	vnsel vm15, $0x27F8, v62;
	[tilespmem:$0x1C0E0] =	vst v3  }
.LBB2_4:
0x5c: {  	p0 =	sne.s32 s30, $0x4E0;
	[tilespmem:$0x1C0C0] =	vst v1;
	s31 =	smov.u32 s30;
	s30 =	sadd.s32 $0x10, s30  }
0x5d: {  	[spmem:s2] =	stream.indirect.scatter.add.f32 [tilespmem:s19], [sflag:$0x2], $0x80, s22, s24, $0xb8;
	[tilespmem:$0x1C180] =	vst v63  }
0x5e: {  	_ =	swait.ge [sflag:s20], $0x4000  }
0x5f: {  	[sflag:s20] =	ssyncset.done $0x0  }
0x60: {  	s0 =	sadd.s32 s29, s18;
	[sflag:s20] =	ssyncadd.s32 $0xFFFFC000  }
0x61: {  	[tilespmem:s21], [sflag:$0x2] =	stream.linear.gather [hbm4b:s0+s3], $0x80, $0x38;
	[tilespmem:$0x1C180] =	vst v63  }
0x62: {  	_ =	swait.ge [sflag:s20], $0x80  }
0x63: {  	[sflag:s20] =	ssyncset.done $0x0  }
0x64: {  	s0 =	sadd.s32 s29, s17;
	[sflag:s20] =	ssyncadd.s32 $0xFFFFFF80  }
0x65: {  	[tilespmem:s22], [sflag:$0x2] =	stream.linear.gather [hbm4b:s0+s3], $0x80, $0x38;
	[tilespmem:$0x1C180] =	vst v63  }
0x66: {  	_ =	swait.ge [sflag:s20], $0x80  }
0x67: {  	[sflag:s20] =	ssyncset.done $0x0  }
0x68: {  	s0 =	sadd.s32 s29, s16;
	s29 =	smov.u32 s31;
	[sflag:s20] =	ssyncadd.s32 $0xFFFFFF80  }
0x69: {  	[tilespmem:s23], [sflag:$0x2] =	stream.linear.gather [hbm4b:s0+s3], $0x80, $0x38;
	[tilespmem:$0x1C180] =	vst v63  }
0x6a: {  	_ =	swait.ge [sflag:s20], $0x80  }
0x6b: {  	[sflag:s20] =	ssyncset.done $0x0  }
0x6c: {  	[sflag:s20] =	ssyncadd.s32 $0xFFFFFF80  }
0x6d: {  	[tilespmem:s19], [sflag:$0x1] =	stream.indirect.gather [hbm4b:s4+s24], $0x80, s21, s24, $0xb8;
	[tilespmem:$0x1C180] =	vst v63  }
0x6e: {  	_ =	swait.ge [sflag:s25], $0x4000  }
0x6f: {  	[sflag:s25] =	ssyncset.done $0x0  }
0x70: {  	[sflag:s25] =	ssyncadd.s32 $0xFFFFC000  }
0x71: {  	v1 =	vld [tilespmem:$0x1C0E0]  }
0x72: {  	v2 =	vld [tilespmem:$0x1C0F0]  }
0x73: {  	v3 =	vld [tilespmem:$0x1C0A0]  }
0x74: {  	v4 =	vld [tilespmem:$0x1C0D0]  }
0x75: {  	v5 =	vld [tilespmem:$0x1C090]  }
0x76: {  	v6 =	vld [tilespmem:$0x1C0B0]  }
0x77: {  	v7 =	vld [tilespmem:$0x1C130]  }
0x78: {  	v8 =	vld [tilespmem:$0x1C080]  }
0x79: {  	v9 =	vld [tilespmem:$0x1C150]  }
0x7a: {  	v10 =	vld [tilespmem:$0x1C110]  }
0x7b: {  	v11 =	vld [tilespmem:$0x1C100]  }
0x7c: {  	v12 =	vld [tilespmem:$0x1C120];
	vm0 =	veq.s32 v7, $0x2  }
0x7d: {  	v6 =	vnsel vm0, $0x27F8, v6;
	v7 =	vld [tilespmem:$0x1C170]  }
0x7e: {  	[tilespmem:$0x1C0B0] =	vst v6;
	vm0 =	veq.s32 v9, $0x2;
	v6 =	vld [tilespmem:$0x1C160]  }
0x7f: {  	vm1 =	veq.s32 v10, $0x2;
	v9 =	vld [tilespmem:$0x1C140];
	v4 =	vnsel vm0, $0x27F8, v4  }
0x80: {  	vm0 =	veq.s32 v11, $0x2;
	v5 =	vnsel vm1, $0x27F8, v5;
	v10 =	vld [tilespmem:$0x1C0C0];
	[tilespmem:$0x1C0D0] =	vst v4  }
.Ltmp1:
0x81: {  	v4 =	vnsel vm0, $0x27F8, v8;
	[tilespmem:$0x1C090] =	vst v5;
	vm0 =	veq.s32 v12, $0x2;
	(pc) =	sbr.rel @p0 .LBB2_4-.Ltmp1, $4  }
0x82: {  	[tilespmem:$0x1C080] =	vst v4;
	v3 =	vnsel vm0, $0x27F8, v3;
	vm0 =	veq.s32 v7, $0x2  }
0x83: {  	[tilespmem:$0x1C0A0] =	vst v3;
	vm1 =	veq.s32 v6, $0x2;
	v2 =	vnsel vm0, $0x27F8, v2  }
0x84: {  	vm0 =	veq.s32 v9, $0x2;
	v3 =	vnsel vm1, $0x27F8, v1;
	[tilespmem:$0x1C0F0] =	vst v2  }
0x85: {  	v1 =	vnsel vm0, $0x27F8, v10;
	[tilespmem:$0x1C0E0] =	vst v3  }
0x86: {  	[tilespmem:$0x1C0C0] =	vst v1  }
0x87: {  	[spmem:s2] =	stream.indirect.scatter.add.f32 [tilespmem:s19], [sflag:$0x2], $0x80, s22, s24, $0xb8;
	[tilespmem:$0x1C180] =	vst v63  }
0x88: {  	_ =	swait.ge [sflag:s20], $0x4000  }
0x89: {  	[sflag:s20] =	ssyncset.done $0x0  }
0x8a: {  	s0 =	sadd.s32 s29, s18;
	[sflag:s20] =	ssyncadd.s32 $0xFFFFC000  }
0x8b: {  	[tilespmem:s21], [sflag:$0x2] =	stream.linear.gather [hbm4b:s0+s3], $0x80, $0x38;
	[tilespmem:$0x1C180] =	vst v63  }
0x8c: {  	_ =	swait.ge [sflag:s20], $0x80  }
0x8d: {  	[sflag:s20] =	ssyncset.done $0x0  }
0x8e: {  	s30 =	sadd.s32 s29, s17;
	[sflag:s20] =	ssyncadd.s32 $0xFFFFFF80  }
0x8f: {  	[tilespmem:s22], [sflag:$0x2] =	stream.linear.gather [hbm4b:s30+s3], $0x80, $0x38;
	[tilespmem:$0x1C180] =	vst v63  }
0x90: {  	_ =	swait.ge [sflag:s20], $0x80  }
0x91: {  	[sflag:s20] =	ssyncset.done $0x0  }
0x92: {  	s31 =	sadd.s32 s29, s16;
	[sflag:s20] =	ssyncadd.s32 $0xFFFFFF80  }
0x93: {  	[tilespmem:s23], [sflag:$0x2] =	stream.linear.gather [hbm4b:s31+s3], $0x80, $0x38;
	[tilespmem:$0x1C180] =	vst v63  }
0x94: {  	_ =	swait.ge [sflag:s20], $0x80  }
0x95: {  	[sflag:s20] =	ssyncset.done $0x0  }
0x96: {  	[sflag:s20] =	ssyncadd.s32 $0xFFFFFF80  }
0x97: {  	[tilespmem:s19], [sflag:$0x1] =	stream.indirect.gather [hbm4b:s4+s24], $0x80, s21, s24, $0xb8;
	[tilespmem:$0x1C180] =	vst v63  }
0x98: {  	_ =	swait.ge [sflag:s25], $0x4000  }
0x99: {  	[sflag:s25] =	ssyncset.done $0x0  }
0x9a: {  	[sflag:s25] =	ssyncadd.s32 $0xFFFFC000  }
0x9b: {  	v1 =	vld [tilespmem:$0x1C0E0]  }
0x9c: {  	v2 =	vld [tilespmem:$0x1C0F0]  }
0x9d: {  	v3 =	vld [tilespmem:$0x1C0A0]  }
0x9e: {  	v4 =	vld [tilespmem:$0x1C0D0]  }
0x9f: {  	v5 =	vld [tilespmem:$0x1C090]  }
0xa0: {  	v6 =	vld [tilespmem:$0x1C0B0]  }
0xa1: {  	v7 =	vld [tilespmem:$0x1C130]  }
0xa2: {  	v8 =	vld [tilespmem:$0x1C080]  }
0xa3: {  	v9 =	vld [tilespmem:$0x1C150]  }
0xa4: {  	v10 =	vld [tilespmem:$0x1C110]  }
0xa5: {  	v11 =	vld [tilespmem:$0x1C100]  }
0xa6: {  	v12 =	vld [tilespmem:$0x1C120]  }
0xa7: {  	v59 =	vld [tilespmem:$0x1C170];
	vm0 =	veq.s32 v7, $0x2  }
0xa8: {  	v60 =	vld [tilespmem:$0x1C160];
	vm10 =	veq.s32 v9, $0x2;
	v6 =	vnsel vm0, $0x27F8, v6  }
0xa9: {  	v61 =	vld [tilespmem:$0x1C140];
	vm1 =	veq.s32 v10, $0x2;
	v4 =	vnsel vm10, $0x27F8, v4;
	[tilespmem:$0x1C0B0] =	vst v6  }
0xaa: {  	v62 =	vld [tilespmem:$0x1C0C0];
	vm11 =	veq.s32 v11, $0x2;
	v5 =	vnsel vm1, $0x27F8, v5;
	[tilespmem:$0x1C0D0] =	vst v4  }
0xab: {  	vm12 =	veq.s32 v12, $0x2;
	v63 =	vnsel vm11, $0x27F8, v8;
	[tilespmem:$0x1C090] =	vst v5  }
0xac: {  	vm13 =	veq.s32 v59, $0x2;
	v3 =	vnsel vm12, $0x27F8, v3;
	[tilespmem:$0x1C080] =	vst v63  }
0xad: {  	vm14 =	veq.s32 v60, $0x2;
	v2 =	vnsel vm13, $0x27F8, v2;
	[tilespmem:$0x1C0A0] =	vst v3  }
0xae: {  	vm15 =	veq.s32 v61, $0x2;
	v1 =	vnsel vm14, $0x27F8, v1;
	[tilespmem:$0x1C0F0] =	vst v2  }
0xaf: {  	v2 =	vnsel vm15, $0x27F8, v62;
	[tilespmem:$0x1C0E0] =	vst v1  }
0xb0: {  	[tilespmem:$0x1C0C0] =	vst v2  }
0xb1: {  	[spmem:s2] =	stream.indirect.scatter.add.f32 [tilespmem:s19], [sflag:$0x2], $0x80, s22, s24, $0xb8;
	[tilespmem:$0x1C180] =	vst v63  }
0xb2: {  	_ =	swait.ge [sflag:s20], $0x4000  }
0xb3: {  	[sflag:s20] =	ssyncset.done $0x0  }
0xb4: {  	[sflag:s20] =	ssyncadd.s32 $0xFFFFC000  }
0xb5: {  	[bflag:$0x0] =	sbarrier.arrive $0xFFFF  }
0xb6: {  	[tilespmem:s26], [sflag:$0x2] =	stream.linear.gather [spmem:s5], $0x4000, $0x38;
	[tilespmem:$0x1C180] =	vst v63  }
0xb7: {  	_ =	swait.ge [sflag:s20], $0x4000  }
0xb8: {  	[sflag:s20] =	ssyncset.done $0x0  }
0xb9: {  	[sflag:s20] =	ssyncadd.s32 $0xFFFFC000  }
0xba: {  	[hbm4b:s10+s3] =	stream.linear.scatter [tilespmem:s26], [sflag:$0x2], $0x4000, $0x38;
	[tilespmem:$0x1C180] =	vst v63  }
0xbb: {  	_ =	swait.ge [sflag:s20], $0x4000  }
0xbc: {  	[sflag:s20] =	ssyncset.done $0x0  }
0xbd: {  	[sflag:s20] =	ssyncadd.s32 $0xFFFFC000  }
0xbe: {  	[tilespmem:s26], [sflag:$0x2] =	stream.linear.gather [spmem:s6], $0x4000, $0x38;
	[tilespmem:$0x1C180] =	vst v63  }
0xbf: {  	_ =	swait.ge [sflag:s20], $0x4000  }
0xc0: {  	[sflag:s20] =	ssyncset.done $0x0  }
0xc1: {  	[sflag:s20] =	ssyncadd.s32 $0xFFFFC000  }
0xc2: {  	[hbm4b:s11+s3] =	stream.linear.scatter [tilespmem:s26], [sflag:$0x2], $0x4000, $0x38;
	[tilespmem:$0x1C180] =	vst v63  }
0xc3: {  	_ =	swait.ge [sflag:s20], $0x4000  }
0xc4: {  	[sflag:s20] =	ssyncset.done $0x0  }
0xc5: {  	[sflag:s20] =	ssyncadd.s32 $0xFFFFC000  }
0xc6: {  	[tilespmem:s26], [sflag:$0x2] =	stream.linear.gather [spmem:s7], $0x4000, $0x38;
	[tilespmem:$0x1C180] =	vst v63  }
0xc7: {  	_ =	swait.ge [sflag:s20], $0x4000  }
0xc8: {  	[sflag:s20] =	ssyncset.done $0x0  }
0xc9: {  	[sflag:s20] =	ssyncadd.s32 $0xFFFFC000  }
0xca: {  	[hbm4b:s12+s3] =	stream.linear.scatter [tilespmem:s26], [sflag:$0x2], $0x4000, $0x38;
	[tilespmem:$0x1C180] =	vst v63  }
0xcb: {  	_ =	swait.ge [sflag:s20], $0x4000  }
0xcc: {  	[sflag:s20] =	ssyncset.done $0x0  }
0xcd: {  	[sflag:s20] =	ssyncadd.s32 $0xFFFFC000  }
0xce: {  	[tilespmem:s26], [sflag:$0x2] =	stream.linear.gather [spmem:s8], $0x4000, $0x38;
	[tilespmem:$0x1C180] =	vst v63  }
0xcf: {  	_ =	swait.ge [sflag:s20], $0x4000  }
0xd0: {  	[sflag:s20] =	ssyncset.done $0x0  }
0xd1: {  	[sflag:s20] =	ssyncadd.s32 $0xFFFFC000  }
0xd2: {  	[hbm4b:s13+s3] =	stream.linear.scatter [tilespmem:s26], [sflag:$0x2], $0x4000, $0x38;
	[tilespmem:$0x1C180] =	vst v63  }
0xd3: {  	_ =	swait.ge [sflag:s20], $0x4000  }
0xd4: {  	[sflag:s20] =	ssyncset.done $0x0  }
0xd5: {  	[sflag:s20] =	ssyncadd.s32 $0xFFFFC000  }
0xd6: {  	[tilespmem:s26], [sflag:$0x2] =	stream.linear.gather [spmem:s9], $0x4000, $0x38;
	[tilespmem:$0x1C180] =	vst v63  }
0xd7: {  	s28 =	sadd.s32 $0x1, s28;
	_ =	swait.ge [sflag:s20], $0x4000  }
0xd8: {  	p0 =	sne.s32 s28, s15;
	[sflag:s20] =	ssyncset.done $0x0  }
.Ltmp2:
0xd9: {  	[sflag:s20] =	ssyncadd.s32 $0xFFFFC000;
	(pc) =	sbr.rel @p0 .LBB2_1-.Ltmp2, $4  }
0xda: {  	[hbm4b:s14+s3] =	stream.linear.scatter [tilespmem:s26], [sflag:$0x2], $0x4000, $0x38;
	[tilespmem:$0x1C180] =	vst v63  }
0xdb: {  	_ =	swait.ge [sflag:s20], $0x4000  }
0xdc: {  	[sflag:s20] =	ssyncset.done $0x0  }
0xdd: {  	[sflag:s20] =	ssyncadd.s32 $0xFFFFC000  }
0xde: {  	_ =	sfence.sel $0x180000  }
0xdf: {  	[bflag:$0x0] =	sbarrier.arrive $0xFFFF  }
0xe0: {  	_ =	strace $0x90000050  }
0xe1: {  	[bflag:$0x2] =	sbarrier.arrive $0xFFFF  }
0xe2: {  	p0 =	sne.s32 s1, $0x0;
	s0 =	rddreg [dreg:$0x2]  }
0xe3: {  	s0 =	sadd.s32 @!p0 $0x100000, s0  }
0xe4: {  	[sflag:s0] =	ssyncadd.tile.s32 @!p0 $0x1;
	_ =	shalt  }
.Lfunc_end2:
_tile_overlayer_lowered:
.L_overlay_start_2:
0xe5: {  	(tag) =	ssettag $0x2  }
0xe6: {  	s0 =	rddreg [dreg:$0x0];
	s2 =	stileid.u32  }
0xe7: {  	s1 =	rddreg [dreg:$0x1];
	p0 =	sne.s32 s2, $0x0  }
0xe8: {  	s3 =	rddreg [dreg:$0x2];
	[bflag:$0x3] =	sbarrier.arrive $0xFFFF;
	s2 =	simm.s32 @!p0 $0x1C02  }
0xe9: {  	[timem:s3], [sflag:s2] =	dma.local @!p0 [hbm:s0], s1  }
0xea: {  	s0 =	simm.s32 @!p0 $0x2  }
0xeb: {  	_ =	swait.ge @!p0 [sflag:s0], s1  }
0xec: {  	s1 =	ssub.s32 @!p0 $0x0, s1;
	[sflag:s0] =	ssyncset.done @!p0 $0x0  }
0xed: {  	[sflag:s0] =	ssyncadd.s32 @!p0 s1  }
0xee: {  	[bflag:$0x3] =	sbarrier.arrive $0xFFFF  }
0xef: {  	_ =	shalt  }

</sc_bundles>
